<compile_context>
chip_gen: v7x
topology: tpu7x:2x2x1
jax: 0.10.2.dev20260603
libtpu: 0.0.44.dev20260713+nightly
codegen_flags: <defaults>
</compile_context>

<pallas_src>
import functools

import jax
import jax.numpy as jnp
from jax import lax
from jax.experimental import pallas as pl
from jax.experimental.pallas import tpu as pltpu
from jax.experimental.pallas import tpu_sc as plsc

NC = 2
NS = 16
LANES = 16
DH = 128
CB = 128


def _mesh():
    return plsc.VectorSubcoreMesh(
        core_axis_name="c", subcore_axis_name="s", num_cores=NC,
        num_subcores=NS)


def _zero_rows(buf, nrows):
    z = jnp.zeros((LANES,), jnp.float32)

    def body(i, _):
        for j in range(DH // LANES):
            buf[i, pl.ds(j * LANES, LANES)] = z
        return 0

    lax.fori_loop(0, nrows, body, 0)


def _make_prep(Np, Ep, V):
    RPT = Np // NS
    RCH = RPT // CB
    ECHT = Ep // NS // CB
    EC0 = ECHT // 2

    def body(xg, dst3, emb2, h0, degp, dstv, xv, rows, sem, deg_sh):
        c = lax.axis_index("c")
        s = lax.axis_index("s")
        zf = jnp.zeros((LANES,), jnp.float32)
        of = jnp.ones((LANES,), jnp.float32)

        pltpu.sync_copy(dst3.at[s], dstv)
        pltpu.sync_copy(xg.at[c, s], xv)

        def zb(i, _):
            for j in range(DH // LANES):
                rows[i, pl.ds(j * LANES, LANES)] = zf
            return 0
        lax.fori_loop(0, CB, zb, 0)
        for k in range(RCH):
            pltpu.sync_copy(rows, deg_sh.at[pl.ds(s * RPT + k * CB, CB)])
        plsc.subcore_barrier()

        def ob(i, _):
            for j in range(DH // LANES):
                rows[i, pl.ds(j * LANES, LANES)] = of
            return 0
        lax.fori_loop(0, CB, ob, 0)
        lo = lax.select(c == 0, 0, EC0)
        hi = lax.select(c == 0, EC0, ECHT)

        def acc(j, _):
            pltpu.sync_copy(rows, deg_sh.at[dstv.at[j]], add=True)
            return 0
        lax.fori_loop(lo, hi, acc, 0)
        plsc.subcore_barrier()
        pltpu.sync_copy(deg_sh.at[pl.ds(s * RPT, RPT)],
                        degp.at[pl.ds(c * Np + s * RPT, RPT)])

        for k in range(RCH):
            pltpu.async_copy(emb2.at[xv.at[k]], rows, sem).wait()
            pltpu.sync_copy(
                rows, h0.at[pl.ds(c * Np + s * RPT + k * CB, CB)])

    mesh = _mesh()
    out_type = (
        jax.ShapeDtypeStruct((NC * Np, DH), jnp.float32),
        jax.ShapeDtypeStruct((NC * Np, DH), jnp.float32),
    )
    scratch = [
        pltpu.VMEM((ECHT, CB), jnp.int32),
        pltpu.VMEM((RCH, CB), jnp.int32),
        pltpu.VMEM((CB, DH), jnp.float32),
        pltpu.SemaphoreType.DMA,
        pltpu.VMEM_SHARED((Np, DH), jnp.float32),
    ]
    return pl.kernel(body, out_type=out_type, mesh=mesh,
                     scratch_types=scratch,
                     compiler_params=pltpu.CompilerParams(
                         needs_layout_passes=False))


CBR = 128


def _make_spmm(Np, Ep):
    RPT = Np // NS
    CHT = Ep // NS // CBR
    CHT2 = CHT // 2

    def body(g_h, srcg, dst3, s_h, srcv, dstv, r0, r1,
             gs0, gs1, ss0, ss1, s_sh):
        c = lax.axis_index("c")
        s = lax.axis_index("s")
        rows = [r0, r1]
        gsem = [gs0, gs1]
        ssem = [ss0, ss1]

        _zero_rows(r0, CBR)
        for k in range(RPT // CBR):
            pltpu.sync_copy(r0, s_sh.at[pl.ds(s * RPT + k * CBR, CBR)])
        plsc.subcore_barrier()

        def wait_gather(p):
            pltpu.make_async_copy(g_h.at[srcv.at[0]], rows[p],
                                  gsem[p]).wait()

        def wait_scatter(p):
            pltpu.make_async_copy(rows[p], s_sh.at[dstv.at[0]],
                                  ssem[p]).wait()

        for h in range(2):
            if h > 0:
                wait_scatter(0)
                wait_scatter(1)
            pltpu.sync_copy(srcg.at[c, s, h], srcv)
            pltpu.sync_copy(dst3.at[s, h], dstv)

            def step(i, _):
                for b in range(2):
                    j = 2 * i + b

                    @pl.when(j >= 2)
                    def _():
                        wait_scatter(b)
                    pltpu.async_copy(g_h.at[srcv.at[j]], rows[b], gsem[b])
                    wait_gather(b)
                    pltpu.async_copy(rows[b], s_sh.at[dstv.at[j]],
                                     ssem[b], add=True)
                return 0
            lax.fori_loop(0, CHT2 // 2, step, 0)
        wait_scatter(0)
        wait_scatter(1)
        plsc.subcore_barrier()

        for k in range(RPT // CBR):
            pltpu.sync_copy(
                s_sh.at[pl.ds(s * RPT + k * CBR, CBR)],
                s_h.at[pl.ds(c * Np + s * RPT + k * CBR, CBR)])

    mesh = _mesh()
    out_type = jax.ShapeDtypeStruct((NC * Np, DH), jnp.float32)
    scratch = (
        [pltpu.VMEM((CHT2, CBR), jnp.int32)] * 2
        + [pltpu.VMEM((CBR, DH), jnp.float32)] * 2
        + [pltpu.SemaphoreType.DMA] * 4
        + [pltpu.VMEM_SHARED((Np, DH), jnp.float32)]
    )
    return pl.kernel(body, out_type=out_type, mesh=mesh,
                     scratch_types=scratch,
                     compiler_params=pltpu.CompilerParams(
                         needs_layout_passes=False))


def _scale_body(h0_ref, degp_ref, g0_ref, dinv_ref):
    dv = lax.rsqrt(degp_ref[0, :, :1] + degp_ref[1, :, :1] + 1.0)
    g0_ref[...] = h0_ref[...] * dv[None]
    dinv_ref[...] = dv


def _make_scale(Np, BM):
    grid = (Np // BM,)
    return pl.pallas_call(
        _scale_body,
        grid=grid,
        in_specs=[
            pl.BlockSpec((NC, BM, DH), lambda i: (0, i, 0)),
            pl.BlockSpec((NC, BM, DH), lambda i: (0, i, 0)),
        ],
        out_specs=[
            pl.BlockSpec((NC, BM, DH), lambda i: (0, i, 0)),
            pl.BlockSpec((BM, 1), lambda i: (i, 0)),
        ],
        out_shape=[
            jax.ShapeDtypeStruct((NC, Np, DH), jnp.float32),
            jax.ShapeDtypeStruct((Np, 1), jnp.float32),
        ],
    )


def _mm_body(last, s_ref, g_ref, dv_ref, w_ref, b_ref, o_ref):
    dv = dv_ref[...]
    a0 = (s_ref[0] + g_ref[0]) * dv
    a1 = (s_ref[1] + g_ref[1]) * dv
    w = w_ref[...]
    acc = (jnp.dot(a0, w[:DH], preferred_element_type=jnp.float32)
           + jnp.dot(a1, w[DH:], preferred_element_type=jnp.float32)
           + b_ref[...])
    if last:
        o_ref[...] = acc
    else:
        h = jnp.maximum(acc, 0.0) * dv
        o_ref[0] = h[:, :DH]
        o_ref[1] = h[:, DH:]


def _make_matmul(Np, BM, last):
    grid = (Np // BM,)
    in_specs = [
        pl.BlockSpec((NC, BM, DH), lambda i: (0, i, 0)),
        pl.BlockSpec((NC, BM, DH), lambda i: (0, i, 0)),
        pl.BlockSpec((BM, 1), lambda i: (i, 0)),
        pl.BlockSpec((NC * DH, NC * DH), lambda i: (0, 0)),
        pl.BlockSpec((1, NC * DH), lambda i: (0, 0)),
    ]
    if last:
        out_spec = pl.BlockSpec((BM, NC * DH), lambda i: (i, 0))
        out_shape = jax.ShapeDtypeStruct((Np, NC * DH), jnp.float32)
    else:
        out_spec = pl.BlockSpec((NC, BM, DH), lambda i: (0, i, 0))
        out_shape = jax.ShapeDtypeStruct((NC, Np, DH), jnp.float32)
    return pl.pallas_call(
        functools.partial(_mm_body, last),
        grid=grid,
        in_specs=in_specs,
        out_specs=out_spec,
        out_shape=out_shape,
        compiler_params=pltpu.CompilerParams(
            dimension_semantics=("parallel",)),
    )


def kernel(x, edge_index, emb, Ws, bs):
    N = x.shape[0]
    V, D = emb.shape
    L = Ws.shape[0]
    E = edge_index.shape[1]
    assert D == NC * DH

    unit = NS * CB
    unit_e = NS * CBR * 4
    Np = ((N + unit - 1) // unit) * unit
    Ep = ((E + unit_e - 1) // unit_e) * unit_e

    x = x.astype(jnp.int32)
    src = edge_index[0].astype(jnp.int32)
    dst = edge_index[1].astype(jnp.int32)

    x_p = jnp.concatenate([x, jnp.zeros((Np - N,), jnp.int32)])
    xg = jnp.stack([x_p, x_p + V]).reshape(NC, NS, Np // NS // CB, CB)
    pad_rows = N + jnp.arange(Ep - E, dtype=jnp.int32) % (Np - N)
    src_p = jnp.concatenate([src, pad_rows])
    dst_p = jnp.concatenate([dst, pad_rows])
    cht2 = Ep // NS // CBR // 2
    srcg = jnp.stack([src_p, src_p + Np]).reshape(NC, NS, 2, cht2, CBR)
    dst3p = dst_p.reshape(NS, Ep // NS // CB, CB)
    dst3s = dst_p.reshape(NS, 2, cht2, CBR)
    emb2 = emb.reshape(V, NC, DH).transpose(1, 0, 2).reshape(NC * V, DH)

    prep = _make_prep(Np, Ep, V)
    h0_flat, degp = prep(xg, dst3p, emb2)

    BM = 1024
    scale = _make_scale(Np, BM)
    g, dinv = scale(h0_flat.reshape(NC, Np, DH), degp.reshape(NC, Np, DH))

    spmm = _make_spmm(Np, Ep)
    for i in range(L):
        s_flat = spmm(g.reshape(NC * Np, DH), srcg, dst3s)
        mm = _make_matmul(Np, BM, last=(i == L - 1))
        g = mm(s_flat.reshape(NC, Np, DH), g, dinv,
               Ws[i], bs[i].reshape(1, D))
    return g[:N]

# --- scband reference (transcript-rebuilt; emitter-appended) ---
"""Pipeline reference for scband-gnnencoder-35261681500743 (READ-ONLY COPY).

The authoritative reference and input builder live on the scoring server;
editing this copy changes nothing except your own understanding.
"""

import jax, jax.numpy as jnp
import numpy as np

N = 10000
E = 160000
D = 256
V = 6000
L = 4


def setup_inputs(seed: int = 0) -> dict:
    key = jax.random.key(seed)
    k1, k2, k3, k4 = jax.random.split(key, 4)
    x = jax.random.randint(k1, (N,), 0, V)
    edge_index = jax.random.randint(k2, (2, E), 0, N)
    emb = jax.random.normal(k3, (V, D), dtype=jnp.float32) * 0.02
    Ws = jax.random.normal(k4, (L, D, D), dtype=jnp.float32) * (1.0 / np.sqrt(D))
    bs = jnp.zeros((L, D), dtype=jnp.float32)
    return {"x": x, "edge_index": edge_index, "emb": emb, "Ws": Ws, "bs": bs}


def _gcn_layer(h, src, dst, W, b, n):
    # GCNConv with added self-loops and symmetric normalization
    deg = jnp.zeros((n,), jnp.float32).at[dst].add(1.0)
    dinv = jax.lax.rsqrt(jnp.maximum(deg, 1.0))
    norm = dinv[src] * dinv[dst]
    m = h[src] * norm[:, None]          # gather + scale
    agg = jnp.zeros_like(h).at[dst].add(m)  # scatter-add
    return agg @ W + b


def reference(x, edge_index, emb, Ws, bs):
    n = x.shape[0]
    loops = jnp.arange(n, dtype=edge_index.dtype)
    src = jnp.concatenate([edge_index[0], loops])
    dst = jnp.concatenate([edge_index[1], loops])
    h = emb[x]  # node-type embedding lookup
    num_layers = Ws.shape[0]
    for i in range(num_layers):
        h = _gcn_layer(h, src, dst, Ws[i], bs[i], n)
        if i < num_layers - 1:
            h = jax.nn.relu(h)
    return h

if __name__ == "__main__":
    import jax
    _d = setup_inputs()
    print(jax.jit(kernel)(*tuple(_d.values())))

</pallas_src>

<mosaic_0001>
#map = affine_map<(d0, d1) -> (0, 0, 0, 0)>
#map1 = affine_map<(d0, d1) -> (0, 0, 0)>
#map2 = affine_map<(d0, d1) -> (0, 0)>
module attributes {stable_mosaic.version = 14 : i64} {
  func.func @body(%arg0: i32, %arg1: i32, %arg2: memref<2x16x5x128xi32, #tpu.memory_space<hbm>>, %arg3: memref<16x80x128xi32, #tpu.memory_space<hbm>>, %arg4: memref<12000x128xf32, #tpu.memory_space<hbm>>, %arg5: memref<20480x128xf32, #tpu.memory_space<hbm>>, %arg6: memref<20480x128xf32, #tpu.memory_space<hbm>>, %arg7: memref<80x128xi32, #tpu.memory_space<vmem>>, %arg8: memref<5x128xi32, #tpu.memory_space<vmem>>, %arg9: memref<128x128xf32, #tpu.memory_space<vmem>>, %arg10: memref<!tpu.dma_semaphore, #tpu.memory_space<semaphore_mem>>, %arg11: memref<10240x128xf32, #tpu.memory_space<vmem_shared>>) attributes {dimension_semantics = [#tpu.dimension_semantics<core_parallel>, #tpu.dimension_semantics<subcore_parallel>], iteration_bounds = array<i64: 2, 16>, scalar_prefetch = 0 : i64, scratch_operands = 5 : i64, tpu.core_type = #tpu.core_type<sc_vector_subcore>, window_params = [{transform_indices = #map}, {transform_indices = #map1}, {transform_indices = #map2}, {transform_indices = #map2}, {transform_indices = #map2}]} {
    %broadcast_in_dim3A = arith.constant 0.000000e+00 : f32
    %broadcast_in_dim3A_0 = vector.broadcast %broadcast_in_dim3A : f32 to vector<16xf32>
    %broadcast_in_dim3A_1 = arith.constant 1.000000e+00 : f32
    %broadcast_in_dim3A_2 = vector.broadcast %broadcast_in_dim3A_1 : f32 to vector<16xf32>
    "tpu.region"() ({
      %run_scoped3A = tpu.sem_alloc : memref<!tpu.dma_semaphore, #tpu.memory_space<semaphore_mem>>
      %dma_start3A_163 = arith.constant 0 : i32
      %dma_start3A_164 = arith.constant 0 : i32
      %dma_start3A_165 = tpu.memref_slice %arg3[%arg1, %dma_start3A_163, %dma_start3A_164] : memref<16x80x128xi32, #tpu.memory_space<hbm>> -> memref<1x80x128xi32, #tpu.memory_space<hbm>>
      %dma_start3A_166 = tpu.memref_squeeze %dma_start3A_165 : memref<1x80x128xi32, #tpu.memory_space<hbm>> -> memref<80x128xi32, #tpu.memory_space<hbm>>
      %dma_start3A_167 = arith.constant 0 : i32
      %dma_start3A_168 = arith.constant 0 : i32
      %dma_start3A_169 = tpu.memref_slice %arg3[%arg1, %dma_start3A_167, %dma_start3A_168] : memref<16x80x128xi32, #tpu.memory_space<hbm>> -> memref<1x80x128xi32, #tpu.memory_space<hbm>>
      %dma_start3A_170 = tpu.memref_squeeze %dma_start3A_169 : memref<1x80x128xi32, #tpu.memory_space<hbm>> -> memref<80x128xi32, #tpu.memory_space<hbm>>
      tpu.enqueue_dma source(%dma_start3A_170 : memref<80x128xi32, #tpu.memory_space<hbm>>) target(%arg7 : memref<80x128xi32, #tpu.memory_space<vmem>>) target_semaphore(%run_scoped3A : memref<!tpu.dma_semaphore, #tpu.memory_space<semaphore_mem>>)
      %dma_wait3A_171 = arith.constant 0 : i32
      %dma_wait3A_172 = arith.constant 0 : i32
      %dma_wait3A_173 = tpu.memref_slice %arg3[%arg1, %dma_wait3A_171, %dma_wait3A_172] : memref<16x80x128xi32, #tpu.memory_space<hbm>> -> memref<1x80x128xi32, #tpu.memory_space<hbm>>
      %dma_wait3A_174 = tpu.memref_squeeze %dma_wait3A_173 : memref<1x80x128xi32, #tpu.memory_space<hbm>> -> memref<80x128xi32, #tpu.memory_space<hbm>>
      %dma_wait3A_175 = arith.constant 0 : i32
      %dma_wait3A_176 = arith.constant 0 : i32
      %dma_wait3A_177 = tpu.memref_slice %arg3[%arg1, %dma_wait3A_175, %dma_wait3A_176] : memref<16x80x128xi32, #tpu.memory_space<hbm>> -> memref<1x80x128xi32, #tpu.memory_space<hbm>>
      %dma_wait3A_178 = tpu.memref_squeeze %dma_wait3A_177 : memref<1x80x128xi32, #tpu.memory_space<hbm>> -> memref<80x128xi32, #tpu.memory_space<hbm>>
      tpu.wait_dma2 semaphore(%run_scoped3A : memref<!tpu.dma_semaphore, #tpu.memory_space<semaphore_mem>>) src(%dma_wait3A_178 : memref<80x128xi32, #tpu.memory_space<hbm>>) dst(%arg7 : memref<80x128xi32, #tpu.memory_space<vmem>>)
      tpu.yield
    }) : () -> ()
    "tpu.region"() ({
      %run_scoped3A = tpu.sem_alloc : memref<!tpu.dma_semaphore, #tpu.memory_space<semaphore_mem>>
      %dma_start3A_163 = arith.constant 0 : i32
      %dma_start3A_164 = arith.constant 0 : i32
      %dma_start3A_165 = tpu.memref_slice %arg2[%arg0, %arg1, %dma_start3A_163, %dma_start3A_164] : memref<2x16x5x128xi32, #tpu.memory_space<hbm>> -> memref<1x1x5x128xi32, #tpu.memory_space<hbm>>
      %dma_start3A_166 = tpu.memref_squeeze %dma_start3A_165 : memref<1x1x5x128xi32, #tpu.memory_space<hbm>> -> memref<5x128xi32, #tpu.memory_space<hbm>>
      %dma_start3A_167 = arith.constant 0 : i32
      %dma_start3A_168 = arith.constant 0 : i32
      %dma_start3A_169 = tpu.memref_slice %arg2[%arg0, %arg1, %dma_start3A_167, %dma_start3A_168] : memref<2x16x5x128xi32, #tpu.memory_space<hbm>> -> memref<1x1x5x128xi32, #tpu.memory_space<hbm>>
      %dma_start3A_170 = tpu.memref_squeeze %dma_start3A_169 : memref<1x1x5x128xi32, #tpu.memory_space<hbm>> -> memref<5x128xi32, #tpu.memory_space<hbm>>
      tpu.enqueue_dma source(%dma_start3A_170 : memref<5x128xi32, #tpu.memory_space<hbm>>) target(%arg8 : memref<5x128xi32, #tpu.memory_space<vmem>>) target_semaphore(%run_scoped3A : memref<!tpu.dma_semaphore, #tpu.memory_space<semaphore_mem>>)
      %dma_wait3A_171 = arith.constant 0 : i32
      %dma_wait3A_172 = arith.constant 0 : i32
      %dma_wait3A_173 = tpu.memref_slice %arg2[%arg0, %arg1, %dma_wait3A_171, %dma_wait3A_172] : memref<2x16x5x128xi32, #tpu.memory_space<hbm>> -> memref<1x1x5x128xi32, #tpu.memory_space<hbm>>
      %dma_wait3A_174 = tpu.memref_squeeze %dma_wait3A_173 : memref<1x1x5x128xi32, #tpu.memory_space<hbm>> -> memref<5x128xi32, #tpu.memory_space<hbm>>
      %dma_wait3A_175 = arith.constant 0 : i32
      %dma_wait3A_176 = arith.constant 0 : i32
      %dma_wait3A_177 = tpu.memref_slice %arg2[%arg0, %arg1, %dma_wait3A_175, %dma_wait3A_176] : memref<2x16x5x128xi32, #tpu.memory_space<hbm>> -> memref<1x1x5x128xi32, #tpu.memory_space<hbm>>
      %dma_wait3A_178 = tpu.memref_squeeze %dma_wait3A_177 : memref<1x1x5x128xi32, #tpu.memory_space<hbm>> -> memref<5x128xi32, #tpu.memory_space<hbm>>
      tpu.wait_dma2 semaphore(%run_scoped3A : memref<!tpu.dma_semaphore, #tpu.memory_space<semaphore_mem>>) src(%dma_wait3A_178 : memref<5x128xi32, #tpu.memory_space<hbm>>) dst(%arg8 : memref<5x128xi32, #tpu.memory_space<vmem>>)
      tpu.yield
    }) : () -> ()
    %scan3A = arith.constant 0 : i32
    %scan3A_3 = arith.constant 0 : i32
    %scan3A_4 = arith.constant 128 : i32
    %scan3A_5 = arith.addi %scan3A_3, %scan3A_4 : i32
    %scan3A_6 = arith.constant 1 : i32
    %scan3A_7 = scf.for %scan3A_163 = %scan3A_3 to %scan3A_5 step %scan3A_6 iter_args(%scan3A_164 = %scan3A) -> (i32)  : i32 {
      %swap3A = arith.index_cast %scan3A_163 : i32 to index
      %swap3A_165 = arith.constant 0 : index
      %swap3A_166 = tpu.vector_load %arg9[%swap3A, %swap3A_165] {strides = array<i32>} : memref<128x128xf32, #tpu.memory_space<vmem>>, vector<16xf32>,
      tpu.vector_store %arg9[%swap3A, %swap3A_165], %broadcast_in_dim3A_0 {strides = array<i32>} : memref<128x128xf32, #tpu.memory_space<vmem>>, vector<16xf32>,
      %swap3A_167 = arith.index_cast %scan3A_163 : i32 to index
      %swap3A_168 = arith.constant 16 : index
      %swap3A_169 = tpu.vector_load %arg9[%swap3A_167, %swap3A_168] {strides = array<i32>} : memref<128x128xf32, #tpu.memory_space<vmem>>, vector<16xf32>,
      tpu.vector_store %arg9[%swap3A_167, %swap3A_168], %broadcast_in_dim3A_0 {strides = array<i32>} : memref<128x128xf32, #tpu.memory_space<vmem>>, vector<16xf32>,
      %swap3A_170 = arith.index_cast %scan3A_163 : i32 to index
      %swap3A_171 = arith.constant 32 : index
      %swap3A_172 = tpu.vector_load %arg9[%swap3A_170, %swap3A_171] {strides = array<i32>} : memref<128x128xf32, #tpu.memory_space<vmem>>, vector<16xf32>,
      tpu.vector_store %arg9[%swap3A_170, %swap3A_171], %broadcast_in_dim3A_0 {strides = array<i32>} : memref<128x128xf32, #tpu.memory_space<vmem>>, vector<16xf32>,
      %swap3A_173 = arith.index_cast %scan3A_163 : i32 to index
      %swap3A_174 = arith.constant 48 : index
      %swap3A_175 = tpu.vector_load %arg9[%swap3A_173, %swap3A_174] {strides = array<i32>} : memref<128x128xf32, #tpu.memory_space<vmem>>, vector<16xf32>,
      tpu.vector_store %arg9[%swap3A_173, %swap3A_174], %broadcast_in_dim3A_0 {strides = array<i32>} : memref<128x128xf32, #tpu.memory_space<vmem>>, vector<16xf32>,
      %swap3A_176 = arith.index_cast %scan3A_163 : i32 to index
      %swap3A_177 = arith.constant 64 : index
      %swap3A_178 = tpu.vector_load %arg9[%swap3A_176, %swap3A_177] {strides = array<i32>} : memref<128x128xf32, #tpu.memory_space<vmem>>, vector<16xf32>,
      tpu.vector_store %arg9[%swap3A_176, %swap3A_177], %broadcast_in_dim3A_0 {strides = array<i32>} : memref<128x128xf32, #tpu.memory_space<vmem>>, vector<16xf32>,
      %swap3A_179 = arith.index_cast %scan3A_163 : i32 to index
      %swap3A_180 = arith.constant 80 : index
      %swap3A_181 = tpu.vector_load %arg9[%swap3A_179, %swap3A_180] {strides = array<i32>} : memref<128x128xf32, #tpu.memory_space<vmem>>, vector<16xf32>,
      tpu.vector_store %arg9[%swap3A_179, %swap3A_180], %broadcast_in_dim3A_0 {strides = array<i32>} : memref<128x128xf32, #tpu.memory_space<vmem>>, vector<16xf32>,
      %swap3A_182 = arith.index_cast %scan3A_163 : i32 to index
      %swap3A_183 = arith.constant 96 : index
      %swap3A_184 = tpu.vector_load %arg9[%swap3A_182, %swap3A_183] {strides = array<i32>} : memref<128x128xf32, #tpu.memory_space<vmem>>, vector<16xf32>,
      tpu.vector_store %arg9[%swap3A_182, %swap3A_183], %broadcast_in_dim3A_0 {strides = array<i32>} : memref<128x128xf32, #tpu.memory_space<vmem>>, vector<16xf32>,
      %swap3A_185 = arith.index_cast %scan3A_163 : i32 to index
      %swap3A_186 = arith.constant 112 : index
      %swap3A_187 = tpu.vector_load %arg9[%swap3A_185, %swap3A_186] {strides = array<i32>} : memref<128x128xf32, #tpu.memory_space<vmem>>, vector<16xf32>,
      tpu.vector_store %arg9[%swap3A_185, %swap3A_186], %broadcast_in_dim3A_0 {strides = array<i32>} : memref<128x128xf32, #tpu.memory_space<vmem>>, vector<16xf32>,
      %scan3A_188 = arith.constant 0 : i32
      scf.yield %scan3A_188 : i32
    }
    %scan3A_8 = arith.constant 128 : i32
    %mul3A = arith.constant 640 : i32
    %mul3A_9 = arith.muli %arg1, %mul3A : i32
    %add3A = arith.constant 0 : i32
    %add3A_10 = arith.addi %mul3A_9, %add3A : i32
    "tpu.region"() ({
      %run_scoped3A = tpu.sem_alloc : memref<!tpu.dma_semaphore, #tpu.memory_space<semaphore_mem>>
      %dma_start3A_163 = arith.constant 0 : i32
      %dma_start3A_164 = tpu.memref_slice %arg11[%add3A_10, %dma_start3A_163] : memref<10240x128xf32, #tpu.memory_space<vmem_shared>> -> memref<128x128xf32, #tpu.memory_space<vmem_shared>>
      %dma_start3A_165 = arith.constant 0 : i32
      %dma_start3A_166 = tpu.memref_slice %arg11[%add3A_10, %dma_start3A_165] : memref<10240x128xf32, #tpu.memory_space<vmem_shared>> -> memref<128x128xf32, #tpu.memory_space<vmem_shared>>
      tpu.enqueue_dma source(%arg9 : memref<128x128xf32, #tpu.memory_space<vmem>>) target(%dma_start3A_166 : memref<128x128xf32, #tpu.memory_space<vmem_shared>>) target_semaphore(%run_scoped3A : memref<!tpu.dma_semaphore, #tpu.memory_space<semaphore_mem>>)
      %dma_wait3A_167 = arith.constant 0 : i32
      %dma_wait3A_168 = tpu.memref_slice %arg11[%add3A_10, %dma_wait3A_167] : memref<10240x128xf32, #tpu.memory_space<vmem_shared>> -> memref<128x128xf32, #tpu.memory_space<vmem_shared>>
      %dma_wait3A_169 = arith.constant 0 : i32
      %dma_wait3A_170 = tpu.memref_slice %arg11[%add3A_10, %dma_wait3A_169] : memref<10240x128xf32, #tpu.memory_space<vmem_shared>> -> memref<128x128xf32, #tpu.memory_space<vmem_shared>>
      tpu.wait_dma2 semaphore(%run_scoped3A : memref<!tpu.dma_semaphore, #tpu.memory_space<semaphore_mem>>) src(%arg9 : memref<128x128xf32, #tpu.memory_space<vmem>>) dst(%dma_wait3A_170 : memref<128x128xf32, #tpu.memory_space<vmem_shared>>)
      tpu.yield
    }) : () -> ()
    %mul3A_11 = arith.constant 640 : i32
    %mul3A_12 = arith.muli %arg1, %mul3A_11 : i32
    %add3A_13 = arith.constant 128 : i32
    %add3A_14 = arith.addi %mul3A_12, %add3A_13 : i32
    "tpu.region"() ({
      %run_scoped3A = tpu.sem_alloc : memref<!tpu.dma_semaphore, #tpu.memory_space<semaphore_mem>>
      %dma_start3A_163 = arith.constant 0 : i32
      %dma_start3A_164 = tpu.memref_slice %arg11[%add3A_14, %dma_start3A_163] : memref<10240x128xf32, #tpu.memory_space<vmem_shared>> -> memref<128x128xf32, #tpu.memory_space<vmem_shared>>
      %dma_start3A_165 = arith.constant 0 : i32
      %dma_start3A_166 = tpu.memref_slice %arg11[%add3A_14, %dma_start3A_165] : memref<10240x128xf32, #tpu.memory_space<vmem_shared>> -> memref<128x128xf32, #tpu.memory_space<vmem_shared>>
      tpu.enqueue_dma source(%arg9 : memref<128x128xf32, #tpu.memory_space<vmem>>) target(%dma_start3A_166 : memref<128x128xf32, #tpu.memory_space<vmem_shared>>) target_semaphore(%run_scoped3A : memref<!tpu.dma_semaphore, #tpu.memory_space<semaphore_mem>>)
      %dma_wait3A_167 = arith.constant 0 : i32
      %dma_wait3A_168 = tpu.memref_slice %arg11[%add3A_14, %dma_wait3A_167] : memref<10240x128xf32, #tpu.memory_space<vmem_shared>> -> memref<128x128xf32, #tpu.memory_space<vmem_shared>>
      %dma_wait3A_169 = arith.constant 0 : i32
      %dma_wait3A_170 = tpu.memref_slice %arg11[%add3A_14, %dma_wait3A_169] : memref<10240x128xf32, #tpu.memory_space<vmem_shared>> -> memref<128x128xf32, #tpu.memory_space<vmem_shared>>
      tpu.wait_dma2 semaphore(%run_scoped3A : memref<!tpu.dma_semaphore, #tpu.memory_space<semaphore_mem>>) src(%arg9 : memref<128x128xf32, #tpu.memory_space<vmem>>) dst(%dma_wait3A_170 : memref<128x128xf32, #tpu.memory_space<vmem_shared>>)
      tpu.yield
    }) : () -> ()
    %mul3A_15 = arith.constant 640 : i32
    %mul3A_16 = arith.muli %arg1, %mul3A_15 : i32
    %add3A_17 = arith.constant 256 : i32
    %add3A_18 = arith.addi %mul3A_16, %add3A_17 : i32
    "tpu.region"() ({
      %run_scoped3A = tpu.sem_alloc : memref<!tpu.dma_semaphore, #tpu.memory_space<semaphore_mem>>
      %dma_start3A_163 = arith.constant 0 : i32
      %dma_start3A_164 = tpu.memref_slice %arg11[%add3A_18, %dma_start3A_163] : memref<10240x128xf32, #tpu.memory_space<vmem_shared>> -> memref<128x128xf32, #tpu.memory_space<vmem_shared>>
      %dma_start3A_165 = arith.constant 0 : i32
      %dma_start3A_166 = tpu.memref_slice %arg11[%add3A_18, %dma_start3A_165] : memref<10240x128xf32, #tpu.memory_space<vmem_shared>> -> memref<128x128xf32, #tpu.memory_space<vmem_shared>>
      tpu.enqueue_dma source(%arg9 : memref<128x128xf32, #tpu.memory_space<vmem>>) target(%dma_start3A_166 : memref<128x128xf32, #tpu.memory_space<vmem_shared>>) target_semaphore(%run_scoped3A : memref<!tpu.dma_semaphore, #tpu.memory_space<semaphore_mem>>)
      %dma_wait3A_167 = arith.constant 0 : i32
      %dma_wait3A_168 = tpu.memref_slice %arg11[%add3A_18, %dma_wait3A_167] : memref<10240x128xf32, #tpu.memory_space<vmem_shared>> -> memref<128x128xf32, #tpu.memory_space<vmem_shared>>
      %dma_wait3A_169 = arith.constant 0 : i32
      %dma_wait3A_170 = tpu.memref_slice %arg11[%add3A_18, %dma_wait3A_169] : memref<10240x128xf32, #tpu.memory_space<vmem_shared>> -> memref<128x128xf32, #tpu.memory_space<vmem_shared>>
      tpu.wait_dma2 semaphore(%run_scoped3A : memref<!tpu.dma_semaphore, #tpu.memory_space<semaphore_mem>>) src(%arg9 : memref<128x128xf32, #tpu.memory_space<vmem>>) dst(%dma_wait3A_170 : memref<128x128xf32, #tpu.memory_space<vmem_shared>>)
      tpu.yield
    }) : () -> ()
    %mul3A_19 = arith.constant 640 : i32
    %mul3A_20 = arith.muli %arg1, %mul3A_19 : i32
    %add3A_21 = arith.constant 384 : i32
    %add3A_22 = arith.addi %mul3A_20, %add3A_21 : i32
    "tpu.region"() ({
      %run_scoped3A = tpu.sem_alloc : memref<!tpu.dma_semaphore, #tpu.memory_space<semaphore_mem>>
      %dma_start3A_163 = arith.constant 0 : i32
      %dma_start3A_164 = tpu.memref_slice %arg11[%add3A_22, %dma_start3A_163] : memref<10240x128xf32, #tpu.memory_space<vmem_shared>> -> memref<128x128xf32, #tpu.memory_space<vmem_shared>>
      %dma_start3A_165 = arith.constant 0 : i32
      %dma_start3A_166 = tpu.memref_slice %arg11[%add3A_22, %dma_start3A_165] : memref<10240x128xf32, #tpu.memory_space<vmem_shared>> -> memref<128x128xf32, #tpu.memory_space<vmem_shared>>
      tpu.enqueue_dma source(%arg9 : memref<128x128xf32, #tpu.memory_space<vmem>>) target(%dma_start3A_166 : memref<128x128xf32, #tpu.memory_space<vmem_shared>>) target_semaphore(%run_scoped3A : memref<!tpu.dma_semaphore, #tpu.memory_space<semaphore_mem>>)
      %dma_wait3A_167 = arith.constant 0 : i32
      %dma_wait3A_168 = tpu.memref_slice %arg11[%add3A_22, %dma_wait3A_167] : memref<10240x128xf32, #tpu.memory_space<vmem_shared>> -> memref<128x128xf32, #tpu.memory_space<vmem_shared>>
      %dma_wait3A_169 = arith.constant 0 : i32
      %dma_wait3A_170 = tpu.memref_slice %arg11[%add3A_22, %dma_wait3A_169] : memref<10240x128xf32, #tpu.memory_space<vmem_shared>> -> memref<128x128xf32, #tpu.memory_space<vmem_shared>>
      tpu.wait_dma2 semaphore(%run_scoped3A : memref<!tpu.dma_semaphore, #tpu.memory_space<semaphore_mem>>) src(%arg9 : memref<128x128xf32, #tpu.memory_space<vmem>>) dst(%dma_wait3A_170 : memref<128x128xf32, #tpu.memory_space<vmem_shared>>)
      tpu.yield
    }) : () -> ()
    %mul3A_23 = arith.constant 640 : i32
    %mul3A_24 = arith.muli %arg1, %mul3A_23 : i32
    %add3A_25 = arith.constant 512 : i32
    %add3A_26 = arith.addi %mul3A_24, %add3A_25 : i32
    "tpu.region"() ({
      %run_scoped3A = tpu.sem_alloc : memref<!tpu.dma_semaphore, #tpu.memory_space<semaphore_mem>>
      %dma_start3A_163 = arith.constant 0 : i32
      %dma_start3A_164 = tpu.memref_slice %arg11[%add3A_26, %dma_start3A_163] : memref<10240x128xf32, #tpu.memory_space<vmem_shared>> -> memref<128x128xf32, #tpu.memory_space<vmem_shared>>
      %dma_start3A_165 = arith.constant 0 : i32
      %dma_start3A_166 = tpu.memref_slice %arg11[%add3A_26, %dma_start3A_165] : memref<10240x128xf32, #tpu.memory_space<vmem_shared>> -> memref<128x128xf32, #tpu.memory_space<vmem_shared>>
      tpu.enqueue_dma source(%arg9 : memref<128x128xf32, #tpu.memory_space<vmem>>) target(%dma_start3A_166 : memref<128x128xf32, #tpu.memory_space<vmem_shared>>) target_semaphore(%run_scoped3A : memref<!tpu.dma_semaphore, #tpu.memory_space<semaphore_mem>>)
      %dma_wait3A_167 = arith.constant 0 : i32
      %dma_wait3A_168 = tpu.memref_slice %arg11[%add3A_26, %dma_wait3A_167] : memref<10240x128xf32, #tpu.memory_space<vmem_shared>> -> memref<128x128xf32, #tpu.memory_space<vmem_shared>>
      %dma_wait3A_169 = arith.constant 0 : i32
      %dma_wait3A_170 = tpu.memref_slice %arg11[%add3A_26, %dma_wait3A_169] : memref<10240x128xf32, #tpu.memory_space<vmem_shared>> -> memref<128x128xf32, #tpu.memory_space<vmem_shared>>
      tpu.wait_dma2 semaphore(%run_scoped3A : memref<!tpu.dma_semaphore, #tpu.memory_space<semaphore_mem>>) src(%arg9 : memref<128x128xf32, #tpu.memory_space<vmem>>) dst(%dma_wait3A_170 : memref<128x128xf32, #tpu.memory_space<vmem_shared>>)
      tpu.yield
    }) : () -> ()
    %barrier3A = arith.constant 0 : index
    tpu.barrier barrier_id(%barrier3A)
    %scan3A_27 = arith.constant 0 : i32
    %scan3A_28 = arith.constant 0 : i32
    %scan3A_29 = arith.constant 128 : i32
    %scan3A_30 = arith.addi %scan3A_28, %scan3A_29 : i32
    %scan3A_31 = arith.constant 1 : i32
    %scan3A_32 = scf.for %scan3A_163 = %scan3A_28 to %scan3A_30 step %scan3A_31 iter_args(%scan3A_164 = %scan3A_27) -> (i32)  : i32 {
      %swap3A = arith.index_cast %scan3A_163 : i32 to index
      %swap3A_165 = arith.constant 0 : index
      %swap3A_166 = tpu.vector_load %arg9[%swap3A, %swap3A_165] {strides = array<i32>} : memref<128x128xf32, #tpu.memory_space<vmem>>, vector<16xf32>,
      tpu.vector_store %arg9[%swap3A, %swap3A_165], %broadcast_in_dim3A_2 {strides = array<i32>} : memref<128x128xf32, #tpu.memory_space<vmem>>, vector<16xf32>,
      %swap3A_167 = arith.index_cast %scan3A_163 : i32 to index
      %swap3A_168 = arith.constant 16 : index
      %swap3A_169 = tpu.vector_load %arg9[%swap3A_167, %swap3A_168] {strides = array<i32>} : memref<128x128xf32, #tpu.memory_space<vmem>>, vector<16xf32>,
      tpu.vector_store %arg9[%swap3A_167, %swap3A_168], %broadcast_in_dim3A_2 {strides = array<i32>} : memref<128x128xf32, #tpu.memory_space<vmem>>, vector<16xf32>,
      %swap3A_170 = arith.index_cast %scan3A_163 : i32 to index
      %swap3A_171 = arith.constant 32 : index
      %swap3A_172 = tpu.vector_load %arg9[%swap3A_170, %swap3A_171] {strides = array<i32>} : memref<128x128xf32, #tpu.memory_space<vmem>>, vector<16xf32>,
      tpu.vector_store %arg9[%swap3A_170, %swap3A_171], %broadcast_in_dim3A_2 {strides = array<i32>} : memref<128x128xf32, #tpu.memory_space<vmem>>, vector<16xf32>,
      %swap3A_173 = arith.index_cast %scan3A_163 : i32 to index
      %swap3A_174 = arith.constant 48 : index
      %swap3A_175 = tpu.vector_load %arg9[%swap3A_173, %swap3A_174] {strides = array<i32>} : memref<128x128xf32, #tpu.memory_space<vmem>>, vector<16xf32>,
      tpu.vector_store %arg9[%swap3A_173, %swap3A_174], %broadcast_in_dim3A_2 {strides = array<i32>} : memref<128x128xf32, #tpu.memory_space<vmem>>, vector<16xf32>,
      %swap3A_176 = arith.index_cast %scan3A_163 : i32 to index
      %swap3A_177 = arith.constant 64 : index
      %swap3A_178 = tpu.vector_load %arg9[%swap3A_176, %swap3A_177] {strides = array<i32>} : memref<128x128xf32, #tpu.memory_space<vmem>>, vector<16xf32>,
      tpu.vector_store %arg9[%swap3A_176, %swap3A_177], %broadcast_in_dim3A_2 {strides = array<i32>} : memref<128x128xf32, #tpu.memory_space<vmem>>, vector<16xf32>,
      %swap3A_179 = arith.index_cast %scan3A_163 : i32 to index
      %swap3A_180 = arith.constant 80 : index
      %swap3A_181 = tpu.vector_load %arg9[%swap3A_179, %swap3A_180] {strides = array<i32>} : memref<128x128xf32, #tpu.memory_space<vmem>>, vector<16xf32>,
      tpu.vector_store %arg9[%swap3A_179, %swap3A_180], %broadcast_in_dim3A_2 {strides = array<i32>} : memref<128x128xf32, #tpu.memory_space<vmem>>, vector<16xf32>,
      %swap3A_182 = arith.index_cast %scan3A_163 : i32 to index
      %swap3A_183 = arith.constant 96 : index
      %swap3A_184 = tpu.vector_load %arg9[%swap3A_182, %swap3A_183] {strides = array<i32>} : memref<128x128xf32, #tpu.memory_space<vmem>>, vector<16xf32>,
      tpu.vector_store %arg9[%swap3A_182, %swap3A_183], %broadcast_in_dim3A_2 {strides = array<i32>} : memref<128x128xf32, #tpu.memory_space<vmem>>, vector<16xf32>,
      %swap3A_185 = arith.index_cast %scan3A_163 : i32 to index
      %swap3A_186 = arith.constant 112 : index
      %swap3A_187 = tpu.vector_load %arg9[%swap3A_185, %swap3A_186] {strides = array<i32>} : memref<128x128xf32, #tpu.memory_space<vmem>>, vector<16xf32>,
      tpu.vector_store %arg9[%swap3A_185, %swap3A_186], %broadcast_in_dim3A_2 {strides = array<i32>} : memref<128x128xf32, #tpu.memory_space<vmem>>, vector<16xf32>,
      %scan3A_188 = arith.constant 0 : i32
      scf.yield %scan3A_188 : i32
    }
    %scan3A_33 = arith.constant 128 : i32
    %eq3A = arith.constant 0 : i32
    %eq3A_34 = arith.cmpi eq, %arg0, %eq3A : i32
    %select_n3A = arith.constant 40 : i32
    %select_n3A_35 = arith.constant 0 : i32
    %select_n3A_36 = arith.select %eq3A_34, %select_n3A_35, %select_n3A : i32
    %eq3A_37 = arith.constant 0 : i32
    %eq3A_38 = arith.cmpi eq, %arg0, %eq3A_37 : i32
    %select_n3A_39 = arith.constant 80 : i32
    %select_n3A_40 = arith.constant 40 : i32
    %select_n3A_41 = arith.select %eq3A_38, %select_n3A_40, %select_n3A_39 : i32
    %while3A = arith.constant 0 : i32
    %while3A_42 = arith.subi %select_n3A_41, %select_n3A_36 : i32
    %while3A_43 = arith.addi %select_n3A_36, %while3A_42 : i32
    %while3A_44 = arith.constant 1 : i32
    %while3A_45 = arith.divsi %while3A_42, %while3A_44 : i32
    %while3A_46 = arith.muli %while3A_45, %while3A_44 : i32
    %while3A_47 = arith.addi %select_n3A_36, %while3A_46 : i32
    %while3A_48 = arith.constant 1 : i32
    %while3A_49 = scf.for %while3A_163 = %select_n3A_36 to %while3A_47 step %while3A_48 iter_args(%while3A_164 = %while3A) -> (i32)  : i32 {
      "tpu.region"() ({
        %run_scoped3A = tpu.sem_alloc : memref<!tpu.dma_semaphore, #tpu.memory_space<semaphore_mem>>
        %dma_start3A_166 = arith.constant 0 : i32
        %dma_start3A_167 = tpu.memref_slice %arg7[%while3A_163, %dma_start3A_166] : memref<80x128xi32, #tpu.memory_space<vmem>> -> memref<1x128xi32, #tpu.memory_space<vmem>>
        %dma_start3A_168 = tpu.memref_squeeze %dma_start3A_167 : memref<1x128xi32, #tpu.memory_space<vmem>> -> memref<128xi32, #tpu.memory_space<vmem>>
        %dma_start3A_169 = arith.constant 0 : i32
        %dma_start3A_170 = arith.constant 0 : i32
        %dma_start3A_171 = tpu.memref_slice %arg11[%dma_start3A_169, %dma_start3A_170] : memref<10240x128xf32, #tpu.memory_space<vmem_shared>> -> memref<10240x128xf32, #tpu.memory_space<vmem_shared>>
        tpu.enqueue_indirect_dma source(%arg9 : memref<128x128xf32, #tpu.memory_space<vmem>>) target(%dma_start3A_171 : memref<10240x128xf32, #tpu.memory_space<vmem_shared>>) offsets(%dma_start3A_168 : memref<128xi32, #tpu.memory_space<vmem>>) semaphore(%run_scoped3A : memref<!tpu.dma_semaphore, #tpu.memory_space<semaphore_mem>>) {add = true}
        %dma_wait3A_172 = arith.constant 0 : i32
        %dma_wait3A_173 = tpu.memref_slice %arg7[%while3A_163, %dma_wait3A_172] : memref<80x128xi32, #tpu.memory_space<vmem>> -> memref<1x128xi32, #tpu.memory_space<vmem>>
        %dma_wait3A_174 = tpu.memref_squeeze %dma_wait3A_173 : memref<1x128xi32, #tpu.memory_space<vmem>> -> memref<128xi32, #tpu.memory_space<vmem>>
        %dma_wait3A_175 = arith.constant 0 : i32
        %dma_wait3A_176 = arith.constant 0 : i32
        %dma_wait3A_177 = tpu.memref_slice %arg11[%dma_wait3A_175, %dma_wait3A_176] : memref<10240x128xf32, #tpu.memory_space<vmem_shared>> -> memref<10240x128xf32, #tpu.memory_space<vmem_shared>>
        tpu.wait_indirect_dma semaphore(%run_scoped3A : memref<!tpu.dma_semaphore, #tpu.memory_space<semaphore_mem>>) src(%arg9 : memref<128x128xf32, #tpu.memory_space<vmem>>) dst(%dma_wait3A_177 : memref<10240x128xf32, #tpu.memory_space<vmem_shared>>)
        tpu.yield
      }) : () -> ()
      %while3A_165 = arith.constant 0 : i32
      scf.yield %while3A_165 : i32
    }
    %while3A_50 = arith.constant 1 : i32
    %while3A_51 = scf.for %while3A_163 = %while3A_47 to %while3A_43 step %while3A_50 iter_args(%while3A_164 = %while3A_49) -> (i32)  : i32 {
      "tpu.region"() ({
        %run_scoped3A = tpu.sem_alloc : memref<!tpu.dma_semaphore, #tpu.memory_space<semaphore_mem>>
        %dma_start3A_166 = arith.constant 0 : i32
        %dma_start3A_167 = tpu.memref_slice %arg7[%while3A_163, %dma_start3A_166] : memref<80x128xi32, #tpu.memory_space<vmem>> -> memref<1x128xi32, #tpu.memory_space<vmem>>
        %dma_start3A_168 = tpu.memref_squeeze %dma_start3A_167 : memref<1x128xi32, #tpu.memory_space<vmem>> -> memref<128xi32, #tpu.memory_space<vmem>>
        %dma_start3A_169 = arith.constant 0 : i32
        %dma_start3A_170 = arith.constant 0 : i32
        %dma_start3A_171 = tpu.memref_slice %arg11[%dma_start3A_169, %dma_start3A_170] : memref<10240x128xf32, #tpu.memory_space<vmem_shared>> -> memref<10240x128xf32, #tpu.memory_space<vmem_shared>>
        tpu.enqueue_indirect_dma source(%arg9 : memref<128x128xf32, #tpu.memory_space<vmem>>) target(%dma_start3A_171 : memref<10240x128xf32, #tpu.memory_space<vmem_shared>>) offsets(%dma_start3A_168 : memref<128xi32, #tpu.memory_space<vmem>>) semaphore(%run_scoped3A : memref<!tpu.dma_semaphore, #tpu.memory_space<semaphore_mem>>) {add = true}
        %dma_wait3A_172 = arith.constant 0 : i32
        %dma_wait3A_173 = tpu.memref_slice %arg7[%while3A_163, %dma_wait3A_172] : memref<80x128xi32, #tpu.memory_space<vmem>> -> memref<1x128xi32, #tpu.memory_space<vmem>>
        %dma_wait3A_174 = tpu.memref_squeeze %dma_wait3A_173 : memref<1x128xi32, #tpu.memory_space<vmem>> -> memref<128xi32, #tpu.memory_space<vmem>>
        %dma_wait3A_175 = arith.constant 0 : i32
        %dma_wait3A_176 = arith.constant 0 : i32
        %dma_wait3A_177 = tpu.memref_slice %arg11[%dma_wait3A_175, %dma_wait3A_176] : memref<10240x128xf32, #tpu.memory_space<vmem_shared>> -> memref<10240x128xf32, #tpu.memory_space<vmem_shared>>
        tpu.wait_indirect_dma semaphore(%run_scoped3A : memref<!tpu.dma_semaphore, #tpu.memory_space<semaphore_mem>>) src(%arg9 : memref<128x128xf32, #tpu.memory_space<vmem>>) dst(%dma_wait3A_177 : memref<10240x128xf32, #tpu.memory_space<vmem_shared>>)
        tpu.yield
      }) : () -> ()
      %while3A_165 = arith.constant 0 : i32
      scf.yield %while3A_165 : i32
    }
    %barrier3A_52 = arith.constant 0 : index
    tpu.barrier barrier_id(%barrier3A_52)
    %mul3A_53 = arith.constant 640 : i32
    %mul3A_54 = arith.muli %arg1, %mul3A_53 : i32
    %mul3A_55 = arith.constant 10240 : i32
    %mul3A_56 = arith.muli %arg0, %mul3A_55 : i32
    %mul3A_57 = arith.constant 640 : i32
    %mul3A_58 = arith.muli %arg1, %mul3A_57 : i32
    %add3A_59 = arith.addi %mul3A_56, %mul3A_58 : i32
    "tpu.region"() ({
      %run_scoped3A = tpu.sem_alloc : memref<!tpu.dma_semaphore, #tpu.memory_space<semaphore_mem>>
      %dma_start3A_163 = arith.constant 0 : i32
      %dma_start3A_164 = tpu.memref_slice %arg6[%add3A_59, %dma_start3A_163] : memref<20480x128xf32, #tpu.memory_space<hbm>> -> memref<640x128xf32, #tpu.memory_space<hbm>>
      %dma_start3A_165 = arith.constant 0 : i32
      %dma_start3A_166 = tpu.memref_slice %arg11[%mul3A_54, %dma_start3A_165] : memref<10240x128xf32, #tpu.memory_space<vmem_shared>> -> memref<640x128xf32, #tpu.memory_space<vmem_shared>>
      tpu.enqueue_dma source(%dma_start3A_166 : memref<640x128xf32, #tpu.memory_space<vmem_shared>>) target(%dma_start3A_164 : memref<640x128xf32, #tpu.memory_space<hbm>>) target_semaphore(%run_scoped3A : memref<!tpu.dma_semaphore, #tpu.memory_space<semaphore_mem>>)
      %dma_wait3A_167 = arith.constant 0 : i32
      %dma_wait3A_168 = tpu.memref_slice %arg6[%add3A_59, %dma_wait3A_167] : memref<20480x128xf32, #tpu.memory_space<hbm>> -> memref<640x128xf32, #tpu.memory_space<hbm>>
      %dma_wait3A_169 = arith.constant 0 : i32
      %dma_wait3A_170 = tpu.memref_slice %arg11[%mul3A_54, %dma_wait3A_169] : memref<10240x128xf32, #tpu.memory_space<vmem_shared>> -> memref<640x128xf32, #tpu.memory_space<vmem_shared>>
      tpu.wait_dma2 semaphore(%run_scoped3A : memref<!tpu.dma_semaphore, #tpu.memory_space<semaphore_mem>>) src(%dma_wait3A_170 : memref<640x128xf32, #tpu.memory_space<vmem_shared>>) dst(%dma_wait3A_168 : memref<640x128xf32, #tpu.memory_space<hbm>>)
      tpu.yield
    }) : () -> ()
    %dma_start3A = arith.constant 0 : i32
    %dma_start3A_60 = arith.constant 0 : i32
    %dma_start3A_61 = tpu.memref_slice %arg8[%dma_start3A, %dma_start3A_60] : memref<5x128xi32, #tpu.memory_space<vmem>> -> memref<1x128xi32, #tpu.memory_space<vmem>>
    %dma_start3A_62 = tpu.memref_squeeze %dma_start3A_61 : memref<1x128xi32, #tpu.memory_space<vmem>> -> memref<128xi32, #tpu.memory_space<vmem>>
    %dma_start3A_63 = arith.constant 0 : i32
    %dma_start3A_64 = arith.constant 0 : i32
    %dma_start3A_65 = tpu.memref_slice %arg4[%dma_start3A_63, %dma_start3A_64] : memref<12000x128xf32, #tpu.memory_space<hbm>> -> memref<12000x128xf32, #tpu.memory_space<hbm>>
    tpu.enqueue_indirect_dma source(%dma_start3A_65 : memref<12000x128xf32, #tpu.memory_space<hbm>>) target(%arg9 : memref<128x128xf32, #tpu.memory_space<vmem>>) offsets(%dma_start3A_62 : memref<128xi32, #tpu.memory_space<vmem>>) semaphore(%arg10 : memref<!tpu.dma_semaphore, #tpu.memory_space<semaphore_mem>>)
    %dma_wait3A = arith.constant 0 : i32
    %dma_wait3A_66 = arith.constant 0 : i32
    %dma_wait3A_67 = tpu.memref_slice %arg8[%dma_wait3A, %dma_wait3A_66] : memref<5x128xi32, #tpu.memory_space<vmem>> -> memref<1x128xi32, #tpu.memory_space<vmem>>
    %dma_wait3A_68 = tpu.memref_squeeze %dma_wait3A_67 : memref<1x128xi32, #tpu.memory_space<vmem>> -> memref<128xi32, #tpu.memory_space<vmem>>
    %dma_wait3A_69 = arith.constant 0 : i32
    %dma_wait3A_70 = arith.constant 0 : i32
    %dma_wait3A_71 = tpu.memref_slice %arg4[%dma_wait3A_69, %dma_wait3A_70] : memref<12000x128xf32, #tpu.memory_space<hbm>> -> memref<12000x128xf32, #tpu.memory_space<hbm>>
    tpu.wait_indirect_dma semaphore(%arg10 : memref<!tpu.dma_semaphore, #tpu.memory_space<semaphore_mem>>) src(%dma_wait3A_71 : memref<12000x128xf32, #tpu.memory_space<hbm>>) dst(%arg9 : memref<128x128xf32, #tpu.memory_space<vmem>>)
    %mul3A_72 = arith.constant 10240 : i32
    %mul3A_73 = arith.muli %arg0, %mul3A_72 : i32
    %mul3A_74 = arith.constant 640 : i32
    %mul3A_75 = arith.muli %arg1, %mul3A_74 : i32
    %add3A_76 = arith.addi %mul3A_73, %mul3A_75 : i32
    %add3A_77 = arith.constant 0 : i32
    %add3A_78 = arith.addi %add3A_76, %add3A_77 : i32
    "tpu.region"() ({
      %run_scoped3A = tpu.sem_alloc : memref<!tpu.dma_semaphore, #tpu.memory_space<semaphore_mem>>
      %dma_start3A_163 = arith.constant 0 : i32
      %dma_start3A_164 = tpu.memref_slice %arg5[%add3A_78, %dma_start3A_163] : memref<20480x128xf32, #tpu.memory_space<hbm>> -> memref<128x128xf32, #tpu.memory_space<hbm>>
      %dma_start3A_165 = arith.constant 0 : i32
      %dma_start3A_166 = tpu.memref_slice %arg5[%add3A_78, %dma_start3A_165] : memref<20480x128xf32, #tpu.memory_space<hbm>> -> memref<128x128xf32, #tpu.memory_space<hbm>>
      tpu.enqueue_dma source(%arg9 : memref<128x128xf32, #tpu.memory_space<vmem>>) target(%dma_start3A_166 : memref<128x128xf32, #tpu.memory_space<hbm>>) target_semaphore(%run_scoped3A : memref<!tpu.dma_semaphore, #tpu.memory_space<semaphore_mem>>)
      %dma_wait3A_167 = arith.constant 0 : i32
      %dma_wait3A_168 = tpu.memref_slice %arg5[%add3A_78, %dma_wait3A_167] : memref<20480x128xf32, #tpu.memory_space<hbm>> -> memref<128x128xf32, #tpu.memory_space<hbm>>
      %dma_wait3A_169 = arith.constant 0 : i32
      %dma_wait3A_170 = tpu.memref_slice %arg5[%add3A_78, %dma_wait3A_169] : memref<20480x128xf32, #tpu.memory_space<hbm>> -> memref<128x128xf32, #tpu.memory_space<hbm>>
      tpu.wait_dma2 semaphore(%run_scoped3A : memref<!tpu.dma_semaphore, #tpu.memory_space<semaphore_mem>>) src(%arg9 : memref<128x128xf32, #tpu.memory_space<vmem>>) dst(%dma_wait3A_170 : memref<128x128xf32, #tpu.memory_space<hbm>>)
      tpu.yield
    }) : () -> ()
    %dma_start3A_79 = arith.constant 1 : i32
    %dma_start3A_80 = arith.constant 0 : i32
    %dma_start3A_81 = tpu.memref_slice %arg8[%dma_start3A_79, %dma_start3A_80] : memref<5x128xi32, #tpu.memory_space<vmem>> -> memref<1x128xi32, #tpu.memory_space<vmem>>
    %dma_start3A_82 = tpu.memref_squeeze %dma_start3A_81 : memref<1x128xi32, #tpu.memory_space<vmem>> -> memref<128xi32, #tpu.memory_space<vmem>>
    %dma_start3A_83 = arith.constant 0 : i32
    %dma_start3A_84 = arith.constant 0 : i32
    %dma_start3A_85 = tpu.memref_slice %arg4[%dma_start3A_83, %dma_start3A_84] : memref<12000x128xf32, #tpu.memory_space<hbm>> -> memref<12000x128xf32, #tpu.memory_space<hbm>>
    tpu.enqueue_indirect_dma source(%dma_start3A_85 : memref<12000x128xf32, #tpu.memory_space<hbm>>) target(%arg9 : memref<128x128xf32, #tpu.memory_space<vmem>>) offsets(%dma_start3A_82 : memref<128xi32, #tpu.memory_space<vmem>>) semaphore(%arg10 : memref<!tpu.dma_semaphore, #tpu.memory_space<semaphore_mem>>)
    %dma_wait3A_86 = arith.constant 1 : i32
    %dma_wait3A_87 = arith.constant 0 : i32
    %dma_wait3A_88 = tpu.memref_slice %arg8[%dma_wait3A_86, %dma_wait3A_87] : memref<5x128xi32, #tpu.memory_space<vmem>> -> memref<1x128xi32, #tpu.memory_space<vmem>>
    %dma_wait3A_89 = tpu.memref_squeeze %dma_wait3A_88 : memref<1x128xi32, #tpu.memory_space<vmem>> -> memref<128xi32, #tpu.memory_space<vmem>>
    %dma_wait3A_90 = arith.constant 0 : i32
    %dma_wait3A_91 = arith.constant 0 : i32
    %dma_wait3A_92 = tpu.memref_slice %arg4[%dma_wait3A_90, %dma_wait3A_91] : memref<12000x128xf32, #tpu.memory_space<hbm>> -> memref<12000x128xf32, #tpu.memory_space<hbm>>
    tpu.wait_indirect_dma semaphore(%arg10 : memref<!tpu.dma_semaphore, #tpu.memory_space<semaphore_mem>>) src(%dma_wait3A_92 : memref<12000x128xf32, #tpu.memory_space<hbm>>) dst(%arg9 : memref<128x128xf32, #tpu.memory_space<vmem>>)
    %mul3A_93 = arith.constant 10240 : i32
    %mul3A_94 = arith.muli %arg0, %mul3A_93 : i32
    %mul3A_95 = arith.constant 640 : i32
    %mul3A_96 = arith.muli %arg1, %mul3A_95 : i32
    %add3A_97 = arith.addi %mul3A_94, %mul3A_96 : i32
    %add3A_98 = arith.constant 128 : i32
    %add3A_99 = arith.addi %add3A_97, %add3A_98 : i32
    "tpu.region"() ({
      %run_scoped3A = tpu.sem_alloc : memref<!tpu.dma_semaphore, #tpu.memory_space<semaphore_mem>>
      %dma_start3A_163 = arith.constant 0 : i32
      %dma_start3A_164 = tpu.memref_slice %arg5[%add3A_99, %dma_start3A_163] : memref<20480x128xf32, #tpu.memory_space<hbm>> -> memref<128x128xf32, #tpu.memory_space<hbm>>
      %dma_start3A_165 = arith.constant 0 : i32
      %dma_start3A_166 = tpu.memref_slice %arg5[%add3A_99, %dma_start3A_165] : memref<20480x128xf32, #tpu.memory_space<hbm>> -> memref<128x128xf32, #tpu.memory_space<hbm>>
      tpu.enqueue_dma source(%arg9 : memref<128x128xf32, #tpu.memory_space<vmem>>) target(%dma_start3A_166 : memref<128x128xf32, #tpu.memory_space<hbm>>) target_semaphore(%run_scoped3A : memref<!tpu.dma_semaphore, #tpu.memory_space<semaphore_mem>>)
      %dma_wait3A_167 = arith.constant 0 : i32
      %dma_wait3A_168 = tpu.memref_slice %arg5[%add3A_99, %dma_wait3A_167] : memref<20480x128xf32, #tpu.memory_space<hbm>> -> memref<128x128xf32, #tpu.memory_space<hbm>>
      %dma_wait3A_169 = arith.constant 0 : i32
      %dma_wait3A_170 = tpu.memref_slice %arg5[%add3A_99, %dma_wait3A_169] : memref<20480x128xf32, #tpu.memory_space<hbm>> -> memref<128x128xf32, #tpu.memory_space<hbm>>
      tpu.wait_dma2 semaphore(%run_scoped3A : memref<!tpu.dma_semaphore, #tpu.memory_space<semaphore_mem>>) src(%arg9 : memref<128x128xf32, #tpu.memory_space<vmem>>) dst(%dma_wait3A_170 : memref<128x128xf32, #tpu.memory_space<hbm>>)
      tpu.yield
    }) : () -> ()
    %dma_start3A_100 = arith.constant 2 : i32
    %dma_start3A_101 = arith.constant 0 : i32
    %dma_start3A_102 = tpu.memref_slice %arg8[%dma_start3A_100, %dma_start3A_101] : memref<5x128xi32, #tpu.memory_space<vmem>> -> memref<1x128xi32, #tpu.memory_space<vmem>>
    %dma_start3A_103 = tpu.memref_squeeze %dma_start3A_102 : memref<1x128xi32, #tpu.memory_space<vmem>> -> memref<128xi32, #tpu.memory_space<vmem>>
    %dma_start3A_104 = arith.constant 0 : i32
    %dma_start3A_105 = arith.constant 0 : i32
    %dma_start3A_106 = tpu.memref_slice %arg4[%dma_start3A_104, %dma_start3A_105] : memref<12000x128xf32, #tpu.memory_space<hbm>> -> memref<12000x128xf32, #tpu.memory_space<hbm>>
    tpu.enqueue_indirect_dma source(%dma_start3A_106 : memref<12000x128xf32, #tpu.memory_space<hbm>>) target(%arg9 : memref<128x128xf32, #tpu.memory_space<vmem>>) offsets(%dma_start3A_103 : memref<128xi32, #tpu.memory_space<vmem>>) semaphore(%arg10 : memref<!tpu.dma_semaphore, #tpu.memory_space<semaphore_mem>>)
    %dma_wait3A_107 = arith.constant 2 : i32
    %dma_wait3A_108 = arith.constant 0 : i32
    %dma_wait3A_109 = tpu.memref_slice %arg8[%dma_wait3A_107, %dma_wait3A_108] : memref<5x128xi32, #tpu.memory_space<vmem>> -> memref<1x128xi32, #tpu.memory_space<vmem>>
    %dma_wait3A_110 = tpu.memref_squeeze %dma_wait3A_109 : memref<1x128xi32, #tpu.memory_space<vmem>> -> memref<128xi32, #tpu.memory_space<vmem>>
    %dma_wait3A_111 = arith.constant 0 : i32
    %dma_wait3A_112 = arith.constant 0 : i32
    %dma_wait3A_113 = tpu.memref_slice %arg4[%dma_wait3A_111, %dma_wait3A_112] : memref<12000x128xf32, #tpu.memory_space<hbm>> -> memref<12000x128xf32, #tpu.memory_space<hbm>>
    tpu.wait_indirect_dma semaphore(%arg10 : memref<!tpu.dma_semaphore, #tpu.memory_space<semaphore_mem>>) src(%dma_wait3A_113 : memref<12000x128xf32, #tpu.memory_space<hbm>>) dst(%arg9 : memref<128x128xf32, #tpu.memory_space<vmem>>)
    %mul3A_114 = arith.constant 10240 : i32
    %mul3A_115 = arith.muli %arg0, %mul3A_114 : i32
    %mul3A_116 = arith.constant 640 : i32
    %mul3A_117 = arith.muli %arg1, %mul3A_116 : i32
    %add3A_118 = arith.addi %mul3A_115, %mul3A_117 : i32
    %add3A_119 = arith.constant 256 : i32
    %add3A_120 = arith.addi %add3A_118, %add3A_119 : i32
    "tpu.region"() ({
      %run_scoped3A = tpu.sem_alloc : memref<!tpu.dma_semaphore, #tpu.memory_space<semaphore_mem>>
      %dma_start3A_163 = arith.constant 0 : i32
      %dma_start3A_164 = tpu.memref_slice %arg5[%add3A_120, %dma_start3A_163] : memref<20480x128xf32, #tpu.memory_space<hbm>> -> memref<128x128xf32, #tpu.memory_space<hbm>>
      %dma_start3A_165 = arith.constant 0 : i32
      %dma_start3A_166 = tpu.memref_slice %arg5[%add3A_120, %dma_start3A_165] : memref<20480x128xf32, #tpu.memory_space<hbm>> -> memref<128x128xf32, #tpu.memory_space<hbm>>
      tpu.enqueue_dma source(%arg9 : memref<128x128xf32, #tpu.memory_space<vmem>>) target(%dma_start3A_166 : memref<128x128xf32, #tpu.memory_space<hbm>>) target_semaphore(%run_scoped3A : memref<!tpu.dma_semaphore, #tpu.memory_space<semaphore_mem>>)
      %dma_wait3A_167 = arith.constant 0 : i32
      %dma_wait3A_168 = tpu.memref_slice %arg5[%add3A_120, %dma_wait3A_167] : memref<20480x128xf32, #tpu.memory_space<hbm>> -> memref<128x128xf32, #tpu.memory_space<hbm>>
      %dma_wait3A_169 = arith.constant 0 : i32
      %dma_wait3A_170 = tpu.memref_slice %arg5[%add3A_120, %dma_wait3A_169] : memref<20480x128xf32, #tpu.memory_space<hbm>> -> memref<128x128xf32, #tpu.memory_space<hbm>>
      tpu.wait_dma2 semaphore(%run_scoped3A : memref<!tpu.dma_semaphore, #tpu.memory_space<semaphore_mem>>) src(%arg9 : memref<128x128xf32, #tpu.memory_space<vmem>>) dst(%dma_wait3A_170 : memref<128x128xf32, #tpu.memory_space<hbm>>)
      tpu.yield
    }) : () -> ()
    %dma_start3A_121 = arith.constant 3 : i32
    %dma_start3A_122 = arith.constant 0 : i32
    %dma_start3A_123 = tpu.memref_slice %arg8[%dma_start3A_121, %dma_start3A_122] : memref<5x128xi32, #tpu.memory_space<vmem>> -> memref<1x128xi32, #tpu.memory_space<vmem>>
    %dma_start3A_124 = tpu.memref_squeeze %dma_start3A_123 : memref<1x128xi32, #tpu.memory_space<vmem>> -> memref<128xi32, #tpu.memory_space<vmem>>
    %dma_start3A_125 = arith.constant 0 : i32
    %dma_start3A_126 = arith.constant 0 : i32
    %dma_start3A_127 = tpu.memref_slice %arg4[%dma_start3A_125, %dma_start3A_126] : memref<12000x128xf32, #tpu.memory_space<hbm>> -> memref<12000x128xf32, #tpu.memory_space<hbm>>
    tpu.enqueue_indirect_dma source(%dma_start3A_127 : memref<12000x128xf32, #tpu.memory_space<hbm>>) target(%arg9 : memref<128x128xf32, #tpu.memory_space<vmem>>) offsets(%dma_start3A_124 : memref<128xi32, #tpu.memory_space<vmem>>) semaphore(%arg10 : memref<!tpu.dma_semaphore, #tpu.memory_space<semaphore_mem>>)
    %dma_wait3A_128 = arith.constant 3 : i32
    %dma_wait3A_129 = arith.constant 0 : i32
    %dma_wait3A_130 = tpu.memref_slice %arg8[%dma_wait3A_128, %dma_wait3A_129] : memref<5x128xi32, #tpu.memory_space<vmem>> -> memref<1x128xi32, #tpu.memory_space<vmem>>
    %dma_wait3A_131 = tpu.memref_squeeze %dma_wait3A_130 : memref<1x128xi32, #tpu.memory_space<vmem>> -> memref<128xi32, #tpu.memory_space<vmem>>
    %dma_wait3A_132 = arith.constant 0 : i32
    %dma_wait3A_133 = arith.constant 0 : i32
    %dma_wait3A_134 = tpu.memref_slice %arg4[%dma_wait3A_132, %dma_wait3A_133] : memref<12000x128xf32, #tpu.memory_space<hbm>> -> memref<12000x128xf32, #tpu.memory_space<hbm>>
    tpu.wait_indirect_dma semaphore(%arg10 : memref<!tpu.dma_semaphore, #tpu.memory_space<semaphore_mem>>) src(%dma_wait3A_134 : memref<12000x128xf32, #tpu.memory_space<hbm>>) dst(%arg9 : memref<128x128xf32, #tpu.memory_space<vmem>>)
    %mul3A_135 = arith.constant 10240 : i32
    %mul3A_136 = arith.muli %arg0, %mul3A_135 : i32
    %mul3A_137 = arith.constant 640 : i32
    %mul3A_138 = arith.muli %arg1, %mul3A_137 : i32
    %add3A_139 = arith.addi %mul3A_136, %mul3A_138 : i32
    %add3A_140 = arith.constant 384 : i32
    %add3A_141 = arith.addi %add3A_139, %add3A_140 : i32
    "tpu.region"() ({
      %run_scoped3A = tpu.sem_alloc : memref<!tpu.dma_semaphore, #tpu.memory_space<semaphore_mem>>
      %dma_start3A_163 = arith.constant 0 : i32
      %dma_start3A_164 = tpu.memref_slice %arg5[%add3A_141, %dma_start3A_163] : memref<20480x128xf32, #tpu.memory_space<hbm>> -> memref<128x128xf32, #tpu.memory_space<hbm>>
      %dma_start3A_165 = arith.constant 0 : i32
      %dma_start3A_166 = tpu.memref_slice %arg5[%add3A_141, %dma_start3A_165] : memref<20480x128xf32, #tpu.memory_space<hbm>> -> memref<128x128xf32, #tpu.memory_space<hbm>>
      tpu.enqueue_dma source(%arg9 : memref<128x128xf32, #tpu.memory_space<vmem>>) target(%dma_start3A_166 : memref<128x128xf32, #tpu.memory_space<hbm>>) target_semaphore(%run_scoped3A : memref<!tpu.dma_semaphore, #tpu.memory_space<semaphore_mem>>)
      %dma_wait3A_167 = arith.constant 0 : i32
      %dma_wait3A_168 = tpu.memref_slice %arg5[%add3A_141, %dma_wait3A_167] : memref<20480x128xf32, #tpu.memory_space<hbm>> -> memref<128x128xf32, #tpu.memory_space<hbm>>
      %dma_wait3A_169 = arith.constant 0 : i32
      %dma_wait3A_170 = tpu.memref_slice %arg5[%add3A_141, %dma_wait3A_169] : memref<20480x128xf32, #tpu.memory_space<hbm>> -> memref<128x128xf32, #tpu.memory_space<hbm>>
      tpu.wait_dma2 semaphore(%run_scoped3A : memref<!tpu.dma_semaphore, #tpu.memory_space<semaphore_mem>>) src(%arg9 : memref<128x128xf32, #tpu.memory_space<vmem>>) dst(%dma_wait3A_170 : memref<128x128xf32, #tpu.memory_space<hbm>>)
      tpu.yield
    }) : () -> ()
    %dma_start3A_142 = arith.constant 4 : i32
    %dma_start3A_143 = arith.constant 0 : i32
    %dma_start3A_144 = tpu.memref_slice %arg8[%dma_start3A_142, %dma_start3A_143] : memref<5x128xi32, #tpu.memory_space<vmem>> -> memref<1x128xi32, #tpu.memory_space<vmem>>
    %dma_start3A_145 = tpu.memref_squeeze %dma_start3A_144 : memref<1x128xi32, #tpu.memory_space<vmem>> -> memref<128xi32, #tpu.memory_space<vmem>>
    %dma_start3A_146 = arith.constant 0 : i32
    %dma_start3A_147 = arith.constant 0 : i32
    %dma_start3A_148 = tpu.memref_slice %arg4[%dma_start3A_146, %dma_start3A_147] : memref<12000x128xf32, #tpu.memory_space<hbm>> -> memref<12000x128xf32, #tpu.memory_space<hbm>>
    tpu.enqueue_indirect_dma source(%dma_start3A_148 : memref<12000x128xf32, #tpu.memory_space<hbm>>) target(%arg9 : memref<128x128xf32, #tpu.memory_space<vmem>>) offsets(%dma_start3A_145 : memref<128xi32, #tpu.memory_space<vmem>>) semaphore(%arg10 : memref<!tpu.dma_semaphore, #tpu.memory_space<semaphore_mem>>)
    %dma_wait3A_149 = arith.constant 4 : i32
    %dma_wait3A_150 = arith.constant 0 : i32
    %dma_wait3A_151 = tpu.memref_slice %arg8[%dma_wait3A_149, %dma_wait3A_150] : memref<5x128xi32, #tpu.memory_space<vmem>> -> memref<1x128xi32, #tpu.memory_space<vmem>>
    %dma_wait3A_152 = tpu.memref_squeeze %dma_wait3A_151 : memref<1x128xi32, #tpu.memory_space<vmem>> -> memref<128xi32, #tpu.memory_space<vmem>>
    %dma_wait3A_153 = arith.constant 0 : i32
    %dma_wait3A_154 = arith.constant 0 : i32
    %dma_wait3A_155 = tpu.memref_slice %arg4[%dma_wait3A_153, %dma_wait3A_154] : memref<12000x128xf32, #tpu.memory_space<hbm>> -> memref<12000x128xf32, #tpu.memory_space<hbm>>
    tpu.wait_indirect_dma semaphore(%arg10 : memref<!tpu.dma_semaphore, #tpu.memory_space<semaphore_mem>>) src(%dma_wait3A_155 : memref<12000x128xf32, #tpu.memory_space<hbm>>) dst(%arg9 : memref<128x128xf32, #tpu.memory_space<vmem>>)
    %mul3A_156 = arith.constant 10240 : i32
    %mul3A_157 = arith.muli %arg0, %mul3A_156 : i32
    %mul3A_158 = arith.constant 640 : i32
    %mul3A_159 = arith.muli %arg1, %mul3A_158 : i32
    %add3A_160 = arith.addi %mul3A_157, %mul3A_159 : i32
    %add3A_161 = arith.constant 512 : i32
    %add3A_162 = arith.addi %add3A_160, %add3A_161 : i32
    "tpu.region"() ({
      %run_scoped3A = tpu.sem_alloc : memref<!tpu.dma_semaphore, #tpu.memory_space<semaphore_mem>>
      %dma_start3A_163 = arith.constant 0 : i32
      %dma_start3A_164 = tpu.memref_slice %arg5[%add3A_162, %dma_start3A_163] : memref<20480x128xf32, #tpu.memory_space<hbm>> -> memref<128x128xf32, #tpu.memory_space<hbm>>
      %dma_start3A_165 = arith.constant 0 : i32
      %dma_start3A_166 = tpu.memref_slice %arg5[%add3A_162, %dma_start3A_165] : memref<20480x128xf32, #tpu.memory_space<hbm>> -> memref<128x128xf32, #tpu.memory_space<hbm>>
      tpu.enqueue_dma source(%arg9 : memref<128x128xf32, #tpu.memory_space<vmem>>) target(%dma_start3A_166 : memref<128x128xf32, #tpu.memory_space<hbm>>) target_semaphore(%run_scoped3A : memref<!tpu.dma_semaphore, #tpu.memory_space<semaphore_mem>>)
      %dma_wait3A_167 = arith.constant 0 : i32
      %dma_wait3A_168 = tpu.memref_slice %arg5[%add3A_162, %dma_wait3A_167] : memref<20480x128xf32, #tpu.memory_space<hbm>> -> memref<128x128xf32, #tpu.memory_space<hbm>>
      %dma_wait3A_169 = arith.constant 0 : i32
      %dma_wait3A_170 = tpu.memref_slice %arg5[%add3A_162, %dma_wait3A_169] : memref<20480x128xf32, #tpu.memory_space<hbm>> -> memref<128x128xf32, #tpu.memory_space<hbm>>
      tpu.wait_dma2 semaphore(%run_scoped3A : memref<!tpu.dma_semaphore, #tpu.memory_space<semaphore_mem>>) src(%arg9 : memref<128x128xf32, #tpu.memory_space<vmem>>) dst(%dma_wait3A_170 : memref<128x128xf32, #tpu.memory_space<hbm>>)
      tpu.yield
    }) : () -> ()
    return
  }
}

#map = affine_map<(d0, d1) -> (0, 0)>
#map1 = affine_map<(d0, d1) -> (0, 0, 0, 0, 0)>
#map2 = affine_map<(d0, d1) -> (0, 0, 0, 0)>
module attributes {stable_mosaic.version = 14 : i64} {
  func.func @body(%arg0: i32, %arg1: i32, %arg2: memref<20480x128xf32, #tpu.memory_space<hbm>>, %arg3: memref<2x16x2x40x128xi32, #tpu.memory_space<hbm>>, %arg4: memref<16x2x40x128xi32, #tpu.memory_space<hbm>>, %arg5: memref<20480x128xf32, #tpu.memory_space<hbm>>, %arg6: memref<40x128xi32, #tpu.memory_space<vmem>>, %arg7: memref<40x128xi32, #tpu.memory_space<vmem>>, %arg8: memref<128x128xf32, #tpu.memory_space<vmem>>, %arg9: memref<128x128xf32, #tpu.memory_space<vmem>>, %arg10: memref<!tpu.dma_semaphore, #tpu.memory_space<semaphore_mem>>, %arg11: memref<!tpu.dma_semaphore, #tpu.memory_space<semaphore_mem>>, %arg12: memref<!tpu.dma_semaphore, #tpu.memory_space<semaphore_mem>>, %arg13: memref<!tpu.dma_semaphore, #tpu.memory_space<semaphore_mem>>, %arg14: memref<10240x128xf32, #tpu.memory_space<vmem_shared>>) attributes {dimension_semantics = [#tpu.dimension_semantics<core_parallel>, #tpu.dimension_semantics<subcore_parallel>], iteration_bounds = array<i64: 2, 16>, scalar_prefetch = 0 : i64, scratch_operands = 9 : i64, tpu.core_type = #tpu.core_type<sc_vector_subcore>, window_params = [{transform_indices = #map}, {transform_indices = #map1}, {transform_indices = #map2}, {transform_indices = #map}]} {
    %broadcast_in_dim3A = arith.constant 0.000000e+00 : f32
    %broadcast_in_dim3A_0 = vector.broadcast %broadcast_in_dim3A : f32 to vector<16xf32>
    %scan3A = arith.constant 0 : i32
    %scan3A_1 = arith.constant 0 : i32
    %scan3A_2 = arith.constant 128 : i32
    %scan3A_3 = arith.addi %scan3A_1, %scan3A_2 : i32
    %scan3A_4 = arith.constant 1 : i32
    %scan3A_5 = scf.for %scan3A_125 = %scan3A_1 to %scan3A_3 step %scan3A_4 iter_args(%scan3A_126 = %scan3A) -> (i32)  : i32 {
      %swap3A = arith.index_cast %scan3A_125 : i32 to index
      %swap3A_127 = arith.constant 0 : index
      %swap3A_128 = tpu.vector_load %arg8[%swap3A, %swap3A_127] {strides = array<i32>} : memref<128x128xf32, #tpu.memory_space<vmem>>, vector<16xf32>,
      tpu.vector_store %arg8[%swap3A, %swap3A_127], %broadcast_in_dim3A_0 {strides = array<i32>} : memref<128x128xf32, #tpu.memory_space<vmem>>, vector<16xf32>,
      %swap3A_129 = arith.index_cast %scan3A_125 : i32 to index
      %swap3A_130 = arith.constant 16 : index
      %swap3A_131 = tpu.vector_load %arg8[%swap3A_129, %swap3A_130] {strides = array<i32>} : memref<128x128xf32, #tpu.memory_space<vmem>>, vector<16xf32>,
      tpu.vector_store %arg8[%swap3A_129, %swap3A_130], %broadcast_in_dim3A_0 {strides = array<i32>} : memref<128x128xf32, #tpu.memory_space<vmem>>, vector<16xf32>,
      %swap3A_132 = arith.index_cast %scan3A_125 : i32 to index
      %swap3A_133 = arith.constant 32 : index
      %swap3A_134 = tpu.vector_load %arg8[%swap3A_132, %swap3A_133] {strides = array<i32>} : memref<128x128xf32, #tpu.memory_space<vmem>>, vector<16xf32>,
      tpu.vector_store %arg8[%swap3A_132, %swap3A_133], %broadcast_in_dim3A_0 {strides = array<i32>} : memref<128x128xf32, #tpu.memory_space<vmem>>, vector<16xf32>,
      %swap3A_135 = arith.index_cast %scan3A_125 : i32 to index
      %swap3A_136 = arith.constant 48 : index
      %swap3A_137 = tpu.vector_load %arg8[%swap3A_135, %swap3A_136] {strides = array<i32>} : memref<128x128xf32, #tpu.memory_space<vmem>>, vector<16xf32>,
      tpu.vector_store %arg8[%swap3A_135, %swap3A_136], %broadcast_in_dim3A_0 {strides = array<i32>} : memref<128x128xf32, #tpu.memory_space<vmem>>, vector<16xf32>,
      %swap3A_138 = arith.index_cast %scan3A_125 : i32 to index
      %swap3A_139 = arith.constant 64 : index
      %swap3A_140 = tpu.vector_load %arg8[%swap3A_138, %swap3A_139] {strides = array<i32>} : memref<128x128xf32, #tpu.memory_space<vmem>>, vector<16xf32>,
      tpu.vector_store %arg8[%swap3A_138, %swap3A_139], %broadcast_in_dim3A_0 {strides = array<i32>} : memref<128x128xf32, #tpu.memory_space<vmem>>, vector<16xf32>,
      %swap3A_141 = arith.index_cast %scan3A_125 : i32 to index
      %swap3A_142 = arith.constant 80 : index
      %swap3A_143 = tpu.vector_load %arg8[%swap3A_141, %swap3A_142] {strides = array<i32>} : memref<128x128xf32, #tpu.memory_space<vmem>>, vector<16xf32>,
      tpu.vector_store %arg8[%swap3A_141, %swap3A_142], %broadcast_in_dim3A_0 {strides = array<i32>} : memref<128x128xf32, #tpu.memory_space<vmem>>, vector<16xf32>,
      %swap3A_144 = arith.index_cast %scan3A_125 : i32 to index
      %swap3A_145 = arith.constant 96 : index
      %swap3A_146 = tpu.vector_load %arg8[%swap3A_144, %swap3A_145] {strides = array<i32>} : memref<128x128xf32, #tpu.memory_space<vmem>>, vector<16xf32>,
      tpu.vector_store %arg8[%swap3A_144, %swap3A_145], %broadcast_in_dim3A_0 {strides = array<i32>} : memref<128x128xf32, #tpu.memory_space<vmem>>, vector<16xf32>,
      %swap3A_147 = arith.index_cast %scan3A_125 : i32 to index
      %swap3A_148 = arith.constant 112 : index
      %swap3A_149 = tpu.vector_load %arg8[%swap3A_147, %swap3A_148] {strides = array<i32>} : memref<128x128xf32, #tpu.memory_space<vmem>>, vector<16xf32>,
      tpu.vector_store %arg8[%swap3A_147, %swap3A_148], %broadcast_in_dim3A_0 {strides = array<i32>} : memref<128x128xf32, #tpu.memory_space<vmem>>, vector<16xf32>,
      %scan3A_150 = arith.constant 0 : i32
      scf.yield %scan3A_150 : i32
    }
    %scan3A_6 = arith.constant 128 : i32
    %mul3A = arith.constant 640 : i32
    %mul3A_7 = arith.muli %arg1, %mul3A : i32
    %add3A = arith.constant 0 : i32
    %add3A_8 = arith.addi %mul3A_7, %add3A : i32
    "tpu.region"() ({
      %run_scoped3A_125 = tpu.sem_alloc : memref<!tpu.dma_semaphore, #tpu.memory_space<semaphore_mem>>
      %dma_start3A = arith.constant 0 : i32
      %dma_start3A_126 = tpu.memref_slice %arg14[%add3A_8, %dma_start3A] : memref<10240x128xf32, #tpu.memory_space<vmem_shared>> -> memref<128x128xf32, #tpu.memory_space<vmem_shared>>
      %dma_start3A_127 = arith.constant 0 : i32
      %dma_start3A_128 = tpu.memref_slice %arg14[%add3A_8, %dma_start3A_127] : memref<10240x128xf32, #tpu.memory_space<vmem_shared>> -> memref<128x128xf32, #tpu.memory_space<vmem_shared>>
      tpu.enqueue_dma source(%arg8 : memref<128x128xf32, #tpu.memory_space<vmem>>) target(%dma_start3A_128 : memref<128x128xf32, #tpu.memory_space<vmem_shared>>) target_semaphore(%run_scoped3A_125 : memref<!tpu.dma_semaphore, #tpu.memory_space<semaphore_mem>>)
      %dma_wait3A_129 = arith.constant 0 : i32
      %dma_wait3A_130 = tpu.memref_slice %arg14[%add3A_8, %dma_wait3A_129] : memref<10240x128xf32, #tpu.memory_space<vmem_shared>> -> memref<128x128xf32, #tpu.memory_space<vmem_shared>>
      %dma_wait3A_131 = arith.constant 0 : i32
      %dma_wait3A_132 = tpu.memref_slice %arg14[%add3A_8, %dma_wait3A_131] : memref<10240x128xf32, #tpu.memory_space<vmem_shared>> -> memref<128x128xf32, #tpu.memory_space<vmem_shared>>
      tpu.wait_dma2 semaphore(%run_scoped3A_125 : memref<!tpu.dma_semaphore, #tpu.memory_space<semaphore_mem>>) src(%arg8 : memref<128x128xf32, #tpu.memory_space<vmem>>) dst(%dma_wait3A_132 : memref<128x128xf32, #tpu.memory_space<vmem_shared>>)
      tpu.yield
    }) : () -> ()
    %mul3A_9 = arith.constant 640 : i32
    %mul3A_10 = arith.muli %arg1, %mul3A_9 : i32
    %add3A_11 = arith.constant 128 : i32
    %add3A_12 = arith.addi %mul3A_10, %add3A_11 : i32
    "tpu.region"() ({
      %run_scoped3A_125 = tpu.sem_alloc : memref<!tpu.dma_semaphore, #tpu.memory_space<semaphore_mem>>
      %dma_start3A = arith.constant 0 : i32
      %dma_start3A_126 = tpu.memref_slice %arg14[%add3A_12, %dma_start3A] : memref<10240x128xf32, #tpu.memory_space<vmem_shared>> -> memref<128x128xf32, #tpu.memory_space<vmem_shared>>
      %dma_start3A_127 = arith.constant 0 : i32
      %dma_start3A_128 = tpu.memref_slice %arg14[%add3A_12, %dma_start3A_127] : memref<10240x128xf32, #tpu.memory_space<vmem_shared>> -> memref<128x128xf32, #tpu.memory_space<vmem_shared>>
      tpu.enqueue_dma source(%arg8 : memref<128x128xf32, #tpu.memory_space<vmem>>) target(%dma_start3A_128 : memref<128x128xf32, #tpu.memory_space<vmem_shared>>) target_semaphore(%run_scoped3A_125 : memref<!tpu.dma_semaphore, #tpu.memory_space<semaphore_mem>>)
      %dma_wait3A_129 = arith.constant 0 : i32
      %dma_wait3A_130 = tpu.memref_slice %arg14[%add3A_12, %dma_wait3A_129] : memref<10240x128xf32, #tpu.memory_space<vmem_shared>> -> memref<128x128xf32, #tpu.memory_space<vmem_shared>>
      %dma_wait3A_131 = arith.constant 0 : i32
      %dma_wait3A_132 = tpu.memref_slice %arg14[%add3A_12, %dma_wait3A_131] : memref<10240x128xf32, #tpu.memory_space<vmem_shared>> -> memref<128x128xf32, #tpu.memory_space<vmem_shared>>
      tpu.wait_dma2 semaphore(%run_scoped3A_125 : memref<!tpu.dma_semaphore, #tpu.memory_space<semaphore_mem>>) src(%arg8 : memref<128x128xf32, #tpu.memory_space<vmem>>) dst(%dma_wait3A_132 : memref<128x128xf32, #tpu.memory_space<vmem_shared>>)
      tpu.yield
    }) : () -> ()
    %mul3A_13 = arith.constant 640 : i32
    %mul3A_14 = arith.muli %arg1, %mul3A_13 : i32
    %add3A_15 = arith.constant 256 : i32
    %add3A_16 = arith.addi %mul3A_14, %add3A_15 : i32
    "tpu.region"() ({
      %run_scoped3A_125 = tpu.sem_alloc : memref<!tpu.dma_semaphore, #tpu.memory_space<semaphore_mem>>
      %dma_start3A = arith.constant 0 : i32
      %dma_start3A_126 = tpu.memref_slice %arg14[%add3A_16, %dma_start3A] : memref<10240x128xf32, #tpu.memory_space<vmem_shared>> -> memref<128x128xf32, #tpu.memory_space<vmem_shared>>
      %dma_start3A_127 = arith.constant 0 : i32
      %dma_start3A_128 = tpu.memref_slice %arg14[%add3A_16, %dma_start3A_127] : memref<10240x128xf32, #tpu.memory_space<vmem_shared>> -> memref<128x128xf32, #tpu.memory_space<vmem_shared>>
      tpu.enqueue_dma source(%arg8 : memref<128x128xf32, #tpu.memory_space<vmem>>) target(%dma_start3A_128 : memref<128x128xf32, #tpu.memory_space<vmem_shared>>) target_semaphore(%run_scoped3A_125 : memref<!tpu.dma_semaphore, #tpu.memory_space<semaphore_mem>>)
      %dma_wait3A_129 = arith.constant 0 : i32
      %dma_wait3A_130 = tpu.memref_slice %arg14[%add3A_16, %dma_wait3A_129] : memref<10240x128xf32, #tpu.memory_space<vmem_shared>> -> memref<128x128xf32, #tpu.memory_space<vmem_shared>>
      %dma_wait3A_131 = arith.constant 0 : i32
      %dma_wait3A_132 = tpu.memref_slice %arg14[%add3A_16, %dma_wait3A_131] : memref<10240x128xf32, #tpu.memory_space<vmem_shared>> -> memref<128x128xf32, #tpu.memory_space<vmem_shared>>
      tpu.wait_dma2 semaphore(%run_scoped3A_125 : memref<!tpu.dma_semaphore, #tpu.memory_space<semaphore_mem>>) src(%arg8 : memref<128x128xf32, #tpu.memory_space<vmem>>) dst(%dma_wait3A_132 : memref<128x128xf32, #tpu.memory_space<vmem_shared>>)
      tpu.yield
    }) : () -> ()
    %mul3A_17 = arith.constant 640 : i32
    %mul3A_18 = arith.muli %arg1, %mul3A_17 : i32
    %add3A_19 = arith.constant 384 : i32
    %add3A_20 = arith.addi %mul3A_18, %add3A_19 : i32
    "tpu.region"() ({
      %run_scoped3A_125 = tpu.sem_alloc : memref<!tpu.dma_semaphore, #tpu.memory_space<semaphore_mem>>
      %dma_start3A = arith.constant 0 : i32
      %dma_start3A_126 = tpu.memref_slice %arg14[%add3A_20, %dma_start3A] : memref<10240x128xf32, #tpu.memory_space<vmem_shared>> -> memref<128x128xf32, #tpu.memory_space<vmem_shared>>
      %dma_start3A_127 = arith.constant 0 : i32
      %dma_start3A_128 = tpu.memref_slice %arg14[%add3A_20, %dma_start3A_127] : memref<10240x128xf32, #tpu.memory_space<vmem_shared>> -> memref<128x128xf32, #tpu.memory_space<vmem_shared>>
      tpu.enqueue_dma source(%arg8 : memref<128x128xf32, #tpu.memory_space<vmem>>) target(%dma_start3A_128 : memref<128x128xf32, #tpu.memory_space<vmem_shared>>) target_semaphore(%run_scoped3A_125 : memref<!tpu.dma_semaphore, #tpu.memory_space<semaphore_mem>>)
      %dma_wait3A_129 = arith.constant 0 : i32
      %dma_wait3A_130 = tpu.memref_slice %arg14[%add3A_20, %dma_wait3A_129] : memref<10240x128xf32, #tpu.memory_space<vmem_shared>> -> memref<128x128xf32, #tpu.memory_space<vmem_shared>>
      %dma_wait3A_131 = arith.constant 0 : i32
      %dma_wait3A_132 = tpu.memref_slice %arg14[%add3A_20, %dma_wait3A_131] : memref<10240x128xf32, #tpu.memory_space<vmem_shared>> -> memref<128x128xf32, #tpu.memory_space<vmem_shared>>
      tpu.wait_dma2 semaphore(%run_scoped3A_125 : memref<!tpu.dma_semaphore, #tpu.memory_space<semaphore_mem>>) src(%arg8 : memref<128x128xf32, #tpu.memory_space<vmem>>) dst(%dma_wait3A_132 : memref<128x128xf32, #tpu.memory_space<vmem_shared>>)
      tpu.yield
    }) : () -> ()
    %mul3A_21 = arith.constant 640 : i32
    %mul3A_22 = arith.muli %arg1, %mul3A_21 : i32
    %add3A_23 = arith.constant 512 : i32
    %add3A_24 = arith.addi %mul3A_22, %add3A_23 : i32
    "tpu.region"() ({
      %run_scoped3A_125 = tpu.sem_alloc : memref<!tpu.dma_semaphore, #tpu.memory_space<semaphore_mem>>
      %dma_start3A = arith.constant 0 : i32
      %dma_start3A_126 = tpu.memref_slice %arg14[%add3A_24, %dma_start3A] : memref<10240x128xf32, #tpu.memory_space<vmem_shared>> -> memref<128x128xf32, #tpu.memory_space<vmem_shared>>
      %dma_start3A_127 = arith.constant 0 : i32
      %dma_start3A_128 = tpu.memref_slice %arg14[%add3A_24, %dma_start3A_127] : memref<10240x128xf32, #tpu.memory_space<vmem_shared>> -> memref<128x128xf32, #tpu.memory_space<vmem_shared>>
      tpu.enqueue_dma source(%arg8 : memref<128x128xf32, #tpu.memory_space<vmem>>) target(%dma_start3A_128 : memref<128x128xf32, #tpu.memory_space<vmem_shared>>) target_semaphore(%run_scoped3A_125 : memref<!tpu.dma_semaphore, #tpu.memory_space<semaphore_mem>>)
      %dma_wait3A_129 = arith.constant 0 : i32
      %dma_wait3A_130 = tpu.memref_slice %arg14[%add3A_24, %dma_wait3A_129] : memref<10240x128xf32, #tpu.memory_space<vmem_shared>> -> memref<128x128xf32, #tpu.memory_space<vmem_shared>>
      %dma_wait3A_131 = arith.constant 0 : i32
      %dma_wait3A_132 = tpu.memref_slice %arg14[%add3A_24, %dma_wait3A_131] : memref<10240x128xf32, #tpu.memory_space<vmem_shared>> -> memref<128x128xf32, #tpu.memory_space<vmem_shared>>
      tpu.wait_dma2 semaphore(%run_scoped3A_125 : memref<!tpu.dma_semaphore, #tpu.memory_space<semaphore_mem>>) src(%arg8 : memref<128x128xf32, #tpu.memory_space<vmem>>) dst(%dma_wait3A_132 : memref<128x128xf32, #tpu.memory_space<vmem_shared>>)
      tpu.yield
    }) : () -> ()
    %barrier3A = arith.constant 0 : index
    tpu.barrier barrier_id(%barrier3A)
    %run_scoped3A = arith.constant 0 : i32
    "tpu.region"() ({
      %run_scoped3A_125 = tpu.sem_alloc : memref<!tpu.dma_semaphore, #tpu.memory_space<semaphore_mem>>
      %dma_start3A = arith.constant 0 : i32
      %dma_start3A_126 = arith.constant 0 : i32
      %dma_start3A_127 = tpu.memref_slice %arg3[%arg0, %arg1, %run_scoped3A, %dma_start3A, %dma_start3A_126] : memref<2x16x2x40x128xi32, #tpu.memory_space<hbm>> -> memref<1x1x1x40x128xi32, #tpu.memory_space<hbm>>
      %dma_start3A_128 = tpu.memref_squeeze %dma_start3A_127 : memref<1x1x1x40x128xi32, #tpu.memory_space<hbm>> -> memref<40x128xi32, #tpu.memory_space<hbm>>
      %dma_start3A_129 = arith.constant 0 : i32
      %dma_start3A_130 = arith.constant 0 : i32
      %dma_start3A_131 = tpu.memref_slice %arg3[%arg0, %arg1, %run_scoped3A, %dma_start3A_129, %dma_start3A_130] : memref<2x16x2x40x128xi32, #tpu.memory_space<hbm>> -> memref<1x1x1x40x128xi32, #tpu.memory_space<hbm>>
      %dma_start3A_132 = tpu.memref_squeeze %dma_start3A_131 : memref<1x1x1x40x128xi32, #tpu.memory_space<hbm>> -> memref<40x128xi32, #tpu.memory_space<hbm>>
      tpu.enqueue_dma source(%dma_start3A_132 : memref<40x128xi32, #tpu.memory_space<hbm>>) target(%arg6 : memref<40x128xi32, #tpu.memory_space<vmem>>) target_semaphore(%run_scoped3A_125 : memref<!tpu.dma_semaphore, #tpu.memory_space<semaphore_mem>>)
      %dma_wait3A_133 = arith.constant 0 : i32
      %dma_wait3A_134 = arith.constant 0 : i32
      %dma_wait3A_135 = tpu.memref_slice %arg3[%arg0, %arg1, %run_scoped3A, %dma_wait3A_133, %dma_wait3A_134] : memref<2x16x2x40x128xi32, #tpu.memory_space<hbm>> -> memref<1x1x1x40x128xi32, #tpu.memory_space<hbm>>
      %dma_wait3A_136 = tpu.memref_squeeze %dma_wait3A_135 : memref<1x1x1x40x128xi32, #tpu.memory_space<hbm>> -> memref<40x128xi32, #tpu.memory_space<hbm>>
      %dma_wait3A_137 = arith.constant 0 : i32
      %dma_wait3A_138 = arith.constant 0 : i32
      %dma_wait3A_139 = tpu.memref_slice %arg3[%arg0, %arg1, %run_scoped3A, %dma_wait3A_137, %dma_wait3A_138] : memref<2x16x2x40x128xi32, #tpu.memory_space<hbm>> -> memref<1x1x1x40x128xi32, #tpu.memory_space<hbm>>
      %dma_wait3A_140 = tpu.memref_squeeze %dma_wait3A_139 : memref<1x1x1x40x128xi32, #tpu.memory_space<hbm>> -> memref<40x128xi32, #tpu.memory_space<hbm>>
      tpu.wait_dma2 semaphore(%run_scoped3A_125 : memref<!tpu.dma_semaphore, #tpu.memory_space<semaphore_mem>>) src(%dma_wait3A_140 : memref<40x128xi32, #tpu.memory_space<hbm>>) dst(%arg6 : memref<40x128xi32, #tpu.memory_space<vmem>>)
      tpu.yield
    }) : () -> ()
    %run_scoped3A_25 = arith.constant 0 : i32
    "tpu.region"() ({
      %run_scoped3A_125 = tpu.sem_alloc : memref<!tpu.dma_semaphore, #tpu.memory_space<semaphore_mem>>
      %dma_start3A = arith.constant 0 : i32
      %dma_start3A_126 = arith.constant 0 : i32
      %dma_start3A_127 = tpu.memref_slice %arg4[%arg1, %run_scoped3A_25, %dma_start3A, %dma_start3A_126] : memref<16x2x40x128xi32, #tpu.memory_space<hbm>> -> memref<1x1x40x128xi32, #tpu.memory_space<hbm>>
      %dma_start3A_128 = tpu.memref_squeeze %dma_start3A_127 : memref<1x1x40x128xi32, #tpu.memory_space<hbm>> -> memref<40x128xi32, #tpu.memory_space<hbm>>
      %dma_start3A_129 = arith.constant 0 : i32
      %dma_start3A_130 = arith.constant 0 : i32
      %dma_start3A_131 = tpu.memref_slice %arg4[%arg1, %run_scoped3A_25, %dma_start3A_129, %dma_start3A_130] : memref<16x2x40x128xi32, #tpu.memory_space<hbm>> -> memref<1x1x40x128xi32, #tpu.memory_space<hbm>>
      %dma_start3A_132 = tpu.memref_squeeze %dma_start3A_131 : memref<1x1x40x128xi32, #tpu.memory_space<hbm>> -> memref<40x128xi32, #tpu.memory_space<hbm>>
      tpu.enqueue_dma source(%dma_start3A_132 : memref<40x128xi32, #tpu.memory_space<hbm>>) target(%arg7 : memref<40x128xi32, #tpu.memory_space<vmem>>) target_semaphore(%run_scoped3A_125 : memref<!tpu.dma_semaphore, #tpu.memory_space<semaphore_mem>>)
      %dma_wait3A_133 = arith.constant 0 : i32
      %dma_wait3A_134 = arith.constant 0 : i32
      %dma_wait3A_135 = tpu.memref_slice %arg4[%arg1, %run_scoped3A_25, %dma_wait3A_133, %dma_wait3A_134] : memref<16x2x40x128xi32, #tpu.memory_space<hbm>> -> memref<1x1x40x128xi32, #tpu.memory_space<hbm>>
      %dma_wait3A_136 = tpu.memref_squeeze %dma_wait3A_135 : memref<1x1x40x128xi32, #tpu.memory_space<hbm>> -> memref<40x128xi32, #tpu.memory_space<hbm>>
      %dma_wait3A_137 = arith.constant 0 : i32
      %dma_wait3A_138 = arith.constant 0 : i32
      %dma_wait3A_139 = tpu.memref_slice %arg4[%arg1, %run_scoped3A_25, %dma_wait3A_137, %dma_wait3A_138] : memref<16x2x40x128xi32, #tpu.memory_space<hbm>> -> memref<1x1x40x128xi32, #tpu.memory_space<hbm>>
      %dma_wait3A_140 = tpu.memref_squeeze %dma_wait3A_139 : memref<1x1x40x128xi32, #tpu.memory_space<hbm>> -> memref<40x128xi32, #tpu.memory_space<hbm>>
      tpu.wait_dma2 semaphore(%run_scoped3A_125 : memref<!tpu.dma_semaphore, #tpu.memory_space<semaphore_mem>>) src(%dma_wait3A_140 : memref<40x128xi32, #tpu.memory_space<hbm>>) dst(%arg7 : memref<40x128xi32, #tpu.memory_space<vmem>>)
      tpu.yield
    }) : () -> ()
    %scan3A_26 = arith.constant 0 : i32
    %scan3A_27 = arith.constant 0 : i32
    %scan3A_28 = arith.constant 20 : i32
    %scan3A_29 = arith.addi %scan3A_27, %scan3A_28 : i32
    %scan3A_30 = arith.constant 1 : i32
    %scan3A_31 = scf.for %scan3A_125 = %scan3A_27 to %scan3A_29 step %scan3A_30 iter_args(%scan3A_126 = %scan3A_26) -> (i32)  : i32 {
      %mul3A_127 = arith.constant 2 : i32
      %mul3A_128 = arith.muli %mul3A_127, %scan3A_125 : i32
      %add3A_129 = arith.constant 0 : i32
      %add3A_130 = arith.addi %mul3A_128, %add3A_129 : i32
      %ge3A = arith.constant 2 : i32
      %ge3A_131 = arith.cmpi sge, %add3A_130, %ge3A : i32
      %convert_element_type3A = arith.extui %ge3A_131 : i1 to i32
      %cond3A = arith.constant 0 : i32
      %cond3A_132 = arith.cmpi ne, %convert_element_type3A, %cond3A : i32
      scf.if %cond3A_132 {
        %dma_wait3A_180 = arith.constant 0 : i32
        %dma_wait3A_181 = arith.constant 0 : i32
        %dma_wait3A_182 = tpu.memref_slice %arg7[%dma_wait3A_180, %dma_wait3A_181] : memref<40x128xi32, #tpu.memory_space<vmem>> -> memref<1x128xi32, #tpu.memory_space<vmem>>
        %dma_wait3A_183 = tpu.memref_squeeze %dma_wait3A_182 : memref<1x128xi32, #tpu.memory_space<vmem>> -> memref<128xi32, #tpu.memory_space<vmem>>
        %dma_wait3A_184 = arith.constant 0 : i32
        %dma_wait3A_185 = arith.constant 0 : i32
        %dma_wait3A_186 = tpu.memref_slice %arg14[%dma_wait3A_184, %dma_wait3A_185] : memref<10240x128xf32, #tpu.memory_space<vmem_shared>> -> memref<10240x128xf32, #tpu.memory_space<vmem_shared>>
        tpu.wait_indirect_dma semaphore(%arg12 : memref<!tpu.dma_semaphore, #tpu.memory_space<semaphore_mem>>) src(%arg8 : memref<128x128xf32, #tpu.memory_space<vmem>>) dst(%dma_wait3A_186 : memref<10240x128xf32, #tpu.memory_space<vmem_shared>>)
      } else {
      }
      %dma_start3A = arith.constant 0 : i32
      %dma_start3A_133 = tpu.memref_slice %arg6[%add3A_130, %dma_start3A] : memref<40x128xi32, #tpu.memory_space<vmem>> -> memref<1x128xi32, #tpu.memory_space<vmem>>
      %dma_start3A_134 = tpu.memref_squeeze %dma_start3A_133 : memref<1x128xi32, #tpu.memory_space<vmem>> -> memref<128xi32, #tpu.memory_space<vmem>>
      %dma_start3A_135 = arith.constant 0 : i32
      %dma_start3A_136 = arith.constant 0 : i32
      %dma_start3A_137 = tpu.memref_slice %arg2[%dma_start3A_135, %dma_start3A_136] : memref<20480x128xf32, #tpu.memory_space<hbm>> -> memref<20480x128xf32, #tpu.memory_space<hbm>>
      tpu.enqueue_indirect_dma source(%dma_start3A_137 : memref<20480x128xf32, #tpu.memory_space<hbm>>) target(%arg8 : memref<128x128xf32, #tpu.memory_space<vmem>>) offsets(%dma_start3A_134 : memref<128xi32, #tpu.memory_space<vmem>>) semaphore(%arg10 : memref<!tpu.dma_semaphore, #tpu.memory_space<semaphore_mem>>)
      %dma_wait3A_138 = arith.constant 0 : i32
      %dma_wait3A_139 = arith.constant 0 : i32
      %dma_wait3A_140 = tpu.memref_slice %arg6[%dma_wait3A_138, %dma_wait3A_139] : memref<40x128xi32, #tpu.memory_space<vmem>> -> memref<1x128xi32, #tpu.memory_space<vmem>>
      %dma_wait3A_141 = tpu.memref_squeeze %dma_wait3A_140 : memref<1x128xi32, #tpu.memory_space<vmem>> -> memref<128xi32, #tpu.memory_space<vmem>>
      %dma_wait3A_142 = arith.constant 0 : i32
      %dma_wait3A_143 = arith.constant 0 : i32
      %dma_wait3A_144 = tpu.memref_slice %arg2[%dma_wait3A_142, %dma_wait3A_143] : memref<20480x128xf32, #tpu.memory_space<hbm>> -> memref<20480x128xf32, #tpu.memory_space<hbm>>
      tpu.wait_indirect_dma semaphore(%arg10 : memref<!tpu.dma_semaphore, #tpu.memory_space<semaphore_mem>>) src(%dma_wait3A_144 : memref<20480x128xf32, #tpu.memory_space<hbm>>) dst(%arg8 : memref<128x128xf32, #tpu.memory_space<vmem>>)
      %dma_start3A_145 = arith.constant 0 : i32
      %dma_start3A_146 = tpu.memref_slice %arg7[%add3A_130, %dma_start3A_145] : memref<40x128xi32, #tpu.memory_space<vmem>> -> memref<1x128xi32, #tpu.memory_space<vmem>>
      %dma_start3A_147 = tpu.memref_squeeze %dma_start3A_146 : memref<1x128xi32, #tpu.memory_space<vmem>> -> memref<128xi32, #tpu.memory_space<vmem>>
      %dma_start3A_148 = arith.constant 0 : i32
      %dma_start3A_149 = arith.constant 0 : i32
      %dma_start3A_150 = tpu.memref_slice %arg14[%dma_start3A_148, %dma_start3A_149] : memref<10240x128xf32, #tpu.memory_space<vmem_shared>> -> memref<10240x128xf32, #tpu.memory_space<vmem_shared>>
      tpu.enqueue_indirect_dma source(%arg8 : memref<128x128xf32, #tpu.memory_space<vmem>>) target(%dma_start3A_150 : memref<10240x128xf32, #tpu.memory_space<vmem_shared>>) offsets(%dma_start3A_147 : memref<128xi32, #tpu.memory_space<vmem>>) semaphore(%arg12 : memref<!tpu.dma_semaphore, #tpu.memory_space<semaphore_mem>>) {add = true}
      %mul3A_151 = arith.constant 2 : i32
      %mul3A_152 = arith.muli %mul3A_151, %scan3A_125 : i32
      %add3A_153 = arith.constant 1 : i32
      %add3A_154 = arith.addi %mul3A_152, %add3A_153 : i32
      %ge3A_155 = arith.constant 2 : i32
      %ge3A_156 = arith.cmpi sge, %add3A_154, %ge3A_155 : i32
      %convert_element_type3A_157 = arith.extui %ge3A_156 : i1 to i32
      %cond3A_158 = arith.constant 0 : i32
      %cond3A_159 = arith.cmpi ne, %convert_element_type3A_157, %cond3A_158 : i32
      scf.if %cond3A_159 {
        %dma_wait3A_180 = arith.constant 0 : i32
        %dma_wait3A_181 = arith.constant 0 : i32
        %dma_wait3A_182 = tpu.memref_slice %arg7[%dma_wait3A_180, %dma_wait3A_181] : memref<40x128xi32, #tpu.memory_space<vmem>> -> memref<1x128xi32, #tpu.memory_space<vmem>>
        %dma_wait3A_183 = tpu.memref_squeeze %dma_wait3A_182 : memref<1x128xi32, #tpu.memory_space<vmem>> -> memref<128xi32, #tpu.memory_space<vmem>>
        %dma_wait3A_184 = arith.constant 0 : i32
        %dma_wait3A_185 = arith.constant 0 : i32
        %dma_wait3A_186 = tpu.memref_slice %arg14[%dma_wait3A_184, %dma_wait3A_185] : memref<10240x128xf32, #tpu.memory_space<vmem_shared>> -> memref<10240x128xf32, #tpu.memory_space<vmem_shared>>
        tpu.wait_indirect_dma semaphore(%arg13 : memref<!tpu.dma_semaphore, #tpu.memory_space<semaphore_mem>>) src(%arg9 : memref<128x128xf32, #tpu.memory_space<vmem>>) dst(%dma_wait3A_186 : memref<10240x128xf32, #tpu.memory_space<vmem_shared>>)
      } else {
      }
      %dma_start3A_160 = arith.constant 0 : i32
      %dma_start3A_161 = tpu.memref_slice %arg6[%add3A_154, %dma_start3A_160] : memref<40x128xi32, #tpu.memory_space<vmem>> -> memref<1x128xi32, #tpu.memory_space<vmem>>
      %dma_start3A_162 = tpu.memref_squeeze %dma_start3A_161 : memref<1x128xi32, #tpu.memory_space<vmem>> -> memref<128xi32, #tpu.memory_space<vmem>>
      %dma_start3A_163 = arith.constant 0 : i32
      %dma_start3A_164 = arith.constant 0 : i32
      %dma_start3A_165 = tpu.memref_slice %arg2[%dma_start3A_163, %dma_start3A_164] : memref<20480x128xf32, #tpu.memory_space<hbm>> -> memref<20480x128xf32, #tpu.memory_space<hbm>>
      tpu.enqueue_indirect_dma source(%dma_start3A_165 : memref<20480x128xf32, #tpu.memory_space<hbm>>) target(%arg9 : memref<128x128xf32, #tpu.memory_space<vmem>>) offsets(%dma_start3A_162 : memref<128xi32, #tpu.memory_space<vmem>>) semaphore(%arg11 : memref<!tpu.dma_semaphore, #tpu.memory_space<semaphore_mem>>)
      %dma_wait3A_166 = arith.constant 0 : i32
      %dma_wait3A_167 = arith.constant 0 : i32
      %dma_wait3A_168 = tpu.memref_slice %arg6[%dma_wait3A_166, %dma_wait3A_167] : memref<40x128xi32, #tpu.memory_space<vmem>> -> memref<1x128xi32, #tpu.memory_space<vmem>>
      %dma_wait3A_169 = tpu.memref_squeeze %dma_wait3A_168 : memref<1x128xi32, #tpu.memory_space<vmem>> -> memref<128xi32, #tpu.memory_space<vmem>>
      %dma_wait3A_170 = arith.constant 0 : i32
      %dma_wait3A_171 = arith.constant 0 : i32
      %dma_wait3A_172 = tpu.memref_slice %arg2[%dma_wait3A_170, %dma_wait3A_171] : memref<20480x128xf32, #tpu.memory_space<hbm>> -> memref<20480x128xf32, #tpu.memory_space<hbm>>
      tpu.wait_indirect_dma semaphore(%arg11 : memref<!tpu.dma_semaphore, #tpu.memory_space<semaphore_mem>>) src(%dma_wait3A_172 : memref<20480x128xf32, #tpu.memory_space<hbm>>) dst(%arg9 : memref<128x128xf32, #tpu.memory_space<vmem>>)
      %dma_start3A_173 = arith.constant 0 : i32
      %dma_start3A_174 = tpu.memref_slice %arg7[%add3A_154, %dma_start3A_173] : memref<40x128xi32, #tpu.memory_space<vmem>> -> memref<1x128xi32, #tpu.memory_space<vmem>>
      %dma_start3A_175 = tpu.memref_squeeze %dma_start3A_174 : memref<1x128xi32, #tpu.memory_space<vmem>> -> memref<128xi32, #tpu.memory_space<vmem>>
      %dma_start3A_176 = arith.constant 0 : i32
      %dma_start3A_177 = arith.constant 0 : i32
      %dma_start3A_178 = tpu.memref_slice %arg14[%dma_start3A_176, %dma_start3A_177] : memref<10240x128xf32, #tpu.memory_space<vmem_shared>> -> memref<10240x128xf32, #tpu.memory_space<vmem_shared>>
      tpu.enqueue_indirect_dma source(%arg9 : memref<128x128xf32, #tpu.memory_space<vmem>>) target(%dma_start3A_178 : memref<10240x128xf32, #tpu.memory_space<vmem_shared>>) offsets(%dma_start3A_175 : memref<128xi32, #tpu.memory_space<vmem>>) semaphore(%arg13 : memref<!tpu.dma_semaphore, #tpu.memory_space<semaphore_mem>>) {add = true}
      %scan3A_179 = arith.constant 0 : i32
      scf.yield %scan3A_179 : i32
    }
    %scan3A_32 = arith.constant 20 : i32
    %dma_wait3A = arith.constant 0 : i32
    %dma_wait3A_33 = arith.constant 0 : i32
    %dma_wait3A_34 = tpu.memref_slice %arg7[%dma_wait3A, %dma_wait3A_33] : memref<40x128xi32, #tpu.memory_space<vmem>> -> memref<1x128xi32, #tpu.memory_space<vmem>>
    %dma_wait3A_35 = tpu.memref_squeeze %dma_wait3A_34 : memref<1x128xi32, #tpu.memory_space<vmem>> -> memref<128xi32, #tpu.memory_space<vmem>>
    %dma_wait3A_36 = arith.constant 0 : i32
    %dma_wait3A_37 = arith.constant 0 : i32
    %dma_wait3A_38 = tpu.memref_slice %arg14[%dma_wait3A_36, %dma_wait3A_37] : memref<10240x128xf32, #tpu.memory_space<vmem_shared>> -> memref<10240x128xf32, #tpu.memory_space<vmem_shared>>
    tpu.wait_indirect_dma semaphore(%arg12 : memref<!tpu.dma_semaphore, #tpu.memory_space<semaphore_mem>>) src(%arg8 : memref<128x128xf32, #tpu.memory_space<vmem>>) dst(%dma_wait3A_38 : memref<10240x128xf32, #tpu.memory_space<vmem_shared>>)
    %dma_wait3A_39 = arith.constant 0 : i32
    %dma_wait3A_40 = arith.constant 0 : i32
    %dma_wait3A_41 = tpu.memref_slice %arg7[%dma_wait3A_39, %dma_wait3A_40] : memref<40x128xi32, #tpu.memory_space<vmem>> -> memref<1x128xi32, #tpu.memory_space<vmem>>
    %dma_wait3A_42 = tpu.memref_squeeze %dma_wait3A_41 : memref<1x128xi32, #tpu.memory_space<vmem>> -> memref<128xi32, #tpu.memory_space<vmem>>
    %dma_wait3A_43 = arith.constant 0 : i32
    %dma_wait3A_44 = arith.constant 0 : i32
    %dma_wait3A_45 = tpu.memref_slice %arg14[%dma_wait3A_43, %dma_wait3A_44] : memref<10240x128xf32, #tpu.memory_space<vmem_shared>> -> memref<10240x128xf32, #tpu.memory_space<vmem_shared>>
    tpu.wait_indirect_dma semaphore(%arg13 : memref<!tpu.dma_semaphore, #tpu.memory_space<semaphore_mem>>) src(%arg9 : memref<128x128xf32, #tpu.memory_space<vmem>>) dst(%dma_wait3A_45 : memref<10240x128xf32, #tpu.memory_space<vmem_shared>>)
    %run_scoped3A_46 = arith.constant 1 : i32
    "tpu.region"() ({
      %run_scoped3A_125 = tpu.sem_alloc : memref<!tpu.dma_semaphore, #tpu.memory_space<semaphore_mem>>
      %dma_start3A = arith.constant 0 : i32
      %dma_start3A_126 = arith.constant 0 : i32
      %dma_start3A_127 = tpu.memref_slice %arg3[%arg0, %arg1, %run_scoped3A_46, %dma_start3A, %dma_start3A_126] : memref<2x16x2x40x128xi32, #tpu.memory_space<hbm>> -> memref<1x1x1x40x128xi32, #tpu.memory_space<hbm>>
      %dma_start3A_128 = tpu.memref_squeeze %dma_start3A_127 : memref<1x1x1x40x128xi32, #tpu.memory_space<hbm>> -> memref<40x128xi32, #tpu.memory_space<hbm>>
      %dma_start3A_129 = arith.constant 0 : i32
      %dma_start3A_130 = arith.constant 0 : i32
      %dma_start3A_131 = tpu.memref_slice %arg3[%arg0, %arg1, %run_scoped3A_46, %dma_start3A_129, %dma_start3A_130] : memref<2x16x2x40x128xi32, #tpu.memory_space<hbm>> -> memref<1x1x1x40x128xi32, #tpu.memory_space<hbm>>
      %dma_start3A_132 = tpu.memref_squeeze %dma_start3A_131 : memref<1x1x1x40x128xi32, #tpu.memory_space<hbm>> -> memref<40x128xi32, #tpu.memory_space<hbm>>
      tpu.enqueue_dma source(%dma_start3A_132 : memref<40x128xi32, #tpu.memory_space<hbm>>) target(%arg6 : memref<40x128xi32, #tpu.memory_space<vmem>>) target_semaphore(%run_scoped3A_125 : memref<!tpu.dma_semaphore, #tpu.memory_space<semaphore_mem>>)
      %dma_wait3A_133 = arith.constant 0 : i32
      %dma_wait3A_134 = arith.constant 0 : i32
      %dma_wait3A_135 = tpu.memref_slice %arg3[%arg0, %arg1, %run_scoped3A_46, %dma_wait3A_133, %dma_wait3A_134] : memref<2x16x2x40x128xi32, #tpu.memory_space<hbm>> -> memref<1x1x1x40x128xi32, #tpu.memory_space<hbm>>
      %dma_wait3A_136 = tpu.memref_squeeze %dma_wait3A_135 : memref<1x1x1x40x128xi32, #tpu.memory_space<hbm>> -> memref<40x128xi32, #tpu.memory_space<hbm>>
      %dma_wait3A_137 = arith.constant 0 : i32
      %dma_wait3A_138 = arith.constant 0 : i32
      %dma_wait3A_139 = tpu.memref_slice %arg3[%arg0, %arg1, %run_scoped3A_46, %dma_wait3A_137, %dma_wait3A_138] : memref<2x16x2x40x128xi32, #tpu.memory_space<hbm>> -> memref<1x1x1x40x128xi32, #tpu.memory_space<hbm>>
      %dma_wait3A_140 = tpu.memref_squeeze %dma_wait3A_139 : memref<1x1x1x40x128xi32, #tpu.memory_space<hbm>> -> memref<40x128xi32, #tpu.memory_space<hbm>>
      tpu.wait_dma2 semaphore(%run_scoped3A_125 : memref<!tpu.dma_semaphore, #tpu.memory_space<semaphore_mem>>) src(%dma_wait3A_140 : memref<40x128xi32, #tpu.memory_space<hbm>>) dst(%arg6 : memref<40x128xi32, #tpu.memory_space<vmem>>)
      tpu.yield
    }) : () -> ()
    %run_scoped3A_47 = arith.constant 1 : i32
    "tpu.region"() ({
      %run_scoped3A_125 = tpu.sem_alloc : memref<!tpu.dma_semaphore, #tpu.memory_space<semaphore_mem>>
      %dma_start3A = arith.constant 0 : i32
      %dma_start3A_126 = arith.constant 0 : i32
      %dma_start3A_127 = tpu.memref_slice %arg4[%arg1, %run_scoped3A_47, %dma_start3A, %dma_start3A_126] : memref<16x2x40x128xi32, #tpu.memory_space<hbm>> -> memref<1x1x40x128xi32, #tpu.memory_space<hbm>>
      %dma_start3A_128 = tpu.memref_squeeze %dma_start3A_127 : memref<1x1x40x128xi32, #tpu.memory_space<hbm>> -> memref<40x128xi32, #tpu.memory_space<hbm>>
      %dma_start3A_129 = arith.constant 0 : i32
      %dma_start3A_130 = arith.constant 0 : i32
      %dma_start3A_131 = tpu.memref_slice %arg4[%arg1, %run_scoped3A_47, %dma_start3A_129, %dma_start3A_130] : memref<16x2x40x128xi32, #tpu.memory_space<hbm>> -> memref<1x1x40x128xi32, #tpu.memory_space<hbm>>
      %dma_start3A_132 = tpu.memref_squeeze %dma_start3A_131 : memref<1x1x40x128xi32, #tpu.memory_space<hbm>> -> memref<40x128xi32, #tpu.memory_space<hbm>>
      tpu.enqueue_dma source(%dma_start3A_132 : memref<40x128xi32, #tpu.memory_space<hbm>>) target(%arg7 : memref<40x128xi32, #tpu.memory_space<vmem>>) target_semaphore(%run_scoped3A_125 : memref<!tpu.dma_semaphore, #tpu.memory_space<semaphore_mem>>)
      %dma_wait3A_133 = arith.constant 0 : i32
      %dma_wait3A_134 = arith.constant 0 : i32
      %dma_wait3A_135 = tpu.memref_slice %arg4[%arg1, %run_scoped3A_47, %dma_wait3A_133, %dma_wait3A_134] : memref<16x2x40x128xi32, #tpu.memory_space<hbm>> -> memref<1x1x40x128xi32, #tpu.memory_space<hbm>>
      %dma_wait3A_136 = tpu.memref_squeeze %dma_wait3A_135 : memref<1x1x40x128xi32, #tpu.memory_space<hbm>> -> memref<40x128xi32, #tpu.memory_space<hbm>>
      %dma_wait3A_137 = arith.constant 0 : i32
      %dma_wait3A_138 = arith.constant 0 : i32
      %dma_wait3A_139 = tpu.memref_slice %arg4[%arg1, %run_scoped3A_47, %dma_wait3A_137, %dma_wait3A_138] : memref<16x2x40x128xi32, #tpu.memory_space<hbm>> -> memref<1x1x40x128xi32, #tpu.memory_space<hbm>>
      %dma_wait3A_140 = tpu.memref_squeeze %dma_wait3A_139 : memref<1x1x40x128xi32, #tpu.memory_space<hbm>> -> memref<40x128xi32, #tpu.memory_space<hbm>>
      tpu.wait_dma2 semaphore(%run_scoped3A_125 : memref<!tpu.dma_semaphore, #tpu.memory_space<semaphore_mem>>) src(%dma_wait3A_140 : memref<40x128xi32, #tpu.memory_space<hbm>>) dst(%arg7 : memref<40x128xi32, #tpu.memory_space<vmem>>)
      tpu.yield
    }) : () -> ()
    %scan3A_48 = arith.constant 0 : i32
    %scan3A_49 = arith.constant 0 : i32
    %scan3A_50 = arith.constant 20 : i32
    %scan3A_51 = arith.addi %scan3A_49, %scan3A_50 : i32
    %scan3A_52 = arith.constant 1 : i32
    %scan3A_53 = scf.for %scan3A_125 = %scan3A_49 to %scan3A_51 step %scan3A_52 iter_args(%scan3A_126 = %scan3A_48) -> (i32)  : i32 {
      %mul3A_127 = arith.constant 2 : i32
      %mul3A_128 = arith.muli %mul3A_127, %scan3A_125 : i32
      %add3A_129 = arith.constant 0 : i32
      %add3A_130 = arith.addi %mul3A_128, %add3A_129 : i32
      %ge3A = arith.constant 2 : i32
      %ge3A_131 = arith.cmpi sge, %add3A_130, %ge3A : i32
      %convert_element_type3A = arith.extui %ge3A_131 : i1 to i32
      %cond3A = arith.constant 0 : i32
      %cond3A_132 = arith.cmpi ne, %convert_element_type3A, %cond3A : i32
      scf.if %cond3A_132 {
        %dma_wait3A_180 = arith.constant 0 : i32
        %dma_wait3A_181 = arith.constant 0 : i32
        %dma_wait3A_182 = tpu.memref_slice %arg7[%dma_wait3A_180, %dma_wait3A_181] : memref<40x128xi32, #tpu.memory_space<vmem>> -> memref<1x128xi32, #tpu.memory_space<vmem>>
        %dma_wait3A_183 = tpu.memref_squeeze %dma_wait3A_182 : memref<1x128xi32, #tpu.memory_space<vmem>> -> memref<128xi32, #tpu.memory_space<vmem>>
        %dma_wait3A_184 = arith.constant 0 : i32
        %dma_wait3A_185 = arith.constant 0 : i32
        %dma_wait3A_186 = tpu.memref_slice %arg14[%dma_wait3A_184, %dma_wait3A_185] : memref<10240x128xf32, #tpu.memory_space<vmem_shared>> -> memref<10240x128xf32, #tpu.memory_space<vmem_shared>>
        tpu.wait_indirect_dma semaphore(%arg12 : memref<!tpu.dma_semaphore, #tpu.memory_space<semaphore_mem>>) src(%arg8 : memref<128x128xf32, #tpu.memory_space<vmem>>) dst(%dma_wait3A_186 : memref<10240x128xf32, #tpu.memory_space<vmem_shared>>)
      } else {
      }
      %dma_start3A = arith.constant 0 : i32
      %dma_start3A_133 = tpu.memref_slice %arg6[%add3A_130, %dma_start3A] : memref<40x128xi32, #tpu.memory_space<vmem>> -> memref<1x128xi32, #tpu.memory_space<vmem>>
      %dma_start3A_134 = tpu.memref_squeeze %dma_start3A_133 : memref<1x128xi32, #tpu.memory_space<vmem>> -> memref<128xi32, #tpu.memory_space<vmem>>
      %dma_start3A_135 = arith.constant 0 : i32
      %dma_start3A_136 = arith.constant 0 : i32
      %dma_start3A_137 = tpu.memref_slice %arg2[%dma_start3A_135, %dma_start3A_136] : memref<20480x128xf32, #tpu.memory_space<hbm>> -> memref<20480x128xf32, #tpu.memory_space<hbm>>
      tpu.enqueue_indirect_dma source(%dma_start3A_137 : memref<20480x128xf32, #tpu.memory_space<hbm>>) target(%arg8 : memref<128x128xf32, #tpu.memory_space<vmem>>) offsets(%dma_start3A_134 : memref<128xi32, #tpu.memory_space<vmem>>) semaphore(%arg10 : memref<!tpu.dma_semaphore, #tpu.memory_space<semaphore_mem>>)
      %dma_wait3A_138 = arith.constant 0 : i32
      %dma_wait3A_139 = arith.constant 0 : i32
      %dma_wait3A_140 = tpu.memref_slice %arg6[%dma_wait3A_138, %dma_wait3A_139] : memref<40x128xi32, #tpu.memory_space<vmem>> -> memref<1x128xi32, #tpu.memory_space<vmem>>
      %dma_wait3A_141 = tpu.memref_squeeze %dma_wait3A_140 : memref<1x128xi32, #tpu.memory_space<vmem>> -> memref<128xi32, #tpu.memory_space<vmem>>
      %dma_wait3A_142 = arith.constant 0 : i32
      %dma_wait3A_143 = arith.constant 0 : i32
      %dma_wait3A_144 = tpu.memref_slice %arg2[%dma_wait3A_142, %dma_wait3A_143] : memref<20480x128xf32, #tpu.memory_space<hbm>> -> memref<20480x128xf32, #tpu.memory_space<hbm>>
      tpu.wait_indirect_dma semaphore(%arg10 : memref<!tpu.dma_semaphore, #tpu.memory_space<semaphore_mem>>) src(%dma_wait3A_144 : memref<20480x128xf32, #tpu.memory_space<hbm>>) dst(%arg8 : memref<128x128xf32, #tpu.memory_space<vmem>>)
      %dma_start3A_145 = arith.constant 0 : i32
      %dma_start3A_146 = tpu.memref_slice %arg7[%add3A_130, %dma_start3A_145] : memref<40x128xi32, #tpu.memory_space<vmem>> -> memref<1x128xi32, #tpu.memory_space<vmem>>
      %dma_start3A_147 = tpu.memref_squeeze %dma_start3A_146 : memref<1x128xi32, #tpu.memory_space<vmem>> -> memref<128xi32, #tpu.memory_space<vmem>>
      %dma_start3A_148 = arith.constant 0 : i32
      %dma_start3A_149 = arith.constant 0 : i32
      %dma_start3A_150 = tpu.memref_slice %arg14[%dma_start3A_148, %dma_start3A_149] : memref<10240x128xf32, #tpu.memory_space<vmem_shared>> -> memref<10240x128xf32, #tpu.memory_space<vmem_shared>>
      tpu.enqueue_indirect_dma source(%arg8 : memref<128x128xf32, #tpu.memory_space<vmem>>) target(%dma_start3A_150 : memref<10240x128xf32, #tpu.memory_space<vmem_shared>>) offsets(%dma_start3A_147 : memref<128xi32, #tpu.memory_space<vmem>>) semaphore(%arg12 : memref<!tpu.dma_semaphore, #tpu.memory_space<semaphore_mem>>) {add = true}
      %mul3A_151 = arith.constant 2 : i32
      %mul3A_152 = arith.muli %mul3A_151, %scan3A_125 : i32
      %add3A_153 = arith.constant 1 : i32
      %add3A_154 = arith.addi %mul3A_152, %add3A_153 : i32
      %ge3A_155 = arith.constant 2 : i32
      %ge3A_156 = arith.cmpi sge, %add3A_154, %ge3A_155 : i32
      %convert_element_type3A_157 = arith.extui %ge3A_156 : i1 to i32
      %cond3A_158 = arith.constant 0 : i32
      %cond3A_159 = arith.cmpi ne, %convert_element_type3A_157, %cond3A_158 : i32
      scf.if %cond3A_159 {
        %dma_wait3A_180 = arith.constant 0 : i32
        %dma_wait3A_181 = arith.constant 0 : i32
        %dma_wait3A_182 = tpu.memref_slice %arg7[%dma_wait3A_180, %dma_wait3A_181] : memref<40x128xi32, #tpu.memory_space<vmem>> -> memref<1x128xi32, #tpu.memory_space<vmem>>
        %dma_wait3A_183 = tpu.memref_squeeze %dma_wait3A_182 : memref<1x128xi32, #tpu.memory_space<vmem>> -> memref<128xi32, #tpu.memory_space<vmem>>
        %dma_wait3A_184 = arith.constant 0 : i32
        %dma_wait3A_185 = arith.constant 0 : i32
        %dma_wait3A_186 = tpu.memref_slice %arg14[%dma_wait3A_184, %dma_wait3A_185] : memref<10240x128xf32, #tpu.memory_space<vmem_shared>> -> memref<10240x128xf32, #tpu.memory_space<vmem_shared>>
        tpu.wait_indirect_dma semaphore(%arg13 : memref<!tpu.dma_semaphore, #tpu.memory_space<semaphore_mem>>) src(%arg9 : memref<128x128xf32, #tpu.memory_space<vmem>>) dst(%dma_wait3A_186 : memref<10240x128xf32, #tpu.memory_space<vmem_shared>>)
      } else {
      }
      %dma_start3A_160 = arith.constant 0 : i32
      %dma_start3A_161 = tpu.memref_slice %arg6[%add3A_154, %dma_start3A_160] : memref<40x128xi32, #tpu.memory_space<vmem>> -> memref<1x128xi32, #tpu.memory_space<vmem>>
      %dma_start3A_162 = tpu.memref_squeeze %dma_start3A_161 : memref<1x128xi32, #tpu.memory_space<vmem>> -> memref<128xi32, #tpu.memory_space<vmem>>
      %dma_start3A_163 = arith.constant 0 : i32
      %dma_start3A_164 = arith.constant 0 : i32
      %dma_start3A_165 = tpu.memref_slice %arg2[%dma_start3A_163, %dma_start3A_164] : memref<20480x128xf32, #tpu.memory_space<hbm>> -> memref<20480x128xf32, #tpu.memory_space<hbm>>
      tpu.enqueue_indirect_dma source(%dma_start3A_165 : memref<20480x128xf32, #tpu.memory_space<hbm>>) target(%arg9 : memref<128x128xf32, #tpu.memory_space<vmem>>) offsets(%dma_start3A_162 : memref<128xi32, #tpu.memory_space<vmem>>) semaphore(%arg11 : memref<!tpu.dma_semaphore, #tpu.memory_space<semaphore_mem>>)
      %dma_wait3A_166 = arith.constant 0 : i32
      %dma_wait3A_167 = arith.constant 0 : i32
      %dma_wait3A_168 = tpu.memref_slice %arg6[%dma_wait3A_166, %dma_wait3A_167] : memref<40x128xi32, #tpu.memory_space<vmem>> -> memref<1x128xi32, #tpu.memory_space<vmem>>
      %dma_wait3A_169 = tpu.memref_squeeze %dma_wait3A_168 : memref<1x128xi32, #tpu.memory_space<vmem>> -> memref<128xi32, #tpu.memory_space<vmem>>
      %dma_wait3A_170 = arith.constant 0 : i32
      %dma_wait3A_171 = arith.constant 0 : i32
      %dma_wait3A_172 = tpu.memref_slice %arg2[%dma_wait3A_170, %dma_wait3A_171] : memref<20480x128xf32, #tpu.memory_space<hbm>> -> memref<20480x128xf32, #tpu.memory_space<hbm>>
      tpu.wait_indirect_dma semaphore(%arg11 : memref<!tpu.dma_semaphore, #tpu.memory_space<semaphore_mem>>) src(%dma_wait3A_172 : memref<20480x128xf32, #tpu.memory_space<hbm>>) dst(%arg9 : memref<128x128xf32, #tpu.memory_space<vmem>>)
      %dma_start3A_173 = arith.constant 0 : i32
      %dma_start3A_174 = tpu.memref_slice %arg7[%add3A_154, %dma_start3A_173] : memref<40x128xi32, #tpu.memory_space<vmem>> -> memref<1x128xi32, #tpu.memory_space<vmem>>
      %dma_start3A_175 = tpu.memref_squeeze %dma_start3A_174 : memref<1x128xi32, #tpu.memory_space<vmem>> -> memref<128xi32, #tpu.memory_space<vmem>>
      %dma_start3A_176 = arith.constant 0 : i32
      %dma_start3A_177 = arith.constant 0 : i32
      %dma_start3A_178 = tpu.memref_slice %arg14[%dma_start3A_176, %dma_start3A_177] : memref<10240x128xf32, #tpu.memory_space<vmem_shared>> -> memref<10240x128xf32, #tpu.memory_space<vmem_shared>>
      tpu.enqueue_indirect_dma source(%arg9 : memref<128x128xf32, #tpu.memory_space<vmem>>) target(%dma_start3A_178 : memref<10240x128xf32, #tpu.memory_space<vmem_shared>>) offsets(%dma_start3A_175 : memref<128xi32, #tpu.memory_space<vmem>>) semaphore(%arg13 : memref<!tpu.dma_semaphore, #tpu.memory_space<semaphore_mem>>) {add = true}
      %scan3A_179 = arith.constant 0 : i32
      scf.yield %scan3A_179 : i32
    }
    %scan3A_54 = arith.constant 20 : i32
    %dma_wait3A_55 = arith.constant 0 : i32
    %dma_wait3A_56 = arith.constant 0 : i32
    %dma_wait3A_57 = tpu.memref_slice %arg7[%dma_wait3A_55, %dma_wait3A_56] : memref<40x128xi32, #tpu.memory_space<vmem>> -> memref<1x128xi32, #tpu.memory_space<vmem>>
    %dma_wait3A_58 = tpu.memref_squeeze %dma_wait3A_57 : memref<1x128xi32, #tpu.memory_space<vmem>> -> memref<128xi32, #tpu.memory_space<vmem>>
    %dma_wait3A_59 = arith.constant 0 : i32
    %dma_wait3A_60 = arith.constant 0 : i32
    %dma_wait3A_61 = tpu.memref_slice %arg14[%dma_wait3A_59, %dma_wait3A_60] : memref<10240x128xf32, #tpu.memory_space<vmem_shared>> -> memref<10240x128xf32, #tpu.memory_space<vmem_shared>>
    tpu.wait_indirect_dma semaphore(%arg12 : memref<!tpu.dma_semaphore, #tpu.memory_space<semaphore_mem>>) src(%arg8 : memref<128x128xf32, #tpu.memory_space<vmem>>) dst(%dma_wait3A_61 : memref<10240x128xf32, #tpu.memory_space<vmem_shared>>)
    %dma_wait3A_62 = arith.constant 0 : i32
    %dma_wait3A_63 = arith.constant 0 : i32
    %dma_wait3A_64 = tpu.memref_slice %arg7[%dma_wait3A_62, %dma_wait3A_63] : memref<40x128xi32, #tpu.memory_space<vmem>> -> memref<1x128xi32, #tpu.memory_space<vmem>>
    %dma_wait3A_65 = tpu.memref_squeeze %dma_wait3A_64 : memref<1x128xi32, #tpu.memory_space<vmem>> -> memref<128xi32, #tpu.memory_space<vmem>>
    %dma_wait3A_66 = arith.constant 0 : i32
    %dma_wait3A_67 = arith.constant 0 : i32
    %dma_wait3A_68 = tpu.memref_slice %arg14[%dma_wait3A_66, %dma_wait3A_67] : memref<10240x128xf32, #tpu.memory_space<vmem_shared>> -> memref<10240x128xf32, #tpu.memory_space<vmem_shared>>
    tpu.wait_indirect_dma semaphore(%arg13 : memref<!tpu.dma_semaphore, #tpu.memory_space<semaphore_mem>>) src(%arg9 : memref<128x128xf32, #tpu.memory_space<vmem>>) dst(%dma_wait3A_68 : memref<10240x128xf32, #tpu.memory_space<vmem_shared>>)
    %barrier3A_69 = arith.constant 0 : index
    tpu.barrier barrier_id(%barrier3A_69)
    %mul3A_70 = arith.constant 640 : i32
    %mul3A_71 = arith.muli %arg1, %mul3A_70 : i32
    %add3A_72 = arith.constant 0 : i32
    %add3A_73 = arith.addi %mul3A_71, %add3A_72 : i32
    %mul3A_74 = arith.constant 10240 : i32
    %mul3A_75 = arith.muli %arg0, %mul3A_74 : i32
    %mul3A_76 = arith.constant 640 : i32
    %mul3A_77 = arith.muli %arg1, %mul3A_76 : i32
    %add3A_78 = arith.addi %mul3A_75, %mul3A_77 : i32
    %add3A_79 = arith.constant 0 : i32
    %add3A_80 = arith.addi %add3A_78, %add3A_79 : i32
    "tpu.region"() ({
      %run_scoped3A_125 = tpu.sem_alloc : memref<!tpu.dma_semaphore, #tpu.memory_space<semaphore_mem>>
      %dma_start3A = arith.constant 0 : i32
      %dma_start3A_126 = tpu.memref_slice %arg5[%add3A_80, %dma_start3A] : memref<20480x128xf32, #tpu.memory_space<hbm>> -> memref<128x128xf32, #tpu.memory_space<hbm>>
      %dma_start3A_127 = arith.constant 0 : i32
      %dma_start3A_128 = tpu.memref_slice %arg14[%add3A_73, %dma_start3A_127] : memref<10240x128xf32, #tpu.memory_space<vmem_shared>> -> memref<128x128xf32, #tpu.memory_space<vmem_shared>>
      tpu.enqueue_dma source(%dma_start3A_128 : memref<128x128xf32, #tpu.memory_space<vmem_shared>>) target(%dma_start3A_126 : memref<128x128xf32, #tpu.memory_space<hbm>>) target_semaphore(%run_scoped3A_125 : memref<!tpu.dma_semaphore, #tpu.memory_space<semaphore_mem>>)
      %dma_wait3A_129 = arith.constant 0 : i32
      %dma_wait3A_130 = tpu.memref_slice %arg5[%add3A_80, %dma_wait3A_129] : memref<20480x128xf32, #tpu.memory_space<hbm>> -> memref<128x128xf32, #tpu.memory_space<hbm>>
      %dma_wait3A_131 = arith.constant 0 : i32
      %dma_wait3A_132 = tpu.memref_slice %arg14[%add3A_73, %dma_wait3A_131] : memref<10240x128xf32, #tpu.memory_space<vmem_shared>> -> memref<128x128xf32, #tpu.memory_space<vmem_shared>>
      tpu.wait_dma2 semaphore(%run_scoped3A_125 : memref<!tpu.dma_semaphore, #tpu.memory_space<semaphore_mem>>) src(%dma_wait3A_132 : memref<128x128xf32, #tpu.memory_space<vmem_shared>>) dst(%dma_wait3A_130 : memref<128x128xf32, #tpu.memory_space<hbm>>)
      tpu.yield
    }) : () -> ()
    %mul3A_81 = arith.constant 640 : i32
    %mul3A_82 = arith.muli %arg1, %mul3A_81 : i32
    %add3A_83 = arith.constant 128 : i32
    %add3A_84 = arith.addi %mul3A_82, %add3A_83 : i32
    %mul3A_85 = arith.constant 10240 : i32
    %mul3A_86 = arith.muli %arg0, %mul3A_85 : i32
    %mul3A_87 = arith.constant 640 : i32
    %mul3A_88 = arith.muli %arg1, %mul3A_87 : i32
    %add3A_89 = arith.addi %mul3A_86, %mul3A_88 : i32
    %add3A_90 = arith.constant 128 : i32
    %add3A_91 = arith.addi %add3A_89, %add3A_90 : i32
    "tpu.region"() ({
      %run_scoped3A_125 = tpu.sem_alloc : memref<!tpu.dma_semaphore, #tpu.memory_space<semaphore_mem>>
      %dma_start3A = arith.constant 0 : i32
      %dma_start3A_126 = tpu.memref_slice %arg5[%add3A_91, %dma_start3A] : memref<20480x128xf32, #tpu.memory_space<hbm>> -> memref<128x128xf32, #tpu.memory_space<hbm>>
      %dma_start3A_127 = arith.constant 0 : i32
      %dma_start3A_128 = tpu.memref_slice %arg14[%add3A_84, %dma_start3A_127] : memref<10240x128xf32, #tpu.memory_space<vmem_shared>> -> memref<128x128xf32, #tpu.memory_space<vmem_shared>>
      tpu.enqueue_dma source(%dma_start3A_128 : memref<128x128xf32, #tpu.memory_space<vmem_shared>>) target(%dma_start3A_126 : memref<128x128xf32, #tpu.memory_space<hbm>>) target_semaphore(%run_scoped3A_125 : memref<!tpu.dma_semaphore, #tpu.memory_space<semaphore_mem>>)
      %dma_wait3A_129 = arith.constant 0 : i32
      %dma_wait3A_130 = tpu.memref_slice %arg5[%add3A_91, %dma_wait3A_129] : memref<20480x128xf32, #tpu.memory_space<hbm>> -> memref<128x128xf32, #tpu.memory_space<hbm>>
      %dma_wait3A_131 = arith.constant 0 : i32
      %dma_wait3A_132 = tpu.memref_slice %arg14[%add3A_84, %dma_wait3A_131] : memref<10240x128xf32, #tpu.memory_space<vmem_shared>> -> memref<128x128xf32, #tpu.memory_space<vmem_shared>>
      tpu.wait_dma2 semaphore(%run_scoped3A_125 : memref<!tpu.dma_semaphore, #tpu.memory_space<semaphore_mem>>) src(%dma_wait3A_132 : memref<128x128xf32, #tpu.memory_space<vmem_shared>>) dst(%dma_wait3A_130 : memref<128x128xf32, #tpu.memory_space<hbm>>)
      tpu.yield
    }) : () -> ()
    %mul3A_92 = arith.constant 640 : i32
    %mul3A_93 = arith.muli %arg1, %mul3A_92 : i32
    %add3A_94 = arith.constant 256 : i32
    %add3A_95 = arith.addi %mul3A_93, %add3A_94 : i32
    %mul3A_96 = arith.constant 10240 : i32
    %mul3A_97 = arith.muli %arg0, %mul3A_96 : i32
    %mul3A_98 = arith.constant 640 : i32
    %mul3A_99 = arith.muli %arg1, %mul3A_98 : i32
    %add3A_100 = arith.addi %mul3A_97, %mul3A_99 : i32
    %add3A_101 = arith.constant 256 : i32
    %add3A_102 = arith.addi %add3A_100, %add3A_101 : i32
    "tpu.region"() ({
      %run_scoped3A_125 = tpu.sem_alloc : memref<!tpu.dma_semaphore, #tpu.memory_space<semaphore_mem>>
      %dma_start3A = arith.constant 0 : i32
      %dma_start3A_126 = tpu.memref_slice %arg5[%add3A_102, %dma_start3A] : memref<20480x128xf32, #tpu.memory_space<hbm>> -> memref<128x128xf32, #tpu.memory_space<hbm>>
      %dma_start3A_127 = arith.constant 0 : i32
      %dma_start3A_128 = tpu.memref_slice %arg14[%add3A_95, %dma_start3A_127] : memref<10240x128xf32, #tpu.memory_space<vmem_shared>> -> memref<128x128xf32, #tpu.memory_space<vmem_shared>>
      tpu.enqueue_dma source(%dma_start3A_128 : memref<128x128xf32, #tpu.memory_space<vmem_shared>>) target(%dma_start3A_126 : memref<128x128xf32, #tpu.memory_space<hbm>>) target_semaphore(%run_scoped3A_125 : memref<!tpu.dma_semaphore, #tpu.memory_space<semaphore_mem>>)
      %dma_wait3A_129 = arith.constant 0 : i32
      %dma_wait3A_130 = tpu.memref_slice %arg5[%add3A_102, %dma_wait3A_129] : memref<20480x128xf32, #tpu.memory_space<hbm>> -> memref<128x128xf32, #tpu.memory_space<hbm>>
      %dma_wait3A_131 = arith.constant 0 : i32
      %dma_wait3A_132 = tpu.memref_slice %arg14[%add3A_95, %dma_wait3A_131] : memref<10240x128xf32, #tpu.memory_space<vmem_shared>> -> memref<128x128xf32, #tpu.memory_space<vmem_shared>>
      tpu.wait_dma2 semaphore(%run_scoped3A_125 : memref<!tpu.dma_semaphore, #tpu.memory_space<semaphore_mem>>) src(%dma_wait3A_132 : memref<128x128xf32, #tpu.memory_space<vmem_shared>>) dst(%dma_wait3A_130 : memref<128x128xf32, #tpu.memory_space<hbm>>)
      tpu.yield
    }) : () -> ()
    %mul3A_103 = arith.constant 640 : i32
    %mul3A_104 = arith.muli %arg1, %mul3A_103 : i32
    %add3A_105 = arith.constant 384 : i32
    %add3A_106 = arith.addi %mul3A_104, %add3A_105 : i32
    %mul3A_107 = arith.constant 10240 : i32
    %mul3A_108 = arith.muli %arg0, %mul3A_107 : i32
    %mul3A_109 = arith.constant 640 : i32
    %mul3A_110 = arith.muli %arg1, %mul3A_109 : i32
    %add3A_111 = arith.addi %mul3A_108, %mul3A_110 : i32
    %add3A_112 = arith.constant 384 : i32
    %add3A_113 = arith.addi %add3A_111, %add3A_112 : i32
    "tpu.region"() ({
      %run_scoped3A_125 = tpu.sem_alloc : memref<!tpu.dma_semaphore, #tpu.memory_space<semaphore_mem>>
      %dma_start3A = arith.constant 0 : i32
      %dma_start3A_126 = tpu.memref_slice %arg5[%add3A_113, %dma_start3A] : memref<20480x128xf32, #tpu.memory_space<hbm>> -> memref<128x128xf32, #tpu.memory_space<hbm>>
      %dma_start3A_127 = arith.constant 0 : i32
      %dma_start3A_128 = tpu.memref_slice %arg14[%add3A_106, %dma_start3A_127] : memref<10240x128xf32, #tpu.memory_space<vmem_shared>> -> memref<128x128xf32, #tpu.memory_space<vmem_shared>>
      tpu.enqueue_dma source(%dma_start3A_128 : memref<128x128xf32, #tpu.memory_space<vmem_shared>>) target(%dma_start3A_126 : memref<128x128xf32, #tpu.memory_space<hbm>>) target_semaphore(%run_scoped3A_125 : memref<!tpu.dma_semaphore, #tpu.memory_space<semaphore_mem>>)
      %dma_wait3A_129 = arith.constant 0 : i32
      %dma_wait3A_130 = tpu.memref_slice %arg5[%add3A_113, %dma_wait3A_129] : memref<20480x128xf32, #tpu.memory_space<hbm>> -> memref<128x128xf32, #tpu.memory_space<hbm>>
      %dma_wait3A_131 = arith.constant 0 : i32
      %dma_wait3A_132 = tpu.memref_slice %arg14[%add3A_106, %dma_wait3A_131] : memref<10240x128xf32, #tpu.memory_space<vmem_shared>> -> memref<128x128xf32, #tpu.memory_space<vmem_shared>>
      tpu.wait_dma2 semaphore(%run_scoped3A_125 : memref<!tpu.dma_semaphore, #tpu.memory_space<semaphore_mem>>) src(%dma_wait3A_132 : memref<128x128xf32, #tpu.memory_space<vmem_shared>>) dst(%dma_wait3A_130 : memref<128x128xf32, #tpu.memory_space<hbm>>)
      tpu.yield
    }) : () -> ()
    %mul3A_114 = arith.constant 640 : i32
    %mul3A_115 = arith.muli %arg1, %mul3A_114 : i32
    %add3A_116 = arith.constant 512 : i32
    %add3A_117 = arith.addi %mul3A_115, %add3A_116 : i32
    %mul3A_118 = arith.constant 10240 : i32
    %mul3A_119 = arith.muli %arg0, %mul3A_118 : i32
    %mul3A_120 = arith.constant 640 : i32
    %mul3A_121 = arith.muli %arg1, %mul3A_120 : i32
    %add3A_122 = arith.addi %mul3A_119, %mul3A_121 : i32
    %add3A_123 = arith.constant 512 : i32
    %add3A_124 = arith.addi %add3A_122, %add3A_123 : i32
    "tpu.region"() ({
      %run_scoped3A_125 = tpu.sem_alloc : memref<!tpu.dma_semaphore, #tpu.memory_space<semaphore_mem>>
      %dma_start3A = arith.constant 0 : i32
      %dma_start3A_126 = tpu.memref_slice %arg5[%add3A_124, %dma_start3A] : memref<20480x128xf32, #tpu.memory_space<hbm>> -> memref<128x128xf32, #tpu.memory_space<hbm>>
      %dma_start3A_127 = arith.constant 0 : i32
      %dma_start3A_128 = tpu.memref_slice %arg14[%add3A_117, %dma_start3A_127] : memref<10240x128xf32, #tpu.memory_space<vmem_shared>> -> memref<128x128xf32, #tpu.memory_space<vmem_shared>>
      tpu.enqueue_dma source(%dma_start3A_128 : memref<128x128xf32, #tpu.memory_space<vmem_shared>>) target(%dma_start3A_126 : memref<128x128xf32, #tpu.memory_space<hbm>>) target_semaphore(%run_scoped3A_125 : memref<!tpu.dma_semaphore, #tpu.memory_space<semaphore_mem>>)
      %dma_wait3A_129 = arith.constant 0 : i32
      %dma_wait3A_130 = tpu.memref_slice %arg5[%add3A_124, %dma_wait3A_129] : memref<20480x128xf32, #tpu.memory_space<hbm>> -> memref<128x128xf32, #tpu.memory_space<hbm>>
      %dma_wait3A_131 = arith.constant 0 : i32
      %dma_wait3A_132 = tpu.memref_slice %arg14[%add3A_117, %dma_wait3A_131] : memref<10240x128xf32, #tpu.memory_space<vmem_shared>> -> memref<128x128xf32, #tpu.memory_space<vmem_shared>>
      tpu.wait_dma2 semaphore(%run_scoped3A_125 : memref<!tpu.dma_semaphore, #tpu.memory_space<semaphore_mem>>) src(%dma_wait3A_132 : memref<128x128xf32, #tpu.memory_space<vmem_shared>>) dst(%dma_wait3A_130 : memref<128x128xf32, #tpu.memory_space<hbm>>)
      tpu.yield
    }) : () -> ()
    return
  }
}

#map = affine_map<(d0, d1) -> (0, 0)>
#map1 = affine_map<(d0, d1) -> (0, 0, 0, 0, 0)>
#map2 = affine_map<(d0, d1) -> (0, 0, 0, 0)>
module attributes {stable_mosaic.version = 14 : i64} {
  func.func @body(%arg0: i32, %arg1: i32, %arg2: memref<20480x128xf32, #tpu.memory_space<hbm>>, %arg3: memref<2x16x2x40x128xi32, #tpu.memory_space<hbm>>, %arg4: memref<16x2x40x128xi32, #tpu.memory_space<hbm>>, %arg5: memref<20480x128xf32, #tpu.memory_space<hbm>>, %arg6: memref<40x128xi32, #tpu.memory_space<vmem>>, %arg7: memref<40x128xi32, #tpu.memory_space<vmem>>, %arg8: memref<128x128xf32, #tpu.memory_space<vmem>>, %arg9: memref<128x128xf32, #tpu.memory_space<vmem>>, %arg10: memref<!tpu.dma_semaphore, #tpu.memory_space<semaphore_mem>>, %arg11: memref<!tpu.dma_semaphore, #tpu.memory_space<semaphore_mem>>, %arg12: memref<!tpu.dma_semaphore, #tpu.memory_space<semaphore_mem>>, %arg13: memref<!tpu.dma_semaphore, #tpu.memory_space<semaphore_mem>>, %arg14: memref<10240x128xf32, #tpu.memory_space<vmem_shared>>) attributes {dimension_semantics = [#tpu.dimension_semantics<core_parallel>, #tpu.dimension_semantics<subcore_parallel>], iteration_bounds = array<i64: 2, 16>, scalar_prefetch = 0 : i64, scratch_operands = 9 : i64, tpu.core_type = #tpu.core_type<sc_vector_subcore>, window_params = [{transform_indices = #map}, {transform_indices = #map1}, {transform_indices = #map2}, {transform_indices = #map}]} {
    %broadcast_in_dim3A = arith.constant 0.000000e+00 : f32
    %broadcast_in_dim3A_0 = vector.broadcast %broadcast_in_dim3A : f32 to vector<16xf32>
    %scan3A = arith.constant 0 : i32
    %scan3A_1 = arith.constant 0 : i32
    %scan3A_2 = arith.constant 128 : i32
    %scan3A_3 = arith.addi %scan3A_1, %scan3A_2 : i32
    %scan3A_4 = arith.constant 1 : i32
    %scan3A_5 = scf.for %scan3A_125 = %scan3A_1 to %scan3A_3 step %scan3A_4 iter_args(%scan3A_126 = %scan3A) -> (i32)  : i32 {
      %swap3A = arith.index_cast %scan3A_125 : i32 to index
      %swap3A_127 = arith.constant 0 : index
      %swap3A_128 = tpu.vector_load %arg8[%swap3A, %swap3A_127] {strides = array<i32>} : memref<128x128xf32, #tpu.memory_space<vmem>>, vector<16xf32>,
      tpu.vector_store %arg8[%swap3A, %swap3A_127], %broadcast_in_dim3A_0 {strides = array<i32>} : memref<128x128xf32, #tpu.memory_space<vmem>>, vector<16xf32>,
      %swap3A_129 = arith.index_cast %scan3A_125 : i32 to index
      %swap3A_130 = arith.constant 16 : index
      %swap3A_131 = tpu.vector_load %arg8[%swap3A_129, %swap3A_130] {strides = array<i32>} : memref<128x128xf32, #tpu.memory_space<vmem>>, vector<16xf32>,
      tpu.vector_store %arg8[%swap3A_129, %swap3A_130], %broadcast_in_dim3A_0 {strides = array<i32>} : memref<128x128xf32, #tpu.memory_space<vmem>>, vector<16xf32>,
      %swap3A_132 = arith.index_cast %scan3A_125 : i32 to index
      %swap3A_133 = arith.constant 32 : index
      %swap3A_134 = tpu.vector_load %arg8[%swap3A_132, %swap3A_133] {strides = array<i32>} : memref<128x128xf32, #tpu.memory_space<vmem>>, vector<16xf32>,
      tpu.vector_store %arg8[%swap3A_132, %swap3A_133], %broadcast_in_dim3A_0 {strides = array<i32>} : memref<128x128xf32, #tpu.memory_space<vmem>>, vector<16xf32>,
      %swap3A_135 = arith.index_cast %scan3A_125 : i32 to index
      %swap3A_136 = arith.constant 48 : index
      %swap3A_137 = tpu.vector_load %arg8[%swap3A_135, %swap3A_136] {strides = array<i32>} : memref<128x128xf32, #tpu.memory_space<vmem>>, vector<16xf32>,
      tpu.vector_store %arg8[%swap3A_135, %swap3A_136], %broadcast_in_dim3A_0 {strides = array<i32>} : memref<128x128xf32, #tpu.memory_space<vmem>>, vector<16xf32>,
      %swap3A_138 = arith.index_cast %scan3A_125 : i32 to index
      %swap3A_139 = arith.constant 64 : index
      %swap3A_140 = tpu.vector_load %arg8[%swap3A_138, %swap3A_139] {strides = array<i32>} : memref<128x128xf32, #tpu.memory_space<vmem>>, vector<16xf32>,
      tpu.vector_store %arg8[%swap3A_138, %swap3A_139], %broadcast_in_dim3A_0 {strides = array<i32>} : memref<128x128xf32, #tpu.memory_space<vmem>>, vector<16xf32>,
      %swap3A_141 = arith.index_cast %scan3A_125 : i32 to index
      %swap3A_142 = arith.constant 80 : index
      %swap3A_143 = tpu.vector_load %arg8[%swap3A_141, %swap3A_142] {strides = array<i32>} : memref<128x128xf32, #tpu.memory_space<vmem>>, vector<16xf32>,
      tpu.vector_store %arg8[%swap3A_141, %swap3A_142], %broadcast_in_dim3A_0 {strides = array<i32>} : memref<128x128xf32, #tpu.memory_space<vmem>>, vector<16xf32>,
      %swap3A_144 = arith.index_cast %scan3A_125 : i32 to index
      %swap3A_145 = arith.constant 96 : index
      %swap3A_146 = tpu.vector_load %arg8[%swap3A_144, %swap3A_145] {strides = array<i32>} : memref<128x128xf32, #tpu.memory_space<vmem>>, vector<16xf32>,
      tpu.vector_store %arg8[%swap3A_144, %swap3A_145], %broadcast_in_dim3A_0 {strides = array<i32>} : memref<128x128xf32, #tpu.memory_space<vmem>>, vector<16xf32>,
      %swap3A_147 = arith.index_cast %scan3A_125 : i32 to index
      %swap3A_148 = arith.constant 112 : index
      %swap3A_149 = tpu.vector_load %arg8[%swap3A_147, %swap3A_148] {strides = array<i32>} : memref<128x128xf32, #tpu.memory_space<vmem>>, vector<16xf32>,
      tpu.vector_store %arg8[%swap3A_147, %swap3A_148], %broadcast_in_dim3A_0 {strides = array<i32>} : memref<128x128xf32, #tpu.memory_space<vmem>>, vector<16xf32>,
      %scan3A_150 = arith.constant 0 : i32
      scf.yield %scan3A_150 : i32
    }
    %scan3A_6 = arith.constant 128 : i32
    %mul3A = arith.constant 640 : i32
    %mul3A_7 = arith.muli %arg1, %mul3A : i32
    %add3A = arith.constant 0 : i32
    %add3A_8 = arith.addi %mul3A_7, %add3A : i32
    "tpu.region"() ({
      %run_scoped3A_125 = tpu.sem_alloc : memref<!tpu.dma_semaphore, #tpu.memory_space<semaphore_mem>>
      %dma_start3A = arith.constant 0 : i32
      %dma_start3A_126 = tpu.memref_slice %arg14[%add3A_8, %dma_start3A] : memref<10240x128xf32, #tpu.memory_space<vmem_shared>> -> memref<128x128xf32, #tpu.memory_space<vmem_shared>>
      %dma_start3A_127 = arith.constant 0 : i32
      %dma_start3A_128 = tpu.memref_slice %arg14[%add3A_8, %dma_start3A_127] : memref<10240x128xf32, #tpu.memory_space<vmem_shared>> -> memref<128x128xf32, #tpu.memory_space<vmem_shared>>
      tpu.enqueue_dma source(%arg8 : memref<128x128xf32, #tpu.memory_space<vmem>>) target(%dma_start3A_128 : memref<128x128xf32, #tpu.memory_space<vmem_shared>>) target_semaphore(%run_scoped3A_125 : memref<!tpu.dma_semaphore, #tpu.memory_space<semaphore_mem>>)
      %dma_wait3A_129 = arith.constant 0 : i32
      %dma_wait3A_130 = tpu.memref_slice %arg14[%add3A_8, %dma_wait3A_129] : memref<10240x128xf32, #tpu.memory_space<vmem_shared>> -> memref<128x128xf32, #tpu.memory_space<vmem_shared>>
      %dma_wait3A_131 = arith.constant 0 : i32
      %dma_wait3A_132 = tpu.memref_slice %arg14[%add3A_8, %dma_wait3A_131] : memref<10240x128xf32, #tpu.memory_space<vmem_shared>> -> memref<128x128xf32, #tpu.memory_space<vmem_shared>>
      tpu.wait_dma2 semaphore(%run_scoped3A_125 : memref<!tpu.dma_semaphore, #tpu.memory_space<semaphore_mem>>) src(%arg8 : memref<128x128xf32, #tpu.memory_space<vmem>>) dst(%dma_wait3A_132 : memref<128x128xf32, #tpu.memory_space<vmem_shared>>)
      tpu.yield
    }) : () -> ()
    %mul3A_9 = arith.constant 640 : i32
    %mul3A_10 = arith.muli %arg1, %mul3A_9 : i32
    %add3A_11 = arith.constant 128 : i32
    %add3A_12 = arith.addi %mul3A_10, %add3A_11 : i32
    "tpu.region"() ({
      %run_scoped3A_125 = tpu.sem_alloc : memref<!tpu.dma_semaphore, #tpu.memory_space<semaphore_mem>>
      %dma_start3A = arith.constant 0 : i32
      %dma_start3A_126 = tpu.memref_slice %arg14[%add3A_12, %dma_start3A] : memref<10240x128xf32, #tpu.memory_space<vmem_shared>> -> memref<128x128xf32, #tpu.memory_space<vmem_shared>>
      %dma_start3A_127 = arith.constant 0 : i32
      %dma_start3A_128 = tpu.memref_slice %arg14[%add3A_12, %dma_start3A_127] : memref<10240x128xf32, #tpu.memory_space<vmem_shared>> -> memref<128x128xf32, #tpu.memory_space<vmem_shared>>
      tpu.enqueue_dma source(%arg8 : memref<128x128xf32, #tpu.memory_space<vmem>>) target(%dma_start3A_128 : memref<128x128xf32, #tpu.memory_space<vmem_shared>>) target_semaphore(%run_scoped3A_125 : memref<!tpu.dma_semaphore, #tpu.memory_space<semaphore_mem>>)
      %dma_wait3A_129 = arith.constant 0 : i32
      %dma_wait3A_130 = tpu.memref_slice %arg14[%add3A_12, %dma_wait3A_129] : memref<10240x128xf32, #tpu.memory_space<vmem_shared>> -> memref<128x128xf32, #tpu.memory_space<vmem_shared>>
      %dma_wait3A_131 = arith.constant 0 : i32
      %dma_wait3A_132 = tpu.memref_slice %arg14[%add3A_12, %dma_wait3A_131] : memref<10240x128xf32, #tpu.memory_space<vmem_shared>> -> memref<128x128xf32, #tpu.memory_space<vmem_shared>>
      tpu.wait_dma2 semaphore(%run_scoped3A_125 : memref<!tpu.dma_semaphore, #tpu.memory_space<semaphore_mem>>) src(%arg8 : memref<128x128xf32, #tpu.memory_space<vmem>>) dst(%dma_wait3A_132 : memref<128x128xf32, #tpu.memory_space<vmem_shared>>)
      tpu.yield
    }) : () -> ()
    %mul3A_13 = arith.constant 640 : i32
    %mul3A_14 = arith.muli %arg1, %mul3A_13 : i32
    %add3A_15 = arith.constant 256 : i32
    %add3A_16 = arith.addi %mul3A_14, %add3A_15 : i32
    "tpu.region"() ({
      %run_scoped3A_125 = tpu.sem_alloc : memref<!tpu.dma_semaphore, #tpu.memory_space<semaphore_mem>>
      %dma_start3A = arith.constant 0 : i32
      %dma_start3A_126 = tpu.memref_slice %arg14[%add3A_16, %dma_start3A] : memref<10240x128xf32, #tpu.memory_space<vmem_shared>> -> memref<128x128xf32, #tpu.memory_space<vmem_shared>>
      %dma_start3A_127 = arith.constant 0 : i32
      %dma_start3A_128 = tpu.memref_slice %arg14[%add3A_16, %dma_start3A_127] : memref<10240x128xf32, #tpu.memory_space<vmem_shared>> -> memref<128x128xf32, #tpu.memory_space<vmem_shared>>
      tpu.enqueue_dma source(%arg8 : memref<128x128xf32, #tpu.memory_space<vmem>>) target(%dma_start3A_128 : memref<128x128xf32, #tpu.memory_space<vmem_shared>>) target_semaphore(%run_scoped3A_125 : memref<!tpu.dma_semaphore, #tpu.memory_space<semaphore_mem>>)
      %dma_wait3A_129 = arith.constant 0 : i32
      %dma_wait3A_130 = tpu.memref_slice %arg14[%add3A_16, %dma_wait3A_129] : memref<10240x128xf32, #tpu.memory_space<vmem_shared>> -> memref<128x128xf32, #tpu.memory_space<vmem_shared>>
      %dma_wait3A_131 = arith.constant 0 : i32
      %dma_wait3A_132 = tpu.memref_slice %arg14[%add3A_16, %dma_wait3A_131] : memref<10240x128xf32, #tpu.memory_space<vmem_shared>> -> memref<128x128xf32, #tpu.memory_space<vmem_shared>>
      tpu.wait_dma2 semaphore(%run_scoped3A_125 : memref<!tpu.dma_semaphore, #tpu.memory_space<semaphore_mem>>) src(%arg8 : memref<128x128xf32, #tpu.memory_space<vmem>>) dst(%dma_wait3A_132 : memref<128x128xf32, #tpu.memory_space<vmem_shared>>)
      tpu.yield
    }) : () -> ()
    %mul3A_17 = arith.constant 640 : i32
    %mul3A_18 = arith.muli %arg1, %mul3A_17 : i32
    %add3A_19 = arith.constant 384 : i32
    %add3A_20 = arith.addi %mul3A_18, %add3A_19 : i32
    "tpu.region"() ({
      %run_scoped3A_125 = tpu.sem_alloc : memref<!tpu.dma_semaphore, #tpu.memory_space<semaphore_mem>>
      %dma_start3A = arith.constant 0 : i32
      %dma_start3A_126 = tpu.memref_slice %arg14[%add3A_20, %dma_start3A] : memref<10240x128xf32, #tpu.memory_space<vmem_shared>> -> memref<128x128xf32, #tpu.memory_space<vmem_shared>>
      %dma_start3A_127 = arith.constant 0 : i32
      %dma_start3A_128 = tpu.memref_slice %arg14[%add3A_20, %dma_start3A_127] : memref<10240x128xf32, #tpu.memory_space<vmem_shared>> -> memref<128x128xf32, #tpu.memory_space<vmem_shared>>
      tpu.enqueue_dma source(%arg8 : memref<128x128xf32, #tpu.memory_space<vmem>>) target(%dma_start3A_128 : memref<128x128xf32, #tpu.memory_space<vmem_shared>>) target_semaphore(%run_scoped3A_125 : memref<!tpu.dma_semaphore, #tpu.memory_space<semaphore_mem>>)
      %dma_wait3A_129 = arith.constant 0 : i32
      %dma_wait3A_130 = tpu.memref_slice %arg14[%add3A_20, %dma_wait3A_129] : memref<10240x128xf32, #tpu.memory_space<vmem_shared>> -> memref<128x128xf32, #tpu.memory_space<vmem_shared>>
      %dma_wait3A_131 = arith.constant 0 : i32
      %dma_wait3A_132 = tpu.memref_slice %arg14[%add3A_20, %dma_wait3A_131] : memref<10240x128xf32, #tpu.memory_space<vmem_shared>> -> memref<128x128xf32, #tpu.memory_space<vmem_shared>>
      tpu.wait_dma2 semaphore(%run_scoped3A_125 : memref<!tpu.dma_semaphore, #tpu.memory_space<semaphore_mem>>) src(%arg8 : memref<128x128xf32, #tpu.memory_space<vmem>>) dst(%dma_wait3A_132 : memref<128x128xf32, #tpu.memory_space<vmem_shared>>)
      tpu.yield
    }) : () -> ()
    %mul3A_21 = arith.constant 640 : i32
    %mul3A_22 = arith.muli %arg1, %mul3A_21 : i32
    %add3A_23 = arith.constant 512 : i32
    %add3A_24 = arith.addi %mul3A_22, %add3A_23 : i32
    "tpu.region"() ({
      %run_scoped3A_125 = tpu.sem_alloc : memref<!tpu.dma_semaphore, #tpu.memory_space<semaphore_mem>>
      %dma_start3A = arith.constant 0 : i32
      %dma_start3A_126 = tpu.memref_slice %arg14[%add3A_24, %dma_start3A] : memref<10240x128xf32, #tpu.memory_space<vmem_shared>> -> memref<128x128xf32, #tpu.memory_space<vmem_shared>>
      %dma_start3A_127 = arith.constant 0 : i32
      %dma_start3A_128 = tpu.memref_slice %arg14[%add3A_24, %dma_start3A_127] : memref<10240x128xf32, #tpu.memory_space<vmem_shared>> -> memref<128x128xf32, #tpu.memory_space<vmem_shared>>
      tpu.enqueue_dma source(%arg8 : memref<128x128xf32, #tpu.memory_space<vmem>>) target(%dma_start3A_128 : memref<128x128xf32, #tpu.memory_space<vmem_shared>>) target_semaphore(%run_scoped3A_125 : memref<!tpu.dma_semaphore, #tpu.memory_space<semaphore_mem>>)
      %dma_wait3A_129 = arith.constant 0 : i32
      %dma_wait3A_130 = tpu.memref_slice %arg14[%add3A_24, %dma_wait3A_129] : memref<10240x128xf32, #tpu.memory_space<vmem_shared>> -> memref<128x128xf32, #tpu.memory_space<vmem_shared>>
      %dma_wait3A_131 = arith.constant 0 : i32
      %dma_wait3A_132 = tpu.memref_slice %arg14[%add3A_24, %dma_wait3A_131] : memref<10240x128xf32, #tpu.memory_space<vmem_shared>> -> memref<128x128xf32, #tpu.memory_space<vmem_shared>>
      tpu.wait_dma2 semaphore(%run_scoped3A_125 : memref<!tpu.dma_semaphore, #tpu.memory_space<semaphore_mem>>) src(%arg8 : memref<128x128xf32, #tpu.memory_space<vmem>>) dst(%dma_wait3A_132 : memref<128x128xf32, #tpu.memory_space<vmem_shared>>)
      tpu.yield
    }) : () -> ()
    %barrier3A = arith.constant 0 : index
    tpu.barrier barrier_id(%barrier3A)
    %run_scoped3A = arith.constant 0 : i32
    "tpu.region"() ({
      %run_scoped3A_125 = tpu.sem_alloc : memref<!tpu.dma_semaphore, #tpu.memory_space<semaphore_mem>>
      %dma_start3A = arith.constant 0 : i32
      %dma_start3A_126 = arith.constant 0 : i32
      %dma_start3A_127 = tpu.memref_slice %arg3[%arg0, %arg1, %run_scoped3A, %dma_start3A, %dma_start3A_126] : memref<2x16x2x40x128xi32, #tpu.memory_space<hbm>> -> memref<1x1x1x40x128xi32, #tpu.memory_space<hbm>>
      %dma_start3A_128 = tpu.memref_squeeze %dma_start3A_127 : memref<1x1x1x40x128xi32, #tpu.memory_space<hbm>> -> memref<40x128xi32, #tpu.memory_space<hbm>>
      %dma_start3A_129 = arith.constant 0 : i32
      %dma_start3A_130 = arith.constant 0 : i32
      %dma_start3A_131 = tpu.memref_slice %arg3[%arg0, %arg1, %run_scoped3A, %dma_start3A_129, %dma_start3A_130] : memref<2x16x2x40x128xi32, #tpu.memory_space<hbm>> -> memref<1x1x1x40x128xi32, #tpu.memory_space<hbm>>
      %dma_start3A_132 = tpu.memref_squeeze %dma_start3A_131 : memref<1x1x1x40x128xi32, #tpu.memory_space<hbm>> -> memref<40x128xi32, #tpu.memory_space<hbm>>
      tpu.enqueue_dma source(%dma_start3A_132 : memref<40x128xi32, #tpu.memory_space<hbm>>) target(%arg6 : memref<40x128xi32, #tpu.memory_space<vmem>>) target_semaphore(%run_scoped3A_125 : memref<!tpu.dma_semaphore, #tpu.memory_space<semaphore_mem>>)
      %dma_wait3A_133 = arith.constant 0 : i32
      %dma_wait3A_134 = arith.constant 0 : i32
      %dma_wait3A_135 = tpu.memref_slice %arg3[%arg0, %arg1, %run_scoped3A, %dma_wait3A_133, %dma_wait3A_134] : memref<2x16x2x40x128xi32, #tpu.memory_space<hbm>> -> memref<1x1x1x40x128xi32, #tpu.memory_space<hbm>>
      %dma_wait3A_136 = tpu.memref_squeeze %dma_wait3A_135 : memref<1x1x1x40x128xi32, #tpu.memory_space<hbm>> -> memref<40x128xi32, #tpu.memory_space<hbm>>
      %dma_wait3A_137 = arith.constant 0 : i32
      %dma_wait3A_138 = arith.constant 0 : i32
      %dma_wait3A_139 = tpu.memref_slice %arg3[%arg0, %arg1, %run_scoped3A, %dma_wait3A_137, %dma_wait3A_138] : memref<2x16x2x40x128xi32, #tpu.memory_space<hbm>> -> memref<1x1x1x40x128xi32, #tpu.memory_space<hbm>>
      %dma_wait3A_140 = tpu.memref_squeeze %dma_wait3A_139 : memref<1x1x1x40x128xi32, #tpu.memory_space<hbm>> -> memref<40x128xi32, #tpu.memory_space<hbm>>
      tpu.wait_dma2 semaphore(%run_scoped3A_125 : memref<!tpu.dma_semaphore, #tpu.memory_space<semaphore_mem>>) src(%dma_wait3A_140 : memref<40x128xi32, #tpu.memory_space<hbm>>) dst(%arg6 : memref<40x128xi32, #tpu.memory_space<vmem>>)
      tpu.yield
    }) : () -> ()
    %run_scoped3A_25 = arith.constant 0 : i32
    "tpu.region"() ({
      %run_scoped3A_125 = tpu.sem_alloc : memref<!tpu.dma_semaphore, #tpu.memory_space<semaphore_mem>>
      %dma_start3A = arith.constant 0 : i32
      %dma_start3A_126 = arith.constant 0 : i32
      %dma_start3A_127 = tpu.memref_slice %arg4[%arg1, %run_scoped3A_25, %dma_start3A, %dma_start3A_126] : memref<16x2x40x128xi32, #tpu.memory_space<hbm>> -> memref<1x1x40x128xi32, #tpu.memory_space<hbm>>
      %dma_start3A_128 = tpu.memref_squeeze %dma_start3A_127 : memref<1x1x40x128xi32, #tpu.memory_space<hbm>> -> memref<40x128xi32, #tpu.memory_space<hbm>>
      %dma_start3A_129 = arith.constant 0 : i32
      %dma_start3A_130 = arith.constant 0 : i32
      %dma_start3A_131 = tpu.memref_slice %arg4[%arg1, %run_scoped3A_25, %dma_start3A_129, %dma_start3A_130] : memref<16x2x40x128xi32, #tpu.memory_space<hbm>> -> memref<1x1x40x128xi32, #tpu.memory_space<hbm>>
      %dma_start3A_132 = tpu.memref_squeeze %dma_start3A_131 : memref<1x1x40x128xi32, #tpu.memory_space<hbm>> -> memref<40x128xi32, #tpu.memory_space<hbm>>
      tpu.enqueue_dma source(%dma_start3A_132 : memref<40x128xi32, #tpu.memory_space<hbm>>) target(%arg7 : memref<40x128xi32, #tpu.memory_space<vmem>>) target_semaphore(%run_scoped3A_125 : memref<!tpu.dma_semaphore, #tpu.memory_space<semaphore_mem>>)
      %dma_wait3A_133 = arith.constant 0 : i32
      %dma_wait3A_134 = arith.constant 0 : i32
      %dma_wait3A_135 = tpu.memref_slice %arg4[%arg1, %run_scoped3A_25, %dma_wait3A_133, %dma_wait3A_134] : memref<16x2x40x128xi32, #tpu.memory_space<hbm>> -> memref<1x1x40x128xi32, #tpu.memory_space<hbm>>
      %dma_wait3A_136 = tpu.memref_squeeze %dma_wait3A_135 : memref<1x1x40x128xi32, #tpu.memory_space<hbm>> -> memref<40x128xi32, #tpu.memory_space<hbm>>
      %dma_wait3A_137 = arith.constant 0 : i32
      %dma_wait3A_138 = arith.constant 0 : i32
      %dma_wait3A_139 = tpu.memref_slice %arg4[%arg1, %run_scoped3A_25, %dma_wait3A_137, %dma_wait3A_138] : memref<16x2x40x128xi32, #tpu.memory_space<hbm>> -> memref<1x1x40x128xi32, #tpu.memory_space<hbm>>
      %dma_wait3A_140 = tpu.memref_squeeze %dma_wait3A_139 : memref<1x1x40x128xi32, #tpu.memory_space<hbm>> -> memref<40x128xi32, #tpu.memory_space<hbm>>
      tpu.wait_dma2 semaphore(%run_scoped3A_125 : memref<!tpu.dma_semaphore, #tpu.memory_space<semaphore_mem>>) src(%dma_wait3A_140 : memref<40x128xi32, #tpu.memory_space<hbm>>) dst(%arg7 : memref<40x128xi32, #tpu.memory_space<vmem>>)
      tpu.yield
    }) : () -> ()
    %scan3A_26 = arith.constant 0 : i32
    %scan3A_27 = arith.constant 0 : i32
    %scan3A_28 = arith.constant 20 : i32
    %scan3A_29 = arith.addi %scan3A_27, %scan3A_28 : i32
    %scan3A_30 = arith.constant 1 : i32
    %scan3A_31 = scf.for %scan3A_125 = %scan3A_27 to %scan3A_29 step %scan3A_30 iter_args(%scan3A_126 = %scan3A_26) -> (i32)  : i32 {
      %mul3A_127 = arith.constant 2 : i32
      %mul3A_128 = arith.muli %mul3A_127, %scan3A_125 : i32
      %add3A_129 = arith.constant 0 : i32
      %add3A_130 = arith.addi %mul3A_128, %add3A_129 : i32
      %ge3A = arith.constant 2 : i32
      %ge3A_131 = arith.cmpi sge, %add3A_130, %ge3A : i32
      %convert_element_type3A = arith.extui %ge3A_131 : i1 to i32
      %cond3A = arith.constant 0 : i32
      %cond3A_132 = arith.cmpi ne, %convert_element_type3A, %cond3A : i32
      scf.if %cond3A_132 {
        %dma_wait3A_180 = arith.constant 0 : i32
        %dma_wait3A_181 = arith.constant 0 : i32
        %dma_wait3A_182 = tpu.memref_slice %arg7[%dma_wait3A_180, %dma_wait3A_181] : memref<40x128xi32, #tpu.memory_space<vmem>> -> memref<1x128xi32, #tpu.memory_space<vmem>>
        %dma_wait3A_183 = tpu.memref_squeeze %dma_wait3A_182 : memref<1x128xi32, #tpu.memory_space<vmem>> -> memref<128xi32, #tpu.memory_space<vmem>>
        %dma_wait3A_184 = arith.constant 0 : i32
        %dma_wait3A_185 = arith.constant 0 : i32
        %dma_wait3A_186 = tpu.memref_slice %arg14[%dma_wait3A_184, %dma_wait3A_185] : memref<10240x128xf32, #tpu.memory_space<vmem_shared>> -> memref<10240x128xf32, #tpu.memory_space<vmem_shared>>
        tpu.wait_indirect_dma semaphore(%arg12 : memref<!tpu.dma_semaphore, #tpu.memory_space<semaphore_mem>>) src(%arg8 : memref<128x128xf32, #tpu.memory_space<vmem>>) dst(%dma_wait3A_186 : memref<10240x128xf32, #tpu.memory_space<vmem_shared>>)
      } else {
      }
      %dma_start3A = arith.constant 0 : i32
      %dma_start3A_133 = tpu.memref_slice %arg6[%add3A_130, %dma_start3A] : memref<40x128xi32, #tpu.memory_space<vmem>> -> memref<1x128xi32, #tpu.memory_space<vmem>>
      %dma_start3A_134 = tpu.memref_squeeze %dma_start3A_133 : memref<1x128xi32, #tpu.memory_space<vmem>> -> memref<128xi32, #tpu.memory_space<vmem>>
      %dma_start3A_135 = arith.constant 0 : i32
      %dma_start3A_136 = arith.constant 0 : i32
      %dma_start3A_137 = tpu.memref_slice %arg2[%dma_start3A_135, %dma_start3A_136] : memref<20480x128xf32, #tpu.memory_space<hbm>> -> memref<20480x128xf32, #tpu.memory_space<hbm>>
      tpu.enqueue_indirect_dma source(%dma_start3A_137 : memref<20480x128xf32, #tpu.memory_space<hbm>>) target(%arg8 : memref<128x128xf32, #tpu.memory_space<vmem>>) offsets(%dma_start3A_134 : memref<128xi32, #tpu.memory_space<vmem>>) semaphore(%arg10 : memref<!tpu.dma_semaphore, #tpu.memory_space<semaphore_mem>>)
      %dma_wait3A_138 = arith.constant 0 : i32
      %dma_wait3A_139 = arith.constant 0 : i32
      %dma_wait3A_140 = tpu.memref_slice %arg6[%dma_wait3A_138, %dma_wait3A_139] : memref<40x128xi32, #tpu.memory_space<vmem>> -> memref<1x128xi32, #tpu.memory_space<vmem>>
      %dma_wait3A_141 = tpu.memref_squeeze %dma_wait3A_140 : memref<1x128xi32, #tpu.memory_space<vmem>> -> memref<128xi32, #tpu.memory_space<vmem>>
      %dma_wait3A_142 = arith.constant 0 : i32
      %dma_wait3A_143 = arith.constant 0 : i32
      %dma_wait3A_144 = tpu.memref_slice %arg2[%dma_wait3A_142, %dma_wait3A_143] : memref<20480x128xf32, #tpu.memory_space<hbm>> -> memref<20480x128xf32, #tpu.memory_space<hbm>>
      tpu.wait_indirect_dma semaphore(%arg10 : memref<!tpu.dma_semaphore, #tpu.memory_space<semaphore_mem>>) src(%dma_wait3A_144 : memref<20480x128xf32, #tpu.memory_space<hbm>>) dst(%arg8 : memref<128x128xf32, #tpu.memory_space<vmem>>)
      %dma_start3A_145 = arith.constant 0 : i32
      %dma_start3A_146 = tpu.memref_slice %arg7[%add3A_130, %dma_start3A_145] : memref<40x128xi32, #tpu.memory_space<vmem>> -> memref<1x128xi32, #tpu.memory_space<vmem>>
      %dma_start3A_147 = tpu.memref_squeeze %dma_start3A_146 : memref<1x128xi32, #tpu.memory_space<vmem>> -> memref<128xi32, #tpu.memory_space<vmem>>
      %dma_start3A_148 = arith.constant 0 : i32
      %dma_start3A_149 = arith.constant 0 : i32
      %dma_start3A_150 = tpu.memref_slice %arg14[%dma_start3A_148, %dma_start3A_149] : memref<10240x128xf32, #tpu.memory_space<vmem_shared>> -> memref<10240x128xf32, #tpu.memory_space<vmem_shared>>
      tpu.enqueue_indirect_dma source(%arg8 : memref<128x128xf32, #tpu.memory_space<vmem>>) target(%dma_start3A_150 : memref<10240x128xf32, #tpu.memory_space<vmem_shared>>) offsets(%dma_start3A_147 : memref<128xi32, #tpu.memory_space<vmem>>) semaphore(%arg12 : memref<!tpu.dma_semaphore, #tpu.memory_space<semaphore_mem>>) {add = true}
      %mul3A_151 = arith.constant 2 : i32
      %mul3A_152 = arith.muli %mul3A_151, %scan3A_125 : i32
      %add3A_153 = arith.constant 1 : i32
      %add3A_154 = arith.addi %mul3A_152, %add3A_153 : i32
      %ge3A_155 = arith.constant 2 : i32
      %ge3A_156 = arith.cmpi sge, %add3A_154, %ge3A_155 : i32
      %convert_element_type3A_157 = arith.extui %ge3A_156 : i1 to i32
      %cond3A_158 = arith.constant 0 : i32
      %cond3A_159 = arith.cmpi ne, %convert_element_type3A_157, %cond3A_158 : i32
      scf.if %cond3A_159 {
        %dma_wait3A_180 = arith.constant 0 : i32
        %dma_wait3A_181 = arith.constant 0 : i32
        %dma_wait3A_182 = tpu.memref_slice %arg7[%dma_wait3A_180, %dma_wait3A_181] : memref<40x128xi32, #tpu.memory_space<vmem>> -> memref<1x128xi32, #tpu.memory_space<vmem>>
        %dma_wait3A_183 = tpu.memref_squeeze %dma_wait3A_182 : memref<1x128xi32, #tpu.memory_space<vmem>> -> memref<128xi32, #tpu.memory_space<vmem>>
        %dma_wait3A_184 = arith.constant 0 : i32
        %dma_wait3A_185 = arith.constant 0 : i32
        %dma_wait3A_186 = tpu.memref_slice %arg14[%dma_wait3A_184, %dma_wait3A_185] : memref<10240x128xf32, #tpu.memory_space<vmem_shared>> -> memref<10240x128xf32, #tpu.memory_space<vmem_shared>>
        tpu.wait_indirect_dma semaphore(%arg13 : memref<!tpu.dma_semaphore, #tpu.memory_space<semaphore_mem>>) src(%arg9 : memref<128x128xf32, #tpu.memory_space<vmem>>) dst(%dma_wait3A_186 : memref<10240x128xf32, #tpu.memory_space<vmem_shared>>)
      } else {
      }
      %dma_start3A_160 = arith.constant 0 : i32
      %dma_start3A_161 = tpu.memref_slice %arg6[%add3A_154, %dma_start3A_160] : memref<40x128xi32, #tpu.memory_space<vmem>> -> memref<1x128xi32, #tpu.memory_space<vmem>>
      %dma_start3A_162 = tpu.memref_squeeze %dma_start3A_161 : memref<1x128xi32, #tpu.memory_space<vmem>> -> memref<128xi32, #tpu.memory_space<vmem>>
      %dma_start3A_163 = arith.constant 0 : i32
      %dma_start3A_164 = arith.constant 0 : i32
      %dma_start3A_165 = tpu.memref_slice %arg2[%dma_start3A_163, %dma_start3A_164] : memref<20480x128xf32, #tpu.memory_space<hbm>> -> memref<20480x128xf32, #tpu.memory_space<hbm>>
      tpu.enqueue_indirect_dma source(%dma_start3A_165 : memref<20480x128xf32, #tpu.memory_space<hbm>>) target(%arg9 : memref<128x128xf32, #tpu.memory_space<vmem>>) offsets(%dma_start3A_162 : memref<128xi32, #tpu.memory_space<vmem>>) semaphore(%arg11 : memref<!tpu.dma_semaphore, #tpu.memory_space<semaphore_mem>>)
      %dma_wait3A_166 = arith.constant 0 : i32
      %dma_wait3A_167 = arith.constant 0 : i32
      %dma_wait3A_168 = tpu.memref_slice %arg6[%dma_wait3A_166, %dma_wait3A_167] : memref<40x128xi32, #tpu.memory_space<vmem>> -> memref<1x128xi32, #tpu.memory_space<vmem>>
      %dma_wait3A_169 = tpu.memref_squeeze %dma_wait3A_168 : memref<1x128xi32, #tpu.memory_space<vmem>> -> memref<128xi32, #tpu.memory_space<vmem>>
      %dma_wait3A_170 = arith.constant 0 : i32
      %dma_wait3A_171 = arith.constant 0 : i32
      %dma_wait3A_172 = tpu.memref_slice %arg2[%dma_wait3A_170, %dma_wait3A_171] : memref<20480x128xf32, #tpu.memory_space<hbm>> -> memref<20480x128xf32, #tpu.memory_space<hbm>>
      tpu.wait_indirect_dma semaphore(%arg11 : memref<!tpu.dma_semaphore, #tpu.memory_space<semaphore_mem>>) src(%dma_wait3A_172 : memref<20480x128xf32, #tpu.memory_space<hbm>>) dst(%arg9 : memref<128x128xf32, #tpu.memory_space<vmem>>)
      %dma_start3A_173 = arith.constant 0 : i32
      %dma_start3A_174 = tpu.memref_slice %arg7[%add3A_154, %dma_start3A_173] : memref<40x128xi32, #tpu.memory_space<vmem>> -> memref<1x128xi32, #tpu.memory_space<vmem>>
      %dma_start3A_175 = tpu.memref_squeeze %dma_start3A_174 : memref<1x128xi32, #tpu.memory_space<vmem>> -> memref<128xi32, #tpu.memory_space<vmem>>
      %dma_start3A_176 = arith.constant 0 : i32
      %dma_start3A_177 = arith.constant 0 : i32
      %dma_start3A_178 = tpu.memref_slice %arg14[%dma_start3A_176, %dma_start3A_177] : memref<10240x128xf32, #tpu.memory_space<vmem_shared>> -> memref<10240x128xf32, #tpu.memory_space<vmem_shared>>
      tpu.enqueue_indirect_dma source(%arg9 : memref<128x128xf32, #tpu.memory_space<vmem>>) target(%dma_start3A_178 : memref<10240x128xf32, #tpu.memory_space<vmem_shared>>) offsets(%dma_start3A_175 : memref<128xi32, #tpu.memory_space<vmem>>) semaphore(%arg13 : memref<!tpu.dma_semaphore, #tpu.memory_space<semaphore_mem>>) {add = true}
      %scan3A_179 = arith.constant 0 : i32
      scf.yield %scan3A_179 : i32
    }
    %scan3A_32 = arith.constant 20 : i32
    %dma_wait3A = arith.constant 0 : i32
    %dma_wait3A_33 = arith.constant 0 : i32
    %dma_wait3A_34 = tpu.memref_slice %arg7[%dma_wait3A, %dma_wait3A_33] : memref<40x128xi32, #tpu.memory_space<vmem>> -> memref<1x128xi32, #tpu.memory_space<vmem>>
    %dma_wait3A_35 = tpu.memref_squeeze %dma_wait3A_34 : memref<1x128xi32, #tpu.memory_space<vmem>> -> memref<128xi32, #tpu.memory_space<vmem>>
    %dma_wait3A_36 = arith.constant 0 : i32
    %dma_wait3A_37 = arith.constant 0 : i32
    %dma_wait3A_38 = tpu.memref_slice %arg14[%dma_wait3A_36, %dma_wait3A_37] : memref<10240x128xf32, #tpu.memory_space<vmem_shared>> -> memref<10240x128xf32, #tpu.memory_space<vmem_shared>>
    tpu.wait_indirect_dma semaphore(%arg12 : memref<!tpu.dma_semaphore, #tpu.memory_space<semaphore_mem>>) src(%arg8 : memref<128x128xf32, #tpu.memory_space<vmem>>) dst(%dma_wait3A_38 : memref<10240x128xf32, #tpu.memory_space<vmem_shared>>)
    %dma_wait3A_39 = arith.constant 0 : i32
    %dma_wait3A_40 = arith.constant 0 : i32
    %dma_wait3A_41 = tpu.memref_slice %arg7[%dma_wait3A_39, %dma_wait3A_40] : memref<40x128xi32, #tpu.memory_space<vmem>> -> memref<1x128xi32, #tpu.memory_space<vmem>>
    %dma_wait3A_42 = tpu.memref_squeeze %dma_wait3A_41 : memref<1x128xi32, #tpu.memory_space<vmem>> -> memref<128xi32, #tpu.memory_space<vmem>>
    %dma_wait3A_43 = arith.constant 0 : i32
    %dma_wait3A_44 = arith.constant 0 : i32
    %dma_wait3A_45 = tpu.memref_slice %arg14[%dma_wait3A_43, %dma_wait3A_44] : memref<10240x128xf32, #tpu.memory_space<vmem_shared>> -> memref<10240x128xf32, #tpu.memory_space<vmem_shared>>
    tpu.wait_indirect_dma semaphore(%arg13 : memref<!tpu.dma_semaphore, #tpu.memory_space<semaphore_mem>>) src(%arg9 : memref<128x128xf32, #tpu.memory_space<vmem>>) dst(%dma_wait3A_45 : memref<10240x128xf32, #tpu.memory_space<vmem_shared>>)
    %run_scoped3A_46 = arith.constant 1 : i32
    "tpu.region"() ({
      %run_scoped3A_125 = tpu.sem_alloc : memref<!tpu.dma_semaphore, #tpu.memory_space<semaphore_mem>>
      %dma_start3A = arith.constant 0 : i32
      %dma_start3A_126 = arith.constant 0 : i32
      %dma_start3A_127 = tpu.memref_slice %arg3[%arg0, %arg1, %run_scoped3A_46, %dma_start3A, %dma_start3A_126] : memref<2x16x2x40x128xi32, #tpu.memory_space<hbm>> -> memref<1x1x1x40x128xi32, #tpu.memory_space<hbm>>
      %dma_start3A_128 = tpu.memref_squeeze %dma_start3A_127 : memref<1x1x1x40x128xi32, #tpu.memory_space<hbm>> -> memref<40x128xi32, #tpu.memory_space<hbm>>
      %dma_start3A_129 = arith.constant 0 : i32
      %dma_start3A_130 = arith.constant 0 : i32
      %dma_start3A_131 = tpu.memref_slice %arg3[%arg0, %arg1, %run_scoped3A_46, %dma_start3A_129, %dma_start3A_130] : memref<2x16x2x40x128xi32, #tpu.memory_space<hbm>> -> memref<1x1x1x40x128xi32, #tpu.memory_space<hbm>>
      %dma_start3A_132 = tpu.memref_squeeze %dma_start3A_131 : memref<1x1x1x40x128xi32, #tpu.memory_space<hbm>> -> memref<40x128xi32, #tpu.memory_space<hbm>>
      tpu.enqueue_dma source(%dma_start3A_132 : memref<40x128xi32, #tpu.memory_space<hbm>>) target(%arg6 : memref<40x128xi32, #tpu.memory_space<vmem>>) target_semaphore(%run_scoped3A_125 : memref<!tpu.dma_semaphore, #tpu.memory_space<semaphore_mem>>)
      %dma_wait3A_133 = arith.constant 0 : i32
      %dma_wait3A_134 = arith.constant 0 : i32
      %dma_wait3A_135 = tpu.memref_slice %arg3[%arg0, %arg1, %run_scoped3A_46, %dma_wait3A_133, %dma_wait3A_134] : memref<2x16x2x40x128xi32, #tpu.memory_space<hbm>> -> memref<1x1x1x40x128xi32, #tpu.memory_space<hbm>>
      %dma_wait3A_136 = tpu.memref_squeeze %dma_wait3A_135 : memref<1x1x1x40x128xi32, #tpu.memory_space<hbm>> -> memref<40x128xi32, #tpu.memory_space<hbm>>
      %dma_wait3A_137 = arith.constant 0 : i32
      %dma_wait3A_138 = arith.constant 0 : i32
      %dma_wait3A_139 = tpu.memref_slice %arg3[%arg0, %arg1, %run_scoped3A_46, %dma_wait3A_137, %dma_wait3A_138] : memref<2x16x2x40x128xi32, #tpu.memory_space<hbm>> -> memref<1x1x1x40x128xi32, #tpu.memory_space<hbm>>
      %dma_wait3A_140 = tpu.memref_squeeze %dma_wait3A_139 : memref<1x1x1x40x128xi32, #tpu.memory_space<hbm>> -> memref<40x128xi32, #tpu.memory_space<hbm>>
      tpu.wait_dma2 semaphore(%run_scoped3A_125 : memref<!tpu.dma_semaphore, #tpu.memory_space<semaphore_mem>>) src(%dma_wait3A_140 : memref<40x128xi32, #tpu.memory_space<hbm>>) dst(%arg6 : memref<40x128xi32, #tpu.memory_space<vmem>>)
      tpu.yield
    }) : () -> ()
    %run_scoped3A_47 = arith.constant 1 : i32
    "tpu.region"() ({
      %run_scoped3A_125 = tpu.sem_alloc : memref<!tpu.dma_semaphore, #tpu.memory_space<semaphore_mem>>
      %dma_start3A = arith.constant 0 : i32
      %dma_start3A_126 = arith.constant 0 : i32
      %dma_start3A_127 = tpu.memref_slice %arg4[%arg1, %run_scoped3A_47, %dma_start3A, %dma_start3A_126] : memref<16x2x40x128xi32, #tpu.memory_space<hbm>> -> memref<1x1x40x128xi32, #tpu.memory_space<hbm>>
      %dma_start3A_128 = tpu.memref_squeeze %dma_start3A_127 : memref<1x1x40x128xi32, #tpu.memory_space<hbm>> -> memref<40x128xi32, #tpu.memory_space<hbm>>
      %dma_start3A_129 = arith.constant 0 : i32
      %dma_start3A_130 = arith.constant 0 : i32
      %dma_start3A_131 = tpu.memref_slice %arg4[%arg1, %run_scoped3A_47, %dma_start3A_129, %dma_start3A_130] : memref<16x2x40x128xi32, #tpu.memory_space<hbm>> -> memref<1x1x40x128xi32, #tpu.memory_space<hbm>>
      %dma_start3A_132 = tpu.memref_squeeze %dma_start3A_131 : memref<1x1x40x128xi32, #tpu.memory_space<hbm>> -> memref<40x128xi32, #tpu.memory_space<hbm>>
      tpu.enqueue_dma source(%dma_start3A_132 : memref<40x128xi32, #tpu.memory_space<hbm>>) target(%arg7 : memref<40x128xi32, #tpu.memory_space<vmem>>) target_semaphore(%run_scoped3A_125 : memref<!tpu.dma_semaphore, #tpu.memory_space<semaphore_mem>>)
      %dma_wait3A_133 = arith.constant 0 : i32
      %dma_wait3A_134 = arith.constant 0 : i32
      %dma_wait3A_135 = tpu.memref_slice %arg4[%arg1, %run_scoped3A_47, %dma_wait3A_133, %dma_wait3A_134] : memref<16x2x40x128xi32, #tpu.memory_space<hbm>> -> memref<1x1x40x128xi32, #tpu.memory_space<hbm>>
      %dma_wait3A_136 = tpu.memref_squeeze %dma_wait3A_135 : memref<1x1x40x128xi32, #tpu.memory_space<hbm>> -> memref<40x128xi32, #tpu.memory_space<hbm>>
      %dma_wait3A_137 = arith.constant 0 : i32
      %dma_wait3A_138 = arith.constant 0 : i32
      %dma_wait3A_139 = tpu.memref_slice %arg4[%arg1, %run_scoped3A_47, %dma_wait3A_137, %dma_wait3A_138] : memref<16x2x40x128xi32, #tpu.memory_space<hbm>> -> memref<1x1x40x128xi32, #tpu.memory_space<hbm>>
      %dma_wait3A_140 = tpu.memref_squeeze %dma_wait3A_139 : memref<1x1x40x128xi32, #tpu.memory_space<hbm>> -> memref<40x128xi32, #tpu.memory_space<hbm>>
      tpu.wait_dma2 semaphore(%run_scoped3A_125 : memref<!tpu.dma_semaphore, #tpu.memory_space<semaphore_mem>>) src(%dma_wait3A_140 : memref<40x128xi32, #tpu.memory_space<hbm>>) dst(%arg7 : memref<40x128xi32, #tpu.memory_space<vmem>>)
      tpu.yield
    }) : () -> ()
    %scan3A_48 = arith.constant 0 : i32
    %scan3A_49 = arith.constant 0 : i32
    %scan3A_50 = arith.constant 20 : i32
    %scan3A_51 = arith.addi %scan3A_49, %scan3A_50 : i32
    %scan3A_52 = arith.constant 1 : i32
    %scan3A_53 = scf.for %scan3A_125 = %scan3A_49 to %scan3A_51 step %scan3A_52 iter_args(%scan3A_126 = %scan3A_48) -> (i32)  : i32 {
      %mul3A_127 = arith.constant 2 : i32
      %mul3A_128 = arith.muli %mul3A_127, %scan3A_125 : i32
      %add3A_129 = arith.constant 0 : i32
      %add3A_130 = arith.addi %mul3A_128, %add3A_129 : i32
      %ge3A = arith.constant 2 : i32
      %ge3A_131 = arith.cmpi sge, %add3A_130, %ge3A : i32
      %convert_element_type3A = arith.extui %ge3A_131 : i1 to i32
      %cond3A = arith.constant 0 : i32
      %cond3A_132 = arith.cmpi ne, %convert_element_type3A, %cond3A : i32
      scf.if %cond3A_132 {
        %dma_wait3A_180 = arith.constant 0 : i32
        %dma_wait3A_181 = arith.constant 0 : i32
        %dma_wait3A_182 = tpu.memref_slice %arg7[%dma_wait3A_180, %dma_wait3A_181] : memref<40x128xi32, #tpu.memory_space<vmem>> -> memref<1x128xi32, #tpu.memory_space<vmem>>
        %dma_wait3A_183 = tpu.memref_squeeze %dma_wait3A_182 : memref<1x128xi32, #tpu.memory_space<vmem>> -> memref<128xi32, #tpu.memory_space<vmem>>
        %dma_wait3A_184 = arith.constant 0 : i32
        %dma_wait3A_185 = arith.constant 0 : i32
        %dma_wait3A_186 = tpu.memref_slice %arg14[%dma_wait3A_184, %dma_wait3A_185] : memref<10240x128xf32, #tpu.memory_space<vmem_shared>> -> memref<10240x128xf32, #tpu.memory_space<vmem_shared>>
        tpu.wait_indirect_dma semaphore(%arg12 : memref<!tpu.dma_semaphore, #tpu.memory_space<semaphore_mem>>) src(%arg8 : memref<128x128xf32, #tpu.memory_space<vmem>>) dst(%dma_wait3A_186 : memref<10240x128xf32, #tpu.memory_space<vmem_shared>>)
      } else {
      }
      %dma_start3A = arith.constant 0 : i32
      %dma_start3A_133 = tpu.memref_slice %arg6[%add3A_130, %dma_start3A] : memref<40x128xi32, #tpu.memory_space<vmem>> -> memref<1x128xi32, #tpu.memory_space<vmem>>
      %dma_start3A_134 = tpu.memref_squeeze %dma_start3A_133 : memref<1x128xi32, #tpu.memory_space<vmem>> -> memref<128xi32, #tpu.memory_space<vmem>>
      %dma_start3A_135 = arith.constant 0 : i32
      %dma_start3A_136 = arith.constant 0 : i32
      %dma_start3A_137 = tpu.memref_slice %arg2[%dma_start3A_135, %dma_start3A_136] : memref<20480x128xf32, #tpu.memory_space<hbm>> -> memref<20480x128xf32, #tpu.memory_space<hbm>>
      tpu.enqueue_indirect_dma source(%dma_start3A_137 : memref<20480x128xf32, #tpu.memory_space<hbm>>) target(%arg8 : memref<128x128xf32, #tpu.memory_space<vmem>>) offsets(%dma_start3A_134 : memref<128xi32, #tpu.memory_space<vmem>>) semaphore(%arg10 : memref<!tpu.dma_semaphore, #tpu.memory_space<semaphore_mem>>)
      %dma_wait3A_138 = arith.constant 0 : i32
      %dma_wait3A_139 = arith.constant 0 : i32
      %dma_wait3A_140 = tpu.memref_slice %arg6[%dma_wait3A_138, %dma_wait3A_139] : memref<40x128xi32, #tpu.memory_space<vmem>> -> memref<1x128xi32, #tpu.memory_space<vmem>>
      %dma_wait3A_141 = tpu.memref_squeeze %dma_wait3A_140 : memref<1x128xi32, #tpu.memory_space<vmem>> -> memref<128xi32, #tpu.memory_space<vmem>>
      %dma_wait3A_142 = arith.constant 0 : i32
      %dma_wait3A_143 = arith.constant 0 : i32
      %dma_wait3A_144 = tpu.memref_slice %arg2[%dma_wait3A_142, %dma_wait3A_143] : memref<20480x128xf32, #tpu.memory_space<hbm>> -> memref<20480x128xf32, #tpu.memory_space<hbm>>
      tpu.wait_indirect_dma semaphore(%arg10 : memref<!tpu.dma_semaphore, #tpu.memory_space<semaphore_mem>>) src(%dma_wait3A_144 : memref<20480x128xf32, #tpu.memory_space<hbm>>) dst(%arg8 : memref<128x128xf32, #tpu.memory_space<vmem>>)
      %dma_start3A_145 = arith.constant 0 : i32
      %dma_start3A_146 = tpu.memref_slice %arg7[%add3A_130, %dma_start3A_145] : memref<40x128xi32, #tpu.memory_space<vmem>> -> memref<1x128xi32, #tpu.memory_space<vmem>>
      %dma_start3A_147 = tpu.memref_squeeze %dma_start3A_146 : memref<1x128xi32, #tpu.memory_space<vmem>> -> memref<128xi32, #tpu.memory_space<vmem>>
      %dma_start3A_148 = arith.constant 0 : i32
      %dma_start3A_149 = arith.constant 0 : i32
      %dma_start3A_150 = tpu.memref_slice %arg14[%dma_start3A_148, %dma_start3A_149] : memref<10240x128xf32, #tpu.memory_space<vmem_shared>> -> memref<10240x128xf32, #tpu.memory_space<vmem_shared>>
      tpu.enqueue_indirect_dma source(%arg8 : memref<128x128xf32, #tpu.memory_space<vmem>>) target(%dma_start3A_150 : memref<10240x128xf32, #tpu.memory_space<vmem_shared>>) offsets(%dma_start3A_147 : memref<128xi32, #tpu.memory_space<vmem>>) semaphore(%arg12 : memref<!tpu.dma_semaphore, #tpu.memory_space<semaphore_mem>>) {add = true}
      %mul3A_151 = arith.constant 2 : i32
      %mul3A_152 = arith.muli %mul3A_151, %scan3A_125 : i32
      %add3A_153 = arith.constant 1 : i32
      %add3A_154 = arith.addi %mul3A_152, %add3A_153 : i32
      %ge3A_155 = arith.constant 2 : i32
      %ge3A_156 = arith.cmpi sge, %add3A_154, %ge3A_155 : i32
      %convert_element_type3A_157 = arith.extui %ge3A_156 : i1 to i32
      %cond3A_158 = arith.constant 0 : i32
      %cond3A_159 = arith.cmpi ne, %convert_element_type3A_157, %cond3A_158 : i32
      scf.if %cond3A_159 {
        %dma_wait3A_180 = arith.constant 0 : i32
        %dma_wait3A_181 = arith.constant 0 : i32
        %dma_wait3A_182 = tpu.memref_slice %arg7[%dma_wait3A_180, %dma_wait3A_181] : memref<40x128xi32, #tpu.memory_space<vmem>> -> memref<1x128xi32, #tpu.memory_space<vmem>>
        %dma_wait3A_183 = tpu.memref_squeeze %dma_wait3A_182 : memref<1x128xi32, #tpu.memory_space<vmem>> -> memref<128xi32, #tpu.memory_space<vmem>>
        %dma_wait3A_184 = arith.constant 0 : i32
        %dma_wait3A_185 = arith.constant 0 : i32
        %dma_wait3A_186 = tpu.memref_slice %arg14[%dma_wait3A_184, %dma_wait3A_185] : memref<10240x128xf32, #tpu.memory_space<vmem_shared>> -> memref<10240x128xf32, #tpu.memory_space<vmem_shared>>
        tpu.wait_indirect_dma semaphore(%arg13 : memref<!tpu.dma_semaphore, #tpu.memory_space<semaphore_mem>>) src(%arg9 : memref<128x128xf32, #tpu.memory_space<vmem>>) dst(%dma_wait3A_186 : memref<10240x128xf32, #tpu.memory_space<vmem_shared>>)
      } else {
      }
      %dma_start3A_160 = arith.constant 0 : i32
      %dma_start3A_161 = tpu.memref_slice %arg6[%add3A_154, %dma_start3A_160] : memref<40x128xi32, #tpu.memory_space<vmem>> -> memref<1x128xi32, #tpu.memory_space<vmem>>
      %dma_start3A_162 = tpu.memref_squeeze %dma_start3A_161 : memref<1x128xi32, #tpu.memory_space<vmem>> -> memref<128xi32, #tpu.memory_space<vmem>>
      %dma_start3A_163 = arith.constant 0 : i32
      %dma_start3A_164 = arith.constant 0 : i32
      %dma_start3A_165 = tpu.memref_slice %arg2[%dma_start3A_163, %dma_start3A_164] : memref<20480x128xf32, #tpu.memory_space<hbm>> -> memref<20480x128xf32, #tpu.memory_space<hbm>>
      tpu.enqueue_indirect_dma source(%dma_start3A_165 : memref<20480x128xf32, #tpu.memory_space<hbm>>) target(%arg9 : memref<128x128xf32, #tpu.memory_space<vmem>>) offsets(%dma_start3A_162 : memref<128xi32, #tpu.memory_space<vmem>>) semaphore(%arg11 : memref<!tpu.dma_semaphore, #tpu.memory_space<semaphore_mem>>)
      %dma_wait3A_166 = arith.constant 0 : i32
      %dma_wait3A_167 = arith.constant 0 : i32
      %dma_wait3A_168 = tpu.memref_slice %arg6[%dma_wait3A_166, %dma_wait3A_167] : memref<40x128xi32, #tpu.memory_space<vmem>> -> memref<1x128xi32, #tpu.memory_space<vmem>>
      %dma_wait3A_169 = tpu.memref_squeeze %dma_wait3A_168 : memref<1x128xi32, #tpu.memory_space<vmem>> -> memref<128xi32, #tpu.memory_space<vmem>>
      %dma_wait3A_170 = arith.constant 0 : i32
      %dma_wait3A_171 = arith.constant 0 : i32
      %dma_wait3A_172 = tpu.memref_slice %arg2[%dma_wait3A_170, %dma_wait3A_171] : memref<20480x128xf32, #tpu.memory_space<hbm>> -> memref<20480x128xf32, #tpu.memory_space<hbm>>
      tpu.wait_indirect_dma semaphore(%arg11 : memref<!tpu.dma_semaphore, #tpu.memory_space<semaphore_mem>>) src(%dma_wait3A_172 : memref<20480x128xf32, #tpu.memory_space<hbm>>) dst(%arg9 : memref<128x128xf32, #tpu.memory_space<vmem>>)
      %dma_start3A_173 = arith.constant 0 : i32
      %dma_start3A_174 = tpu.memref_slice %arg7[%add3A_154, %dma_start3A_173] : memref<40x128xi32, #tpu.memory_space<vmem>> -> memref<1x128xi32, #tpu.memory_space<vmem>>
      %dma_start3A_175 = tpu.memref_squeeze %dma_start3A_174 : memref<1x128xi32, #tpu.memory_space<vmem>> -> memref<128xi32, #tpu.memory_space<vmem>>
      %dma_start3A_176 = arith.constant 0 : i32
      %dma_start3A_177 = arith.constant 0 : i32
      %dma_start3A_178 = tpu.memref_slice %arg14[%dma_start3A_176, %dma_start3A_177] : memref<10240x128xf32, #tpu.memory_space<vmem_shared>> -> memref<10240x128xf32, #tpu.memory_space<vmem_shared>>
      tpu.enqueue_indirect_dma source(%arg9 : memref<128x128xf32, #tpu.memory_space<vmem>>) target(%dma_start3A_178 : memref<10240x128xf32, #tpu.memory_space<vmem_shared>>) offsets(%dma_start3A_175 : memref<128xi32, #tpu.memory_space<vmem>>) semaphore(%arg13 : memref<!tpu.dma_semaphore, #tpu.memory_space<semaphore_mem>>) {add = true}
      %scan3A_179 = arith.constant 0 : i32
      scf.yield %scan3A_179 : i32
    }
    %scan3A_54 = arith.constant 20 : i32
    %dma_wait3A_55 = arith.constant 0 : i32
    %dma_wait3A_56 = arith.constant 0 : i32
    %dma_wait3A_57 = tpu.memref_slice %arg7[%dma_wait3A_55, %dma_wait3A_56] : memref<40x128xi32, #tpu.memory_space<vmem>> -> memref<1x128xi32, #tpu.memory_space<vmem>>
    %dma_wait3A_58 = tpu.memref_squeeze %dma_wait3A_57 : memref<1x128xi32, #tpu.memory_space<vmem>> -> memref<128xi32, #tpu.memory_space<vmem>>
    %dma_wait3A_59 = arith.constant 0 : i32
    %dma_wait3A_60 = arith.constant 0 : i32
    %dma_wait3A_61 = tpu.memref_slice %arg14[%dma_wait3A_59, %dma_wait3A_60] : memref<10240x128xf32, #tpu.memory_space<vmem_shared>> -> memref<10240x128xf32, #tpu.memory_space<vmem_shared>>
    tpu.wait_indirect_dma semaphore(%arg12 : memref<!tpu.dma_semaphore, #tpu.memory_space<semaphore_mem>>) src(%arg8 : memref<128x128xf32, #tpu.memory_space<vmem>>) dst(%dma_wait3A_61 : memref<10240x128xf32, #tpu.memory_space<vmem_shared>>)
    %dma_wait3A_62 = arith.constant 0 : i32
    %dma_wait3A_63 = arith.constant 0 : i32
    %dma_wait3A_64 = tpu.memref_slice %arg7[%dma_wait3A_62, %dma_wait3A_63] : memref<40x128xi32, #tpu.memory_space<vmem>> -> memref<1x128xi32, #tpu.memory_space<vmem>>
    %dma_wait3A_65 = tpu.memref_squeeze %dma_wait3A_64 : memref<1x128xi32, #tpu.memory_space<vmem>> -> memref<128xi32, #tpu.memory_space<vmem>>
    %dma_wait3A_66 = arith.constant 0 : i32
    %dma_wait3A_67 = arith.constant 0 : i32
    %dma_wait3A_68 = tpu.memref_slice %arg14[%dma_wait3A_66, %dma_wait3A_67] : memref<10240x128xf32, #tpu.memory_space<vmem_shared>> -> memref<10240x128xf32, #tpu.memory_space<vmem_shared>>
    tpu.wait_indirect_dma semaphore(%arg13 : memref<!tpu.dma_semaphore, #tpu.memory_space<semaphore_mem>>) src(%arg9 : memref<128x128xf32, #tpu.memory_space<vmem>>) dst(%dma_wait3A_68 : memref<10240x128xf32, #tpu.memory_space<vmem_shared>>)
    %barrier3A_69 = arith.constant 0 : index
    tpu.barrier barrier_id(%barrier3A_69)
    %mul3A_70 = arith.constant 640 : i32
    %mul3A_71 = arith.muli %arg1, %mul3A_70 : i32
    %add3A_72 = arith.constant 0 : i32
    %add3A_73 = arith.addi %mul3A_71, %add3A_72 : i32
    %mul3A_74 = arith.constant 10240 : i32
    %mul3A_75 = arith.muli %arg0, %mul3A_74 : i32
    %mul3A_76 = arith.constant 640 : i32
    %mul3A_77 = arith.muli %arg1, %mul3A_76 : i32
    %add3A_78 = arith.addi %mul3A_75, %mul3A_77 : i32
    %add3A_79 = arith.constant 0 : i32
    %add3A_80 = arith.addi %add3A_78, %add3A_79 : i32
    "tpu.region"() ({
      %run_scoped3A_125 = tpu.sem_alloc : memref<!tpu.dma_semaphore, #tpu.memory_space<semaphore_mem>>
      %dma_start3A = arith.constant 0 : i32
      %dma_start3A_126 = tpu.memref_slice %arg5[%add3A_80, %dma_start3A] : memref<20480x128xf32, #tpu.memory_space<hbm>> -> memref<128x128xf32, #tpu.memory_space<hbm>>
      %dma_start3A_127 = arith.constant 0 : i32
      %dma_start3A_128 = tpu.memref_slice %arg14[%add3A_73, %dma_start3A_127] : memref<10240x128xf32, #tpu.memory_space<vmem_shared>> -> memref<128x128xf32, #tpu.memory_space<vmem_shared>>
      tpu.enqueue_dma source(%dma_start3A_128 : memref<128x128xf32, #tpu.memory_space<vmem_shared>>) target(%dma_start3A_126 : memref<128x128xf32, #tpu.memory_space<hbm>>) target_semaphore(%run_scoped3A_125 : memref<!tpu.dma_semaphore, #tpu.memory_space<semaphore_mem>>)
      %dma_wait3A_129 = arith.constant 0 : i32
      %dma_wait3A_130 = tpu.memref_slice %arg5[%add3A_80, %dma_wait3A_129] : memref<20480x128xf32, #tpu.memory_space<hbm>> -> memref<128x128xf32, #tpu.memory_space<hbm>>
      %dma_wait3A_131 = arith.constant 0 : i32
      %dma_wait3A_132 = tpu.memref_slice %arg14[%add3A_73, %dma_wait3A_131] : memref<10240x128xf32, #tpu.memory_space<vmem_shared>> -> memref<128x128xf32, #tpu.memory_space<vmem_shared>>
      tpu.wait_dma2 semaphore(%run_scoped3A_125 : memref<!tpu.dma_semaphore, #tpu.memory_space<semaphore_mem>>) src(%dma_wait3A_132 : memref<128x128xf32, #tpu.memory_space<vmem_shared>>) dst(%dma_wait3A_130 : memref<128x128xf32, #tpu.memory_space<hbm>>)
      tpu.yield
    }) : () -> ()
    %mul3A_81 = arith.constant 640 : i32
    %mul3A_82 = arith.muli %arg1, %mul3A_81 : i32
    %add3A_83 = arith.constant 128 : i32
    %add3A_84 = arith.addi %mul3A_82, %add3A_83 : i32
    %mul3A_85 = arith.constant 10240 : i32
    %mul3A_86 = arith.muli %arg0, %mul3A_85 : i32
    %mul3A_87 = arith.constant 640 : i32
    %mul3A_88 = arith.muli %arg1, %mul3A_87 : i32
    %add3A_89 = arith.addi %mul3A_86, %mul3A_88 : i32
    %add3A_90 = arith.constant 128 : i32
    %add3A_91 = arith.addi %add3A_89, %add3A_90 : i32
    "tpu.region"() ({
      %run_scoped3A_125 = tpu.sem_alloc : memref<!tpu.dma_semaphore, #tpu.memory_space<semaphore_mem>>
      %dma_start3A = arith.constant 0 : i32
      %dma_start3A_126 = tpu.memref_slice %arg5[%add3A_91, %dma_start3A] : memref<20480x128xf32, #tpu.memory_space<hbm>> -> memref<128x128xf32, #tpu.memory_space<hbm>>
      %dma_start3A_127 = arith.constant 0 : i32
      %dma_start3A_128 = tpu.memref_slice %arg14[%add3A_84, %dma_start3A_127] : memref<10240x128xf32, #tpu.memory_space<vmem_shared>> -> memref<128x128xf32, #tpu.memory_space<vmem_shared>>
      tpu.enqueue_dma source(%dma_start3A_128 : memref<128x128xf32, #tpu.memory_space<vmem_shared>>) target(%dma_start3A_126 : memref<128x128xf32, #tpu.memory_space<hbm>>) target_semaphore(%run_scoped3A_125 : memref<!tpu.dma_semaphore, #tpu.memory_space<semaphore_mem>>)
      %dma_wait3A_129 = arith.constant 0 : i32
      %dma_wait3A_130 = tpu.memref_slice %arg5[%add3A_91, %dma_wait3A_129] : memref<20480x128xf32, #tpu.memory_space<hbm>> -> memref<128x128xf32, #tpu.memory_space<hbm>>
      %dma_wait3A_131 = arith.constant 0 : i32
      %dma_wait3A_132 = tpu.memref_slice %arg14[%add3A_84, %dma_wait3A_131] : memref<10240x128xf32, #tpu.memory_space<vmem_shared>> -> memref<128x128xf32, #tpu.memory_space<vmem_shared>>
      tpu.wait_dma2 semaphore(%run_scoped3A_125 : memref<!tpu.dma_semaphore, #tpu.memory_space<semaphore_mem>>) src(%dma_wait3A_132 : memref<128x128xf32, #tpu.memory_space<vmem_shared>>) dst(%dma_wait3A_130 : memref<128x128xf32, #tpu.memory_space<hbm>>)
      tpu.yield
    }) : () -> ()
    %mul3A_92 = arith.constant 640 : i32
    %mul3A_93 = arith.muli %arg1, %mul3A_92 : i32
    %add3A_94 = arith.constant 256 : i32
    %add3A_95 = arith.addi %mul3A_93, %add3A_94 : i32
    %mul3A_96 = arith.constant 10240 : i32
    %mul3A_97 = arith.muli %arg0, %mul3A_96 : i32
    %mul3A_98 = arith.constant 640 : i32
    %mul3A_99 = arith.muli %arg1, %mul3A_98 : i32
    %add3A_100 = arith.addi %mul3A_97, %mul3A_99 : i32
    %add3A_101 = arith.constant 256 : i32
    %add3A_102 = arith.addi %add3A_100, %add3A_101 : i32
    "tpu.region"() ({
      %run_scoped3A_125 = tpu.sem_alloc : memref<!tpu.dma_semaphore, #tpu.memory_space<semaphore_mem>>
      %dma_start3A = arith.constant 0 : i32
      %dma_start3A_126 = tpu.memref_slice %arg5[%add3A_102, %dma_start3A] : memref<20480x128xf32, #tpu.memory_space<hbm>> -> memref<128x128xf32, #tpu.memory_space<hbm>>
      %dma_start3A_127 = arith.constant 0 : i32
      %dma_start3A_128 = tpu.memref_slice %arg14[%add3A_95, %dma_start3A_127] : memref<10240x128xf32, #tpu.memory_space<vmem_shared>> -> memref<128x128xf32, #tpu.memory_space<vmem_shared>>
      tpu.enqueue_dma source(%dma_start3A_128 : memref<128x128xf32, #tpu.memory_space<vmem_shared>>) target(%dma_start3A_126 : memref<128x128xf32, #tpu.memory_space<hbm>>) target_semaphore(%run_scoped3A_125 : memref<!tpu.dma_semaphore, #tpu.memory_space<semaphore_mem>>)
      %dma_wait3A_129 = arith.constant 0 : i32
      %dma_wait3A_130 = tpu.memref_slice %arg5[%add3A_102, %dma_wait3A_129] : memref<20480x128xf32, #tpu.memory_space<hbm>> -> memref<128x128xf32, #tpu.memory_space<hbm>>
      %dma_wait3A_131 = arith.constant 0 : i32
      %dma_wait3A_132 = tpu.memref_slice %arg14[%add3A_95, %dma_wait3A_131] : memref<10240x128xf32, #tpu.memory_space<vmem_shared>> -> memref<128x128xf32, #tpu.memory_space<vmem_shared>>
      tpu.wait_dma2 semaphore(%run_scoped3A_125 : memref<!tpu.dma_semaphore, #tpu.memory_space<semaphore_mem>>) src(%dma_wait3A_132 : memref<128x128xf32, #tpu.memory_space<vmem_shared>>) dst(%dma_wait3A_130 : memref<128x128xf32, #tpu.memory_space<hbm>>)
      tpu.yield
    }) : () -> ()
    %mul3A_103 = arith.constant 640 : i32
    %mul3A_104 = arith.muli %arg1, %mul3A_103 : i32
    %add3A_105 = arith.constant 384 : i32
    %add3A_106 = arith.addi %mul3A_104, %add3A_105 : i32
    %mul3A_107 = arith.constant 10240 : i32
    %mul3A_108 = arith.muli %arg0, %mul3A_107 : i32
    %mul3A_109 = arith.constant 640 : i32
    %mul3A_110 = arith.muli %arg1, %mul3A_109 : i32
    %add3A_111 = arith.addi %mul3A_108, %mul3A_110 : i32
    %add3A_112 = arith.constant 384 : i32
    %add3A_113 = arith.addi %add3A_111, %add3A_112 : i32
    "tpu.region"() ({
      %run_scoped3A_125 = tpu.sem_alloc : memref<!tpu.dma_semaphore, #tpu.memory_space<semaphore_mem>>
      %dma_start3A = arith.constant 0 : i32
      %dma_start3A_126 = tpu.memref_slice %arg5[%add3A_113, %dma_start3A] : memref<20480x128xf32, #tpu.memory_space<hbm>> -> memref<128x128xf32, #tpu.memory_space<hbm>>
      %dma_start3A_127 = arith.constant 0 : i32
      %dma_start3A_128 = tpu.memref_slice %arg14[%add3A_106, %dma_start3A_127] : memref<10240x128xf32, #tpu.memory_space<vmem_shared>> -> memref<128x128xf32, #tpu.memory_space<vmem_shared>>
      tpu.enqueue_dma source(%dma_start3A_128 : memref<128x128xf32, #tpu.memory_space<vmem_shared>>) target(%dma_start3A_126 : memref<128x128xf32, #tpu.memory_space<hbm>>) target_semaphore(%run_scoped3A_125 : memref<!tpu.dma_semaphore, #tpu.memory_space<semaphore_mem>>)
      %dma_wait3A_129 = arith.constant 0 : i32
      %dma_wait3A_130 = tpu.memref_slice %arg5[%add3A_113, %dma_wait3A_129] : memref<20480x128xf32, #tpu.memory_space<hbm>> -> memref<128x128xf32, #tpu.memory_space<hbm>>
      %dma_wait3A_131 = arith.constant 0 : i32
      %dma_wait3A_132 = tpu.memref_slice %arg14[%add3A_106, %dma_wait3A_131] : memref<10240x128xf32, #tpu.memory_space<vmem_shared>> -> memref<128x128xf32, #tpu.memory_space<vmem_shared>>
      tpu.wait_dma2 semaphore(%run_scoped3A_125 : memref<!tpu.dma_semaphore, #tpu.memory_space<semaphore_mem>>) src(%dma_wait3A_132 : memref<128x128xf32, #tpu.memory_space<vmem_shared>>) dst(%dma_wait3A_130 : memref<128x128xf32, #tpu.memory_space<hbm>>)
      tpu.yield
    }) : () -> ()
    %mul3A_114 = arith.constant 640 : i32
    %mul3A_115 = arith.muli %arg1, %mul3A_114 : i32
    %add3A_116 = arith.constant 512 : i32
    %add3A_117 = arith.addi %mul3A_115, %add3A_116 : i32
    %mul3A_118 = arith.constant 10240 : i32
    %mul3A_119 = arith.muli %arg0, %mul3A_118 : i32
    %mul3A_120 = arith.constant 640 : i32
    %mul3A_121 = arith.muli %arg1, %mul3A_120 : i32
    %add3A_122 = arith.addi %mul3A_119, %mul3A_121 : i32
    %add3A_123 = arith.constant 512 : i32
    %add3A_124 = arith.addi %add3A_122, %add3A_123 : i32
    "tpu.region"() ({
      %run_scoped3A_125 = tpu.sem_alloc : memref<!tpu.dma_semaphore, #tpu.memory_space<semaphore_mem>>
      %dma_start3A = arith.constant 0 : i32
      %dma_start3A_126 = tpu.memref_slice %arg5[%add3A_124, %dma_start3A] : memref<20480x128xf32, #tpu.memory_space<hbm>> -> memref<128x128xf32, #tpu.memory_space<hbm>>
      %dma_start3A_127 = arith.constant 0 : i32
      %dma_start3A_128 = tpu.memref_slice %arg14[%add3A_117, %dma_start3A_127] : memref<10240x128xf32, #tpu.memory_space<vmem_shared>> -> memref<128x128xf32, #tpu.memory_space<vmem_shared>>
      tpu.enqueue_dma source(%dma_start3A_128 : memref<128x128xf32, #tpu.memory_space<vmem_shared>>) target(%dma_start3A_126 : memref<128x128xf32, #tpu.memory_space<hbm>>) target_semaphore(%run_scoped3A_125 : memref<!tpu.dma_semaphore, #tpu.memory_space<semaphore_mem>>)
      %dma_wait3A_129 = arith.constant 0 : i32
      %dma_wait3A_130 = tpu.memref_slice %arg5[%add3A_124, %dma_wait3A_129] : memref<20480x128xf32, #tpu.memory_space<hbm>> -> memref<128x128xf32, #tpu.memory_space<hbm>>
      %dma_wait3A_131 = arith.constant 0 : i32
      %dma_wait3A_132 = tpu.memref_slice %arg14[%add3A_117, %dma_wait3A_131] : memref<10240x128xf32, #tpu.memory_space<vmem_shared>> -> memref<128x128xf32, #tpu.memory_space<vmem_shared>>
      tpu.wait_dma2 semaphore(%run_scoped3A_125 : memref<!tpu.dma_semaphore, #tpu.memory_space<semaphore_mem>>) src(%dma_wait3A_132 : memref<128x128xf32, #tpu.memory_space<vmem_shared>>) dst(%dma_wait3A_130 : memref<128x128xf32, #tpu.memory_space<hbm>>)
      tpu.yield
    }) : () -> ()
    return
  }
}

#map = affine_map<(d0, d1) -> (0, 0)>
#map1 = affine_map<(d0, d1) -> (0, 0, 0, 0, 0)>
#map2 = affine_map<(d0, d1) -> (0, 0, 0, 0)>
module attributes {stable_mosaic.version = 14 : i64} {
  func.func @body(%arg0: i32, %arg1: i32, %arg2: memref<20480x128xf32, #tpu.memory_space<hbm>>, %arg3: memref<2x16x2x40x128xi32, #tpu.memory_space<hbm>>, %arg4: memref<16x2x40x128xi32, #tpu.memory_space<hbm>>, %arg5: memref<20480x128xf32, #tpu.memory_space<hbm>>, %arg6: memref<40x128xi32, #tpu.memory_space<vmem>>, %arg7: memref<40x128xi32, #tpu.memory_space<vmem>>, %arg8: memref<128x128xf32, #tpu.memory_space<vmem>>, %arg9: memref<128x128xf32, #tpu.memory_space<vmem>>, %arg10: memref<!tpu.dma_semaphore, #tpu.memory_space<semaphore_mem>>, %arg11: memref<!tpu.dma_semaphore, #tpu.memory_space<semaphore_mem>>, %arg12: memref<!tpu.dma_semaphore, #tpu.memory_space<semaphore_mem>>, %arg13: memref<!tpu.dma_semaphore, #tpu.memory_space<semaphore_mem>>, %arg14: memref<10240x128xf32, #tpu.memory_space<vmem_shared>>) attributes {dimension_semantics = [#tpu.dimension_semantics<core_parallel>, #tpu.dimension_semantics<subcore_parallel>], iteration_bounds = array<i64: 2, 16>, scalar_prefetch = 0 : i64, scratch_operands = 9 : i64, tpu.core_type = #tpu.core_type<sc_vector_subcore>, window_params = [{transform_indices = #map}, {transform_indices = #map1}, {transform_indices = #map2}, {transform_indices = #map}]} {
    %broadcast_in_dim3A = arith.constant 0.000000e+00 : f32
    %broadcast_in_dim3A_0 = vector.broadcast %broadcast_in_dim3A : f32 to vector<16xf32>
    %scan3A = arith.constant 0 : i32
    %scan3A_1 = arith.constant 0 : i32
    %scan3A_2 = arith.constant 128 : i32
    %scan3A_3 = arith.addi %scan3A_1, %scan3A_2 : i32
    %scan3A_4 = arith.constant 1 : i32
    %scan3A_5 = scf.for %scan3A_125 = %scan3A_1 to %scan3A_3 step %scan3A_4 iter_args(%scan3A_126 = %scan3A) -> (i32)  : i32 {
      %swap3A = arith.index_cast %scan3A_125 : i32 to index
      %swap3A_127 = arith.constant 0 : index
      %swap3A_128 = tpu.vector_load %arg8[%swap3A, %swap3A_127] {strides = array<i32>} : memref<128x128xf32, #tpu.memory_space<vmem>>, vector<16xf32>,
      tpu.vector_store %arg8[%swap3A, %swap3A_127], %broadcast_in_dim3A_0 {strides = array<i32>} : memref<128x128xf32, #tpu.memory_space<vmem>>, vector<16xf32>,
      %swap3A_129 = arith.index_cast %scan3A_125 : i32 to index
      %swap3A_130 = arith.constant 16 : index
      %swap3A_131 = tpu.vector_load %arg8[%swap3A_129, %swap3A_130] {strides = array<i32>} : memref<128x128xf32, #tpu.memory_space<vmem>>, vector<16xf32>,
      tpu.vector_store %arg8[%swap3A_129, %swap3A_130], %broadcast_in_dim3A_0 {strides = array<i32>} : memref<128x128xf32, #tpu.memory_space<vmem>>, vector<16xf32>,
      %swap3A_132 = arith.index_cast %scan3A_125 : i32 to index
      %swap3A_133 = arith.constant 32 : index
      %swap3A_134 = tpu.vector_load %arg8[%swap3A_132, %swap3A_133] {strides = array<i32>} : memref<128x128xf32, #tpu.memory_space<vmem>>, vector<16xf32>,
      tpu.vector_store %arg8[%swap3A_132, %swap3A_133], %broadcast_in_dim3A_0 {strides = array<i32>} : memref<128x128xf32, #tpu.memory_space<vmem>>, vector<16xf32>,
      %swap3A_135 = arith.index_cast %scan3A_125 : i32 to index
      %swap3A_136 = arith.constant 48 : index
      %swap3A_137 = tpu.vector_load %arg8[%swap3A_135, %swap3A_136] {strides = array<i32>} : memref<128x128xf32, #tpu.memory_space<vmem>>, vector<16xf32>,
      tpu.vector_store %arg8[%swap3A_135, %swap3A_136], %broadcast_in_dim3A_0 {strides = array<i32>} : memref<128x128xf32, #tpu.memory_space<vmem>>, vector<16xf32>,
      %swap3A_138 = arith.index_cast %scan3A_125 : i32 to index
      %swap3A_139 = arith.constant 64 : index
      %swap3A_140 = tpu.vector_load %arg8[%swap3A_138, %swap3A_139] {strides = array<i32>} : memref<128x128xf32, #tpu.memory_space<vmem>>, vector<16xf32>,
      tpu.vector_store %arg8[%swap3A_138, %swap3A_139], %broadcast_in_dim3A_0 {strides = array<i32>} : memref<128x128xf32, #tpu.memory_space<vmem>>, vector<16xf32>,
      %swap3A_141 = arith.index_cast %scan3A_125 : i32 to index
      %swap3A_142 = arith.constant 80 : index
      %swap3A_143 = tpu.vector_load %arg8[%swap3A_141, %swap3A_142] {strides = array<i32>} : memref<128x128xf32, #tpu.memory_space<vmem>>, vector<16xf32>,
      tpu.vector_store %arg8[%swap3A_141, %swap3A_142], %broadcast_in_dim3A_0 {strides = array<i32>} : memref<128x128xf32, #tpu.memory_space<vmem>>, vector<16xf32>,
      %swap3A_144 = arith.index_cast %scan3A_125 : i32 to index
      %swap3A_145 = arith.constant 96 : index
      %swap3A_146 = tpu.vector_load %arg8[%swap3A_144, %swap3A_145] {strides = array<i32>} : memref<128x128xf32, #tpu.memory_space<vmem>>, vector<16xf32>,
      tpu.vector_store %arg8[%swap3A_144, %swap3A_145], %broadcast_in_dim3A_0 {strides = array<i32>} : memref<128x128xf32, #tpu.memory_space<vmem>>, vector<16xf32>,
      %swap3A_147 = arith.index_cast %scan3A_125 : i32 to index
      %swap3A_148 = arith.constant 112 : index
      %swap3A_149 = tpu.vector_load %arg8[%swap3A_147, %swap3A_148] {strides = array<i32>} : memref<128x128xf32, #tpu.memory_space<vmem>>, vector<16xf32>,
      tpu.vector_store %arg8[%swap3A_147, %swap3A_148], %broadcast_in_dim3A_0 {strides = array<i32>} : memref<128x128xf32, #tpu.memory_space<vmem>>, vector<16xf32>,
      %scan3A_150 = arith.constant 0 : i32
      scf.yield %scan3A_150 : i32
    }
    %scan3A_6 = arith.constant 128 : i32
    %mul3A = arith.constant 640 : i32
    %mul3A_7 = arith.muli %arg1, %mul3A : i32
    %add3A = arith.constant 0 : i32
    %add3A_8 = arith.addi %mul3A_7, %add3A : i32
    "tpu.region"() ({
      %run_scoped3A_125 = tpu.sem_alloc : memref<!tpu.dma_semaphore, #tpu.memory_space<semaphore_mem>>
      %dma_start3A = arith.constant 0 : i32
      %dma_start3A_126 = tpu.memref_slice %arg14[%add3A_8, %dma_start3A] : memref<10240x128xf32, #tpu.memory_space<vmem_shared>> -> memref<128x128xf32, #tpu.memory_space<vmem_shared>>
      %dma_start3A_127 = arith.constant 0 : i32
      %dma_start3A_128 = tpu.memref_slice %arg14[%add3A_8, %dma_start3A_127] : memref<10240x128xf32, #tpu.memory_space<vmem_shared>> -> memref<128x128xf32, #tpu.memory_space<vmem_shared>>
      tpu.enqueue_dma source(%arg8 : memref<128x128xf32, #tpu.memory_space<vmem>>) target(%dma_start3A_128 : memref<128x128xf32, #tpu.memory_space<vmem_shared>>) target_semaphore(%run_scoped3A_125 : memref<!tpu.dma_semaphore, #tpu.memory_space<semaphore_mem>>)
      %dma_wait3A_129 = arith.constant 0 : i32
      %dma_wait3A_130 = tpu.memref_slice %arg14[%add3A_8, %dma_wait3A_129] : memref<10240x128xf32, #tpu.memory_space<vmem_shared>> -> memref<128x128xf32, #tpu.memory_space<vmem_shared>>
      %dma_wait3A_131 = arith.constant 0 : i32
      %dma_wait3A_132 = tpu.memref_slice %arg14[%add3A_8, %dma_wait3A_131] : memref<10240x128xf32, #tpu.memory_space<vmem_shared>> -> memref<128x128xf32, #tpu.memory_space<vmem_shared>>
      tpu.wait_dma2 semaphore(%run_scoped3A_125 : memref<!tpu.dma_semaphore, #tpu.memory_space<semaphore_mem>>) src(%arg8 : memref<128x128xf32, #tpu.memory_space<vmem>>) dst(%dma_wait3A_132 : memref<128x128xf32, #tpu.memory_space<vmem_shared>>)
      tpu.yield
    }) : () -> ()
    %mul3A_9 = arith.constant 640 : i32
    %mul3A_10 = arith.muli %arg1, %mul3A_9 : i32
    %add3A_11 = arith.constant 128 : i32
    %add3A_12 = arith.addi %mul3A_10, %add3A_11 : i32
    "tpu.region"() ({
      %run_scoped3A_125 = tpu.sem_alloc : memref<!tpu.dma_semaphore, #tpu.memory_space<semaphore_mem>>
      %dma_start3A = arith.constant 0 : i32
      %dma_start3A_126 = tpu.memref_slice %arg14[%add3A_12, %dma_start3A] : memref<10240x128xf32, #tpu.memory_space<vmem_shared>> -> memref<128x128xf32, #tpu.memory_space<vmem_shared>>
      %dma_start3A_127 = arith.constant 0 : i32
      %dma_start3A_128 = tpu.memref_slice %arg14[%add3A_12, %dma_start3A_127] : memref<10240x128xf32, #tpu.memory_space<vmem_shared>> -> memref<128x128xf32, #tpu.memory_space<vmem_shared>>
      tpu.enqueue_dma source(%arg8 : memref<128x128xf32, #tpu.memory_space<vmem>>) target(%dma_start3A_128 : memref<128x128xf32, #tpu.memory_space<vmem_shared>>) target_semaphore(%run_scoped3A_125 : memref<!tpu.dma_semaphore, #tpu.memory_space<semaphore_mem>>)
      %dma_wait3A_129 = arith.constant 0 : i32
      %dma_wait3A_130 = tpu.memref_slice %arg14[%add3A_12, %dma_wait3A_129] : memref<10240x128xf32, #tpu.memory_space<vmem_shared>> -> memref<128x128xf32, #tpu.memory_space<vmem_shared>>
      %dma_wait3A_131 = arith.constant 0 : i32
      %dma_wait3A_132 = tpu.memref_slice %arg14[%add3A_12, %dma_wait3A_131] : memref<10240x128xf32, #tpu.memory_space<vmem_shared>> -> memref<128x128xf32, #tpu.memory_space<vmem_shared>>
      tpu.wait_dma2 semaphore(%run_scoped3A_125 : memref<!tpu.dma_semaphore, #tpu.memory_space<semaphore_mem>>) src(%arg8 : memref<128x128xf32, #tpu.memory_space<vmem>>) dst(%dma_wait3A_132 : memref<128x128xf32, #tpu.memory_space<vmem_shared>>)
      tpu.yield
    }) : () -> ()
    %mul3A_13 = arith.constant 640 : i32
    %mul3A_14 = arith.muli %arg1, %mul3A_13 : i32
    %add3A_15 = arith.constant 256 : i32
    %add3A_16 = arith.addi %mul3A_14, %add3A_15 : i32
    "tpu.region"() ({
      %run_scoped3A_125 = tpu.sem_alloc : memref<!tpu.dma_semaphore, #tpu.memory_space<semaphore_mem>>
      %dma_start3A = arith.constant 0 : i32
      %dma_start3A_126 = tpu.memref_slice %arg14[%add3A_16, %dma_start3A] : memref<10240x128xf32, #tpu.memory_space<vmem_shared>> -> memref<128x128xf32, #tpu.memory_space<vmem_shared>>
      %dma_start3A_127 = arith.constant 0 : i32
      %dma_start3A_128 = tpu.memref_slice %arg14[%add3A_16, %dma_start3A_127] : memref<10240x128xf32, #tpu.memory_space<vmem_shared>> -> memref<128x128xf32, #tpu.memory_space<vmem_shared>>
      tpu.enqueue_dma source(%arg8 : memref<128x128xf32, #tpu.memory_space<vmem>>) target(%dma_start3A_128 : memref<128x128xf32, #tpu.memory_space<vmem_shared>>) target_semaphore(%run_scoped3A_125 : memref<!tpu.dma_semaphore, #tpu.memory_space<semaphore_mem>>)
      %dma_wait3A_129 = arith.constant 0 : i32
      %dma_wait3A_130 = tpu.memref_slice %arg14[%add3A_16, %dma_wait3A_129] : memref<10240x128xf32, #tpu.memory_space<vmem_shared>> -> memref<128x128xf32, #tpu.memory_space<vmem_shared>>
      %dma_wait3A_131 = arith.constant 0 : i32
      %dma_wait3A_132 = tpu.memref_slice %arg14[%add3A_16, %dma_wait3A_131] : memref<10240x128xf32, #tpu.memory_space<vmem_shared>> -> memref<128x128xf32, #tpu.memory_space<vmem_shared>>
      tpu.wait_dma2 semaphore(%run_scoped3A_125 : memref<!tpu.dma_semaphore, #tpu.memory_space<semaphore_mem>>) src(%arg8 : memref<128x128xf32, #tpu.memory_space<vmem>>) dst(%dma_wait3A_132 : memref<128x128xf32, #tpu.memory_space<vmem_shared>>)
      tpu.yield
    }) : () -> ()
    %mul3A_17 = arith.constant 640 : i32
    %mul3A_18 = arith.muli %arg1, %mul3A_17 : i32
    %add3A_19 = arith.constant 384 : i32
    %add3A_20 = arith.addi %mul3A_18, %add3A_19 : i32
    "tpu.region"() ({
      %run_scoped3A_125 = tpu.sem_alloc : memref<!tpu.dma_semaphore, #tpu.memory_space<semaphore_mem>>
      %dma_start3A = arith.constant 0 : i32
      %dma_start3A_126 = tpu.memref_slice %arg14[%add3A_20, %dma_start3A] : memref<10240x128xf32, #tpu.memory_space<vmem_shared>> -> memref<128x128xf32, #tpu.memory_space<vmem_shared>>
      %dma_start3A_127 = arith.constant 0 : i32
      %dma_start3A_128 = tpu.memref_slice %arg14[%add3A_20, %dma_start3A_127] : memref<10240x128xf32, #tpu.memory_space<vmem_shared>> -> memref<128x128xf32, #tpu.memory_space<vmem_shared>>
      tpu.enqueue_dma source(%arg8 : memref<128x128xf32, #tpu.memory_space<vmem>>) target(%dma_start3A_128 : memref<128x128xf32, #tpu.memory_space<vmem_shared>>) target_semaphore(%run_scoped3A_125 : memref<!tpu.dma_semaphore, #tpu.memory_space<semaphore_mem>>)
      %dma_wait3A_129 = arith.constant 0 : i32
      %dma_wait3A_130 = tpu.memref_slice %arg14[%add3A_20, %dma_wait3A_129] : memref<10240x128xf32, #tpu.memory_space<vmem_shared>> -> memref<128x128xf32, #tpu.memory_space<vmem_shared>>
      %dma_wait3A_131 = arith.constant 0 : i32
      %dma_wait3A_132 = tpu.memref_slice %arg14[%add3A_20, %dma_wait3A_131] : memref<10240x128xf32, #tpu.memory_space<vmem_shared>> -> memref<128x128xf32, #tpu.memory_space<vmem_shared>>
      tpu.wait_dma2 semaphore(%run_scoped3A_125 : memref<!tpu.dma_semaphore, #tpu.memory_space<semaphore_mem>>) src(%arg8 : memref<128x128xf32, #tpu.memory_space<vmem>>) dst(%dma_wait3A_132 : memref<128x128xf32, #tpu.memory_space<vmem_shared>>)
      tpu.yield
    }) : () -> ()
    %mul3A_21 = arith.constant 640 : i32
    %mul3A_22 = arith.muli %arg1, %mul3A_21 : i32
    %add3A_23 = arith.constant 512 : i32
    %add3A_24 = arith.addi %mul3A_22, %add3A_23 : i32
    "tpu.region"() ({
      %run_scoped3A_125 = tpu.sem_alloc : memref<!tpu.dma_semaphore, #tpu.memory_space<semaphore_mem>>
      %dma_start3A = arith.constant 0 : i32
      %dma_start3A_126 = tpu.memref_slice %arg14[%add3A_24, %dma_start3A] : memref<10240x128xf32, #tpu.memory_space<vmem_shared>> -> memref<128x128xf32, #tpu.memory_space<vmem_shared>>
      %dma_start3A_127 = arith.constant 0 : i32
      %dma_start3A_128 = tpu.memref_slice %arg14[%add3A_24, %dma_start3A_127] : memref<10240x128xf32, #tpu.memory_space<vmem_shared>> -> memref<128x128xf32, #tpu.memory_space<vmem_shared>>
      tpu.enqueue_dma source(%arg8 : memref<128x128xf32, #tpu.memory_space<vmem>>) target(%dma_start3A_128 : memref<128x128xf32, #tpu.memory_space<vmem_shared>>) target_semaphore(%run_scoped3A_125 : memref<!tpu.dma_semaphore, #tpu.memory_space<semaphore_mem>>)
      %dma_wait3A_129 = arith.constant 0 : i32
      %dma_wait3A_130 = tpu.memref_slice %arg14[%add3A_24, %dma_wait3A_129] : memref<10240x128xf32, #tpu.memory_space<vmem_shared>> -> memref<128x128xf32, #tpu.memory_space<vmem_shared>>
      %dma_wait3A_131 = arith.constant 0 : i32
      %dma_wait3A_132 = tpu.memref_slice %arg14[%add3A_24, %dma_wait3A_131] : memref<10240x128xf32, #tpu.memory_space<vmem_shared>> -> memref<128x128xf32, #tpu.memory_space<vmem_shared>>
      tpu.wait_dma2 semaphore(%run_scoped3A_125 : memref<!tpu.dma_semaphore, #tpu.memory_space<semaphore_mem>>) src(%arg8 : memref<128x128xf32, #tpu.memory_space<vmem>>) dst(%dma_wait3A_132 : memref<128x128xf32, #tpu.memory_space<vmem_shared>>)
      tpu.yield
    }) : () -> ()
    %barrier3A = arith.constant 0 : index
    tpu.barrier barrier_id(%barrier3A)
    %run_scoped3A = arith.constant 0 : i32
    "tpu.region"() ({
      %run_scoped3A_125 = tpu.sem_alloc : memref<!tpu.dma_semaphore, #tpu.memory_space<semaphore_mem>>
      %dma_start3A = arith.constant 0 : i32
      %dma_start3A_126 = arith.constant 0 : i32
      %dma_start3A_127 = tpu.memref_slice %arg3[%arg0, %arg1, %run_scoped3A, %dma_start3A, %dma_start3A_126] : memref<2x16x2x40x128xi32, #tpu.memory_space<hbm>> -> memref<1x1x1x40x128xi32, #tpu.memory_space<hbm>>
      %dma_start3A_128 = tpu.memref_squeeze %dma_start3A_127 : memref<1x1x1x40x128xi32, #tpu.memory_space<hbm>> -> memref<40x128xi32, #tpu.memory_space<hbm>>
      %dma_start3A_129 = arith.constant 0 : i32
      %dma_start3A_130 = arith.constant 0 : i32
      %dma_start3A_131 = tpu.memref_slice %arg3[%arg0, %arg1, %run_scoped3A, %dma_start3A_129, %dma_start3A_130] : memref<2x16x2x40x128xi32, #tpu.memory_space<hbm>> -> memref<1x1x1x40x128xi32, #tpu.memory_space<hbm>>
      %dma_start3A_132 = tpu.memref_squeeze %dma_start3A_131 : memref<1x1x1x40x128xi32, #tpu.memory_space<hbm>> -> memref<40x128xi32, #tpu.memory_space<hbm>>
      tpu.enqueue_dma source(%dma_start3A_132 : memref<40x128xi32, #tpu.memory_space<hbm>>) target(%arg6 : memref<40x128xi32, #tpu.memory_space<vmem>>) target_semaphore(%run_scoped3A_125 : memref<!tpu.dma_semaphore, #tpu.memory_space<semaphore_mem>>)
      %dma_wait3A_133 = arith.constant 0 : i32
      %dma_wait3A_134 = arith.constant 0 : i32
      %dma_wait3A_135 = tpu.memref_slice %arg3[%arg0, %arg1, %run_scoped3A, %dma_wait3A_133, %dma_wait3A_134] : memref<2x16x2x40x128xi32, #tpu.memory_space<hbm>> -> memref<1x1x1x40x128xi32, #tpu.memory_space<hbm>>
      %dma_wait3A_136 = tpu.memref_squeeze %dma_wait3A_135 : memref<1x1x1x40x128xi32, #tpu.memory_space<hbm>> -> memref<40x128xi32, #tpu.memory_space<hbm>>
      %dma_wait3A_137 = arith.constant 0 : i32
      %dma_wait3A_138 = arith.constant 0 : i32
      %dma_wait3A_139 = tpu.memref_slice %arg3[%arg0, %arg1, %run_scoped3A, %dma_wait3A_137, %dma_wait3A_138] : memref<2x16x2x40x128xi32, #tpu.memory_space<hbm>> -> memref<1x1x1x40x128xi32, #tpu.memory_space<hbm>>
      %dma_wait3A_140 = tpu.memref_squeeze %dma_wait3A_139 : memref<1x1x1x40x128xi32, #tpu.memory_space<hbm>> -> memref<40x128xi32, #tpu.memory_space<hbm>>
      tpu.wait_dma2 semaphore(%run_scoped3A_125 : memref<!tpu.dma_semaphore, #tpu.memory_space<semaphore_mem>>) src(%dma_wait3A_140 : memref<40x128xi32, #tpu.memory_space<hbm>>) dst(%arg6 : memref<40x128xi32, #tpu.memory_space<vmem>>)
      tpu.yield
    }) : () -> ()
    %run_scoped3A_25 = arith.constant 0 : i32
    "tpu.region"() ({
      %run_scoped3A_125 = tpu.sem_alloc : memref<!tpu.dma_semaphore, #tpu.memory_space<semaphore_mem>>
      %dma_start3A = arith.constant 0 : i32
      %dma_start3A_126 = arith.constant 0 : i32
      %dma_start3A_127 = tpu.memref_slice %arg4[%arg1, %run_scoped3A_25, %dma_start3A, %dma_start3A_126] : memref<16x2x40x128xi32, #tpu.memory_space<hbm>> -> memref<1x1x40x128xi32, #tpu.memory_space<hbm>>
      %dma_start3A_128 = tpu.memref_squeeze %dma_start3A_127 : memref<1x1x40x128xi32, #tpu.memory_space<hbm>> -> memref<40x128xi32, #tpu.memory_space<hbm>>
      %dma_start3A_129 = arith.constant 0 : i32
      %dma_start3A_130 = arith.constant 0 : i32
      %dma_start3A_131 = tpu.memref_slice %arg4[%arg1, %run_scoped3A_25, %dma_start3A_129, %dma_start3A_130] : memref<16x2x40x128xi32, #tpu.memory_space<hbm>> -> memref<1x1x40x128xi32, #tpu.memory_space<hbm>>
      %dma_start3A_132 = tpu.memref_squeeze %dma_start3A_131 : memref<1x1x40x128xi32, #tpu.memory_space<hbm>> -> memref<40x128xi32, #tpu.memory_space<hbm>>
      tpu.enqueue_dma source(%dma_start3A_132 : memref<40x128xi32, #tpu.memory_space<hbm>>) target(%arg7 : memref<40x128xi32, #tpu.memory_space<vmem>>) target_semaphore(%run_scoped3A_125 : memref<!tpu.dma_semaphore, #tpu.memory_space<semaphore_mem>>)
      %dma_wait3A_133 = arith.constant 0 : i32
      %dma_wait3A_134 = arith.constant 0 : i32
      %dma_wait3A_135 = tpu.memref_slice %arg4[%arg1, %run_scoped3A_25, %dma_wait3A_133, %dma_wait3A_134] : memref<16x2x40x128xi32, #tpu.memory_space<hbm>> -> memref<1x1x40x128xi32, #tpu.memory_space<hbm>>
      %dma_wait3A_136 = tpu.memref_squeeze %dma_wait3A_135 : memref<1x1x40x128xi32, #tpu.memory_space<hbm>> -> memref<40x128xi32, #tpu.memory_space<hbm>>
      %dma_wait3A_137 = arith.constant 0 : i32
      %dma_wait3A_138 = arith.constant 0 : i32
      %dma_wait3A_139 = tpu.memref_slice %arg4[%arg1, %run_scoped3A_25, %dma_wait3A_137, %dma_wait3A_138] : memref<16x2x40x128xi32, #tpu.memory_space<hbm>> -> memref<1x1x40x128xi32, #tpu.memory_space<hbm>>
      %dma_wait3A_140 = tpu.memref_squeeze %dma_wait3A_139 : memref<1x1x40x128xi32, #tpu.memory_space<hbm>> -> memref<40x128xi32, #tpu.memory_space<hbm>>
      tpu.wait_dma2 semaphore(%run_scoped3A_125 : memref<!tpu.dma_semaphore, #tpu.memory_space<semaphore_mem>>) src(%dma_wait3A_140 : memref<40x128xi32, #tpu.memory_space<hbm>>) dst(%arg7 : memref<40x128xi32, #tpu.memory_space<vmem>>)
      tpu.yield
    }) : () -> ()
    %scan3A_26 = arith.constant 0 : i32
    %scan3A_27 = arith.constant 0 : i32
    %scan3A_28 = arith.constant 20 : i32
    %scan3A_29 = arith.addi %scan3A_27, %scan3A_28 : i32
    %scan3A_30 = arith.constant 1 : i32
    %scan3A_31 = scf.for %scan3A_125 = %scan3A_27 to %scan3A_29 step %scan3A_30 iter_args(%scan3A_126 = %scan3A_26) -> (i32)  : i32 {
      %mul3A_127 = arith.constant 2 : i32
      %mul3A_128 = arith.muli %mul3A_127, %scan3A_125 : i32
      %add3A_129 = arith.constant 0 : i32
      %add3A_130 = arith.addi %mul3A_128, %add3A_129 : i32
      %ge3A = arith.constant 2 : i32
      %ge3A_131 = arith.cmpi sge, %add3A_130, %ge3A : i32
      %convert_element_type3A = arith.extui %ge3A_131 : i1 to i32
      %cond3A = arith.constant 0 : i32
      %cond3A_132 = arith.cmpi ne, %convert_element_type3A, %cond3A : i32
      scf.if %cond3A_132 {
        %dma_wait3A_180 = arith.constant 0 : i32
        %dma_wait3A_181 = arith.constant 0 : i32
        %dma_wait3A_182 = tpu.memref_slice %arg7[%dma_wait3A_180, %dma_wait3A_181] : memref<40x128xi32, #tpu.memory_space<vmem>> -> memref<1x128xi32, #tpu.memory_space<vmem>>
        %dma_wait3A_183 = tpu.memref_squeeze %dma_wait3A_182 : memref<1x128xi32, #tpu.memory_space<vmem>> -> memref<128xi32, #tpu.memory_space<vmem>>
        %dma_wait3A_184 = arith.constant 0 : i32
        %dma_wait3A_185 = arith.constant 0 : i32
        %dma_wait3A_186 = tpu.memref_slice %arg14[%dma_wait3A_184, %dma_wait3A_185] : memref<10240x128xf32, #tpu.memory_space<vmem_shared>> -> memref<10240x128xf32, #tpu.memory_space<vmem_shared>>
        tpu.wait_indirect_dma semaphore(%arg12 : memref<!tpu.dma_semaphore, #tpu.memory_space<semaphore_mem>>) src(%arg8 : memref<128x128xf32, #tpu.memory_space<vmem>>) dst(%dma_wait3A_186 : memref<10240x128xf32, #tpu.memory_space<vmem_shared>>)
      } else {
      }
      %dma_start3A = arith.constant 0 : i32
      %dma_start3A_133 = tpu.memref_slice %arg6[%add3A_130, %dma_start3A] : memref<40x128xi32, #tpu.memory_space<vmem>> -> memref<1x128xi32, #tpu.memory_space<vmem>>
      %dma_start3A_134 = tpu.memref_squeeze %dma_start3A_133 : memref<1x128xi32, #tpu.memory_space<vmem>> -> memref<128xi32, #tpu.memory_space<vmem>>
      %dma_start3A_135 = arith.constant 0 : i32
      %dma_start3A_136 = arith.constant 0 : i32
      %dma_start3A_137 = tpu.memref_slice %arg2[%dma_start3A_135, %dma_start3A_136] : memref<20480x128xf32, #tpu.memory_space<hbm>> -> memref<20480x128xf32, #tpu.memory_space<hbm>>
      tpu.enqueue_indirect_dma source(%dma_start3A_137 : memref<20480x128xf32, #tpu.memory_space<hbm>>) target(%arg8 : memref<128x128xf32, #tpu.memory_space<vmem>>) offsets(%dma_start3A_134 : memref<128xi32, #tpu.memory_space<vmem>>) semaphore(%arg10 : memref<!tpu.dma_semaphore, #tpu.memory_space<semaphore_mem>>)
      %dma_wait3A_138 = arith.constant 0 : i32
      %dma_wait3A_139 = arith.constant 0 : i32
      %dma_wait3A_140 = tpu.memref_slice %arg6[%dma_wait3A_138, %dma_wait3A_139] : memref<40x128xi32, #tpu.memory_space<vmem>> -> memref<1x128xi32, #tpu.memory_space<vmem>>
      %dma_wait3A_141 = tpu.memref_squeeze %dma_wait3A_140 : memref<1x128xi32, #tpu.memory_space<vmem>> -> memref<128xi32, #tpu.memory_space<vmem>>
      %dma_wait3A_142 = arith.constant 0 : i32
      %dma_wait3A_143 = arith.constant 0 : i32
      %dma_wait3A_144 = tpu.memref_slice %arg2[%dma_wait3A_142, %dma_wait3A_143] : memref<20480x128xf32, #tpu.memory_space<hbm>> -> memref<20480x128xf32, #tpu.memory_space<hbm>>
      tpu.wait_indirect_dma semaphore(%arg10 : memref<!tpu.dma_semaphore, #tpu.memory_space<semaphore_mem>>) src(%dma_wait3A_144 : memref<20480x128xf32, #tpu.memory_space<hbm>>) dst(%arg8 : memref<128x128xf32, #tpu.memory_space<vmem>>)
      %dma_start3A_145 = arith.constant 0 : i32
      %dma_start3A_146 = tpu.memref_slice %arg7[%add3A_130, %dma_start3A_145] : memref<40x128xi32, #tpu.memory_space<vmem>> -> memref<1x128xi32, #tpu.memory_space<vmem>>
      %dma_start3A_147 = tpu.memref_squeeze %dma_start3A_146 : memref<1x128xi32, #tpu.memory_space<vmem>> -> memref<128xi32, #tpu.memory_space<vmem>>
      %dma_start3A_148 = arith.constant 0 : i32
      %dma_start3A_149 = arith.constant 0 : i32
      %dma_start3A_150 = tpu.memref_slice %arg14[%dma_start3A_148, %dma_start3A_149] : memref<10240x128xf32, #tpu.memory_space<vmem_shared>> -> memref<10240x128xf32, #tpu.memory_space<vmem_shared>>
      tpu.enqueue_indirect_dma source(%arg8 : memref<128x128xf32, #tpu.memory_space<vmem>>) target(%dma_start3A_150 : memref<10240x128xf32, #tpu.memory_space<vmem_shared>>) offsets(%dma_start3A_147 : memref<128xi32, #tpu.memory_space<vmem>>) semaphore(%arg12 : memref<!tpu.dma_semaphore, #tpu.memory_space<semaphore_mem>>) {add = true}
      %mul3A_151 = arith.constant 2 : i32
      %mul3A_152 = arith.muli %mul3A_151, %scan3A_125 : i32
      %add3A_153 = arith.constant 1 : i32
      %add3A_154 = arith.addi %mul3A_152, %add3A_153 : i32
      %ge3A_155 = arith.constant 2 : i32
      %ge3A_156 = arith.cmpi sge, %add3A_154, %ge3A_155 : i32
      %convert_element_type3A_157 = arith.extui %ge3A_156 : i1 to i32
      %cond3A_158 = arith.constant 0 : i32
      %cond3A_159 = arith.cmpi ne, %convert_element_type3A_157, %cond3A_158 : i32
      scf.if %cond3A_159 {
        %dma_wait3A_180 = arith.constant 0 : i32
        %dma_wait3A_181 = arith.constant 0 : i32
        %dma_wait3A_182 = tpu.memref_slice %arg7[%dma_wait3A_180, %dma_wait3A_181] : memref<40x128xi32, #tpu.memory_space<vmem>> -> memref<1x128xi32, #tpu.memory_space<vmem>>
        %dma_wait3A_183 = tpu.memref_squeeze %dma_wait3A_182 : memref<1x128xi32, #tpu.memory_space<vmem>> -> memref<128xi32, #tpu.memory_space<vmem>>
        %dma_wait3A_184 = arith.constant 0 : i32
        %dma_wait3A_185 = arith.constant 0 : i32
        %dma_wait3A_186 = tpu.memref_slice %arg14[%dma_wait3A_184, %dma_wait3A_185] : memref<10240x128xf32, #tpu.memory_space<vmem_shared>> -> memref<10240x128xf32, #tpu.memory_space<vmem_shared>>
        tpu.wait_indirect_dma semaphore(%arg13 : memref<!tpu.dma_semaphore, #tpu.memory_space<semaphore_mem>>) src(%arg9 : memref<128x128xf32, #tpu.memory_space<vmem>>) dst(%dma_wait3A_186 : memref<10240x128xf32, #tpu.memory_space<vmem_shared>>)
      } else {
      }
      %dma_start3A_160 = arith.constant 0 : i32
      %dma_start3A_161 = tpu.memref_slice %arg6[%add3A_154, %dma_start3A_160] : memref<40x128xi32, #tpu.memory_space<vmem>> -> memref<1x128xi32, #tpu.memory_space<vmem>>
      %dma_start3A_162 = tpu.memref_squeeze %dma_start3A_161 : memref<1x128xi32, #tpu.memory_space<vmem>> -> memref<128xi32, #tpu.memory_space<vmem>>
      %dma_start3A_163 = arith.constant 0 : i32
      %dma_start3A_164 = arith.constant 0 : i32
      %dma_start3A_165 = tpu.memref_slice %arg2[%dma_start3A_163, %dma_start3A_164] : memref<20480x128xf32, #tpu.memory_space<hbm>> -> memref<20480x128xf32, #tpu.memory_space<hbm>>
      tpu.enqueue_indirect_dma source(%dma_start3A_165 : memref<20480x128xf32, #tpu.memory_space<hbm>>) target(%arg9 : memref<128x128xf32, #tpu.memory_space<vmem>>) offsets(%dma_start3A_162 : memref<128xi32, #tpu.memory_space<vmem>>) semaphore(%arg11 : memref<!tpu.dma_semaphore, #tpu.memory_space<semaphore_mem>>)
      %dma_wait3A_166 = arith.constant 0 : i32
      %dma_wait3A_167 = arith.constant 0 : i32
      %dma_wait3A_168 = tpu.memref_slice %arg6[%dma_wait3A_166, %dma_wait3A_167] : memref<40x128xi32, #tpu.memory_space<vmem>> -> memref<1x128xi32, #tpu.memory_space<vmem>>
      %dma_wait3A_169 = tpu.memref_squeeze %dma_wait3A_168 : memref<1x128xi32, #tpu.memory_space<vmem>> -> memref<128xi32, #tpu.memory_space<vmem>>
      %dma_wait3A_170 = arith.constant 0 : i32
      %dma_wait3A_171 = arith.constant 0 : i32
      %dma_wait3A_172 = tpu.memref_slice %arg2[%dma_wait3A_170, %dma_wait3A_171] : memref<20480x128xf32, #tpu.memory_space<hbm>> -> memref<20480x128xf32, #tpu.memory_space<hbm>>
      tpu.wait_indirect_dma semaphore(%arg11 : memref<!tpu.dma_semaphore, #tpu.memory_space<semaphore_mem>>) src(%dma_wait3A_172 : memref<20480x128xf32, #tpu.memory_space<hbm>>) dst(%arg9 : memref<128x128xf32, #tpu.memory_space<vmem>>)
      %dma_start3A_173 = arith.constant 0 : i32
      %dma_start3A_174 = tpu.memref_slice %arg7[%add3A_154, %dma_start3A_173] : memref<40x128xi32, #tpu.memory_space<vmem>> -> memref<1x128xi32, #tpu.memory_space<vmem>>
      %dma_start3A_175 = tpu.memref_squeeze %dma_start3A_174 : memref<1x128xi32, #tpu.memory_space<vmem>> -> memref<128xi32, #tpu.memory_space<vmem>>
      %dma_start3A_176 = arith.constant 0 : i32
      %dma_start3A_177 = arith.constant 0 : i32
      %dma_start3A_178 = tpu.memref_slice %arg14[%dma_start3A_176, %dma_start3A_177] : memref<10240x128xf32, #tpu.memory_space<vmem_shared>> -> memref<10240x128xf32, #tpu.memory_space<vmem_shared>>
      tpu.enqueue_indirect_dma source(%arg9 : memref<128x128xf32, #tpu.memory_space<vmem>>) target(%dma_start3A_178 : memref<10240x128xf32, #tpu.memory_space<vmem_shared>>) offsets(%dma_start3A_175 : memref<128xi32, #tpu.memory_space<vmem>>) semaphore(%arg13 : memref<!tpu.dma_semaphore, #tpu.memory_space<semaphore_mem>>) {add = true}
      %scan3A_179 = arith.constant 0 : i32
      scf.yield %scan3A_179 : i32
    }
    %scan3A_32 = arith.constant 20 : i32
    %dma_wait3A = arith.constant 0 : i32
    %dma_wait3A_33 = arith.constant 0 : i32
    %dma_wait3A_34 = tpu.memref_slice %arg7[%dma_wait3A, %dma_wait3A_33] : memref<40x128xi32, #tpu.memory_space<vmem>> -> memref<1x128xi32, #tpu.memory_space<vmem>>
    %dma_wait3A_35 = tpu.memref_squeeze %dma_wait3A_34 : memref<1x128xi32, #tpu.memory_space<vmem>> -> memref<128xi32, #tpu.memory_space<vmem>>
    %dma_wait3A_36 = arith.constant 0 : i32
    %dma_wait3A_37 = arith.constant 0 : i32
    %dma_wait3A_38 = tpu.memref_slice %arg14[%dma_wait3A_36, %dma_wait3A_37] : memref<10240x128xf32, #tpu.memory_space<vmem_shared>> -> memref<10240x128xf32, #tpu.memory_space<vmem_shared>>
    tpu.wait_indirect_dma semaphore(%arg12 : memref<!tpu.dma_semaphore, #tpu.memory_space<semaphore_mem>>) src(%arg8 : memref<128x128xf32, #tpu.memory_space<vmem>>) dst(%dma_wait3A_38 : memref<10240x128xf32, #tpu.memory_space<vmem_shared>>)
    %dma_wait3A_39 = arith.constant 0 : i32
    %dma_wait3A_40 = arith.constant 0 : i32
    %dma_wait3A_41 = tpu.memref_slice %arg7[%dma_wait3A_39, %dma_wait3A_40] : memref<40x128xi32, #tpu.memory_space<vmem>> -> memref<1x128xi32, #tpu.memory_space<vmem>>
    %dma_wait3A_42 = tpu.memref_squeeze %dma_wait3A_41 : memref<1x128xi32, #tpu.memory_space<vmem>> -> memref<128xi32, #tpu.memory_space<vmem>>
    %dma_wait3A_43 = arith.constant 0 : i32
    %dma_wait3A_44 = arith.constant 0 : i32
    %dma_wait3A_45 = tpu.memref_slice %arg14[%dma_wait3A_43, %dma_wait3A_44] : memref<10240x128xf32, #tpu.memory_space<vmem_shared>> -> memref<10240x128xf32, #tpu.memory_space<vmem_shared>>
    tpu.wait_indirect_dma semaphore(%arg13 : memref<!tpu.dma_semaphore, #tpu.memory_space<semaphore_mem>>) src(%arg9 : memref<128x128xf32, #tpu.memory_space<vmem>>) dst(%dma_wait3A_45 : memref<10240x128xf32, #tpu.memory_space<vmem_shared>>)
    %run_scoped3A_46 = arith.constant 1 : i32
    "tpu.region"() ({
      %run_scoped3A_125 = tpu.sem_alloc : memref<!tpu.dma_semaphore, #tpu.memory_space<semaphore_mem>>
      %dma_start3A = arith.constant 0 : i32
      %dma_start3A_126 = arith.constant 0 : i32
      %dma_start3A_127 = tpu.memref_slice %arg3[%arg0, %arg1, %run_scoped3A_46, %dma_start3A, %dma_start3A_126] : memref<2x16x2x40x128xi32, #tpu.memory_space<hbm>> -> memref<1x1x1x40x128xi32, #tpu.memory_space<hbm>>
      %dma_start3A_128 = tpu.memref_squeeze %dma_start3A_127 : memref<1x1x1x40x128xi32, #tpu.memory_space<hbm>> -> memref<40x128xi32, #tpu.memory_space<hbm>>
      %dma_start3A_129 = arith.constant 0 : i32
      %dma_start3A_130 = arith.constant 0 : i32
      %dma_start3A_131 = tpu.memref_slice %arg3[%arg0, %arg1, %run_scoped3A_46, %dma_start3A_129, %dma_start3A_130] : memref<2x16x2x40x128xi32, #tpu.memory_space<hbm>> -> memref<1x1x1x40x128xi32, #tpu.memory_space<hbm>>
      %dma_start3A_132 = tpu.memref_squeeze %dma_start3A_131 : memref<1x1x1x40x128xi32, #tpu.memory_space<hbm>> -> memref<40x128xi32, #tpu.memory_space<hbm>>
      tpu.enqueue_dma source(%dma_start3A_132 : memref<40x128xi32, #tpu.memory_space<hbm>>) target(%arg6 : memref<40x128xi32, #tpu.memory_space<vmem>>) target_semaphore(%run_scoped3A_125 : memref<!tpu.dma_semaphore, #tpu.memory_space<semaphore_mem>>)
      %dma_wait3A_133 = arith.constant 0 : i32
      %dma_wait3A_134 = arith.constant 0 : i32
      %dma_wait3A_135 = tpu.memref_slice %arg3[%arg0, %arg1, %run_scoped3A_46, %dma_wait3A_133, %dma_wait3A_134] : memref<2x16x2x40x128xi32, #tpu.memory_space<hbm>> -> memref<1x1x1x40x128xi32, #tpu.memory_space<hbm>>
      %dma_wait3A_136 = tpu.memref_squeeze %dma_wait3A_135 : memref<1x1x1x40x128xi32, #tpu.memory_space<hbm>> -> memref<40x128xi32, #tpu.memory_space<hbm>>
      %dma_wait3A_137 = arith.constant 0 : i32
      %dma_wait3A_138 = arith.constant 0 : i32
      %dma_wait3A_139 = tpu.memref_slice %arg3[%arg0, %arg1, %run_scoped3A_46, %dma_wait3A_137, %dma_wait3A_138] : memref<2x16x2x40x128xi32, #tpu.memory_space<hbm>> -> memref<1x1x1x40x128xi32, #tpu.memory_space<hbm>>
      %dma_wait3A_140 = tpu.memref_squeeze %dma_wait3A_139 : memref<1x1x1x40x128xi32, #tpu.memory_space<hbm>> -> memref<40x128xi32, #tpu.memory_space<hbm>>
      tpu.wait_dma2 semaphore(%run_scoped3A_125 : memref<!tpu.dma_semaphore, #tpu.memory_space<semaphore_mem>>) src(%dma_wait3A_140 : memref<40x128xi32, #tpu.memory_space<hbm>>) dst(%arg6 : memref<40x128xi32, #tpu.memory_space<vmem>>)
      tpu.yield
    }) : () -> ()
    %run_scoped3A_47 = arith.constant 1 : i32
    "tpu.region"() ({
      %run_scoped3A_125 = tpu.sem_alloc : memref<!tpu.dma_semaphore, #tpu.memory_space<semaphore_mem>>
      %dma_start3A = arith.constant 0 : i32
      %dma_start3A_126 = arith.constant 0 : i32
      %dma_start3A_127 = tpu.memref_slice %arg4[%arg1, %run_scoped3A_47, %dma_start3A, %dma_start3A_126] : memref<16x2x40x128xi32, #tpu.memory_space<hbm>> -> memref<1x1x40x128xi32, #tpu.memory_space<hbm>>
      %dma_start3A_128 = tpu.memref_squeeze %dma_start3A_127 : memref<1x1x40x128xi32, #tpu.memory_space<hbm>> -> memref<40x128xi32, #tpu.memory_space<hbm>>
      %dma_start3A_129 = arith.constant 0 : i32
      %dma_start3A_130 = arith.constant 0 : i32
      %dma_start3A_131 = tpu.memref_slice %arg4[%arg1, %run_scoped3A_47, %dma_start3A_129, %dma_start3A_130] : memref<16x2x40x128xi32, #tpu.memory_space<hbm>> -> memref<1x1x40x128xi32, #tpu.memory_space<hbm>>
      %dma_start3A_132 = tpu.memref_squeeze %dma_start3A_131 : memref<1x1x40x128xi32, #tpu.memory_space<hbm>> -> memref<40x128xi32, #tpu.memory_space<hbm>>
      tpu.enqueue_dma source(%dma_start3A_132 : memref<40x128xi32, #tpu.memory_space<hbm>>) target(%arg7 : memref<40x128xi32, #tpu.memory_space<vmem>>) target_semaphore(%run_scoped3A_125 : memref<!tpu.dma_semaphore, #tpu.memory_space<semaphore_mem>>)
      %dma_wait3A_133 = arith.constant 0 : i32
      %dma_wait3A_134 = arith.constant 0 : i32
      %dma_wait3A_135 = tpu.memref_slice %arg4[%arg1, %run_scoped3A_47, %dma_wait3A_133, %dma_wait3A_134] : memref<16x2x40x128xi32, #tpu.memory_space<hbm>> -> memref<1x1x40x128xi32, #tpu.memory_space<hbm>>
      %dma_wait3A_136 = tpu.memref_squeeze %dma_wait3A_135 : memref<1x1x40x128xi32, #tpu.memory_space<hbm>> -> memref<40x128xi32, #tpu.memory_space<hbm>>
      %dma_wait3A_137 = arith.constant 0 : i32
      %dma_wait3A_138 = arith.constant 0 : i32
      %dma_wait3A_139 = tpu.memref_slice %arg4[%arg1, %run_scoped3A_47, %dma_wait3A_137, %dma_wait3A_138] : memref<16x2x40x128xi32, #tpu.memory_space<hbm>> -> memref<1x1x40x128xi32, #tpu.memory_space<hbm>>
      %dma_wait3A_140 = tpu.memref_squeeze %dma_wait3A_139 : memref<1x1x40x128xi32, #tpu.memory_space<hbm>> -> memref<40x128xi32, #tpu.memory_space<hbm>>
      tpu.wait_dma2 semaphore(%run_scoped3A_125 : memref<!tpu.dma_semaphore, #tpu.memory_space<semaphore_mem>>) src(%dma_wait3A_140 : memref<40x128xi32, #tpu.memory_space<hbm>>) dst(%arg7 : memref<40x128xi32, #tpu.memory_space<vmem>>)
      tpu.yield
    }) : () -> ()
    %scan3A_48 = arith.constant 0 : i32
    %scan3A_49 = arith.constant 0 : i32
    %scan3A_50 = arith.constant 20 : i32
    %scan3A_51 = arith.addi %scan3A_49, %scan3A_50 : i32
    %scan3A_52 = arith.constant 1 : i32
    %scan3A_53 = scf.for %scan3A_125 = %scan3A_49 to %scan3A_51 step %scan3A_52 iter_args(%scan3A_126 = %scan3A_48) -> (i32)  : i32 {
      %mul3A_127 = arith.constant 2 : i32
      %mul3A_128 = arith.muli %mul3A_127, %scan3A_125 : i32
      %add3A_129 = arith.constant 0 : i32
      %add3A_130 = arith.addi %mul3A_128, %add3A_129 : i32
      %ge3A = arith.constant 2 : i32
      %ge3A_131 = arith.cmpi sge, %add3A_130, %ge3A : i32
      %convert_element_type3A = arith.extui %ge3A_131 : i1 to i32
      %cond3A = arith.constant 0 : i32
      %cond3A_132 = arith.cmpi ne, %convert_element_type3A, %cond3A : i32
      scf.if %cond3A_132 {
        %dma_wait3A_180 = arith.constant 0 : i32
        %dma_wait3A_181 = arith.constant 0 : i32
        %dma_wait3A_182 = tpu.memref_slice %arg7[%dma_wait3A_180, %dma_wait3A_181] : memref<40x128xi32, #tpu.memory_space<vmem>> -> memref<1x128xi32, #tpu.memory_space<vmem>>
        %dma_wait3A_183 = tpu.memref_squeeze %dma_wait3A_182 : memref<1x128xi32, #tpu.memory_space<vmem>> -> memref<128xi32, #tpu.memory_space<vmem>>
        %dma_wait3A_184 = arith.constant 0 : i32
        %dma_wait3A_185 = arith.constant 0 : i32
        %dma_wait3A_186 = tpu.memref_slice %arg14[%dma_wait3A_184, %dma_wait3A_185] : memref<10240x128xf32, #tpu.memory_space<vmem_shared>> -> memref<10240x128xf32, #tpu.memory_space<vmem_shared>>
        tpu.wait_indirect_dma semaphore(%arg12 : memref<!tpu.dma_semaphore, #tpu.memory_space<semaphore_mem>>) src(%arg8 : memref<128x128xf32, #tpu.memory_space<vmem>>) dst(%dma_wait3A_186 : memref<10240x128xf32, #tpu.memory_space<vmem_shared>>)
      } else {
      }
      %dma_start3A = arith.constant 0 : i32
      %dma_start3A_133 = tpu.memref_slice %arg6[%add3A_130, %dma_start3A] : memref<40x128xi32, #tpu.memory_space<vmem>> -> memref<1x128xi32, #tpu.memory_space<vmem>>
      %dma_start3A_134 = tpu.memref_squeeze %dma_start3A_133 : memref<1x128xi32, #tpu.memory_space<vmem>> -> memref<128xi32, #tpu.memory_space<vmem>>
      %dma_start3A_135 = arith.constant 0 : i32
      %dma_start3A_136 = arith.constant 0 : i32
      %dma_start3A_137 = tpu.memref_slice %arg2[%dma_start3A_135, %dma_start3A_136] : memref<20480x128xf32, #tpu.memory_space<hbm>> -> memref<20480x128xf32, #tpu.memory_space<hbm>>
      tpu.enqueue_indirect_dma source(%dma_start3A_137 : memref<20480x128xf32, #tpu.memory_space<hbm>>) target(%arg8 : memref<128x128xf32, #tpu.memory_space<vmem>>) offsets(%dma_start3A_134 : memref<128xi32, #tpu.memory_space<vmem>>) semaphore(%arg10 : memref<!tpu.dma_semaphore, #tpu.memory_space<semaphore_mem>>)
      %dma_wait3A_138 = arith.constant 0 : i32
      %dma_wait3A_139 = arith.constant 0 : i32
      %dma_wait3A_140 = tpu.memref_slice %arg6[%dma_wait3A_138, %dma_wait3A_139] : memref<40x128xi32, #tpu.memory_space<vmem>> -> memref<1x128xi32, #tpu.memory_space<vmem>>
      %dma_wait3A_141 = tpu.memref_squeeze %dma_wait3A_140 : memref<1x128xi32, #tpu.memory_space<vmem>> -> memref<128xi32, #tpu.memory_space<vmem>>
      %dma_wait3A_142 = arith.constant 0 : i32
      %dma_wait3A_143 = arith.constant 0 : i32
      %dma_wait3A_144 = tpu.memref_slice %arg2[%dma_wait3A_142, %dma_wait3A_143] : memref<20480x128xf32, #tpu.memory_space<hbm>> -> memref<20480x128xf32, #tpu.memory_space<hbm>>
      tpu.wait_indirect_dma semaphore(%arg10 : memref<!tpu.dma_semaphore, #tpu.memory_space<semaphore_mem>>) src(%dma_wait3A_144 : memref<20480x128xf32, #tpu.memory_space<hbm>>) dst(%arg8 : memref<128x128xf32, #tpu.memory_space<vmem>>)
      %dma_start3A_145 = arith.constant 0 : i32
      %dma_start3A_146 = tpu.memref_slice %arg7[%add3A_130, %dma_start3A_145] : memref<40x128xi32, #tpu.memory_space<vmem>> -> memref<1x128xi32, #tpu.memory_space<vmem>>
      %dma_start3A_147 = tpu.memref_squeeze %dma_start3A_146 : memref<1x128xi32, #tpu.memory_space<vmem>> -> memref<128xi32, #tpu.memory_space<vmem>>
      %dma_start3A_148 = arith.constant 0 : i32
      %dma_start3A_149 = arith.constant 0 : i32
      %dma_start3A_150 = tpu.memref_slice %arg14[%dma_start3A_148, %dma_start3A_149] : memref<10240x128xf32, #tpu.memory_space<vmem_shared>> -> memref<10240x128xf32, #tpu.memory_space<vmem_shared>>
      tpu.enqueue_indirect_dma source(%arg8 : memref<128x128xf32, #tpu.memory_space<vmem>>) target(%dma_start3A_150 : memref<10240x128xf32, #tpu.memory_space<vmem_shared>>) offsets(%dma_start3A_147 : memref<128xi32, #tpu.memory_space<vmem>>) semaphore(%arg12 : memref<!tpu.dma_semaphore, #tpu.memory_space<semaphore_mem>>) {add = true}
      %mul3A_151 = arith.constant 2 : i32
      %mul3A_152 = arith.muli %mul3A_151, %scan3A_125 : i32
      %add3A_153 = arith.constant 1 : i32
      %add3A_154 = arith.addi %mul3A_152, %add3A_153 : i32
      %ge3A_155 = arith.constant 2 : i32
      %ge3A_156 = arith.cmpi sge, %add3A_154, %ge3A_155 : i32
      %convert_element_type3A_157 = arith.extui %ge3A_156 : i1 to i32
      %cond3A_158 = arith.constant 0 : i32
      %cond3A_159 = arith.cmpi ne, %convert_element_type3A_157, %cond3A_158 : i32
      scf.if %cond3A_159 {
        %dma_wait3A_180 = arith.constant 0 : i32
        %dma_wait3A_181 = arith.constant 0 : i32
        %dma_wait3A_182 = tpu.memref_slice %arg7[%dma_wait3A_180, %dma_wait3A_181] : memref<40x128xi32, #tpu.memory_space<vmem>> -> memref<1x128xi32, #tpu.memory_space<vmem>>
        %dma_wait3A_183 = tpu.memref_squeeze %dma_wait3A_182 : memref<1x128xi32, #tpu.memory_space<vmem>> -> memref<128xi32, #tpu.memory_space<vmem>>
        %dma_wait3A_184 = arith.constant 0 : i32
        %dma_wait3A_185 = arith.constant 0 : i32
        %dma_wait3A_186 = tpu.memref_slice %arg14[%dma_wait3A_184, %dma_wait3A_185] : memref<10240x128xf32, #tpu.memory_space<vmem_shared>> -> memref<10240x128xf32, #tpu.memory_space<vmem_shared>>
        tpu.wait_indirect_dma semaphore(%arg13 : memref<!tpu.dma_semaphore, #tpu.memory_space<semaphore_mem>>) src(%arg9 : memref<128x128xf32, #tpu.memory_space<vmem>>) dst(%dma_wait3A_186 : memref<10240x128xf32, #tpu.memory_space<vmem_shared>>)
      } else {
      }
      %dma_start3A_160 = arith.constant 0 : i32
      %dma_start3A_161 = tpu.memref_slice %arg6[%add3A_154, %dma_start3A_160] : memref<40x128xi32, #tpu.memory_space<vmem>> -> memref<1x128xi32, #tpu.memory_space<vmem>>
      %dma_start3A_162 = tpu.memref_squeeze %dma_start3A_161 : memref<1x128xi32, #tpu.memory_space<vmem>> -> memref<128xi32, #tpu.memory_space<vmem>>
      %dma_start3A_163 = arith.constant 0 : i32
      %dma_start3A_164 = arith.constant 0 : i32
      %dma_start3A_165 = tpu.memref_slice %arg2[%dma_start3A_163, %dma_start3A_164] : memref<20480x128xf32, #tpu.memory_space<hbm>> -> memref<20480x128xf32, #tpu.memory_space<hbm>>
      tpu.enqueue_indirect_dma source(%dma_start3A_165 : memref<20480x128xf32, #tpu.memory_space<hbm>>) target(%arg9 : memref<128x128xf32, #tpu.memory_space<vmem>>) offsets(%dma_start3A_162 : memref<128xi32, #tpu.memory_space<vmem>>) semaphore(%arg11 : memref<!tpu.dma_semaphore, #tpu.memory_space<semaphore_mem>>)
      %dma_wait3A_166 = arith.constant 0 : i32
      %dma_wait3A_167 = arith.constant 0 : i32
      %dma_wait3A_168 = tpu.memref_slice %arg6[%dma_wait3A_166, %dma_wait3A_167] : memref<40x128xi32, #tpu.memory_space<vmem>> -> memref<1x128xi32, #tpu.memory_space<vmem>>
      %dma_wait3A_169 = tpu.memref_squeeze %dma_wait3A_168 : memref<1x128xi32, #tpu.memory_space<vmem>> -> memref<128xi32, #tpu.memory_space<vmem>>
      %dma_wait3A_170 = arith.constant 0 : i32
      %dma_wait3A_171 = arith.constant 0 : i32
      %dma_wait3A_172 = tpu.memref_slice %arg2[%dma_wait3A_170, %dma_wait3A_171] : memref<20480x128xf32, #tpu.memory_space<hbm>> -> memref<20480x128xf32, #tpu.memory_space<hbm>>
      tpu.wait_indirect_dma semaphore(%arg11 : memref<!tpu.dma_semaphore, #tpu.memory_space<semaphore_mem>>) src(%dma_wait3A_172 : memref<20480x128xf32, #tpu.memory_space<hbm>>) dst(%arg9 : memref<128x128xf32, #tpu.memory_space<vmem>>)
      %dma_start3A_173 = arith.constant 0 : i32
      %dma_start3A_174 = tpu.memref_slice %arg7[%add3A_154, %dma_start3A_173] : memref<40x128xi32, #tpu.memory_space<vmem>> -> memref<1x128xi32, #tpu.memory_space<vmem>>
      %dma_start3A_175 = tpu.memref_squeeze %dma_start3A_174 : memref<1x128xi32, #tpu.memory_space<vmem>> -> memref<128xi32, #tpu.memory_space<vmem>>
      %dma_start3A_176 = arith.constant 0 : i32
      %dma_start3A_177 = arith.constant 0 : i32
      %dma_start3A_178 = tpu.memref_slice %arg14[%dma_start3A_176, %dma_start3A_177] : memref<10240x128xf32, #tpu.memory_space<vmem_shared>> -> memref<10240x128xf32, #tpu.memory_space<vmem_shared>>
      tpu.enqueue_indirect_dma source(%arg9 : memref<128x128xf32, #tpu.memory_space<vmem>>) target(%dma_start3A_178 : memref<10240x128xf32, #tpu.memory_space<vmem_shared>>) offsets(%dma_start3A_175 : memref<128xi32, #tpu.memory_space<vmem>>) semaphore(%arg13 : memref<!tpu.dma_semaphore, #tpu.memory_space<semaphore_mem>>) {add = true}
      %scan3A_179 = arith.constant 0 : i32
      scf.yield %scan3A_179 : i32
    }
    %scan3A_54 = arith.constant 20 : i32
    %dma_wait3A_55 = arith.constant 0 : i32
    %dma_wait3A_56 = arith.constant 0 : i32
    %dma_wait3A_57 = tpu.memref_slice %arg7[%dma_wait3A_55, %dma_wait3A_56] : memref<40x128xi32, #tpu.memory_space<vmem>> -> memref<1x128xi32, #tpu.memory_space<vmem>>
    %dma_wait3A_58 = tpu.memref_squeeze %dma_wait3A_57 : memref<1x128xi32, #tpu.memory_space<vmem>> -> memref<128xi32, #tpu.memory_space<vmem>>
    %dma_wait3A_59 = arith.constant 0 : i32
    %dma_wait3A_60 = arith.constant 0 : i32
    %dma_wait3A_61 = tpu.memref_slice %arg14[%dma_wait3A_59, %dma_wait3A_60] : memref<10240x128xf32, #tpu.memory_space<vmem_shared>> -> memref<10240x128xf32, #tpu.memory_space<vmem_shared>>
    tpu.wait_indirect_dma semaphore(%arg12 : memref<!tpu.dma_semaphore, #tpu.memory_space<semaphore_mem>>) src(%arg8 : memref<128x128xf32, #tpu.memory_space<vmem>>) dst(%dma_wait3A_61 : memref<10240x128xf32, #tpu.memory_space<vmem_shared>>)
    %dma_wait3A_62 = arith.constant 0 : i32
    %dma_wait3A_63 = arith.constant 0 : i32
    %dma_wait3A_64 = tpu.memref_slice %arg7[%dma_wait3A_62, %dma_wait3A_63] : memref<40x128xi32, #tpu.memory_space<vmem>> -> memref<1x128xi32, #tpu.memory_space<vmem>>
    %dma_wait3A_65 = tpu.memref_squeeze %dma_wait3A_64 : memref<1x128xi32, #tpu.memory_space<vmem>> -> memref<128xi32, #tpu.memory_space<vmem>>
    %dma_wait3A_66 = arith.constant 0 : i32
    %dma_wait3A_67 = arith.constant 0 : i32
    %dma_wait3A_68 = tpu.memref_slice %arg14[%dma_wait3A_66, %dma_wait3A_67] : memref<10240x128xf32, #tpu.memory_space<vmem_shared>> -> memref<10240x128xf32, #tpu.memory_space<vmem_shared>>
    tpu.wait_indirect_dma semaphore(%arg13 : memref<!tpu.dma_semaphore, #tpu.memory_space<semaphore_mem>>) src(%arg9 : memref<128x128xf32, #tpu.memory_space<vmem>>) dst(%dma_wait3A_68 : memref<10240x128xf32, #tpu.memory_space<vmem_shared>>)
    %barrier3A_69 = arith.constant 0 : index
    tpu.barrier barrier_id(%barrier3A_69)
    %mul3A_70 = arith.constant 640 : i32
    %mul3A_71 = arith.muli %arg1, %mul3A_70 : i32
    %add3A_72 = arith.constant 0 : i32
    %add3A_73 = arith.addi %mul3A_71, %add3A_72 : i32
    %mul3A_74 = arith.constant 10240 : i32
    %mul3A_75 = arith.muli %arg0, %mul3A_74 : i32
    %mul3A_76 = arith.constant 640 : i32
    %mul3A_77 = arith.muli %arg1, %mul3A_76 : i32
    %add3A_78 = arith.addi %mul3A_75, %mul3A_77 : i32
    %add3A_79 = arith.constant 0 : i32
    %add3A_80 = arith.addi %add3A_78, %add3A_79 : i32
    "tpu.region"() ({
      %run_scoped3A_125 = tpu.sem_alloc : memref<!tpu.dma_semaphore, #tpu.memory_space<semaphore_mem>>
      %dma_start3A = arith.constant 0 : i32
      %dma_start3A_126 = tpu.memref_slice %arg5[%add3A_80, %dma_start3A] : memref<20480x128xf32, #tpu.memory_space<hbm>> -> memref<128x128xf32, #tpu.memory_space<hbm>>
      %dma_start3A_127 = arith.constant 0 : i32
      %dma_start3A_128 = tpu.memref_slice %arg14[%add3A_73, %dma_start3A_127] : memref<10240x128xf32, #tpu.memory_space<vmem_shared>> -> memref<128x128xf32, #tpu.memory_space<vmem_shared>>
      tpu.enqueue_dma source(%dma_start3A_128 : memref<128x128xf32, #tpu.memory_space<vmem_shared>>) target(%dma_start3A_126 : memref<128x128xf32, #tpu.memory_space<hbm>>) target_semaphore(%run_scoped3A_125 : memref<!tpu.dma_semaphore, #tpu.memory_space<semaphore_mem>>)
      %dma_wait3A_129 = arith.constant 0 : i32
      %dma_wait3A_130 = tpu.memref_slice %arg5[%add3A_80, %dma_wait3A_129] : memref<20480x128xf32, #tpu.memory_space<hbm>> -> memref<128x128xf32, #tpu.memory_space<hbm>>
      %dma_wait3A_131 = arith.constant 0 : i32
      %dma_wait3A_132 = tpu.memref_slice %arg14[%add3A_73, %dma_wait3A_131] : memref<10240x128xf32, #tpu.memory_space<vmem_shared>> -> memref<128x128xf32, #tpu.memory_space<vmem_shared>>
      tpu.wait_dma2 semaphore(%run_scoped3A_125 : memref<!tpu.dma_semaphore, #tpu.memory_space<semaphore_mem>>) src(%dma_wait3A_132 : memref<128x128xf32, #tpu.memory_space<vmem_shared>>) dst(%dma_wait3A_130 : memref<128x128xf32, #tpu.memory_space<hbm>>)
      tpu.yield
    }) : () -> ()
    %mul3A_81 = arith.constant 640 : i32
    %mul3A_82 = arith.muli %arg1, %mul3A_81 : i32
    %add3A_83 = arith.constant 128 : i32
    %add3A_84 = arith.addi %mul3A_82, %add3A_83 : i32
    %mul3A_85 = arith.constant 10240 : i32
    %mul3A_86 = arith.muli %arg0, %mul3A_85 : i32
    %mul3A_87 = arith.constant 640 : i32
    %mul3A_88 = arith.muli %arg1, %mul3A_87 : i32
    %add3A_89 = arith.addi %mul3A_86, %mul3A_88 : i32
    %add3A_90 = arith.constant 128 : i32
    %add3A_91 = arith.addi %add3A_89, %add3A_90 : i32
    "tpu.region"() ({
      %run_scoped3A_125 = tpu.sem_alloc : memref<!tpu.dma_semaphore, #tpu.memory_space<semaphore_mem>>
      %dma_start3A = arith.constant 0 : i32
      %dma_start3A_126 = tpu.memref_slice %arg5[%add3A_91, %dma_start3A] : memref<20480x128xf32, #tpu.memory_space<hbm>> -> memref<128x128xf32, #tpu.memory_space<hbm>>
      %dma_start3A_127 = arith.constant 0 : i32
      %dma_start3A_128 = tpu.memref_slice %arg14[%add3A_84, %dma_start3A_127] : memref<10240x128xf32, #tpu.memory_space<vmem_shared>> -> memref<128x128xf32, #tpu.memory_space<vmem_shared>>
      tpu.enqueue_dma source(%dma_start3A_128 : memref<128x128xf32, #tpu.memory_space<vmem_shared>>) target(%dma_start3A_126 : memref<128x128xf32, #tpu.memory_space<hbm>>) target_semaphore(%run_scoped3A_125 : memref<!tpu.dma_semaphore, #tpu.memory_space<semaphore_mem>>)
      %dma_wait3A_129 = arith.constant 0 : i32
      %dma_wait3A_130 = tpu.memref_slice %arg5[%add3A_91, %dma_wait3A_129] : memref<20480x128xf32, #tpu.memory_space<hbm>> -> memref<128x128xf32, #tpu.memory_space<hbm>>
      %dma_wait3A_131 = arith.constant 0 : i32
      %dma_wait3A_132 = tpu.memref_slice %arg14[%add3A_84, %dma_wait3A_131] : memref<10240x128xf32, #tpu.memory_space<vmem_shared>> -> memref<128x128xf32, #tpu.memory_space<vmem_shared>>
      tpu.wait_dma2 semaphore(%run_scoped3A_125 : memref<!tpu.dma_semaphore, #tpu.memory_space<semaphore_mem>>) src(%dma_wait3A_132 : memref<128x128xf32, #tpu.memory_space<vmem_shared>>) dst(%dma_wait3A_130 : memref<128x128xf32, #tpu.memory_space<hbm>>)
      tpu.yield
    }) : () -> ()
    %mul3A_92 = arith.constant 640 : i32
    %mul3A_93 = arith.muli %arg1, %mul3A_92 : i32
    %add3A_94 = arith.constant 256 : i32
    %add3A_95 = arith.addi %mul3A_93, %add3A_94 : i32
    %mul3A_96 = arith.constant 10240 : i32
    %mul3A_97 = arith.muli %arg0, %mul3A_96 : i32
    %mul3A_98 = arith.constant 640 : i32
    %mul3A_99 = arith.muli %arg1, %mul3A_98 : i32
    %add3A_100 = arith.addi %mul3A_97, %mul3A_99 : i32
    %add3A_101 = arith.constant 256 : i32
    %add3A_102 = arith.addi %add3A_100, %add3A_101 : i32
    "tpu.region"() ({
      %run_scoped3A_125 = tpu.sem_alloc : memref<!tpu.dma_semaphore, #tpu.memory_space<semaphore_mem>>
      %dma_start3A = arith.constant 0 : i32
      %dma_start3A_126 = tpu.memref_slice %arg5[%add3A_102, %dma_start3A] : memref<20480x128xf32, #tpu.memory_space<hbm>> -> memref<128x128xf32, #tpu.memory_space<hbm>>
      %dma_start3A_127 = arith.constant 0 : i32
      %dma_start3A_128 = tpu.memref_slice %arg14[%add3A_95, %dma_start3A_127] : memref<10240x128xf32, #tpu.memory_space<vmem_shared>> -> memref<128x128xf32, #tpu.memory_space<vmem_shared>>
      tpu.enqueue_dma source(%dma_start3A_128 : memref<128x128xf32, #tpu.memory_space<vmem_shared>>) target(%dma_start3A_126 : memref<128x128xf32, #tpu.memory_space<hbm>>) target_semaphore(%run_scoped3A_125 : memref<!tpu.dma_semaphore, #tpu.memory_space<semaphore_mem>>)
      %dma_wait3A_129 = arith.constant 0 : i32
      %dma_wait3A_130 = tpu.memref_slice %arg5[%add3A_102, %dma_wait3A_129] : memref<20480x128xf32, #tpu.memory_space<hbm>> -> memref<128x128xf32, #tpu.memory_space<hbm>>
      %dma_wait3A_131 = arith.constant 0 : i32
      %dma_wait3A_132 = tpu.memref_slice %arg14[%add3A_95, %dma_wait3A_131] : memref<10240x128xf32, #tpu.memory_space<vmem_shared>> -> memref<128x128xf32, #tpu.memory_space<vmem_shared>>
      tpu.wait_dma2 semaphore(%run_scoped3A_125 : memref<!tpu.dma_semaphore, #tpu.memory_space<semaphore_mem>>) src(%dma_wait3A_132 : memref<128x128xf32, #tpu.memory_space<vmem_shared>>) dst(%dma_wait3A_130 : memref<128x128xf32, #tpu.memory_space<hbm>>)
      tpu.yield
    }) : () -> ()
    %mul3A_103 = arith.constant 640 : i32
    %mul3A_104 = arith.muli %arg1, %mul3A_103 : i32
    %add3A_105 = arith.constant 384 : i32
    %add3A_106 = arith.addi %mul3A_104, %add3A_105 : i32
    %mul3A_107 = arith.constant 10240 : i32
    %mul3A_108 = arith.muli %arg0, %mul3A_107 : i32
    %mul3A_109 = arith.constant 640 : i32
    %mul3A_110 = arith.muli %arg1, %mul3A_109 : i32
    %add3A_111 = arith.addi %mul3A_108, %mul3A_110 : i32
    %add3A_112 = arith.constant 384 : i32
    %add3A_113 = arith.addi %add3A_111, %add3A_112 : i32
    "tpu.region"() ({
      %run_scoped3A_125 = tpu.sem_alloc : memref<!tpu.dma_semaphore, #tpu.memory_space<semaphore_mem>>
      %dma_start3A = arith.constant 0 : i32
      %dma_start3A_126 = tpu.memref_slice %arg5[%add3A_113, %dma_start3A] : memref<20480x128xf32, #tpu.memory_space<hbm>> -> memref<128x128xf32, #tpu.memory_space<hbm>>
      %dma_start3A_127 = arith.constant 0 : i32
      %dma_start3A_128 = tpu.memref_slice %arg14[%add3A_106, %dma_start3A_127] : memref<10240x128xf32, #tpu.memory_space<vmem_shared>> -> memref<128x128xf32, #tpu.memory_space<vmem_shared>>
      tpu.enqueue_dma source(%dma_start3A_128 : memref<128x128xf32, #tpu.memory_space<vmem_shared>>) target(%dma_start3A_126 : memref<128x128xf32, #tpu.memory_space<hbm>>) target_semaphore(%run_scoped3A_125 : memref<!tpu.dma_semaphore, #tpu.memory_space<semaphore_mem>>)
      %dma_wait3A_129 = arith.constant 0 : i32
      %dma_wait3A_130 = tpu.memref_slice %arg5[%add3A_113, %dma_wait3A_129] : memref<20480x128xf32, #tpu.memory_space<hbm>> -> memref<128x128xf32, #tpu.memory_space<hbm>>
      %dma_wait3A_131 = arith.constant 0 : i32
      %dma_wait3A_132 = tpu.memref_slice %arg14[%add3A_106, %dma_wait3A_131] : memref<10240x128xf32, #tpu.memory_space<vmem_shared>> -> memref<128x128xf32, #tpu.memory_space<vmem_shared>>
      tpu.wait_dma2 semaphore(%run_scoped3A_125 : memref<!tpu.dma_semaphore, #tpu.memory_space<semaphore_mem>>) src(%dma_wait3A_132 : memref<128x128xf32, #tpu.memory_space<vmem_shared>>) dst(%dma_wait3A_130 : memref<128x128xf32, #tpu.memory_space<hbm>>)
      tpu.yield
    }) : () -> ()
    %mul3A_114 = arith.constant 640 : i32
    %mul3A_115 = arith.muli %arg1, %mul3A_114 : i32
    %add3A_116 = arith.constant 512 : i32
    %add3A_117 = arith.addi %mul3A_115, %add3A_116 : i32
    %mul3A_118 = arith.constant 10240 : i32
    %mul3A_119 = arith.muli %arg0, %mul3A_118 : i32
    %mul3A_120 = arith.constant 640 : i32
    %mul3A_121 = arith.muli %arg1, %mul3A_120 : i32
    %add3A_122 = arith.addi %mul3A_119, %mul3A_121 : i32
    %add3A_123 = arith.constant 512 : i32
    %add3A_124 = arith.addi %add3A_122, %add3A_123 : i32
    "tpu.region"() ({
      %run_scoped3A_125 = tpu.sem_alloc : memref<!tpu.dma_semaphore, #tpu.memory_space<semaphore_mem>>
      %dma_start3A = arith.constant 0 : i32
      %dma_start3A_126 = tpu.memref_slice %arg5[%add3A_124, %dma_start3A] : memref<20480x128xf32, #tpu.memory_space<hbm>> -> memref<128x128xf32, #tpu.memory_space<hbm>>
      %dma_start3A_127 = arith.constant 0 : i32
      %dma_start3A_128 = tpu.memref_slice %arg14[%add3A_117, %dma_start3A_127] : memref<10240x128xf32, #tpu.memory_space<vmem_shared>> -> memref<128x128xf32, #tpu.memory_space<vmem_shared>>
      tpu.enqueue_dma source(%dma_start3A_128 : memref<128x128xf32, #tpu.memory_space<vmem_shared>>) target(%dma_start3A_126 : memref<128x128xf32, #tpu.memory_space<hbm>>) target_semaphore(%run_scoped3A_125 : memref<!tpu.dma_semaphore, #tpu.memory_space<semaphore_mem>>)
      %dma_wait3A_129 = arith.constant 0 : i32
      %dma_wait3A_130 = tpu.memref_slice %arg5[%add3A_124, %dma_wait3A_129] : memref<20480x128xf32, #tpu.memory_space<hbm>> -> memref<128x128xf32, #tpu.memory_space<hbm>>
      %dma_wait3A_131 = arith.constant 0 : i32
      %dma_wait3A_132 = tpu.memref_slice %arg14[%add3A_117, %dma_wait3A_131] : memref<10240x128xf32, #tpu.memory_space<vmem_shared>> -> memref<128x128xf32, #tpu.memory_space<vmem_shared>>
      tpu.wait_dma2 semaphore(%run_scoped3A_125 : memref<!tpu.dma_semaphore, #tpu.memory_space<semaphore_mem>>) src(%dma_wait3A_132 : memref<128x128xf32, #tpu.memory_space<vmem_shared>>) dst(%dma_wait3A_130 : memref<128x128xf32, #tpu.memory_space<hbm>>)
      tpu.yield
    }) : () -> ()
    return
  }
}

#map = affine_map<(d0, d1) -> (0, 0)>
#map1 = affine_map<(d0, d1) -> (0, 0, 0, 0, 0)>
#map2 = affine_map<(d0, d1) -> (0, 0, 0, 0)>
module attributes {stable_mosaic.version = 14 : i64} {
  func.func @body(%arg0: i32, %arg1: i32, %arg2: memref<20480x128xf32, #tpu.memory_space<hbm>>, %arg3: memref<2x16x2x40x128xi32, #tpu.memory_space<hbm>>, %arg4: memref<16x2x40x128xi32, #tpu.memory_space<hbm>>, %arg5: memref<20480x128xf32, #tpu.memory_space<hbm>>, %arg6: memref<40x128xi32, #tpu.memory_space<vmem>>, %arg7: memref<40x128xi32, #tpu.memory_space<vmem>>, %arg8: memref<128x128xf32, #tpu.memory_space<vmem>>, %arg9: memref<128x128xf32, #tpu.memory_space<vmem>>, %arg10: memref<!tpu.dma_semaphore, #tpu.memory_space<semaphore_mem>>, %arg11: memref<!tpu.dma_semaphore, #tpu.memory_space<semaphore_mem>>, %arg12: memref<!tpu.dma_semaphore, #tpu.memory_space<semaphore_mem>>, %arg13: memref<!tpu.dma_semaphore, #tpu.memory_space<semaphore_mem>>, %arg14: memref<10240x128xf32, #tpu.memory_space<vmem_shared>>) attributes {dimension_semantics = [#tpu.dimension_semantics<core_parallel>, #tpu.dimension_semantics<subcore_parallel>], iteration_bounds = array<i64: 2, 16>, scalar_prefetch = 0 : i64, scratch_operands = 9 : i64, tpu.core_type = #tpu.core_type<sc_vector_subcore>, window_params = [{transform_indices = #map}, {transform_indices = #map1}, {transform_indices = #map2}, {transform_indices = #map}]} {
    %broadcast_in_dim3A = arith.constant 0.000000e+00 : f32
    %broadcast_in_dim3A_0 = vector.broadcast %broadcast_in_dim3A : f32 to vector<16xf32>
    %scan3A = arith.constant 0 : i32
    %scan3A_1 = arith.constant 0 : i32
    %scan3A_2 = arith.constant 128 : i32
    %scan3A_3 = arith.addi %scan3A_1, %scan3A_2 : i32
    %scan3A_4 = arith.constant 1 : i32
    %scan3A_5 = scf.for %scan3A_125 = %scan3A_1 to %scan3A_3 step %scan3A_4 iter_args(%scan3A_126 = %scan3A) -> (i32)  : i32 {
      %swap3A = arith.index_cast %scan3A_125 : i32 to index
      %swap3A_127 = arith.constant 0 : index
      %swap3A_128 = tpu.vector_load %arg8[%swap3A, %swap3A_127] {strides = array<i32>} : memref<128x128xf32, #tpu.memory_space<vmem>>, vector<16xf32>,
      tpu.vector_store %arg8[%swap3A, %swap3A_127], %broadcast_in_dim3A_0 {strides = array<i32>} : memref<128x128xf32, #tpu.memory_space<vmem>>, vector<16xf32>,
      %swap3A_129 = arith.index_cast %scan3A_125 : i32 to index
      %swap3A_130 = arith.constant 16 : index
      %swap3A_131 = tpu.vector_load %arg8[%swap3A_129, %swap3A_130] {strides = array<i32>} : memref<128x128xf32, #tpu.memory_space<vmem>>, vector<16xf32>,
      tpu.vector_store %arg8[%swap3A_129, %swap3A_130], %broadcast_in_dim3A_0 {strides = array<i32>} : memref<128x128xf32, #tpu.memory_space<vmem>>, vector<16xf32>,
      %swap3A_132 = arith.index_cast %scan3A_125 : i32 to index
      %swap3A_133 = arith.constant 32 : index
      %swap3A_134 = tpu.vector_load %arg8[%swap3A_132, %swap3A_133] {strides = array<i32>} : memref<128x128xf32, #tpu.memory_space<vmem>>, vector<16xf32>,
      tpu.vector_store %arg8[%swap3A_132, %swap3A_133], %broadcast_in_dim3A_0 {strides = array<i32>} : memref<128x128xf32, #tpu.memory_space<vmem>>, vector<16xf32>,
      %swap3A_135 = arith.index_cast %scan3A_125 : i32 to index
      %swap3A_136 = arith.constant 48 : index
      %swap3A_137 = tpu.vector_load %arg8[%swap3A_135, %swap3A_136] {strides = array<i32>} : memref<128x128xf32, #tpu.memory_space<vmem>>, vector<16xf32>,
      tpu.vector_store %arg8[%swap3A_135, %swap3A_136], %broadcast_in_dim3A_0 {strides = array<i32>} : memref<128x128xf32, #tpu.memory_space<vmem>>, vector<16xf32>,
      %swap3A_138 = arith.index_cast %scan3A_125 : i32 to index
      %swap3A_139 = arith.constant 64 : index
      %swap3A_140 = tpu.vector_load %arg8[%swap3A_138, %swap3A_139] {strides = array<i32>} : memref<128x128xf32, #tpu.memory_space<vmem>>, vector<16xf32>,
      tpu.vector_store %arg8[%swap3A_138, %swap3A_139], %broadcast_in_dim3A_0 {strides = array<i32>} : memref<128x128xf32, #tpu.memory_space<vmem>>, vector<16xf32>,
      %swap3A_141 = arith.index_cast %scan3A_125 : i32 to index
      %swap3A_142 = arith.constant 80 : index
      %swap3A_143 = tpu.vector_load %arg8[%swap3A_141, %swap3A_142] {strides = array<i32>} : memref<128x128xf32, #tpu.memory_space<vmem>>, vector<16xf32>,
      tpu.vector_store %arg8[%swap3A_141, %swap3A_142], %broadcast_in_dim3A_0 {strides = array<i32>} : memref<128x128xf32, #tpu.memory_space<vmem>>, vector<16xf32>,
      %swap3A_144 = arith.index_cast %scan3A_125 : i32 to index
      %swap3A_145 = arith.constant 96 : index
      %swap3A_146 = tpu.vector_load %arg8[%swap3A_144, %swap3A_145] {strides = array<i32>} : memref<128x128xf32, #tpu.memory_space<vmem>>, vector<16xf32>,
      tpu.vector_store %arg8[%swap3A_144, %swap3A_145], %broadcast_in_dim3A_0 {strides = array<i32>} : memref<128x128xf32, #tpu.memory_space<vmem>>, vector<16xf32>,
      %swap3A_147 = arith.index_cast %scan3A_125 : i32 to index
      %swap3A_148 = arith.constant 112 : index
      %swap3A_149 = tpu.vector_load %arg8[%swap3A_147, %swap3A_148] {strides = array<i32>} : memref<128x128xf32, #tpu.memory_space<vmem>>, vector<16xf32>,
      tpu.vector_store %arg8[%swap3A_147, %swap3A_148], %broadcast_in_dim3A_0 {strides = array<i32>} : memref<128x128xf32, #tpu.memory_space<vmem>>, vector<16xf32>,
      %scan3A_150 = arith.constant 0 : i32
      scf.yield %scan3A_150 : i32
    }
    %scan3A_6 = arith.constant 128 : i32
    %mul3A = arith.constant 640 : i32
    %mul3A_7 = arith.muli %arg1, %mul3A : i32
    %add3A = arith.constant 0 : i32
    %add3A_8 = arith.addi %mul3A_7, %add3A : i32
    "tpu.region"() ({
      %run_scoped3A_125 = tpu.sem_alloc : memref<!tpu.dma_semaphore, #tpu.memory_space<semaphore_mem>>
      %dma_start3A = arith.constant 0 : i32
      %dma_start3A_126 = tpu.memref_slice %arg14[%add3A_8, %dma_start3A] : memref<10240x128xf32, #tpu.memory_space<vmem_shared>> -> memref<128x128xf32, #tpu.memory_space<vmem_shared>>
      %dma_start3A_127 = arith.constant 0 : i32
      %dma_start3A_128 = tpu.memref_slice %arg14[%add3A_8, %dma_start3A_127] : memref<10240x128xf32, #tpu.memory_space<vmem_shared>> -> memref<128x128xf32, #tpu.memory_space<vmem_shared>>
      tpu.enqueue_dma source(%arg8 : memref<128x128xf32, #tpu.memory_space<vmem>>) target(%dma_start3A_128 : memref<128x128xf32, #tpu.memory_space<vmem_shared>>) target_semaphore(%run_scoped3A_125 : memref<!tpu.dma_semaphore, #tpu.memory_space<semaphore_mem>>)
      %dma_wait3A_129 = arith.constant 0 : i32
      %dma_wait3A_130 = tpu.memref_slice %arg14[%add3A_8, %dma_wait3A_129] : memref<10240x128xf32, #tpu.memory_space<vmem_shared>> -> memref<128x128xf32, #tpu.memory_space<vmem_shared>>
      %dma_wait3A_131 = arith.constant 0 : i32
      %dma_wait3A_132 = tpu.memref_slice %arg14[%add3A_8, %dma_wait3A_131] : memref<10240x128xf32, #tpu.memory_space<vmem_shared>> -> memref<128x128xf32, #tpu.memory_space<vmem_shared>>
      tpu.wait_dma2 semaphore(%run_scoped3A_125 : memref<!tpu.dma_semaphore, #tpu.memory_space<semaphore_mem>>) src(%arg8 : memref<128x128xf32, #tpu.memory_space<vmem>>) dst(%dma_wait3A_132 : memref<128x128xf32, #tpu.memory_space<vmem_shared>>)
      tpu.yield
    }) : () -> ()
    %mul3A_9 = arith.constant 640 : i32
    %mul3A_10 = arith.muli %arg1, %mul3A_9 : i32
    %add3A_11 = arith.constant 128 : i32
    %add3A_12 = arith.addi %mul3A_10, %add3A_11 : i32
    "tpu.region"() ({
      %run_scoped3A_125 = tpu.sem_alloc : memref<!tpu.dma_semaphore, #tpu.memory_space<semaphore_mem>>
      %dma_start3A = arith.constant 0 : i32
      %dma_start3A_126 = tpu.memref_slice %arg14[%add3A_12, %dma_start3A] : memref<10240x128xf32, #tpu.memory_space<vmem_shared>> -> memref<128x128xf32, #tpu.memory_space<vmem_shared>>
      %dma_start3A_127 = arith.constant 0 : i32
      %dma_start3A_128 = tpu.memref_slice %arg14[%add3A_12, %dma_start3A_127] : memref<10240x128xf32, #tpu.memory_space<vmem_shared>> -> memref<128x128xf32, #tpu.memory_space<vmem_shared>>
      tpu.enqueue_dma source(%arg8 : memref<128x128xf32, #tpu.memory_space<vmem>>) target(%dma_start3A_128 : memref<128x128xf32, #tpu.memory_space<vmem_shared>>) target_semaphore(%run_scoped3A_125 : memref<!tpu.dma_semaphore, #tpu.memory_space<semaphore_mem>>)
      %dma_wait3A_129 = arith.constant 0 : i32
      %dma_wait3A_130 = tpu.memref_slice %arg14[%add3A_12, %dma_wait3A_129] : memref<10240x128xf32, #tpu.memory_space<vmem_shared>> -> memref<128x128xf32, #tpu.memory_space<vmem_shared>>
      %dma_wait3A_131 = arith.constant 0 : i32
      %dma_wait3A_132 = tpu.memref_slice %arg14[%add3A_12, %dma_wait3A_131] : memref<10240x128xf32, #tpu.memory_space<vmem_shared>> -> memref<128x128xf32, #tpu.memory_space<vmem_shared>>
      tpu.wait_dma2 semaphore(%run_scoped3A_125 : memref<!tpu.dma_semaphore, #tpu.memory_space<semaphore_mem>>) src(%arg8 : memref<128x128xf32, #tpu.memory_space<vmem>>) dst(%dma_wait3A_132 : memref<128x128xf32, #tpu.memory_space<vmem_shared>>)
      tpu.yield
    }) : () -> ()
    %mul3A_13 = arith.constant 640 : i32
    %mul3A_14 = arith.muli %arg1, %mul3A_13 : i32
    %add3A_15 = arith.constant 256 : i32
    %add3A_16 = arith.addi %mul3A_14, %add3A_15 : i32
    "tpu.region"() ({
      %run_scoped3A_125 = tpu.sem_alloc : memref<!tpu.dma_semaphore, #tpu.memory_space<semaphore_mem>>
      %dma_start3A = arith.constant 0 : i32
      %dma_start3A_126 = tpu.memref_slice %arg14[%add3A_16, %dma_start3A] : memref<10240x128xf32, #tpu.memory_space<vmem_shared>> -> memref<128x128xf32, #tpu.memory_space<vmem_shared>>
      %dma_start3A_127 = arith.constant 0 : i32
      %dma_start3A_128 = tpu.memref_slice %arg14[%add3A_16, %dma_start3A_127] : memref<10240x128xf32, #tpu.memory_space<vmem_shared>> -> memref<128x128xf32, #tpu.memory_space<vmem_shared>>
      tpu.enqueue_dma source(%arg8 : memref<128x128xf32, #tpu.memory_space<vmem>>) target(%dma_start3A_128 : memref<128x128xf32, #tpu.memory_space<vmem_shared>>) target_semaphore(%run_scoped3A_125 : memref<!tpu.dma_semaphore, #tpu.memory_space<semaphore_mem>>)
      %dma_wait3A_129 = arith.constant 0 : i32
      %dma_wait3A_130 = tpu.memref_slice %arg14[%add3A_16, %dma_wait3A_129] : memref<10240x128xf32, #tpu.memory_space<vmem_shared>> -> memref<128x128xf32, #tpu.memory_space<vmem_shared>>
      %dma_wait3A_131 = arith.constant 0 : i32
      %dma_wait3A_132 = tpu.memref_slice %arg14[%add3A_16, %dma_wait3A_131] : memref<10240x128xf32, #tpu.memory_space<vmem_shared>> -> memref<128x128xf32, #tpu.memory_space<vmem_shared>>
      tpu.wait_dma2 semaphore(%run_scoped3A_125 : memref<!tpu.dma_semaphore, #tpu.memory_space<semaphore_mem>>) src(%arg8 : memref<128x128xf32, #tpu.memory_space<vmem>>) dst(%dma_wait3A_132 : memref<128x128xf32, #tpu.memory_space<vmem_shared>>)
      tpu.yield
    }) : () -> ()
    %mul3A_17 = arith.constant 640 : i32
    %mul3A_18 = arith.muli %arg1, %mul3A_17 : i32
    %add3A_19 = arith.constant 384 : i32
    %add3A_20 = arith.addi %mul3A_18, %add3A_19 : i32
    "tpu.region"() ({
      %run_scoped3A_125 = tpu.sem_alloc : memref<!tpu.dma_semaphore, #tpu.memory_space<semaphore_mem>>
      %dma_start3A = arith.constant 0 : i32
      %dma_start3A_126 = tpu.memref_slice %arg14[%add3A_20, %dma_start3A] : memref<10240x128xf32, #tpu.memory_space<vmem_shared>> -> memref<128x128xf32, #tpu.memory_space<vmem_shared>>
      %dma_start3A_127 = arith.constant 0 : i32
      %dma_start3A_128 = tpu.memref_slice %arg14[%add3A_20, %dma_start3A_127] : memref<10240x128xf32, #tpu.memory_space<vmem_shared>> -> memref<128x128xf32, #tpu.memory_space<vmem_shared>>
      tpu.enqueue_dma source(%arg8 : memref<128x128xf32, #tpu.memory_space<vmem>>) target(%dma_start3A_128 : memref<128x128xf32, #tpu.memory_space<vmem_shared>>) target_semaphore(%run_scoped3A_125 : memref<!tpu.dma_semaphore, #tpu.memory_space<semaphore_mem>>)
      %dma_wait3A_129 = arith.constant 0 : i32
      %dma_wait3A_130 = tpu.memref_slice %arg14[%add3A_20, %dma_wait3A_129] : memref<10240x128xf32, #tpu.memory_space<vmem_shared>> -> memref<128x128xf32, #tpu.memory_space<vmem_shared>>
      %dma_wait3A_131 = arith.constant 0 : i32
      %dma_wait3A_132 = tpu.memref_slice %arg14[%add3A_20, %dma_wait3A_131] : memref<10240x128xf32, #tpu.memory_space<vmem_shared>> -> memref<128x128xf32, #tpu.memory_space<vmem_shared>>
      tpu.wait_dma2 semaphore(%run_scoped3A_125 : memref<!tpu.dma_semaphore, #tpu.memory_space<semaphore_mem>>) src(%arg8 : memref<128x128xf32, #tpu.memory_space<vmem>>) dst(%dma_wait3A_132 : memref<128x128xf32, #tpu.memory_space<vmem_shared>>)
      tpu.yield
    }) : () -> ()
    %mul3A_21 = arith.constant 640 : i32
    %mul3A_22 = arith.muli %arg1, %mul3A_21 : i32
    %add3A_23 = arith.constant 512 : i32
    %add3A_24 = arith.addi %mul3A_22, %add3A_23 : i32
    "tpu.region"() ({
      %run_scoped3A_125 = tpu.sem_alloc : memref<!tpu.dma_semaphore, #tpu.memory_space<semaphore_mem>>
      %dma_start3A = arith.constant 0 : i32
      %dma_start3A_126 = tpu.memref_slice %arg14[%add3A_24, %dma_start3A] : memref<10240x128xf32, #tpu.memory_space<vmem_shared>> -> memref<128x128xf32, #tpu.memory_space<vmem_shared>>
      %dma_start3A_127 = arith.constant 0 : i32
      %dma_start3A_128 = tpu.memref_slice %arg14[%add3A_24, %dma_start3A_127] : memref<10240x128xf32, #tpu.memory_space<vmem_shared>> -> memref<128x128xf32, #tpu.memory_space<vmem_shared>>
      tpu.enqueue_dma source(%arg8 : memref<128x128xf32, #tpu.memory_space<vmem>>) target(%dma_start3A_128 : memref<128x128xf32, #tpu.memory_space<vmem_shared>>) target_semaphore(%run_scoped3A_125 : memref<!tpu.dma_semaphore, #tpu.memory_space<semaphore_mem>>)
      %dma_wait3A_129 = arith.constant 0 : i32
      %dma_wait3A_130 = tpu.memref_slice %arg14[%add3A_24, %dma_wait3A_129] : memref<10240x128xf32, #tpu.memory_space<vmem_shared>> -> memref<128x128xf32, #tpu.memory_space<vmem_shared>>
      %dma_wait3A_131 = arith.constant 0 : i32
      %dma_wait3A_132 = tpu.memref_slice %arg14[%add3A_24, %dma_wait3A_131] : memref<10240x128xf32, #tpu.memory_space<vmem_shared>> -> memref<128x128xf32, #tpu.memory_space<vmem_shared>>
      tpu.wait_dma2 semaphore(%run_scoped3A_125 : memref<!tpu.dma_semaphore, #tpu.memory_space<semaphore_mem>>) src(%arg8 : memref<128x128xf32, #tpu.memory_space<vmem>>) dst(%dma_wait3A_132 : memref<128x128xf32, #tpu.memory_space<vmem_shared>>)
      tpu.yield
    }) : () -> ()
    %barrier3A = arith.constant 0 : index
    tpu.barrier barrier_id(%barrier3A)
    %run_scoped3A = arith.constant 0 : i32
    "tpu.region"() ({
      %run_scoped3A_125 = tpu.sem_alloc : memref<!tpu.dma_semaphore, #tpu.memory_space<semaphore_mem>>
      %dma_start3A = arith.constant 0 : i32
      %dma_start3A_126 = arith.constant 0 : i32
      %dma_start3A_127 = tpu.memref_slice %arg3[%arg0, %arg1, %run_scoped3A, %dma_start3A, %dma_start3A_126] : memref<2x16x2x40x128xi32, #tpu.memory_space<hbm>> -> memref<1x1x1x40x128xi32, #tpu.memory_space<hbm>>
      %dma_start3A_128 = tpu.memref_squeeze %dma_start3A_127 : memref<1x1x1x40x128xi32, #tpu.memory_space<hbm>> -> memref<40x128xi32, #tpu.memory_space<hbm>>
      %dma_start3A_129 = arith.constant 0 : i32
      %dma_start3A_130 = arith.constant 0 : i32
      %dma_start3A_131 = tpu.memref_slice %arg3[%arg0, %arg1, %run_scoped3A, %dma_start3A_129, %dma_start3A_130] : memref<2x16x2x40x128xi32, #tpu.memory_space<hbm>> -> memref<1x1x1x40x128xi32, #tpu.memory_space<hbm>>
      %dma_start3A_132 = tpu.memref_squeeze %dma_start3A_131 : memref<1x1x1x40x128xi32, #tpu.memory_space<hbm>> -> memref<40x128xi32, #tpu.memory_space<hbm>>
      tpu.enqueue_dma source(%dma_start3A_132 : memref<40x128xi32, #tpu.memory_space<hbm>>) target(%arg6 : memref<40x128xi32, #tpu.memory_space<vmem>>) target_semaphore(%run_scoped3A_125 : memref<!tpu.dma_semaphore, #tpu.memory_space<semaphore_mem>>)
      %dma_wait3A_133 = arith.constant 0 : i32
      %dma_wait3A_134 = arith.constant 0 : i32
      %dma_wait3A_135 = tpu.memref_slice %arg3[%arg0, %arg1, %run_scoped3A, %dma_wait3A_133, %dma_wait3A_134] : memref<2x16x2x40x128xi32, #tpu.memory_space<hbm>> -> memref<1x1x1x40x128xi32, #tpu.memory_space<hbm>>
      %dma_wait3A_136 = tpu.memref_squeeze %dma_wait3A_135 : memref<1x1x1x40x128xi32, #tpu.memory_space<hbm>> -> memref<40x128xi32, #tpu.memory_space<hbm>>
      %dma_wait3A_137 = arith.constant 0 : i32
      %dma_wait3A_138 = arith.constant 0 : i32
      %dma_wait3A_139 = tpu.memref_slice %arg3[%arg0, %arg1, %run_scoped3A, %dma_wait3A_137, %dma_wait3A_138] : memref<2x16x2x40x128xi32, #tpu.memory_space<hbm>> -> memref<1x1x1x40x128xi32, #tpu.memory_space<hbm>>
      %dma_wait3A_140 = tpu.memref_squeeze %dma_wait3A_139 : memref<1x1x1x40x128xi32, #tpu.memory_space<hbm>> -> memref<40x128xi32, #tpu.memory_space<hbm>>
      tpu.wait_dma2 semaphore(%run_scoped3A_125 : memref<!tpu.dma_semaphore, #tpu.memory_space<semaphore_mem>>) src(%dma_wait3A_140 : memref<40x128xi32, #tpu.memory_space<hbm>>) dst(%arg6 : memref<40x128xi32, #tpu.memory_space<vmem>>)
      tpu.yield
    }) : () -> ()
    %run_scoped3A_25 = arith.constant 0 : i32
    "tpu.region"() ({
      %run_scoped3A_125 = tpu.sem_alloc : memref<!tpu.dma_semaphore, #tpu.memory_space<semaphore_mem>>
      %dma_start3A = arith.constant 0 : i32
      %dma_start3A_126 = arith.constant 0 : i32
      %dma_start3A_127 = tpu.memref_slice %arg4[%arg1, %run_scoped3A_25, %dma_start3A, %dma_start3A_126] : memref<16x2x40x128xi32, #tpu.memory_space<hbm>> -> memref<1x1x40x128xi32, #tpu.memory_space<hbm>>
      %dma_start3A_128 = tpu.memref_squeeze %dma_start3A_127 : memref<1x1x40x128xi32, #tpu.memory_space<hbm>> -> memref<40x128xi32, #tpu.memory_space<hbm>>
      %dma_start3A_129 = arith.constant 0 : i32
      %dma_start3A_130 = arith.constant 0 : i32
      %dma_start3A_131 = tpu.memref_slice %arg4[%arg1, %run_scoped3A_25, %dma_start3A_129, %dma_start3A_130] : memref<16x2x40x128xi32, #tpu.memory_space<hbm>> -> memref<1x1x40x128xi32, #tpu.memory_space<hbm>>
      %dma_start3A_132 = tpu.memref_squeeze %dma_start3A_131 : memref<1x1x40x128xi32, #tpu.memory_space<hbm>> -> memref<40x128xi32, #tpu.memory_space<hbm>>
      tpu.enqueue_dma source(%dma_start3A_132 : memref<40x128xi32, #tpu.memory_space<hbm>>) target(%arg7 : memref<40x128xi32, #tpu.memory_space<vmem>>) target_semaphore(%run_scoped3A_125 : memref<!tpu.dma_semaphore, #tpu.memory_space<semaphore_mem>>)
      %dma_wait3A_133 = arith.constant 0 : i32
      %dma_wait3A_134 = arith.constant 0 : i32
      %dma_wait3A_135 = tpu.memref_slice %arg4[%arg1, %run_scoped3A_25, %dma_wait3A_133, %dma_wait3A_134] : memref<16x2x40x128xi32, #tpu.memory_space<hbm>> -> memref<1x1x40x128xi32, #tpu.memory_space<hbm>>
      %dma_wait3A_136 = tpu.memref_squeeze %dma_wait3A_135 : memref<1x1x40x128xi32, #tpu.memory_space<hbm>> -> memref<40x128xi32, #tpu.memory_space<hbm>>
      %dma_wait3A_137 = arith.constant 0 : i32
      %dma_wait3A_138 = arith.constant 0 : i32
      %dma_wait3A_139 = tpu.memref_slice %arg4[%arg1, %run_scoped3A_25, %dma_wait3A_137, %dma_wait3A_138] : memref<16x2x40x128xi32, #tpu.memory_space<hbm>> -> memref<1x1x40x128xi32, #tpu.memory_space<hbm>>
      %dma_wait3A_140 = tpu.memref_squeeze %dma_wait3A_139 : memref<1x1x40x128xi32, #tpu.memory_space<hbm>> -> memref<40x128xi32, #tpu.memory_space<hbm>>
      tpu.wait_dma2 semaphore(%run_scoped3A_125 : memref<!tpu.dma_semaphore, #tpu.memory_space<semaphore_mem>>) src(%dma_wait3A_140 : memref<40x128xi32, #tpu.memory_space<hbm>>) dst(%arg7 : memref<40x128xi32, #tpu.memory_space<vmem>>)
      tpu.yield
    }) : () -> ()
    %scan3A_26 = arith.constant 0 : i32
    %scan3A_27 = arith.constant 0 : i32
    %scan3A_28 = arith.constant 20 : i32
    %scan3A_29 = arith.addi %scan3A_27, %scan3A_28 : i32
    %scan3A_30 = arith.constant 1 : i32
    %scan3A_31 = scf.for %scan3A_125 = %scan3A_27 to %scan3A_29 step %scan3A_30 iter_args(%scan3A_126 = %scan3A_26) -> (i32)  : i32 {
      %mul3A_127 = arith.constant 2 : i32
      %mul3A_128 = arith.muli %mul3A_127, %scan3A_125 : i32
      %add3A_129 = arith.constant 0 : i32
      %add3A_130 = arith.addi %mul3A_128, %add3A_129 : i32
      %ge3A = arith.constant 2 : i32
      %ge3A_131 = arith.cmpi sge, %add3A_130, %ge3A : i32
      %convert_element_type3A = arith.extui %ge3A_131 : i1 to i32
      %cond3A = arith.constant 0 : i32
      %cond3A_132 = arith.cmpi ne, %convert_element_type3A, %cond3A : i32
      scf.if %cond3A_132 {
        %dma_wait3A_180 = arith.constant 0 : i32
        %dma_wait3A_181 = arith.constant 0 : i32
        %dma_wait3A_182 = tpu.memref_slice %arg7[%dma_wait3A_180, %dma_wait3A_181] : memref<40x128xi32, #tpu.memory_space<vmem>> -> memref<1x128xi32, #tpu.memory_space<vmem>>
        %dma_wait3A_183 = tpu.memref_squeeze %dma_wait3A_182 : memref<1x128xi32, #tpu.memory_space<vmem>> -> memref<128xi32, #tpu.memory_space<vmem>>
        %dma_wait3A_184 = arith.constant 0 : i32
        %dma_wait3A_185 = arith.constant 0 : i32
        %dma_wait3A_186 = tpu.memref_slice %arg14[%dma_wait3A_184, %dma_wait3A_185] : memref<10240x128xf32, #tpu.memory_space<vmem_shared>> -> memref<10240x128xf32, #tpu.memory_space<vmem_shared>>
        tpu.wait_indirect_dma semaphore(%arg12 : memref<!tpu.dma_semaphore, #tpu.memory_space<semaphore_mem>>) src(%arg8 : memref<128x128xf32, #tpu.memory_space<vmem>>) dst(%dma_wait3A_186 : memref<10240x128xf32, #tpu.memory_space<vmem_shared>>)
      } else {
      }
      %dma_start3A = arith.constant 0 : i32
      %dma_start3A_133 = tpu.memref_slice %arg6[%add3A_130, %dma_start3A] : memref<40x128xi32, #tpu.memory_space<vmem>> -> memref<1x128xi32, #tpu.memory_space<vmem>>
      %dma_start3A_134 = tpu.memref_squeeze %dma_start3A_133 : memref<1x128xi32, #tpu.memory_space<vmem>> -> memref<128xi32, #tpu.memory_space<vmem>>
      %dma_start3A_135 = arith.constant 0 : i32
      %dma_start3A_136 = arith.constant 0 : i32
      %dma_start3A_137 = tpu.memref_slice %arg2[%dma_start3A_135, %dma_start3A_136] : memref<20480x128xf32, #tpu.memory_space<hbm>> -> memref<20480x128xf32, #tpu.memory_space<hbm>>
      tpu.enqueue_indirect_dma source(%dma_start3A_137 : memref<20480x128xf32, #tpu.memory_space<hbm>>) target(%arg8 : memref<128x128xf32, #tpu.memory_space<vmem>>) offsets(%dma_start3A_134 : memref<128xi32, #tpu.memory_space<vmem>>) semaphore(%arg10 : memref<!tpu.dma_semaphore, #tpu.memory_space<semaphore_mem>>)
      %dma_wait3A_138 = arith.constant 0 : i32
      %dma_wait3A_139 = arith.constant 0 : i32
      %dma_wait3A_140 = tpu.memref_slice %arg6[%dma_wait3A_138, %dma_wait3A_139] : memref<40x128xi32, #tpu.memory_space<vmem>> -> memref<1x128xi32, #tpu.memory_space<vmem>>
      %dma_wait3A_141 = tpu.memref_squeeze %dma_wait3A_140 : memref<1x128xi32, #tpu.memory_space<vmem>> -> memref<128xi32, #tpu.memory_space<vmem>>
      %dma_wait3A_142 = arith.constant 0 : i32
      %dma_wait3A_143 = arith.constant 0 : i32
      %dma_wait3A_144 = tpu.memref_slice %arg2[%dma_wait3A_142, %dma_wait3A_143] : memref<20480x128xf32, #tpu.memory_space<hbm>> -> memref<20480x128xf32, #tpu.memory_space<hbm>>
      tpu.wait_indirect_dma semaphore(%arg10 : memref<!tpu.dma_semaphore, #tpu.memory_space<semaphore_mem>>) src(%dma_wait3A_144 : memref<20480x128xf32, #tpu.memory_space<hbm>>) dst(%arg8 : memref<128x128xf32, #tpu.memory_space<vmem>>)
      %dma_start3A_145 = arith.constant 0 : i32
      %dma_start3A_146 = tpu.memref_slice %arg7[%add3A_130, %dma_start3A_145] : memref<40x128xi32, #tpu.memory_space<vmem>> -> memref<1x128xi32, #tpu.memory_space<vmem>>
      %dma_start3A_147 = tpu.memref_squeeze %dma_start3A_146 : memref<1x128xi32, #tpu.memory_space<vmem>> -> memref<128xi32, #tpu.memory_space<vmem>>
      %dma_start3A_148 = arith.constant 0 : i32
      %dma_start3A_149 = arith.constant 0 : i32
      %dma_start3A_150 = tpu.memref_slice %arg14[%dma_start3A_148, %dma_start3A_149] : memref<10240x128xf32, #tpu.memory_space<vmem_shared>> -> memref<10240x128xf32, #tpu.memory_space<vmem_shared>>
      tpu.enqueue_indirect_dma source(%arg8 : memref<128x128xf32, #tpu.memory_space<vmem>>) target(%dma_start3A_150 : memref<10240x128xf32, #tpu.memory_space<vmem_shared>>) offsets(%dma_start3A_147 : memref<128xi32, #tpu.memory_space<vmem>>) semaphore(%arg12 : memref<!tpu.dma_semaphore, #tpu.memory_space<semaphore_mem>>) {add = true}
      %mul3A_151 = arith.constant 2 : i32
      %mul3A_152 = arith.muli %mul3A_151, %scan3A_125 : i32
      %add3A_153 = arith.constant 1 : i32
      %add3A_154 = arith.addi %mul3A_152, %add3A_153 : i32
      %ge3A_155 = arith.constant 2 : i32
      %ge3A_156 = arith.cmpi sge, %add3A_154, %ge3A_155 : i32
      %convert_element_type3A_157 = arith.extui %ge3A_156 : i1 to i32
      %cond3A_158 = arith.constant 0 : i32
      %cond3A_159 = arith.cmpi ne, %convert_element_type3A_157, %cond3A_158 : i32
      scf.if %cond3A_159 {
        %dma_wait3A_180 = arith.constant 0 : i32
        %dma_wait3A_181 = arith.constant 0 : i32
        %dma_wait3A_182 = tpu.memref_slice %arg7[%dma_wait3A_180, %dma_wait3A_181] : memref<40x128xi32, #tpu.memory_space<vmem>> -> memref<1x128xi32, #tpu.memory_space<vmem>>
        %dma_wait3A_183 = tpu.memref_squeeze %dma_wait3A_182 : memref<1x128xi32, #tpu.memory_space<vmem>> -> memref<128xi32, #tpu.memory_space<vmem>>
        %dma_wait3A_184 = arith.constant 0 : i32
        %dma_wait3A_185 = arith.constant 0 : i32
        %dma_wait3A_186 = tpu.memref_slice %arg14[%dma_wait3A_184, %dma_wait3A_185] : memref<10240x128xf32, #tpu.memory_space<vmem_shared>> -> memref<10240x128xf32, #tpu.memory_space<vmem_shared>>
        tpu.wait_indirect_dma semaphore(%arg13 : memref<!tpu.dma_semaphore, #tpu.memory_space<semaphore_mem>>) src(%arg9 : memref<128x128xf32, #tpu.memory_space<vmem>>) dst(%dma_wait3A_186 : memref<10240x128xf32, #tpu.memory_space<vmem_shared>>)
      } else {
      }
      %dma_start3A_160 = arith.constant 0 : i32
      %dma_start3A_161 = tpu.memref_slice %arg6[%add3A_154, %dma_start3A_160] : memref<40x128xi32, #tpu.memory_space<vmem>> -> memref<1x128xi32, #tpu.memory_space<vmem>>
      %dma_start3A_162 = tpu.memref_squeeze %dma_start3A_161 : memref<1x128xi32, #tpu.memory_space<vmem>> -> memref<128xi32, #tpu.memory_space<vmem>>
      %dma_start3A_163 = arith.constant 0 : i32
      %dma_start3A_164 = arith.constant 0 : i32
      %dma_start3A_165 = tpu.memref_slice %arg2[%dma_start3A_163, %dma_start3A_164] : memref<20480x128xf32, #tpu.memory_space<hbm>> -> memref<20480x128xf32, #tpu.memory_space<hbm>>
      tpu.enqueue_indirect_dma source(%dma_start3A_165 : memref<20480x128xf32, #tpu.memory_space<hbm>>) target(%arg9 : memref<128x128xf32, #tpu.memory_space<vmem>>) offsets(%dma_start3A_162 : memref<128xi32, #tpu.memory_space<vmem>>) semaphore(%arg11 : memref<!tpu.dma_semaphore, #tpu.memory_space<semaphore_mem>>)
      %dma_wait3A_166 = arith.constant 0 : i32
      %dma_wait3A_167 = arith.constant 0 : i32
      %dma_wait3A_168 = tpu.memref_slice %arg6[%dma_wait3A_166, %dma_wait3A_167] : memref<40x128xi32, #tpu.memory_space<vmem>> -> memref<1x128xi32, #tpu.memory_space<vmem>>
      %dma_wait3A_169 = tpu.memref_squeeze %dma_wait3A_168 : memref<1x128xi32, #tpu.memory_space<vmem>> -> memref<128xi32, #tpu.memory_space<vmem>>
      %dma_wait3A_170 = arith.constant 0 : i32
      %dma_wait3A_171 = arith.constant 0 : i32
      %dma_wait3A_172 = tpu.memref_slice %arg2[%dma_wait3A_170, %dma_wait3A_171] : memref<20480x128xf32, #tpu.memory_space<hbm>> -> memref<20480x128xf32, #tpu.memory_space<hbm>>
      tpu.wait_indirect_dma semaphore(%arg11 : memref<!tpu.dma_semaphore, #tpu.memory_space<semaphore_mem>>) src(%dma_wait3A_172 : memref<20480x128xf32, #tpu.memory_space<hbm>>) dst(%arg9 : memref<128x128xf32, #tpu.memory_space<vmem>>)
      %dma_start3A_173 = arith.constant 0 : i32
      %dma_start3A_174 = tpu.memref_slice %arg7[%add3A_154, %dma_start3A_173] : memref<40x128xi32, #tpu.memory_space<vmem>> -> memref<1x128xi32, #tpu.memory_space<vmem>>
      %dma_start3A_175 = tpu.memref_squeeze %dma_start3A_174 : memref<1x128xi32, #tpu.memory_space<vmem>> -> memref<128xi32, #tpu.memory_space<vmem>>
      %dma_start3A_176 = arith.constant 0 : i32
      %dma_start3A_177 = arith.constant 0 : i32
      %dma_start3A_178 = tpu.memref_slice %arg14[%dma_start3A_176, %dma_start3A_177] : memref<10240x128xf32, #tpu.memory_space<vmem_shared>> -> memref<10240x128xf32, #tpu.memory_space<vmem_shared>>
      tpu.enqueue_indirect_dma source(%arg9 : memref<128x128xf32, #tpu.memory_space<vmem>>) target(%dma_start3A_178 : memref<10240x128xf32, #tpu.memory_space<vmem_shared>>) offsets(%dma_start3A_175 : memref<128xi32, #tpu.memory_space<vmem>>) semaphore(%arg13 : memref<!tpu.dma_semaphore, #tpu.memory_space<semaphore_mem>>) {add = true}
      %scan3A_179 = arith.constant 0 : i32
      scf.yield %scan3A_179 : i32
    }
    %scan3A_32 = arith.constant 20 : i32
    %dma_wait3A = arith.constant 0 : i32
    %dma_wait3A_33 = arith.constant 0 : i32
    %dma_wait3A_34 = tpu.memref_slice %arg7[%dma_wait3A, %dma_wait3A_33] : memref<40x128xi32, #tpu.memory_space<vmem>> -> memref<1x128xi32, #tpu.memory_space<vmem>>
    %dma_wait3A_35 = tpu.memref_squeeze %dma_wait3A_34 : memref<1x128xi32, #tpu.memory_space<vmem>> -> memref<128xi32, #tpu.memory_space<vmem>>
    %dma_wait3A_36 = arith.constant 0 : i32
    %dma_wait3A_37 = arith.constant 0 : i32
    %dma_wait3A_38 = tpu.memref_slice %arg14[%dma_wait3A_36, %dma_wait3A_37] : memref<10240x128xf32, #tpu.memory_space<vmem_shared>> -> memref<10240x128xf32, #tpu.memory_space<vmem_shared>>
    tpu.wait_indirect_dma semaphore(%arg12 : memref<!tpu.dma_semaphore, #tpu.memory_space<semaphore_mem>>) src(%arg8 : memref<128x128xf32, #tpu.memory_space<vmem>>) dst(%dma_wait3A_38 : memref<10240x128xf32, #tpu.memory_space<vmem_shared>>)
    %dma_wait3A_39 = arith.constant 0 : i32
    %dma_wait3A_40 = arith.constant 0 : i32
    %dma_wait3A_41 = tpu.memref_slice %arg7[%dma_wait3A_39, %dma_wait3A_40] : memref<40x128xi32, #tpu.memory_space<vmem>> -> memref<1x128xi32, #tpu.memory_space<vmem>>
    %dma_wait3A_42 = tpu.memref_squeeze %dma_wait3A_41 : memref<1x128xi32, #tpu.memory_space<vmem>> -> memref<128xi32, #tpu.memory_space<vmem>>
    %dma_wait3A_43 = arith.constant 0 : i32
    %dma_wait3A_44 = arith.constant 0 : i32
    %dma_wait3A_45 = tpu.memref_slice %arg14[%dma_wait3A_43, %dma_wait3A_44] : memref<10240x128xf32, #tpu.memory_space<vmem_shared>> -> memref<10240x128xf32, #tpu.memory_space<vmem_shared>>
    tpu.wait_indirect_dma semaphore(%arg13 : memref<!tpu.dma_semaphore, #tpu.memory_space<semaphore_mem>>) src(%arg9 : memref<128x128xf32, #tpu.memory_space<vmem>>) dst(%dma_wait3A_45 : memref<10240x128xf32, #tpu.memory_space<vmem_shared>>)
    %run_scoped3A_46 = arith.constant 1 : i32
    "tpu.region"() ({
      %run_scoped3A_125 = tpu.sem_alloc : memref<!tpu.dma_semaphore, #tpu.memory_space<semaphore_mem>>
      %dma_start3A = arith.constant 0 : i32
      %dma_start3A_126 = arith.constant 0 : i32
      %dma_start3A_127 = tpu.memref_slice %arg3[%arg0, %arg1, %run_scoped3A_46, %dma_start3A, %dma_start3A_126] : memref<2x16x2x40x128xi32, #tpu.memory_space<hbm>> -> memref<1x1x1x40x128xi32, #tpu.memory_space<hbm>>
      %dma_start3A_128 = tpu.memref_squeeze %dma_start3A_127 : memref<1x1x1x40x128xi32, #tpu.memory_space<hbm>> -> memref<40x128xi32, #tpu.memory_space<hbm>>
      %dma_start3A_129 = arith.constant 0 : i32
      %dma_start3A_130 = arith.constant 0 : i32
      %dma_start3A_131 = tpu.memref_slice %arg3[%arg0, %arg1, %run_scoped3A_46, %dma_start3A_129, %dma_start3A_130] : memref<2x16x2x40x128xi32, #tpu.memory_space<hbm>> -> memref<1x1x1x40x128xi32, #tpu.memory_space<hbm>>
      %dma_start3A_132 = tpu.memref_squeeze %dma_start3A_131 : memref<1x1x1x40x128xi32, #tpu.memory_space<hbm>> -> memref<40x128xi32, #tpu.memory_space<hbm>>
      tpu.enqueue_dma source(%dma_start3A_132 : memref<40x128xi32, #tpu.memory_space<hbm>>) target(%arg6 : memref<40x128xi32, #tpu.memory_space<vmem>>) target_semaphore(%run_scoped3A_125 : memref<!tpu.dma_semaphore, #tpu.memory_space<semaphore_mem>>)
      %dma_wait3A_133 = arith.constant 0 : i32
      %dma_wait3A_134 = arith.constant 0 : i32
      %dma_wait3A_135 = tpu.memref_slice %arg3[%arg0, %arg1, %run_scoped3A_46, %dma_wait3A_133, %dma_wait3A_134] : memref<2x16x2x40x128xi32, #tpu.memory_space<hbm>> -> memref<1x1x1x40x128xi32, #tpu.memory_space<hbm>>
      %dma_wait3A_136 = tpu.memref_squeeze %dma_wait3A_135 : memref<1x1x1x40x128xi32, #tpu.memory_space<hbm>> -> memref<40x128xi32, #tpu.memory_space<hbm>>
      %dma_wait3A_137 = arith.constant 0 : i32
      %dma_wait3A_138 = arith.constant 0 : i32
      %dma_wait3A_139 = tpu.memref_slice %arg3[%arg0, %arg1, %run_scoped3A_46, %dma_wait3A_137, %dma_wait3A_138] : memref<2x16x2x40x128xi32, #tpu.memory_space<hbm>> -> memref<1x1x1x40x128xi32, #tpu.memory_space<hbm>>
      %dma_wait3A_140 = tpu.memref_squeeze %dma_wait3A_139 : memref<1x1x1x40x128xi32, #tpu.memory_space<hbm>> -> memref<40x128xi32, #tpu.memory_space<hbm>>
      tpu.wait_dma2 semaphore(%run_scoped3A_125 : memref<!tpu.dma_semaphore, #tpu.memory_space<semaphore_mem>>) src(%dma_wait3A_140 : memref<40x128xi32, #tpu.memory_space<hbm>>) dst(%arg6 : memref<40x128xi32, #tpu.memory_space<vmem>>)
      tpu.yield
    }) : () -> ()
    %run_scoped3A_47 = arith.constant 1 : i32
    "tpu.region"() ({
      %run_scoped3A_125 = tpu.sem_alloc : memref<!tpu.dma_semaphore, #tpu.memory_space<semaphore_mem>>
      %dma_start3A = arith.constant 0 : i32
      %dma_start3A_126 = arith.constant 0 : i32
      %dma_start3A_127 = tpu.memref_slice %arg4[%arg1, %run_scoped3A_47, %dma_start3A, %dma_start3A_126] : memref<16x2x40x128xi32, #tpu.memory_space<hbm>> -> memref<1x1x40x128xi32, #tpu.memory_space<hbm>>
      %dma_start3A_128 = tpu.memref_squeeze %dma_start3A_127 : memref<1x1x40x128xi32, #tpu.memory_space<hbm>> -> memref<40x128xi32, #tpu.memory_space<hbm>>
      %dma_start3A_129 = arith.constant 0 : i32
      %dma_start3A_130 = arith.constant 0 : i32
      %dma_start3A_131 = tpu.memref_slice %arg4[%arg1, %run_scoped3A_47, %dma_start3A_129, %dma_start3A_130] : memref<16x2x40x128xi32, #tpu.memory_space<hbm>> -> memref<1x1x40x128xi32, #tpu.memory_space<hbm>>
      %dma_start3A_132 = tpu.memref_squeeze %dma_start3A_131 : memref<1x1x40x128xi32, #tpu.memory_space<hbm>> -> memref<40x128xi32, #tpu.memory_space<hbm>>
      tpu.enqueue_dma source(%dma_start3A_132 : memref<40x128xi32, #tpu.memory_space<hbm>>) target(%arg7 : memref<40x128xi32, #tpu.memory_space<vmem>>) target_semaphore(%run_scoped3A_125 : memref<!tpu.dma_semaphore, #tpu.memory_space<semaphore_mem>>)
      %dma_wait3A_133 = arith.constant 0 : i32
      %dma_wait3A_134 = arith.constant 0 : i32
      %dma_wait3A_135 = tpu.memref_slice %arg4[%arg1, %run_scoped3A_47, %dma_wait3A_133, %dma_wait3A_134] : memref<16x2x40x128xi32, #tpu.memory_space<hbm>> -> memref<1x1x40x128xi32, #tpu.memory_space<hbm>>
      %dma_wait3A_136 = tpu.memref_squeeze %dma_wait3A_135 : memref<1x1x40x128xi32, #tpu.memory_space<hbm>> -> memref<40x128xi32, #tpu.memory_space<hbm>>
      %dma_wait3A_137 = arith.constant 0 : i32
      %dma_wait3A_138 = arith.constant 0 : i32
      %dma_wait3A_139 = tpu.memref_slice %arg4[%arg1, %run_scoped3A_47, %dma_wait3A_137, %dma_wait3A_138] : memref<16x2x40x128xi32, #tpu.memory_space<hbm>> -> memref<1x1x40x128xi32, #tpu.memory_space<hbm>>
      %dma_wait3A_140 = tpu.memref_squeeze %dma_wait3A_139 : memref<1x1x40x128xi32, #tpu.memory_space<hbm>> -> memref<40x128xi32, #tpu.memory_space<hbm>>
      tpu.wait_dma2 semaphore(%run_scoped3A_125 : memref<!tpu.dma_semaphore, #tpu.memory_space<semaphore_mem>>) src(%dma_wait3A_140 : memref<40x128xi32, #tpu.memory_space<hbm>>) dst(%arg7 : memref<40x128xi32, #tpu.memory_space<vmem>>)
      tpu.yield
    }) : () -> ()
    %scan3A_48 = arith.constant 0 : i32
    %scan3A_49 = arith.constant 0 : i32
    %scan3A_50 = arith.constant 20 : i32
    %scan3A_51 = arith.addi %scan3A_49, %scan3A_50 : i32
    %scan3A_52 = arith.constant 1 : i32
    %scan3A_53 = scf.for %scan3A_125 = %scan3A_49 to %scan3A_51 step %scan3A_52 iter_args(%scan3A_126 = %scan3A_48) -> (i32)  : i32 {
      %mul3A_127 = arith.constant 2 : i32
      %mul3A_128 = arith.muli %mul3A_127, %scan3A_125 : i32
      %add3A_129 = arith.constant 0 : i32
      %add3A_130 = arith.addi %mul3A_128, %add3A_129 : i32
      %ge3A = arith.constant 2 : i32
      %ge3A_131 = arith.cmpi sge, %add3A_130, %ge3A : i32
      %convert_element_type3A = arith.extui %ge3A_131 : i1 to i32
      %cond3A = arith.constant 0 : i32
      %cond3A_132 = arith.cmpi ne, %convert_element_type3A, %cond3A : i32
      scf.if %cond3A_132 {
        %dma_wait3A_180 = arith.constant 0 : i32
        %dma_wait3A_181 = arith.constant 0 : i32
        %dma_wait3A_182 = tpu.memref_slice %arg7[%dma_wait3A_180, %dma_wait3A_181] : memref<40x128xi32, #tpu.memory_space<vmem>> -> memref<1x128xi32, #tpu.memory_space<vmem>>
        %dma_wait3A_183 = tpu.memref_squeeze %dma_wait3A_182 : memref<1x128xi32, #tpu.memory_space<vmem>> -> memref<128xi32, #tpu.memory_space<vmem>>
        %dma_wait3A_184 = arith.constant 0 : i32
        %dma_wait3A_185 = arith.constant 0 : i32
        %dma_wait3A_186 = tpu.memref_slice %arg14[%dma_wait3A_184, %dma_wait3A_185] : memref<10240x128xf32, #tpu.memory_space<vmem_shared>> -> memref<10240x128xf32, #tpu.memory_space<vmem_shared>>
        tpu.wait_indirect_dma semaphore(%arg12 : memref<!tpu.dma_semaphore, #tpu.memory_space<semaphore_mem>>) src(%arg8 : memref<128x128xf32, #tpu.memory_space<vmem>>) dst(%dma_wait3A_186 : memref<10240x128xf32, #tpu.memory_space<vmem_shared>>)
      } else {
      }
      %dma_start3A = arith.constant 0 : i32
      %dma_start3A_133 = tpu.memref_slice %arg6[%add3A_130, %dma_start3A] : memref<40x128xi32, #tpu.memory_space<vmem>> -> memref<1x128xi32, #tpu.memory_space<vmem>>
      %dma_start3A_134 = tpu.memref_squeeze %dma_start3A_133 : memref<1x128xi32, #tpu.memory_space<vmem>> -> memref<128xi32, #tpu.memory_space<vmem>>
      %dma_start3A_135 = arith.constant 0 : i32
      %dma_start3A_136 = arith.constant 0 : i32
      %dma_start3A_137 = tpu.memref_slice %arg2[%dma_start3A_135, %dma_start3A_136] : memref<20480x128xf32, #tpu.memory_space<hbm>> -> memref<20480x128xf32, #tpu.memory_space<hbm>>
      tpu.enqueue_indirect_dma source(%dma_start3A_137 : memref<20480x128xf32, #tpu.memory_space<hbm>>) target(%arg8 : memref<128x128xf32, #tpu.memory_space<vmem>>) offsets(%dma_start3A_134 : memref<128xi32, #tpu.memory_space<vmem>>) semaphore(%arg10 : memref<!tpu.dma_semaphore, #tpu.memory_space<semaphore_mem>>)
      %dma_wait3A_138 = arith.constant 0 : i32
      %dma_wait3A_139 = arith.constant 0 : i32
      %dma_wait3A_140 = tpu.memref_slice %arg6[%dma_wait3A_138, %dma_wait3A_139] : memref<40x128xi32, #tpu.memory_space<vmem>> -> memref<1x128xi32, #tpu.memory_space<vmem>>
      %dma_wait3A_141 = tpu.memref_squeeze %dma_wait3A_140 : memref<1x128xi32, #tpu.memory_space<vmem>> -> memref<128xi32, #tpu.memory_space<vmem>>
      %dma_wait3A_142 = arith.constant 0 : i32
      %dma_wait3A_143 = arith.constant 0 : i32
      %dma_wait3A_144 = tpu.memref_slice %arg2[%dma_wait3A_142, %dma_wait3A_143] : memref<20480x128xf32, #tpu.memory_space<hbm>> -> memref<20480x128xf32, #tpu.memory_space<hbm>>
      tpu.wait_indirect_dma semaphore(%arg10 : memref<!tpu.dma_semaphore, #tpu.memory_space<semaphore_mem>>) src(%dma_wait3A_144 : memref<20480x128xf32, #tpu.memory_space<hbm>>) dst(%arg8 : memref<128x128xf32, #tpu.memory_space<vmem>>)
      %dma_start3A_145 = arith.constant 0 : i32
      %dma_start3A_146 = tpu.memref_slice %arg7[%add3A_130, %dma_start3A_145] : memref<40x128xi32, #tpu.memory_space<vmem>> -> memref<1x128xi32, #tpu.memory_space<vmem>>
      %dma_start3A_147 = tpu.memref_squeeze %dma_start3A_146 : memref<1x128xi32, #tpu.memory_space<vmem>> -> memref<128xi32, #tpu.memory_space<vmem>>
      %dma_start3A_148 = arith.constant 0 : i32
      %dma_start3A_149 = arith.constant 0 : i32
      %dma_start3A_150 = tpu.memref_slice %arg14[%dma_start3A_148, %dma_start3A_149] : memref<10240x128xf32, #tpu.memory_space<vmem_shared>> -> memref<10240x128xf32, #tpu.memory_space<vmem_shared>>
      tpu.enqueue_indirect_dma source(%arg8 : memref<128x128xf32, #tpu.memory_space<vmem>>) target(%dma_start3A_150 : memref<10240x128xf32, #tpu.memory_space<vmem_shared>>) offsets(%dma_start3A_147 : memref<128xi32, #tpu.memory_space<vmem>>) semaphore(%arg12 : memref<!tpu.dma_semaphore, #tpu.memory_space<semaphore_mem>>) {add = true}
      %mul3A_151 = arith.constant 2 : i32
      %mul3A_152 = arith.muli %mul3A_151, %scan3A_125 : i32
      %add3A_153 = arith.constant 1 : i32
      %add3A_154 = arith.addi %mul3A_152, %add3A_153 : i32
      %ge3A_155 = arith.constant 2 : i32
      %ge3A_156 = arith.cmpi sge, %add3A_154, %ge3A_155 : i32
      %convert_element_type3A_157 = arith.extui %ge3A_156 : i1 to i32
      %cond3A_158 = arith.constant 0 : i32
      %cond3A_159 = arith.cmpi ne, %convert_element_type3A_157, %cond3A_158 : i32
      scf.if %cond3A_159 {
        %dma_wait3A_180 = arith.constant 0 : i32
        %dma_wait3A_181 = arith.constant 0 : i32
        %dma_wait3A_182 = tpu.memref_slice %arg7[%dma_wait3A_180, %dma_wait3A_181] : memref<40x128xi32, #tpu.memory_space<vmem>> -> memref<1x128xi32, #tpu.memory_space<vmem>>
        %dma_wait3A_183 = tpu.memref_squeeze %dma_wait3A_182 : memref<1x128xi32, #tpu.memory_space<vmem>> -> memref<128xi32, #tpu.memory_space<vmem>>
        %dma_wait3A_184 = arith.constant 0 : i32
        %dma_wait3A_185 = arith.constant 0 : i32
        %dma_wait3A_186 = tpu.memref_slice %arg14[%dma_wait3A_184, %dma_wait3A_185] : memref<10240x128xf32, #tpu.memory_space<vmem_shared>> -> memref<10240x128xf32, #tpu.memory_space<vmem_shared>>
        tpu.wait_indirect_dma semaphore(%arg13 : memref<!tpu.dma_semaphore, #tpu.memory_space<semaphore_mem>>) src(%arg9 : memref<128x128xf32, #tpu.memory_space<vmem>>) dst(%dma_wait3A_186 : memref<10240x128xf32, #tpu.memory_space<vmem_shared>>)
      } else {
      }
      %dma_start3A_160 = arith.constant 0 : i32
      %dma_start3A_161 = tpu.memref_slice %arg6[%add3A_154, %dma_start3A_160] : memref<40x128xi32, #tpu.memory_space<vmem>> -> memref<1x128xi32, #tpu.memory_space<vmem>>
      %dma_start3A_162 = tpu.memref_squeeze %dma_start3A_161 : memref<1x128xi32, #tpu.memory_space<vmem>> -> memref<128xi32, #tpu.memory_space<vmem>>
      %dma_start3A_163 = arith.constant 0 : i32
      %dma_start3A_164 = arith.constant 0 : i32
      %dma_start3A_165 = tpu.memref_slice %arg2[%dma_start3A_163, %dma_start3A_164] : memref<20480x128xf32, #tpu.memory_space<hbm>> -> memref<20480x128xf32, #tpu.memory_space<hbm>>
      tpu.enqueue_indirect_dma source(%dma_start3A_165 : memref<20480x128xf32, #tpu.memory_space<hbm>>) target(%arg9 : memref<128x128xf32, #tpu.memory_space<vmem>>) offsets(%dma_start3A_162 : memref<128xi32, #tpu.memory_space<vmem>>) semaphore(%arg11 : memref<!tpu.dma_semaphore, #tpu.memory_space<semaphore_mem>>)
      %dma_wait3A_166 = arith.constant 0 : i32
      %dma_wait3A_167 = arith.constant 0 : i32
      %dma_wait3A_168 = tpu.memref_slice %arg6[%dma_wait3A_166, %dma_wait3A_167] : memref<40x128xi32, #tpu.memory_space<vmem>> -> memref<1x128xi32, #tpu.memory_space<vmem>>
      %dma_wait3A_169 = tpu.memref_squeeze %dma_wait3A_168 : memref<1x128xi32, #tpu.memory_space<vmem>> -> memref<128xi32, #tpu.memory_space<vmem>>
      %dma_wait3A_170 = arith.constant 0 : i32
      %dma_wait3A_171 = arith.constant 0 : i32
      %dma_wait3A_172 = tpu.memref_slice %arg2[%dma_wait3A_170, %dma_wait3A_171] : memref<20480x128xf32, #tpu.memory_space<hbm>> -> memref<20480x128xf32, #tpu.memory_space<hbm>>
      tpu.wait_indirect_dma semaphore(%arg11 : memref<!tpu.dma_semaphore, #tpu.memory_space<semaphore_mem>>) src(%dma_wait3A_172 : memref<20480x128xf32, #tpu.memory_space<hbm>>) dst(%arg9 : memref<128x128xf32, #tpu.memory_space<vmem>>)
      %dma_start3A_173 = arith.constant 0 : i32
      %dma_start3A_174 = tpu.memref_slice %arg7[%add3A_154, %dma_start3A_173] : memref<40x128xi32, #tpu.memory_space<vmem>> -> memref<1x128xi32, #tpu.memory_space<vmem>>
      %dma_start3A_175 = tpu.memref_squeeze %dma_start3A_174 : memref<1x128xi32, #tpu.memory_space<vmem>> -> memref<128xi32, #tpu.memory_space<vmem>>
      %dma_start3A_176 = arith.constant 0 : i32
      %dma_start3A_177 = arith.constant 0 : i32
      %dma_start3A_178 = tpu.memref_slice %arg14[%dma_start3A_176, %dma_start3A_177] : memref<10240x128xf32, #tpu.memory_space<vmem_shared>> -> memref<10240x128xf32, #tpu.memory_space<vmem_shared>>
      tpu.enqueue_indirect_dma source(%arg9 : memref<128x128xf32, #tpu.memory_space<vmem>>) target(%dma_start3A_178 : memref<10240x128xf32, #tpu.memory_space<vmem_shared>>) offsets(%dma_start3A_175 : memref<128xi32, #tpu.memory_space<vmem>>) semaphore(%arg13 : memref<!tpu.dma_semaphore, #tpu.memory_space<semaphore_mem>>) {add = true}
      %scan3A_179 = arith.constant 0 : i32
      scf.yield %scan3A_179 : i32
    }
    %scan3A_54 = arith.constant 20 : i32
    %dma_wait3A_55 = arith.constant 0 : i32
    %dma_wait3A_56 = arith.constant 0 : i32
    %dma_wait3A_57 = tpu.memref_slice %arg7[%dma_wait3A_55, %dma_wait3A_56] : memref<40x128xi32, #tpu.memory_space<vmem>> -> memref<1x128xi32, #tpu.memory_space<vmem>>
    %dma_wait3A_58 = tpu.memref_squeeze %dma_wait3A_57 : memref<1x128xi32, #tpu.memory_space<vmem>> -> memref<128xi32, #tpu.memory_space<vmem>>
    %dma_wait3A_59 = arith.constant 0 : i32
    %dma_wait3A_60 = arith.constant 0 : i32
    %dma_wait3A_61 = tpu.memref_slice %arg14[%dma_wait3A_59, %dma_wait3A_60] : memref<10240x128xf32, #tpu.memory_space<vmem_shared>> -> memref<10240x128xf32, #tpu.memory_space<vmem_shared>>
    tpu.wait_indirect_dma semaphore(%arg12 : memref<!tpu.dma_semaphore, #tpu.memory_space<semaphore_mem>>) src(%arg8 : memref<128x128xf32, #tpu.memory_space<vmem>>) dst(%dma_wait3A_61 : memref<10240x128xf32, #tpu.memory_space<vmem_shared>>)
    %dma_wait3A_62 = arith.constant 0 : i32
    %dma_wait3A_63 = arith.constant 0 : i32
    %dma_wait3A_64 = tpu.memref_slice %arg7[%dma_wait3A_62, %dma_wait3A_63] : memref<40x128xi32, #tpu.memory_space<vmem>> -> memref<1x128xi32, #tpu.memory_space<vmem>>
    %dma_wait3A_65 = tpu.memref_squeeze %dma_wait3A_64 : memref<1x128xi32, #tpu.memory_space<vmem>> -> memref<128xi32, #tpu.memory_space<vmem>>
    %dma_wait3A_66 = arith.constant 0 : i32
    %dma_wait3A_67 = arith.constant 0 : i32
    %dma_wait3A_68 = tpu.memref_slice %arg14[%dma_wait3A_66, %dma_wait3A_67] : memref<10240x128xf32, #tpu.memory_space<vmem_shared>> -> memref<10240x128xf32, #tpu.memory_space<vmem_shared>>
    tpu.wait_indirect_dma semaphore(%arg13 : memref<!tpu.dma_semaphore, #tpu.memory_space<semaphore_mem>>) src(%arg9 : memref<128x128xf32, #tpu.memory_space<vmem>>) dst(%dma_wait3A_68 : memref<10240x128xf32, #tpu.memory_space<vmem_shared>>)
    %barrier3A_69 = arith.constant 0 : index
    tpu.barrier barrier_id(%barrier3A_69)
    %mul3A_70 = arith.constant 640 : i32
    %mul3A_71 = arith.muli %arg1, %mul3A_70 : i32
    %add3A_72 = arith.constant 0 : i32
    %add3A_73 = arith.addi %mul3A_71, %add3A_72 : i32
    %mul3A_74 = arith.constant 10240 : i32
    %mul3A_75 = arith.muli %arg0, %mul3A_74 : i32
    %mul3A_76 = arith.constant 640 : i32
    %mul3A_77 = arith.muli %arg1, %mul3A_76 : i32
    %add3A_78 = arith.addi %mul3A_75, %mul3A_77 : i32
    %add3A_79 = arith.constant 0 : i32
    %add3A_80 = arith.addi %add3A_78, %add3A_79 : i32
    "tpu.region"() ({
      %run_scoped3A_125 = tpu.sem_alloc : memref<!tpu.dma_semaphore, #tpu.memory_space<semaphore_mem>>
      %dma_start3A = arith.constant 0 : i32
      %dma_start3A_126 = tpu.memref_slice %arg5[%add3A_80, %dma_start3A] : memref<20480x128xf32, #tpu.memory_space<hbm>> -> memref<128x128xf32, #tpu.memory_space<hbm>>
      %dma_start3A_127 = arith.constant 0 : i32
      %dma_start3A_128 = tpu.memref_slice %arg14[%add3A_73, %dma_start3A_127] : memref<10240x128xf32, #tpu.memory_space<vmem_shared>> -> memref<128x128xf32, #tpu.memory_space<vmem_shared>>
      tpu.enqueue_dma source(%dma_start3A_128 : memref<128x128xf32, #tpu.memory_space<vmem_shared>>) target(%dma_start3A_126 : memref<128x128xf32, #tpu.memory_space<hbm>>) target_semaphore(%run_scoped3A_125 : memref<!tpu.dma_semaphore, #tpu.memory_space<semaphore_mem>>)
      %dma_wait3A_129 = arith.constant 0 : i32
      %dma_wait3A_130 = tpu.memref_slice %arg5[%add3A_80, %dma_wait3A_129] : memref<20480x128xf32, #tpu.memory_space<hbm>> -> memref<128x128xf32, #tpu.memory_space<hbm>>
      %dma_wait3A_131 = arith.constant 0 : i32
      %dma_wait3A_132 = tpu.memref_slice %arg14[%add3A_73, %dma_wait3A_131] : memref<10240x128xf32, #tpu.memory_space<vmem_shared>> -> memref<128x128xf32, #tpu.memory_space<vmem_shared>>
      tpu.wait_dma2 semaphore(%run_scoped3A_125 : memref<!tpu.dma_semaphore, #tpu.memory_space<semaphore_mem>>) src(%dma_wait3A_132 : memref<128x128xf32, #tpu.memory_space<vmem_shared>>) dst(%dma_wait3A_130 : memref<128x128xf32, #tpu.memory_space<hbm>>)
      tpu.yield
    }) : () -> ()
    %mul3A_81 = arith.constant 640 : i32
    %mul3A_82 = arith.muli %arg1, %mul3A_81 : i32
    %add3A_83 = arith.constant 128 : i32
    %add3A_84 = arith.addi %mul3A_82, %add3A_83 : i32
    %mul3A_85 = arith.constant 10240 : i32
    %mul3A_86 = arith.muli %arg0, %mul3A_85 : i32
    %mul3A_87 = arith.constant 640 : i32
    %mul3A_88 = arith.muli %arg1, %mul3A_87 : i32
    %add3A_89 = arith.addi %mul3A_86, %mul3A_88 : i32
    %add3A_90 = arith.constant 128 : i32
    %add3A_91 = arith.addi %add3A_89, %add3A_90 : i32
    "tpu.region"() ({
      %run_scoped3A_125 = tpu.sem_alloc : memref<!tpu.dma_semaphore, #tpu.memory_space<semaphore_mem>>
      %dma_start3A = arith.constant 0 : i32
      %dma_start3A_126 = tpu.memref_slice %arg5[%add3A_91, %dma_start3A] : memref<20480x128xf32, #tpu.memory_space<hbm>> -> memref<128x128xf32, #tpu.memory_space<hbm>>
      %dma_start3A_127 = arith.constant 0 : i32
      %dma_start3A_128 = tpu.memref_slice %arg14[%add3A_84, %dma_start3A_127] : memref<10240x128xf32, #tpu.memory_space<vmem_shared>> -> memref<128x128xf32, #tpu.memory_space<vmem_shared>>
      tpu.enqueue_dma source(%dma_start3A_128 : memref<128x128xf32, #tpu.memory_space<vmem_shared>>) target(%dma_start3A_126 : memref<128x128xf32, #tpu.memory_space<hbm>>) target_semaphore(%run_scoped3A_125 : memref<!tpu.dma_semaphore, #tpu.memory_space<semaphore_mem>>)
      %dma_wait3A_129 = arith.constant 0 : i32
      %dma_wait3A_130 = tpu.memref_slice %arg5[%add3A_91, %dma_wait3A_129] : memref<20480x128xf32, #tpu.memory_space<hbm>> -> memref<128x128xf32, #tpu.memory_space<hbm>>
      %dma_wait3A_131 = arith.constant 0 : i32
      %dma_wait3A_132 = tpu.memref_slice %arg14[%add3A_84, %dma_wait3A_131] : memref<10240x128xf32, #tpu.memory_space<vmem_shared>> -> memref<128x128xf32, #tpu.memory_space<vmem_shared>>
      tpu.wait_dma2 semaphore(%run_scoped3A_125 : memref<!tpu.dma_semaphore, #tpu.memory_space<semaphore_mem>>) src(%dma_wait3A_132 : memref<128x128xf32, #tpu.memory_space<vmem_shared>>) dst(%dma_wait3A_130 : memref<128x128xf32, #tpu.memory_space<hbm>>)
      tpu.yield
    }) : () -> ()
    %mul3A_92 = arith.constant 640 : i32
    %mul3A_93 = arith.muli %arg1, %mul3A_92 : i32
    %add3A_94 = arith.constant 256 : i32
    %add3A_95 = arith.addi %mul3A_93, %add3A_94 : i32
    %mul3A_96 = arith.constant 10240 : i32
    %mul3A_97 = arith.muli %arg0, %mul3A_96 : i32
    %mul3A_98 = arith.constant 640 : i32
    %mul3A_99 = arith.muli %arg1, %mul3A_98 : i32
    %add3A_100 = arith.addi %mul3A_97, %mul3A_99 : i32
    %add3A_101 = arith.constant 256 : i32
    %add3A_102 = arith.addi %add3A_100, %add3A_101 : i32
    "tpu.region"() ({
      %run_scoped3A_125 = tpu.sem_alloc : memref<!tpu.dma_semaphore, #tpu.memory_space<semaphore_mem>>
      %dma_start3A = arith.constant 0 : i32
      %dma_start3A_126 = tpu.memref_slice %arg5[%add3A_102, %dma_start3A] : memref<20480x128xf32, #tpu.memory_space<hbm>> -> memref<128x128xf32, #tpu.memory_space<hbm>>
      %dma_start3A_127 = arith.constant 0 : i32
      %dma_start3A_128 = tpu.memref_slice %arg14[%add3A_95, %dma_start3A_127] : memref<10240x128xf32, #tpu.memory_space<vmem_shared>> -> memref<128x128xf32, #tpu.memory_space<vmem_shared>>
      tpu.enqueue_dma source(%dma_start3A_128 : memref<128x128xf32, #tpu.memory_space<vmem_shared>>) target(%dma_start3A_126 : memref<128x128xf32, #tpu.memory_space<hbm>>) target_semaphore(%run_scoped3A_125 : memref<!tpu.dma_semaphore, #tpu.memory_space<semaphore_mem>>)
      %dma_wait3A_129 = arith.constant 0 : i32
      %dma_wait3A_130 = tpu.memref_slice %arg5[%add3A_102, %dma_wait3A_129] : memref<20480x128xf32, #tpu.memory_space<hbm>> -> memref<128x128xf32, #tpu.memory_space<hbm>>
      %dma_wait3A_131 = arith.constant 0 : i32
      %dma_wait3A_132 = tpu.memref_slice %arg14[%add3A_95, %dma_wait3A_131] : memref<10240x128xf32, #tpu.memory_space<vmem_shared>> -> memref<128x128xf32, #tpu.memory_space<vmem_shared>>
      tpu.wait_dma2 semaphore(%run_scoped3A_125 : memref<!tpu.dma_semaphore, #tpu.memory_space<semaphore_mem>>) src(%dma_wait3A_132 : memref<128x128xf32, #tpu.memory_space<vmem_shared>>) dst(%dma_wait3A_130 : memref<128x128xf32, #tpu.memory_space<hbm>>)
      tpu.yield
    }) : () -> ()
    %mul3A_103 = arith.constant 640 : i32
    %mul3A_104 = arith.muli %arg1, %mul3A_103 : i32
    %add3A_105 = arith.constant 384 : i32
    %add3A_106 = arith.addi %mul3A_104, %add3A_105 : i32
    %mul3A_107 = arith.constant 10240 : i32
    %mul3A_108 = arith.muli %arg0, %mul3A_107 : i32
    %mul3A_109 = arith.constant 640 : i32
    %mul3A_110 = arith.muli %arg1, %mul3A_109 : i32
    %add3A_111 = arith.addi %mul3A_108, %mul3A_110 : i32
    %add3A_112 = arith.constant 384 : i32
    %add3A_113 = arith.addi %add3A_111, %add3A_112 : i32
    "tpu.region"() ({
      %run_scoped3A_125 = tpu.sem_alloc : memref<!tpu.dma_semaphore, #tpu.memory_space<semaphore_mem>>
      %dma_start3A = arith.constant 0 : i32
      %dma_start3A_126 = tpu.memref_slice %arg5[%add3A_113, %dma_start3A] : memref<20480x128xf32, #tpu.memory_space<hbm>> -> memref<128x128xf32, #tpu.memory_space<hbm>>
      %dma_start3A_127 = arith.constant 0 : i32
      %dma_start3A_128 = tpu.memref_slice %arg14[%add3A_106, %dma_start3A_127] : memref<10240x128xf32, #tpu.memory_space<vmem_shared>> -> memref<128x128xf32, #tpu.memory_space<vmem_shared>>
      tpu.enqueue_dma source(%dma_start3A_128 : memref<128x128xf32, #tpu.memory_space<vmem_shared>>) target(%dma_start3A_126 : memref<128x128xf32, #tpu.memory_space<hbm>>) target_semaphore(%run_scoped3A_125 : memref<!tpu.dma_semaphore, #tpu.memory_space<semaphore_mem>>)
      %dma_wait3A_129 = arith.constant 0 : i32
      %dma_wait3A_130 = tpu.memref_slice %arg5[%add3A_113, %dma_wait3A_129] : memref<20480x128xf32, #tpu.memory_space<hbm>> -> memref<128x128xf32, #tpu.memory_space<hbm>>
      %dma_wait3A_131 = arith.constant 0 : i32
      %dma_wait3A_132 = tpu.memref_slice %arg14[%add3A_106, %dma_wait3A_131] : memref<10240x128xf32, #tpu.memory_space<vmem_shared>> -> memref<128x128xf32, #tpu.memory_space<vmem_shared>>
      tpu.wait_dma2 semaphore(%run_scoped3A_125 : memref<!tpu.dma_semaphore, #tpu.memory_space<semaphore_mem>>) src(%dma_wait3A_132 : memref<128x128xf32, #tpu.memory_space<vmem_shared>>) dst(%dma_wait3A_130 : memref<128x128xf32, #tpu.memory_space<hbm>>)
      tpu.yield
    }) : () -> ()
    %mul3A_114 = arith.constant 640 : i32
    %mul3A_115 = arith.muli %arg1, %mul3A_114 : i32
    %add3A_116 = arith.constant 512 : i32
    %add3A_117 = arith.addi %mul3A_115, %add3A_116 : i32
    %mul3A_118 = arith.constant 10240 : i32
    %mul3A_119 = arith.muli %arg0, %mul3A_118 : i32
    %mul3A_120 = arith.constant 640 : i32
    %mul3A_121 = arith.muli %arg1, %mul3A_120 : i32
    %add3A_122 = arith.addi %mul3A_119, %mul3A_121 : i32
    %add3A_123 = arith.constant 512 : i32
    %add3A_124 = arith.addi %add3A_122, %add3A_123 : i32
    "tpu.region"() ({
      %run_scoped3A_125 = tpu.sem_alloc : memref<!tpu.dma_semaphore, #tpu.memory_space<semaphore_mem>>
      %dma_start3A = arith.constant 0 : i32
      %dma_start3A_126 = tpu.memref_slice %arg5[%add3A_124, %dma_start3A] : memref<20480x128xf32, #tpu.memory_space<hbm>> -> memref<128x128xf32, #tpu.memory_space<hbm>>
      %dma_start3A_127 = arith.constant 0 : i32
      %dma_start3A_128 = tpu.memref_slice %arg14[%add3A_117, %dma_start3A_127] : memref<10240x128xf32, #tpu.memory_space<vmem_shared>> -> memref<128x128xf32, #tpu.memory_space<vmem_shared>>
      tpu.enqueue_dma source(%dma_start3A_128 : memref<128x128xf32, #tpu.memory_space<vmem_shared>>) target(%dma_start3A_126 : memref<128x128xf32, #tpu.memory_space<hbm>>) target_semaphore(%run_scoped3A_125 : memref<!tpu.dma_semaphore, #tpu.memory_space<semaphore_mem>>)
      %dma_wait3A_129 = arith.constant 0 : i32
      %dma_wait3A_130 = tpu.memref_slice %arg5[%add3A_124, %dma_wait3A_129] : memref<20480x128xf32, #tpu.memory_space<hbm>> -> memref<128x128xf32, #tpu.memory_space<hbm>>
      %dma_wait3A_131 = arith.constant 0 : i32
      %dma_wait3A_132 = tpu.memref_slice %arg14[%add3A_117, %dma_wait3A_131] : memref<10240x128xf32, #tpu.memory_space<vmem_shared>> -> memref<128x128xf32, #tpu.memory_space<vmem_shared>>
      tpu.wait_dma2 semaphore(%run_scoped3A_125 : memref<!tpu.dma_semaphore, #tpu.memory_space<semaphore_mem>>) src(%dma_wait3A_132 : memref<128x128xf32, #tpu.memory_space<vmem_shared>>) dst(%dma_wait3A_130 : memref<128x128xf32, #tpu.memory_space<hbm>>)
      tpu.yield
    }) : () -> ()
    return
  }
}

module attributes {stable_mosaic.version = 14 : i64} {
  func.func @_scale_body(%arg0: i32, %arg1: memref<2x1024x128xf32, #tpu.memory_space<vmem>>, %arg2: memref<2x1024x128xf32, #tpu.memory_space<vmem>>, %arg3: memref<2x1024x128xf32, #tpu.memory_space<vmem>>, %arg4: memref<1024x1xf32, #tpu.memory_space<vmem>>) attributes {dimension_semantics = [#tpu.dimension_semantics<arbitrary>], iteration_bounds = array<i64: 10>, scalar_prefetch = 0 : i64, scratch_operands = 0 : i64, tpu.core_type = #tpu.core_type<tc>, window_params = [{transform_indices = @transform_0, window_bounds = array<i64: 2, 1024, 128>}, {transform_indices = @transform_1, window_bounds = array<i64: 2, 1024, 128>}, {transform_indices = @transform_2, window_bounds = array<i64: 2, 1024, 128>}, {transform_indices = @transform_3, window_bounds = array<i64: 1024, 1>}]} {
    %get3A = arith.constant 0 : index
    %get3A_0 = arith.constant 0 : index
    %get3A_1 = arith.constant 0 : index
    %get3A_2 = vector.load %arg2[%get3A, %get3A_0, %get3A_1] : memref<2x1024x128xf32, #tpu.memory_space<vmem>>, vector<1x1024x1xf32>
    %get3A_3 = vector.shape_cast %get3A_2 : vector<1x1024x1xf32> to vector<1024x1xf32>
    %get3A_4 = arith.constant 1 : index
    %get3A_5 = arith.constant 0 : index
    %get3A_6 = arith.constant 0 : index
    %get3A_7 = vector.load %arg2[%get3A_4, %get3A_5, %get3A_6] : memref<2x1024x128xf32, #tpu.memory_space<vmem>>, vector<1x1024x1xf32>
    %get3A_8 = vector.shape_cast %get3A_7 : vector<1x1024x1xf32> to vector<1024x1xf32>
    %add3A = arith.addf %get3A_3, %get3A_8 : vector<1024x1xf32>
    %add3A_9 = arith.constant 1.000000e+00 : f32
    %add3A_10 = vector.broadcast %add3A_9 : f32 to vector<1024x1xf32>
    %add3A_11 = arith.addf %add3A, %add3A_10 : vector<1024x1xf32>
    %rsqrt3A = math.rsqrt %add3A_11 : vector<1024x1xf32>
    %get3A_12 = arith.constant 0 : index
    %get3A_13 = arith.constant 0 : index
    %get3A_14 = arith.constant 0 : index
    %get3A_15 = vector.load %arg1[%get3A_12, %get3A_13, %get3A_14] : memref<2x1024x128xf32, #tpu.memory_space<vmem>>, vector<2x1024x128xf32>
    %broadcast_in_dim3A = vector.shape_cast %rsqrt3A : vector<1024x1xf32> to vector<1x1024x1xf32>
    %mul3A = vector.broadcast %broadcast_in_dim3A : vector<1x1024x1xf32> to vector<2x1024x128xf32>
    %mul3A_16 = arith.mulf %get3A_15, %mul3A : vector<2x1024x128xf32>
    %swap3A = arith.constant 0 : index
    %swap3A_17 = arith.constant 0 : index
    %swap3A_18 = arith.constant 0 : index
    %swap3A_19 = vector.load %arg3[%swap3A, %swap3A_17, %swap3A_18] : memref<2x1024x128xf32, #tpu.memory_space<vmem>>, vector<2x1024x128xf32>
    tpu.vector_store %arg3[%swap3A, %swap3A_17, %swap3A_18], %mul3A_16 {strides = array<i32>} : memref<2x1024x128xf32, #tpu.memory_space<vmem>>, vector<2x1024x128xf32>,
    %swap3A_20 = arith.constant 0 : index
    %swap3A_21 = arith.constant 0 : index
    %swap3A_22 = vector.load %arg4[%swap3A_20, %swap3A_21] : memref<1024x1xf32, #tpu.memory_space<vmem>>, vector<1024x1xf32>
    tpu.vector_store %arg4[%swap3A_20, %swap3A_21], %rsqrt3A {strides = array<i32>} : memref<1024x1xf32, #tpu.memory_space<vmem>>, vector<1024x1xf32>,
    return
  }
  func.func @transform_0(%arg0: i32) -> (i32, i32, i32) {
    %c0_i32 = arith.constant 0 : i32
    %c0_i32_0 = arith.constant 0 : i32
    %c0_i32_1 = arith.constant 0 : i32
    return %c0_i32, %arg0, %c0_i32_0 : i32, i32, i32
  }
  func.func @transform_1(%arg0: i32) -> (i32, i32, i32) {
    %c0_i32 = arith.constant 0 : i32
    %c0_i32_0 = arith.constant 0 : i32
    %c0_i32_1 = arith.constant 0 : i32
    return %c0_i32, %arg0, %c0_i32_0 : i32, i32, i32
  }
  func.func @transform_2(%arg0: i32) -> (i32, i32, i32) {
    %c0_i32 = arith.constant 0 : i32
    %c0_i32_0 = arith.constant 0 : i32
    %c0_i32_1 = arith.constant 0 : i32
    return %c0_i32, %arg0, %c0_i32_0 : i32, i32, i32
  }
  func.func @transform_3(%arg0: i32) -> (i32, i32) {
    %c0_i32 = arith.constant 0 : i32
    %c0_i32_0 = arith.constant 0 : i32
    return %arg0, %c0_i32 : i32, i32
  }
}

module attributes {stable_mosaic.version = 14 : i64} {
  func.func @_mm_body(%arg0: i32, %arg1: memref<2x1024x128xf32, #tpu.memory_space<vmem>>, %arg2: memref<2x1024x128xf32, #tpu.memory_space<vmem>>, %arg3: memref<1024x1xf32, #tpu.memory_space<vmem>>, %arg4: memref<256x256xf32, #tpu.memory_space<vmem>>, %arg5: memref<1x256xf32, #tpu.memory_space<vmem>>, %arg6: memref<2x1024x128xf32, #tpu.memory_space<vmem>>) attributes {dimension_semantics = [#tpu.dimension_semantics<parallel>], iteration_bounds = array<i64: 10>, scalar_prefetch = 0 : i64, scratch_operands = 0 : i64, tpu.core_type = #tpu.core_type<tc>, window_params = [{transform_indices = @transform_0, window_bounds = array<i64: 2, 1024, 128>}, {transform_indices = @transform_1, window_bounds = array<i64: 2, 1024, 128>}, {transform_indices = @transform_2, window_bounds = array<i64: 1024, 1>}, {pipeline_mode = #tpu.pipeline_mode<synchronous>, transform_indices = @transform_3, window_bounds = array<i64: 256, 256>}, {pipeline_mode = #tpu.pipeline_mode<synchronous>, transform_indices = @transform_4, window_bounds = array<i64: 1, 256>}, {transform_indices = @transform_5, window_bounds = array<i64: 2, 1024, 128>}]} {
    %get3A = arith.constant 0 : index
    %get3A_0 = arith.constant 0 : index
    %get3A_1 = vector.load %arg3[%get3A, %get3A_0] : memref<1024x1xf32, #tpu.memory_space<vmem>>, vector<1024x1xf32>
    %get3A_2 = arith.constant 0 : index
    %get3A_3 = arith.constant 0 : index
    %get3A_4 = arith.constant 0 : index
    %get3A_5 = vector.load %arg1[%get3A_2, %get3A_3, %get3A_4] : memref<2x1024x128xf32, #tpu.memory_space<vmem>>, vector<1x1024x128xf32>
    %get3A_6 = vector.shape_cast %get3A_5 : vector<1x1024x128xf32> to vector<1024x128xf32>
    %get3A_7 = arith.constant 0 : index
    %get3A_8 = arith.constant 0 : index
    %get3A_9 = arith.constant 0 : index
    %get3A_10 = vector.load %arg2[%get3A_7, %get3A_8, %get3A_9] : memref<2x1024x128xf32, #tpu.memory_space<vmem>>, vector<1x1024x128xf32>
    %get3A_11 = vector.shape_cast %get3A_10 : vector<1x1024x128xf32> to vector<1024x128xf32>
    %add3A = arith.addf %get3A_6, %get3A_11 : vector<1024x128xf32>
    %mul3A = vector.broadcast %get3A_1 : vector<1024x1xf32> to vector<1024x128xf32>
    %mul3A_12 = arith.mulf %add3A, %mul3A : vector<1024x128xf32>
    %get3A_13 = arith.constant 1 : index
    %get3A_14 = arith.constant 0 : index
    %get3A_15 = arith.constant 0 : index
    %get3A_16 = vector.load %arg1[%get3A_13, %get3A_14, %get3A_15] : memref<2x1024x128xf32, #tpu.memory_space<vmem>>, vector<1x1024x128xf32>
    %get3A_17 = vector.shape_cast %get3A_16 : vector<1x1024x128xf32> to vector<1024x128xf32>
    %get3A_18 = arith.constant 1 : index
    %get3A_19 = arith.constant 0 : index
    %get3A_20 = arith.constant 0 : index
    %get3A_21 = vector.load %arg2[%get3A_18, %get3A_19, %get3A_20] : memref<2x1024x128xf32, #tpu.memory_space<vmem>>, vector<1x1024x128xf32>
    %get3A_22 = vector.shape_cast %get3A_21 : vector<1x1024x128xf32> to vector<1024x128xf32>
    %add3A_23 = arith.addf %get3A_17, %get3A_22 : vector<1024x128xf32>
    %mul3A_24 = vector.broadcast %get3A_1 : vector<1024x1xf32> to vector<1024x128xf32>
    %mul3A_25 = arith.mulf %add3A_23, %mul3A_24 : vector<1024x128xf32>
    %get3A_26 = arith.constant 0 : index
    %get3A_27 = arith.constant 0 : index
    %get3A_28 = vector.load %arg4[%get3A_26, %get3A_27] : memref<256x256xf32, #tpu.memory_space<vmem>>, vector<256x256xf32>
    %slice3A = vector.extract_strided_slice %get3A_28 {offsets = [0, 0], sizes = [128, 256], strides = [1, 1]} : vector<256x256xf32> to vector<128x256xf32>
    %dot_general3A = arith.constant dense<0.000000e+00> : vector<1024x256xf32>
    %dot_general3A_29 = tpu.matmul %mul3A_12, %slice3A, %dot_general3A {dimension_numbers = #tpu.dot_dimension_numbers<[1], [0], [0], [1], [0, 0, 1, 1], [], []>, transpose_lhs_hint = false} : vector<1024x128xf32>, vector<128x256xf32>, vector<1024x256xf32> -> vector<1024x256xf32>
    %slice3A_30 = vector.extract_strided_slice %get3A_28 {offsets = [128, 0], sizes = [128, 256], strides = [1, 1]} : vector<256x256xf32> to vector<128x256xf32>
    %dot_general3A_31 = arith.constant dense<0.000000e+00> : vector<1024x256xf32>
    %dot_general3A_32 = tpu.matmul %mul3A_25, %slice3A_30, %dot_general3A_31 {dimension_numbers = #tpu.dot_dimension_numbers<[1], [0], [0], [1], [0, 0, 1, 1], [], []>, transpose_lhs_hint = false} : vector<1024x128xf32>, vector<128x256xf32>, vector<1024x256xf32> -> vector<1024x256xf32>
    %add3A_33 = arith.addf %dot_general3A_29, %dot_general3A_32 : vector<1024x256xf32>
    %get3A_34 = arith.constant 0 : index
    %get3A_35 = arith.constant 0 : index
    %get3A_36 = vector.load %arg5[%get3A_34, %get3A_35] : memref<1x256xf32, #tpu.memory_space<vmem>>, vector<1x256xf32>
    %add3A_37 = vector.broadcast %get3A_36 : vector<1x256xf32> to vector<1024x256xf32>
    %add3A_38 = arith.addf %add3A_33, %add3A_37 : vector<1024x256xf32>
    %max3A = arith.constant 0.000000e+00 : f32
    %max3A_39 = vector.broadcast %max3A : f32 to vector<1024x256xf32>
    %max3A_40 = arith.maximumf %add3A_38, %max3A_39 : vector<1024x256xf32>
    %mul3A_41 = vector.broadcast %get3A_1 : vector<1024x1xf32> to vector<1024x256xf32>
    %mul3A_42 = arith.mulf %max3A_40, %mul3A_41 : vector<1024x256xf32>
    %slice3A_43 = vector.extract_strided_slice %mul3A_42 {offsets = [0, 0], sizes = [1024, 128], strides = [1, 1]} : vector<1024x256xf32> to vector<1024x128xf32>
    %swap3A = arith.constant 0 : index
    %swap3A_44 = arith.constant 0 : index
    %swap3A_45 = arith.constant 0 : index
    %swap3A_46 = vector.load %arg6[%swap3A, %swap3A_44, %swap3A_45] : memref<2x1024x128xf32, #tpu.memory_space<vmem>>, vector<1x1024x128xf32>
    %swap3A_47 = vector.shape_cast %swap3A_46 : vector<1x1024x128xf32> to vector<1024x128xf32>
    %swap3A_48 = vector.shape_cast %slice3A_43 : vector<1024x128xf32> to vector<1x1024x128xf32>
    tpu.vector_store %arg6[%swap3A, %swap3A_44, %swap3A_45], %swap3A_48 {strides = array<i32>} : memref<2x1024x128xf32, #tpu.memory_space<vmem>>, vector<1x1024x128xf32>,
    %slice3A_49 = vector.extract_strided_slice %mul3A_42 {offsets = [0, 128], sizes = [1024, 128], strides = [1, 1]} : vector<1024x256xf32> to vector<1024x128xf32>
    %swap3A_50 = arith.constant 1 : index
    %swap3A_51 = arith.constant 0 : index
    %swap3A_52 = arith.constant 0 : index
    %swap3A_53 = vector.load %arg6[%swap3A_50, %swap3A_51, %swap3A_52] : memref<2x1024x128xf32, #tpu.memory_space<vmem>>, vector<1x1024x128xf32>
    %swap3A_54 = vector.shape_cast %swap3A_53 : vector<1x1024x128xf32> to vector<1024x128xf32>
    %swap3A_55 = vector.shape_cast %slice3A_49 : vector<1024x128xf32> to vector<1x1024x128xf32>
    tpu.vector_store %arg6[%swap3A_50, %swap3A_51, %swap3A_52], %swap3A_55 {strides = array<i32>} : memref<2x1024x128xf32, #tpu.memory_space<vmem>>, vector<1x1024x128xf32>,
    return
  }
  func.func @transform_0(%arg0: i32) -> (i32, i32, i32) {
    %c0_i32 = arith.constant 0 : i32
    %c0_i32_0 = arith.constant 0 : i32
    %c0_i32_1 = arith.constant 0 : i32
    return %c0_i32, %arg0, %c0_i32_0 : i32, i32, i32
  }
  func.func @transform_1(%arg0: i32) -> (i32, i32, i32) {
    %c0_i32 = arith.constant 0 : i32
    %c0_i32_0 = arith.constant 0 : i32
    %c0_i32_1 = arith.constant 0 : i32
    return %c0_i32, %arg0, %c0_i32_0 : i32, i32, i32
  }
  func.func @transform_2(%arg0: i32) -> (i32, i32) {
    %c0_i32 = arith.constant 0 : i32
    %c0_i32_0 = arith.constant 0 : i32
    return %arg0, %c0_i32 : i32, i32
  }
  func.func @transform_3(%arg0: i32) -> (i32, i32) {
    %c0_i32 = arith.constant 0 : i32
    %c0_i32_0 = arith.constant 0 : i32
    %c0_i32_1 = arith.constant 0 : i32
    return %c0_i32, %c0_i32_0 : i32, i32
  }
  func.func @transform_4(%arg0: i32) -> (i32, i32) {
    %c0_i32 = arith.constant 0 : i32
    %c0_i32_0 = arith.constant 0 : i32
    %c0_i32_1 = arith.constant 0 : i32
    return %c0_i32, %c0_i32_0 : i32, i32
  }
  func.func @transform_5(%arg0: i32) -> (i32, i32, i32) {
    %c0_i32 = arith.constant 0 : i32
    %c0_i32_0 = arith.constant 0 : i32
    %c0_i32_1 = arith.constant 0 : i32
    return %c0_i32, %arg0, %c0_i32_0 : i32, i32, i32
  }
}

module attributes {stable_mosaic.version = 14 : i64} {
  func.func @_mm_body(%arg0: i32, %arg1: memref<2x1024x128xf32, #tpu.memory_space<vmem>>, %arg2: memref<2x1024x128xf32, #tpu.memory_space<vmem>>, %arg3: memref<1024x1xf32, #tpu.memory_space<vmem>>, %arg4: memref<256x256xf32, #tpu.memory_space<vmem>>, %arg5: memref<1x256xf32, #tpu.memory_space<vmem>>, %arg6: memref<1024x256xf32, #tpu.memory_space<vmem>>) attributes {dimension_semantics = [#tpu.dimension_semantics<parallel>], iteration_bounds = array<i64: 10>, scalar_prefetch = 0 : i64, scratch_operands = 0 : i64, tpu.core_type = #tpu.core_type<tc>, window_params = [{transform_indices = @transform_0, window_bounds = array<i64: 2, 1024, 128>}, {transform_indices = @transform_1, window_bounds = array<i64: 2, 1024, 128>}, {transform_indices = @transform_2, window_bounds = array<i64: 1024, 1>}, {pipeline_mode = #tpu.pipeline_mode<synchronous>, transform_indices = @transform_3, window_bounds = array<i64: 256, 256>}, {pipeline_mode = #tpu.pipeline_mode<synchronous>, transform_indices = @transform_4, window_bounds = array<i64: 1, 256>}, {transform_indices = @transform_5, window_bounds = array<i64: 1024, 256>}]} {
    %get3A = arith.constant 0 : index
    %get3A_0 = arith.constant 0 : index
    %get3A_1 = vector.load %arg3[%get3A, %get3A_0] : memref<1024x1xf32, #tpu.memory_space<vmem>>, vector<1024x1xf32>
    %get3A_2 = arith.constant 0 : index
    %get3A_3 = arith.constant 0 : index
    %get3A_4 = arith.constant 0 : index
    %get3A_5 = vector.load %arg1[%get3A_2, %get3A_3, %get3A_4] : memref<2x1024x128xf32, #tpu.memory_space<vmem>>, vector<1x1024x128xf32>
    %get3A_6 = vector.shape_cast %get3A_5 : vector<1x1024x128xf32> to vector<1024x128xf32>
    %get3A_7 = arith.constant 0 : index
    %get3A_8 = arith.constant 0 : index
    %get3A_9 = arith.constant 0 : index
    %get3A_10 = vector.load %arg2[%get3A_7, %get3A_8, %get3A_9] : memref<2x1024x128xf32, #tpu.memory_space<vmem>>, vector<1x1024x128xf32>
    %get3A_11 = vector.shape_cast %get3A_10 : vector<1x1024x128xf32> to vector<1024x128xf32>
    %add3A = arith.addf %get3A_6, %get3A_11 : vector<1024x128xf32>
    %mul3A = vector.broadcast %get3A_1 : vector<1024x1xf32> to vector<1024x128xf32>
    %mul3A_12 = arith.mulf %add3A, %mul3A : vector<1024x128xf32>
    %get3A_13 = arith.constant 1 : index
    %get3A_14 = arith.constant 0 : index
    %get3A_15 = arith.constant 0 : index
    %get3A_16 = vector.load %arg1[%get3A_13, %get3A_14, %get3A_15] : memref<2x1024x128xf32, #tpu.memory_space<vmem>>, vector<1x1024x128xf32>
    %get3A_17 = vector.shape_cast %get3A_16 : vector<1x1024x128xf32> to vector<1024x128xf32>
    %get3A_18 = arith.constant 1 : index
    %get3A_19 = arith.constant 0 : index
    %get3A_20 = arith.constant 0 : index
    %get3A_21 = vector.load %arg2[%get3A_18, %get3A_19, %get3A_20] : memref<2x1024x128xf32, #tpu.memory_space<vmem>>, vector<1x1024x128xf32>
    %get3A_22 = vector.shape_cast %get3A_21 : vector<1x1024x128xf32> to vector<1024x128xf32>
    %add3A_23 = arith.addf %get3A_17, %get3A_22 : vector<1024x128xf32>
    %mul3A_24 = vector.broadcast %get3A_1 : vector<1024x1xf32> to vector<1024x128xf32>
    %mul3A_25 = arith.mulf %add3A_23, %mul3A_24 : vector<1024x128xf32>
    %get3A_26 = arith.constant 0 : index
    %get3A_27 = arith.constant 0 : index
    %get3A_28 = vector.load %arg4[%get3A_26, %get3A_27] : memref<256x256xf32, #tpu.memory_space<vmem>>, vector<256x256xf32>
    %slice3A = vector.extract_strided_slice %get3A_28 {offsets = [0, 0], sizes = [128, 256], strides = [1, 1]} : vector<256x256xf32> to vector<128x256xf32>
    %dot_general3A = arith.constant dense<0.000000e+00> : vector<1024x256xf32>
    %dot_general3A_29 = tpu.matmul %mul3A_12, %slice3A, %dot_general3A {dimension_numbers = #tpu.dot_dimension_numbers<[1], [0], [0], [1], [0, 0, 1, 1], [], []>, transpose_lhs_hint = false} : vector<1024x128xf32>, vector<128x256xf32>, vector<1024x256xf32> -> vector<1024x256xf32>
    %slice3A_30 = vector.extract_strided_slice %get3A_28 {offsets = [128, 0], sizes = [128, 256], strides = [1, 1]} : vector<256x256xf32> to vector<128x256xf32>
    %dot_general3A_31 = arith.constant dense<0.000000e+00> : vector<1024x256xf32>
    %dot_general3A_32 = tpu.matmul %mul3A_25, %slice3A_30, %dot_general3A_31 {dimension_numbers = #tpu.dot_dimension_numbers<[1], [0], [0], [1], [0, 0, 1, 1], [], []>, transpose_lhs_hint = false} : vector<1024x128xf32>, vector<128x256xf32>, vector<1024x256xf32> -> vector<1024x256xf32>
    %add3A_33 = arith.addf %dot_general3A_29, %dot_general3A_32 : vector<1024x256xf32>
    %get3A_34 = arith.constant 0 : index
    %get3A_35 = arith.constant 0 : index
    %get3A_36 = vector.load %arg5[%get3A_34, %get3A_35] : memref<1x256xf32, #tpu.memory_space<vmem>>, vector<1x256xf32>
    %add3A_37 = vector.broadcast %get3A_36 : vector<1x256xf32> to vector<1024x256xf32>
    %add3A_38 = arith.addf %add3A_33, %add3A_37 : vector<1024x256xf32>
    %swap3A = arith.constant 0 : index
    %swap3A_39 = arith.constant 0 : index
    %swap3A_40 = vector.load %arg6[%swap3A, %swap3A_39] : memref<1024x256xf32, #tpu.memory_space<vmem>>, vector<1024x256xf32>
    tpu.vector_store %arg6[%swap3A, %swap3A_39], %add3A_38 {strides = array<i32>} : memref<1024x256xf32, #tpu.memory_space<vmem>>, vector<1024x256xf32>,
    return
  }
  func.func @transform_0(%arg0: i32) -> (i32, i32, i32) {
    %c0_i32 = arith.constant 0 : i32
    %c0_i32_0 = arith.constant 0 : i32
    %c0_i32_1 = arith.constant 0 : i32
    return %c0_i32, %arg0, %c0_i32_0 : i32, i32, i32
  }
  func.func @transform_1(%arg0: i32) -> (i32, i32, i32) {
    %c0_i32 = arith.constant 0 : i32
    %c0_i32_0 = arith.constant 0 : i32
    %c0_i32_1 = arith.constant 0 : i32
    return %c0_i32, %arg0, %c0_i32_0 : i32, i32, i32
  }
  func.func @transform_2(%arg0: i32) -> (i32, i32) {
    %c0_i32 = arith.constant 0 : i32
    %c0_i32_0 = arith.constant 0 : i32
    return %arg0, %c0_i32 : i32, i32
  }
  func.func @transform_3(%arg0: i32) -> (i32, i32) {
    %c0_i32 = arith.constant 0 : i32
    %c0_i32_0 = arith.constant 0 : i32
    %c0_i32_1 = arith.constant 0 : i32
    return %c0_i32, %c0_i32_0 : i32, i32
  }
  func.func @transform_4(%arg0: i32) -> (i32, i32) {
    %c0_i32 = arith.constant 0 : i32
    %c0_i32_0 = arith.constant 0 : i32
    %c0_i32_1 = arith.constant 0 : i32
    return %c0_i32, %c0_i32_0 : i32, i32
  }
  func.func @transform_5(%arg0: i32) -> (i32, i32) {
    %c0_i32 = arith.constant 0 : i32
    %c0_i32_0 = arith.constant 0 : i32
    return %arg0, %c0_i32 : i32, i32
  }
}

</mosaic_0001>

<sc_bundles>
// kernel: kernel.12.cloned.1.call-start
scs
__scs_entry_jumppad:
0x0: {  	(pc) =	sbr.rel $0x88, $3  }
0x1: {  	(tag) =	ssettag $0x0;
	lr =	simm.s32 $0x1  }
0x2: {  	[smem:$0x3F9C] =	sst lr;
	_ =	strace $0xD0000000  }
0x3: {  	_ = 	snop  }
0x4: {  	_ = 	snop  }
0x5: {  	_ = 	snop  }
0x6: {  	_ = 	snop  }
0x7: {  	_ = 	snop  }
__scs_overlays_trampoline_lowered:
0x8: {  	[smem:$0x3FAB] =	sst s0  }
0x9: {  	[smem:$0x3FAC] =	sst s1  }
0xa: {  	[smem:$0x3FAD] =	sst s2  }
0xb: {  	[smem:$0x3FAE] =	sst s3  }
0xc: {  	[smem:$0x3FAF] =	sst s4  }
0xd: {  	[smem:$0x3FB0] =	sst s5  }
0xe: {  	[smem:$0x3FB1] =	sst s6  }
0xf: {  	[smem:$0x3FB2] =	sst s7  }
0x10: {  	[smem:$0x3FB3] =	sst s8  }
0x11: {  	[smem:$0x3FB4] =	sst s9;
	s0 =	simm.s32 @!p0 $0x0  }
0x12: {  	s1 =	sld [smem:$0x3F9A];
	s0 =	simm.s32 @p0 $0x1  }
0x13: {  	[smem:$0x3FB5] =	sst s0;
	s0 =	simm.s32 @!p1 $0x0  }
0x14: {  	s2 =	sld [smem:$0x3F99];
	s0 =	simm.s32 @p1 $0x1  }
0x15: {  	[smem:$0x3FB6] =	sst s0;
	s0 =	simm.s32 @!p2 $0x0  }
0x16: {  	s3 =	sld [smem:$0x3FDB];
	s0 =	simm.s32 @p2 $0x1  }
0x17: {  	s4 =	simm.s32 $0x1BF5;
	[smem:$0x3FB8] =	sst s0  }
0x18: {  	s0 =	sld [smem:$0x3F9B];
	_ =	swait.ge [sflag:s4], $0x0  }
0x19: {  	s7 =	sld [smem:$0x3F9C]  }
0x1a: {  	s8 =	sadd.s32 $0xFFFFE003, lr  }
0x1b: {  	s9 =	sadd.s32 $0xFFFFFEF7, lr;
	s5 =	simm.s32 $0xFFFFFFFF;
	p2 =	slt.u32 s8, $0xFFFFF086  }
0x1c: {  	p1 =	slt.u32 s9, $0xF7A;
	s5 =	simm.s32 @!p2 $0x0  }
0x1d: {  	s5 =	simm.s32 @p1 $0x1;
	p0 =	seq.s32 s7, s2  }
0x1e: {  	s7 =	smul.u32 @!p0 $0xF7A, s2;
	p2 =	seq.s32 @!p0 s5, $0x0  }
0x1f: {  	s9 =	smul.u32 $0xF7A, s1;
	s8 =	simm.s32 @!p0 $0x1BF5;
	p2 =	por !p2, p0  }
0x20: {  	[sflag:s8] =	ssyncset.s32 @!p0 $0xFFFFF086;
	s6 =	sadd.s32 @!p0 s3, s7;
	s7 =	simm.s32 @!p0 $0x108  }
0x21: {  	s3 =	sadd.s32 s3, s9;
	s6 =	sadd.s32 @!p0 $0x88, s6;
	s7 =	simm.s32 @p2 $0x1082  }
0x22: {  	[simem:s7], [sflag:s8] =	dma.local @!p0 [hbm:s6], $0xF7A  }
0x23: {  	s9 =	sor.u32 $0xD0000000, s2;
	s6 =	simm.s32 $0x108;
	_ =	swait.ge @!p0 [sflag:s8], $0x0  }
0x24: {  	s3 =	sadd.s32 $0x88, s3;
	s6 =	simm.s32 @!p1 $0x1082;
	[sflag:s4] =	ssyncset.s32 $0xFFFFF086  }
0x25: {  	[simem:s6], [sflag:s4] =	dma.local [hbm:s3], $0xF7A  }
0x26: {  	[smem:$0x3F9C] =	sst s1;
	(tag) =	ssettag s2;
	_ =	strace s9  }
0x27: {  	s1 =	sld [smem:$0x3FAC]  }
0x28: {  	s2 =	sld [smem:$0x3FAD]  }
0x29: {  	s4 =	sld [smem:$0x3FAF]  }
0x2a: {  	p0 =	seq.s32 s5, $0x0;
	s5 =	sld [smem:$0x3FB0]  }
0x2b: {  	s6 =	sld [smem:$0x3FB1]  }
0x2c: {  	s7 =	sld [smem:$0x3FB2]  }
0x2d: {  	s3 =	simm.s32 $0x108;
	s8 =	sld [smem:$0x3FB3]  }
0x2e: {  	s3 =	simm.s32 @!p0 $0x1082;
	s9 =	sld [smem:$0x3FB4]  }
0x2f: {  	lr =	sadd.s32 s0, s3;
	s0 =	sld [smem:$0x3FAB]  }
0x30: {  	s3 =	sld [smem:$0x3FAE]  }
0x31: {  	[smem:$0x3FB7] =	sst s10  }
0x32: {  	s10 =	sld [smem:$0x3FB5];
	_ =	sdelay $0x3  }
0x33: {  	p0 =	seq.s32 s10, $0x1;
	s10 =	sld [smem:$0x3FB7];
	_ =	sdelay $0x3  }
0x34: {  	[smem:$0x3FB7] =	sst s10  }
0x35: {  	s10 =	sld [smem:$0x3FB6];
	_ =	sdelay $0x3  }
0x36: {  	p1 =	seq.s32 s10, $0x1;
	s10 =	sld [smem:$0x3FB7];
	_ =	sdelay $0x3  }
0x37: {  	[smem:$0x3FB7] =	sst s10  }
0x38: {  	s10 =	sld [smem:$0x3FB8]  }
0x39: {  	_ = 	snop;
	(pc) =	sbr.ind lr, $3  }
0x3a: {  	_ = 	snop  }
0x3b: {  	_ = 	snop  }
0x3c: {  	p2 =	seq.s32 s10, $0x1;
	s10 =	sld [smem:$0x3FB7]  }
0x3d: {  	_ =	shalt  }
0x3e: {  	_ =	shalt  }
0x3f: {  	_ =	shalt  }
0x40: {  	_ =	shalt  }
0x41: {  	_ =	shalt  }
0x42: {  	_ =	shalt  }
0x43: {  	_ =	shalt  }
0x44: {  	_ =	shalt  }
0x45: {  	_ =	shalt  }
0x46: {  	_ =	shalt  }
0x47: {  	_ =	shalt  }
0x48: {  	_ =	shalt  }
0x49: {  	_ =	shalt  }
0x4a: {  	_ =	shalt  }
0x4b: {  	_ =	shalt  }
0x4c: {  	_ =	shalt  }
0x4d: {  	_ =	shalt  }
0x4e: {  	_ =	shalt  }
0x4f: {  	_ =	shalt  }
0x50: {  	_ =	shalt  }
0x51: {  	_ =	shalt  }
0x52: {  	_ =	shalt  }
0x53: {  	_ =	shalt  }
0x54: {  	_ =	shalt  }
0x55: {  	_ =	shalt  }
0x56: {  	_ =	shalt  }
0x57: {  	_ =	shalt  }
0x58: {  	_ =	shalt  }
0x59: {  	_ =	shalt  }
0x5a: {  	_ =	shalt  }
0x5b: {  	_ =	shalt  }
0x5c: {  	_ =	shalt  }
0x5d: {  	_ =	shalt  }
0x5e: {  	_ =	shalt  }
0x5f: {  	_ =	shalt  }
0x60: {  	_ =	shalt  }
0x61: {  	_ =	shalt  }
0x62: {  	_ =	shalt  }
0x63: {  	_ =	shalt  }
0x64: {  	_ =	shalt  }
0x65: {  	_ =	shalt  }
0x66: {  	_ =	shalt  }
0x67: {  	_ =	shalt  }
0x68: {  	_ =	shalt  }
0x69: {  	_ =	shalt  }
0x6a: {  	_ =	shalt  }
0x6b: {  	_ =	shalt  }
0x6c: {  	_ =	shalt  }
0x6d: {  	_ =	shalt  }
0x6e: {  	_ =	shalt  }
0x6f: {  	_ =	shalt  }
0x70: {  	_ =	shalt  }
0x71: {  	_ =	shalt  }
0x72: {  	_ =	shalt  }
0x73: {  	_ =	shalt  }
0x74: {  	_ =	shalt  }
0x75: {  	_ =	shalt  }
0x76: {  	_ =	shalt  }
0x77: {  	_ =	shalt  }
0x78: {  	_ =	shalt  }
0x79: {  	_ =	shalt  }
0x7a: {  	_ =	shalt  }
0x7b: {  	_ =	shalt  }
0x7c: {  	_ =	shalt  }
0x7d: {  	_ =	shalt  }
0x7e: {  	_ =	shalt  }
0x7f: {  	_ =	shalt  }
0x80: {  	_ =	shalt  }
0x81: {  	_ =	shalt  }
0x82: {  	_ =	shalt  }
0x83: {  	_ =	shalt  }
0x84: {  	_ =	shalt  }
0x85: {  	_ =	shalt  }
0x86: {  	_ =	shalt  }
0x87: {  	_ =	shalt  }
.Lfunc_end0:
.L_simem_size_0:
called_computation_lowered:
.L_overlay_start_0:
0x88: {  	s2 =	sld [smem:$0x3FD9]  }
0x89: {  	s3 =	sld [smem:$0x3FFE];
	_ =	sdelay $0x1  }
0x8a: {  	s1 =	srdreg.scid  }
0x8b: {  	s0 =	sand.u32 $0x1, s1  }
0x8c: {  	s17 =	sshll.u32 s0, $0xA;
	s2 =	sadd.s32 s3, s2  }
0x8d: {  	s2 =	sadd.s32 s2, s17  }
0x8e: {  	[smem:$0x3FC3] =	sst s2  }
0x8f: {  	_ = 	snop  }
0x90: {  	s2 =	sld [smem:$0x3FD0];
	(tm) =	ssettm $0x1  }
0x91: {  	s18 =	sld [smem:$0x3FFB];
	_ =	sdelay $0x3  }
0x92: {  	_ =	strace s18  }
0x93: {  	s3 =	sld [smem:$0x3FFC];
	_ =	sdelay $0x3  }
0x94: {  	_ =	strace s3  }
0x95: {  	s3 =	sld [smem:$0x3FFD];
	_ =	sdelay $0x3  }
0x96: {  	_ =	strace s3  }
0x97: {  	_ =	strace $0x8FFFFFFF  }
0x98: {  	s19 =	sld [smem:$0x3FDB];
	_ =	sdelay $0x1  }
0x99: {  	s4 =	simm.s32 $_scs_section_size  }
0x9a: {  	s5 =	simm.s32 $_size__tile_overlayer_lowered;
	s6 =	simm.s32 $_tile_overlayer_lowered  }
0x9b: {  	s22 =	simm.s32 $0x1BFF;
	s21 =	sshll.u32 s6, $0x1;
	s3 =	sadd.s32 s4, s19  }
0x9c: {  	s7 =	simm.s32 $0x0;
	s20 =	sshll.u32 s5, $0x1;
	s5 =	sadd.s32 s21, s3  }
0x9d: {  	[timem:s7], [sflag:s22] =	dma.local [hbm:s5], s20  }
0x9e: {  	_ =	swait.ge [sflag:s22], s20  }
0x9f: {  	s4 =	ssub.s32 $0x0, s20;
	[sflag:s22] =	ssyncset.done $0x0  }
0xa0: {  	[sflag:s22] =	ssyncadd.s32 s4;
	_ =	sdelay $0x1  }
0xa1: {  	s23 =	simm.s32 $0x1B8B  }
0xa2: {  	_ =	swait.ge [sflag:s23], $0x1  }
0xa3: {  	[sflag:s23] =	ssyncset.done $0x0  }
0xa4: {  	s25 =	simm.s32 $0x1B8E;
	s24 =	sld [smem:$0x3FFE];
	[sflag:s23] =	ssyncadd.s32 $0xFFFFFFFF  }
0xa5: {  	s26 =	simm.s32 $execute0_lowered;
	[smem:$0x3FD2] =	sst s25  }
0xa6: {  	s5 =	sshll.u32 s26, $0x1;
	_ =	strace $0x80000046;
	[dreg:$0x1] =	wrdreg $0xFFFFFFFF  }
0xa7: {  	s28 =	simm.s32 $_size_execute0_lowered;
	s3 =	sadd.s32 s3, s5;
	[dreg:$0x0] =	wrdreg $0x0  }
0xa8: {  	s5 =	sshll.u32 s28, $0x1;
	[dreg:$0x2] =	wrdreg s3  }
0xa9: {  	[dreg:$0x3] =	wrdreg s5  }
0xaa: {  	[dreg:$0x4] =	wrdreg $0xC0  }
0xab: {  	_ =	task [dreg:s7], $0x5FFFF  }
0xac: {  	[dreg:$0x1] =	wrdreg $0xFFFFFFFF  }
0xad: {  	[dreg:$0x0] =	wrdreg $0x60  }
0xae: {  	[dreg:$0x2] =	wrdreg s24  }
0xaf: {  	[dreg:$0x3] =	wrdreg s2  }
0xb0: {  	[dreg:$0x4] =	wrdreg $0x6C000  }
0xb1: {  	[dreg:$0x5] =	wrdreg $0x9  }
0xb2: {  	_ =	task.clear_ibuf [dreg:s7], $0x6FFFF;
	_ =	strace $0x90000046  }
0xb3: {  	s29 =	simm.s32 $0x9;
	_ =	strace $0x80000048  }
0xb4: {  	_ =	swait.ge [sflag:s29], $0x1  }
0xb5: {  	[sflag:s29] =	ssyncadd.s32 $0xFFFFFFFF  }
0xb6: {  	_ =	strace $0x90000048  }
0xb7: {  	_ =	sfence  }
0xb8: {  	s30 =	sld [smem:$0x0];
	_ =	sdelay $0x2  }
0xb9: {  	s31 =	sshll.u32 s1, $0xD;
	s1 =	sshrl.u32 s1, $0x2  }
0xba: {  	s3 =	sand.u32 $0x4000, s31;
	s1 =	sadd.s32 s1, s30  }
0xbb: {  	s0 =	sor.u32 s3, s0;
	s1 =	sshll.u32 s1, $0x11  }
0xbc: {  	s0 =	sor.u32 s1, s0  }
0xbd: {  	s0 =	sadd.s32 $0x8F2B, s0  }
0xbe: {  	[sflag:s0] =	ssyncadd.remote.s32 $0x1  }
0xbf: {  	_ =	sfence.sel $0xFFFF  }
0xc0: {  	[dreg:$0x0] =	wrdreg $0xFFFFFFFF;
	(pc) =	sbr.abs _section_cstart, $3  }
0xc1: {  	[dreg:$0x1] =	wrdreg $0xFFFFFFFF  }
0xc2: {  	_ =	task.clear_ibuf [dreg:s7], $0x2FFFF;
	_ =	strace $0x9FFFFFFF  }
0xc3: {  	(tm) =	ssettm $0x7FFFFFFF  }
tec
execute0_lowered:
.L_overlay_start_1:
0x0: {  	(tag) =	ssettag $0x1  }
0x1: {  	s0 =	rddreg [dreg:$0x0]  }
0x2: {  	s2 =	rddreg [dreg:$0x1]  }
0x3: {  	s3 =	rddreg [dreg:$0x2]  }
0x4: {  	s8 =	stileid.u32;
	s5 =	srdreg.scid;
	s4 =	simm.s32 $0x0  }
0x5: {  	s22 =	simm.s32 $0x2;
	s29 =	simm.s32 $0x2900;
	s1 =	smul.u32 $0x500, s8  }
0x6: {  	s30 =	simm.s32 $0x2980;
	s11 =	sand.u32 $0x1, s5;
	s23 =	smul.u32 $0x280, s8  }
0x7: {  	[smem:$0x7FF] =	sst s4;
	s7 =	sshll.u32 s8, $0x7;
	s8 =	smul.u32 $0x50000, s8  }
0x8: {  	s31 =	simm.s32 $0x2A00;
	s6 =	smul.u32 $0x2800, s11;
	_ =	strace $0x80000047  }
0x9: {  	s7 =	sadd.s32 s7, s0;
	s24 =	ssub.s32 $0x2, s11;
	s13 =	ssub.s32 $0x0, s11  }
0xa: {  	s26 =	sshll.u32 s11, $0xB;
	p0 =	seq.s32 s11, $0x0;
	s11 =	simm.s32 $0x28  }
0xb: {  	s1 =	sadd.s32 s1, s0;
	s25 =	sshrl.u32 s24, $0x1;
	s8 =	sshrl.u32 s8, $0x2  }
0xc: {  	s28 =	sadd.s32 s26, s7;
	s13 =	sand.u32 $0x28, s13;
	s11 =	simm.s32 @!p0 $0x50  }
0xd: {  	s26 =	simm.s32 $0x1;
	s5 =	sadd.s32 s23, s6;
	s20 =	ssub.s32 s24, s25  }
0xe: {  	s6 =	sadd.s32 s8, s3;
	s7 =	sadd.s32 $0x2A00, s28;
	s21 =	sshll.u32 s13, $0x7  }
0xf: {  	s23 =	simm.s32 $0x2800;
	s24 =	simm.s32 $0x2C00;
	s25 =	simm.s32 $0x80  }
0x10: {  	s5 =	sshll.u32 s5, $0x4;
	s8 =	sadd.s32 $0x4000, s6;
	s9 =	sadd.s32 $0x8000, s6  }
0x11: {  	s10 =	sadd.s32 $0xC000, s6;
	s12 =	sadd.s32 $0x10000, s6;
	s0 =	sadd.s32 s5, s0  }
0x12: {  	s20 =	smax.u32 s20, $0x1;
	s5 =	sadd.s32 $0x3A00, s1;
	s14 =	sadd.s32 $0x58A00, s0  }
0x13: {  	s15 =	sadd.s32 $0x8A00, s0;
	s16 =	sadd.s32 $0x9200, s0;
	s17 =	sadd.s32 $0x9A00, s0  }
0x14: {  	v0 =	vimm.f32 $0.0e+00;
	v1 =	vimm.f32 $1.000000000e+00;
	s18 =	sadd.s32 $0xA200, s0;
	s19 =	sadd.s32 $0xAA00, s0;
	s0 =	simm.s32 $0x0  }
.LBB2_1:
0x15: {  	[tilespmem:s4], [sflag:$0x2] =	stream.linear.gather [hbm4b:s5+s4], $0x2800, $0x38;
	[tilespmem:$0x1AC00] =	vst v63  }
0x16: {  	_ =	swait.ge [sflag:s22], $0x2800  }
0x17: {  	[sflag:s22] =	ssyncset.done $0x0  }
0x18: {  	[sflag:s22] =	ssyncadd.s32 $0xFFFFD800  }
0x19: {  	[tilespmem:s23], [sflag:$0x2] =	stream.linear.gather [hbm4b:s7+s4], $0x280, $0x38;
	[tilespmem:$0x1AC00] =	vst v63  }
0x1a: {  	_ =	swait.ge [sflag:s22], $0x280  }
0x1b: {  	[sflag:s22] =	ssyncset.done $0x0  }
0x1c: {  	s1 =	simm.s32 $0x0;
	s28 =	simm.s32 $0x200;
	[sflag:s22] =	ssyncadd.s32 $0xFFFFFD80  }
.LBB2_2:
0x1d: {  	p0 =	sne.s32 s28, $0xFE00;
	[tilespmem:s1+$0x2C70] =	vst v0  }
0x1e: {  	[tilespmem:s1+$0x2C00] =	vst v0  }
0x1f: {  	[tilespmem:s1+$0x2C10] =	vst v0  }
.Ltmp0:
0x20: {  	[tilespmem:s1+$0x2C20] =	vst v0;
	(pc) =	sbr.rel @p0 .LBB2_2-.Ltmp0, $4  }
0x21: {  	[tilespmem:s1+$0x2C30] =	vst v0  }
0x22: {  	[tilespmem:s1+$0x2C40] =	vst v0  }
0x23: {  	[tilespmem:s1+$0x2C50] =	vst v0  }
0x24: {  	[tilespmem:s1+$0x2C60] =	vst v0;
	s1 =	sshra.s32 s28, $0x2;
	s28 =	sadd.s32 $0x200, s28  }
0x25: {  	[tilespmem:s1+$0x2C70] =	vst v0  }
0x26: {  	[tilespmem:s1+$0x2C00] =	vst v0  }
0x27: {  	[tilespmem:s1+$0x2C10] =	vst v0  }
0x28: {  	[tilespmem:s1+$0x2C20] =	vst v0  }
0x29: {  	[tilespmem:s1+$0x2C30] =	vst v0  }
0x2a: {  	[tilespmem:s1+$0x2C40] =	vst v0  }
0x2b: {  	[tilespmem:s1+$0x2C50] =	vst v0  }
0x2c: {  	[tilespmem:s1+$0x2C60] =	vst v0  }
0x2d: {  	[spmem:s6] =	stream.linear.scatter [tilespmem:s24], [sflag:$0x2], $0x4000, $0x38;
	[tilespmem:$0x1AC00] =	vst v63  }
0x2e: {  	_ =	swait.ge [sflag:s22], $0x4000  }
0x2f: {  	[sflag:s22] =	ssyncset.done $0x0  }
0x30: {  	[sflag:s22] =	ssyncadd.s32 $0xFFFFC000  }
0x31: {  	[spmem:s8] =	stream.linear.scatter [tilespmem:s24], [sflag:$0x2], $0x4000, $0x38;
	[tilespmem:$0x1AC00] =	vst v63  }
0x32: {  	_ =	swait.ge [sflag:s22], $0x4000  }
0x33: {  	[sflag:s22] =	ssyncset.done $0x0  }
0x34: {  	[sflag:s22] =	ssyncadd.s32 $0xFFFFC000  }
0x35: {  	[spmem:s9] =	stream.linear.scatter [tilespmem:s24], [sflag:$0x2], $0x4000, $0x38;
	[tilespmem:$0x1AC00] =	vst v63  }
0x36: {  	_ =	swait.ge [sflag:s22], $0x4000  }
0x37: {  	[sflag:s22] =	ssyncset.done $0x0  }
0x38: {  	[sflag:s22] =	ssyncadd.s32 $0xFFFFC000  }
0x39: {  	[spmem:s10] =	stream.linear.scatter [tilespmem:s24], [sflag:$0x2], $0x4000, $0x38;
	[tilespmem:$0x1AC00] =	vst v63  }
0x3a: {  	_ =	swait.ge [sflag:s22], $0x4000  }
0x3b: {  	[sflag:s22] =	ssyncset.done $0x0  }
0x3c: {  	[sflag:s22] =	ssyncadd.s32 $0xFFFFC000  }
0x3d: {  	[spmem:s12] =	stream.linear.scatter [tilespmem:s24], [sflag:$0x2], $0x4000, $0x38;
	[tilespmem:$0x1AC00] =	vst v63  }
0x3e: {  	_ =	swait.ge [sflag:s22], $0x4000  }
0x3f: {  	[sflag:s22] =	ssyncset.done $0x0  }
0x40: {  	[sflag:s22] =	ssyncadd.s32 $0xFFFFC000  }
0x41: {  	s1 =	simm.s32 $0x0;
	s28 =	simm.s32 $0x200;
	[bflag:$0x0] =	sbarrier.arrive $0xFFFF  }
.LBB2_4:
0x42: {  	p0 =	sne.s32 s28, $0xFE00;
	[tilespmem:s1+$0x2C70] =	vst v1  }
0x43: {  	[tilespmem:s1+$0x2C00] =	vst v1  }
0x44: {  	[tilespmem:s1+$0x2C10] =	vst v1  }
.Ltmp1:
0x45: {  	[tilespmem:s1+$0x2C20] =	vst v1;
	(pc) =	sbr.rel @p0 .LBB2_4-.Ltmp1, $4  }
0x46: {  	[tilespmem:s1+$0x2C30] =	vst v1  }
0x47: {  	[tilespmem:s1+$0x2C40] =	vst v1  }
0x48: {  	[tilespmem:s1+$0x2C50] =	vst v1  }
0x49: {  	[tilespmem:s1+$0x2C60] =	vst v1;
	s1 =	sshra.s32 s28, $0x2;
	s28 =	sadd.s32 $0x200, s28  }
0x4a: {  	[tilespmem:s1+$0x2C70] =	vst v1  }
0x4b: {  	[tilespmem:s1+$0x2C00] =	vst v1  }
0x4c: {  	[tilespmem:s1+$0x2C10] =	vst v1  }
0x4d: {  	[tilespmem:s1+$0x2C20] =	vst v1  }
0x4e: {  	[tilespmem:s1+$0x2C30] =	vst v1  }
0x4f: {  	[tilespmem:s1+$0x2C40] =	vst v1  }
0x50: {  	[tilespmem:s1+$0x2C50] =	vst v1  }
0x51: {  	[tilespmem:s1+$0x2C60] =	vst v1;
	s1 =	sadd.s32 $0x1, s13  }
0x52: {  	p0 =	slt.u32 s1, s11  }
.Ltmp2:
0x53: {  	_ = 	snop;
	(pc) =	sbr.rel @!p0 .LBB2_7-.Ltmp2, $4  }
0x54: {  	_ = 	snop  }
0x55: {  	[spmem:s3] =	stream.indirect.scatter.add.f32 [tilespmem:s24], [sflag:$0x2], $0x80, s21, s25, $0xb8;
	[tilespmem:$0x1AC00] =	vst v63  }
0x56: {  	_ =	swait.ge [sflag:s22], $0x4000  }
0x57: {  	s28 =	smov.u32 s21;
	[sflag:s22] =	ssyncset.done $0x0  }
.LBB2_6:
0x58: {  	s1 =	sadd.s32 $0x1, s1  }
0x59: {  	[sflag:s22] =	ssyncadd.s32 $0xFFFFC000;
	s28 =	sadd.s32 $0x80, s28;
	p0 =	slt.u32 s1, s11  }
.Ltmp3:
0x5a: {  	(pc) =	sbr.rel @p0 .LBB2_6-.Ltmp3, $4  }
0x5b: {  	_ = 	snop  }
0x5c: {  	[spmem:s3] =	stream.indirect.scatter.add.f32 [tilespmem:s24], [sflag:$0x2], $0x80, s28, s25, $0xb8;
	[tilespmem:$0x1AC00] =	vst v63  }
0x5d: {  	_ =	swait.ge [sflag:s22], $0x4000  }
0x5e: {  	[sflag:s22] =	ssyncset.done $0x0  }
.LBB2_7:
0x5f: {  	s1 =	stileid.u32  }
0x60: {  	[sflag:s22] =	ssyncadd.s32 $0xFFFFC000;
	s1 =	sshll.u32 s1, $0x6  }
0x61: {  	s28 =	sshrl.u32 s6, $0x3;
	[bflag:$0x0] =	sbarrier.arrive $0xFFFF;
	s1 =	sor.u32 $0x1C02, s1  }
0x62: {  	[hbm:s14], [sflag:s1] =	dma.local [spmem:s28], $0x2800  }
0x63: {  	_ =	swait.ge [sflag:s22], $0x2800  }
0x64: {  	[sflag:s22] =	ssyncset.done $0x0  }
0x65: {  	[sflag:s22] =	ssyncadd.s32 $0xFFFFD800  }
0x66: {  	[tilespmem:s24], [sflag:$0x1] =	stream.indirect.gather [hbm4b:s2+s25], $0x80, s23, s25, $0xb8;
	[tilespmem:$0x1AC00] =	vst v63  }
0x67: {  	_ =	swait.ge [sflag:s26], $0x4000  }
0x68: {  	[sflag:s26] =	ssyncset.done $0x0  }
0x69: {  	[sflag:s26] =	ssyncadd.s32 $0xFFFFC000  }
0x6a: {  	[hbm4b:s15+s4] =	stream.linear.scatter [tilespmem:s24], [sflag:$0x2], $0x4000, $0x38;
	[tilespmem:$0x1AC00] =	vst v63  }
0x6b: {  	_ =	swait.ge [sflag:s22], $0x4000  }
0x6c: {  	[sflag:s22] =	ssyncset.done $0x0  }
0x6d: {  	s28 =	simm.s32 $0x2880;
	[sflag:s22] =	ssyncadd.s32 $0xFFFFC000  }
0x6e: {  	[tilespmem:s24], [sflag:$0x1] =	stream.indirect.gather [hbm4b:s2+s25], $0x80, s28, s25, $0xb8;
	[tilespmem:$0x1AC00] =	vst v63  }
0x6f: {  	_ =	swait.ge [sflag:s26], $0x4000  }
0x70: {  	[sflag:s26] =	ssyncset.done $0x0  }
0x71: {  	[sflag:s26] =	ssyncadd.s32 $0xFFFFC000  }
0x72: {  	[hbm4b:s16+s4] =	stream.linear.scatter [tilespmem:s24], [sflag:$0x2], $0x4000, $0x38;
	[tilespmem:$0x1AC00] =	vst v63  }
0x73: {  	_ =	swait.ge [sflag:s22], $0x4000  }
0x74: {  	[sflag:s22] =	ssyncset.done $0x0  }
0x75: {  	[sflag:s22] =	ssyncadd.s32 $0xFFFFC000  }
0x76: {  	[tilespmem:s24], [sflag:$0x1] =	stream.indirect.gather [hbm4b:s2+s25], $0x80, s29, s25, $0xb8;
	[tilespmem:$0x1AC00] =	vst v63  }
0x77: {  	_ =	swait.ge [sflag:s26], $0x4000  }
0x78: {  	[sflag:s26] =	ssyncset.done $0x0  }
0x79: {  	[sflag:s26] =	ssyncadd.s32 $0xFFFFC000  }
0x7a: {  	[hbm4b:s17+s4] =	stream.linear.scatter [tilespmem:s24], [sflag:$0x2], $0x4000, $0x38;
	[tilespmem:$0x1AC00] =	vst v63  }
0x7b: {  	_ =	swait.ge [sflag:s22], $0x4000  }
0x7c: {  	[sflag:s22] =	ssyncset.done $0x0  }
0x7d: {  	[sflag:s22] =	ssyncadd.s32 $0xFFFFC000  }
0x7e: {  	[tilespmem:s24], [sflag:$0x1] =	stream.indirect.gather [hbm4b:s2+s25], $0x80, s30, s25, $0xb8;
	[tilespmem:$0x1AC00] =	vst v63  }
0x7f: {  	_ =	swait.ge [sflag:s26], $0x4000  }
0x80: {  	[sflag:s26] =	ssyncset.done $0x0  }
0x81: {  	[sflag:s26] =	ssyncadd.s32 $0xFFFFC000  }
0x82: {  	[hbm4b:s18+s4] =	stream.linear.scatter [tilespmem:s24], [sflag:$0x2], $0x4000, $0x38;
	[tilespmem:$0x1AC00] =	vst v63  }
0x83: {  	_ =	swait.ge [sflag:s22], $0x4000  }
0x84: {  	[sflag:s22] =	ssyncset.done $0x0  }
0x85: {  	[sflag:s22] =	ssyncadd.s32 $0xFFFFC000  }
0x86: {  	[tilespmem:s24], [sflag:$0x1] =	stream.indirect.gather [hbm4b:s2+s25], $0x80, s31, s25, $0xb8;
	[tilespmem:$0x1AC00] =	vst v63  }
0x87: {  	s0 =	sadd.s32 $0x1, s0;
	_ =	swait.ge [sflag:s26], $0x4000  }
0x88: {  	p0 =	sne.s32 s0, s20;
	[sflag:s26] =	ssyncset.done $0x0  }
.Ltmp4:
0x89: {  	[sflag:s26] =	ssyncadd.s32 $0xFFFFC000;
	(pc) =	sbr.rel @p0 .LBB2_1-.Ltmp4, $4  }
0x8a: {  	[hbm4b:s19+s4] =	stream.linear.scatter [tilespmem:s24], [sflag:$0x2], $0x4000, $0x38;
	[tilespmem:$0x1AC00] =	vst v63  }
0x8b: {  	_ =	swait.ge [sflag:s22], $0x4000  }
0x8c: {  	[sflag:s22] =	ssyncset.done $0x0  }
0x8d: {  	[sflag:s22] =	ssyncadd.s32 $0xFFFFC000  }
0x8e: {  	_ =	sfence.sel $0x180000  }
0x8f: {  	[bflag:$0x0] =	sbarrier.arrive $0xFFFF  }
0x90: {  	_ =	strace $0x90000047  }
0x91: {  	s0 =	stileid.u32;
	[bflag:$0x2] =	sbarrier.arrive $0xFFFF  }
0x92: {  	p0 =	sne.s32 s0, $0x0;
	s0 =	rddreg [dreg:$0x3]  }
0x93: {  	s0 =	sadd.s32 @!p0 $0x100000, s0  }
0x94: {  	[sflag:s0] =	ssyncadd.tile.s32 @!p0 $0x1;
	_ =	shalt  }
.Lfunc_end2:
_tile_overlayer_lowered:
.L_overlay_start_2:
0x95: {  	(tag) =	ssettag $0x2  }
0x96: {  	s0 =	rddreg [dreg:$0x0];
	s2 =	stileid.u32  }
0x97: {  	s1 =	rddreg [dreg:$0x1];
	p0 =	sne.s32 s2, $0x0  }
0x98: {  	s3 =	rddreg [dreg:$0x2];
	[bflag:$0x3] =	sbarrier.arrive $0xFFFF;
	s2 =	simm.s32 @!p0 $0x1C02  }
0x99: {  	[timem:s3], [sflag:s2] =	dma.local @!p0 [hbm:s0], s1  }
0x9a: {  	s0 =	simm.s32 @!p0 $0x2  }
0x9b: {  	_ =	swait.ge @!p0 [sflag:s0], s1  }
0x9c: {  	s1 =	ssub.s32 @!p0 $0x0, s1;
	[sflag:s0] =	ssyncset.done @!p0 $0x0  }
0x9d: {  	[sflag:s0] =	ssyncadd.s32 @!p0 s1  }
0x9e: {  	[bflag:$0x3] =	sbarrier.arrive $0xFFFF  }
0x9f: {  	_ =	shalt  }

// kernel: kernel.15.cloned.1.call-start
scs
__scs_entry_jumppad:
0x0: {  	(pc) =	sbr.rel $0x88, $3  }
0x1: {  	(tag) =	ssettag $0x0;
	lr =	simm.s32 $0x1  }
0x2: {  	[smem:$0x3F9C] =	sst lr;
	_ =	strace $0xD0000000  }
0x3: {  	_ = 	snop  }
0x4: {  	_ = 	snop  }
0x5: {  	_ = 	snop  }
0x6: {  	_ = 	snop  }
0x7: {  	_ = 	snop  }
__scs_overlays_trampoline_lowered:
0x8: {  	[smem:$0x3FAB] =	sst s0  }
0x9: {  	[smem:$0x3FAC] =	sst s1  }
0xa: {  	[smem:$0x3FAD] =	sst s2  }
0xb: {  	[smem:$0x3FAE] =	sst s3  }
0xc: {  	[smem:$0x3FAF] =	sst s4  }
0xd: {  	[smem:$0x3FB0] =	sst s5  }
0xe: {  	[smem:$0x3FB1] =	sst s6  }
0xf: {  	[smem:$0x3FB2] =	sst s7  }
0x10: {  	[smem:$0x3FB3] =	sst s8  }
0x11: {  	[smem:$0x3FB4] =	sst s9;
	s0 =	simm.s32 @!p0 $0x0  }
0x12: {  	s1 =	sld [smem:$0x3F9A];
	s0 =	simm.s32 @p0 $0x1  }
0x13: {  	[smem:$0x3FB5] =	sst s0;
	s0 =	simm.s32 @!p1 $0x0  }
0x14: {  	s2 =	sld [smem:$0x3F99];
	s0 =	simm.s32 @p1 $0x1  }
0x15: {  	[smem:$0x3FB6] =	sst s0;
	s0 =	simm.s32 @!p2 $0x0  }
0x16: {  	s3 =	sld [smem:$0x3FDB];
	s0 =	simm.s32 @p2 $0x1  }
0x17: {  	s4 =	simm.s32 $0x1BF5;
	[smem:$0x3FB8] =	sst s0  }
0x18: {  	s0 =	sld [smem:$0x3F9B];
	_ =	swait.ge [sflag:s4], $0x0  }
0x19: {  	s7 =	sld [smem:$0x3F9C]  }
0x1a: {  	s8 =	sadd.s32 $0xFFFFE003, lr  }
0x1b: {  	s9 =	sadd.s32 $0xFFFFFEF7, lr;
	s5 =	simm.s32 $0xFFFFFFFF;
	p2 =	slt.u32 s8, $0xFFFFF086  }
0x1c: {  	p1 =	slt.u32 s9, $0xF7A;
	s5 =	simm.s32 @!p2 $0x0  }
0x1d: {  	s5 =	simm.s32 @p1 $0x1;
	p0 =	seq.s32 s7, s2  }
0x1e: {  	s7 =	smul.u32 @!p0 $0xF7A, s2;
	p2 =	seq.s32 @!p0 s5, $0x0  }
0x1f: {  	s9 =	smul.u32 $0xF7A, s1;
	s8 =	simm.s32 @!p0 $0x1BF5;
	p2 =	por !p2, p0  }
0x20: {  	[sflag:s8] =	ssyncset.s32 @!p0 $0xFFFFF086;
	s6 =	sadd.s32 @!p0 s3, s7;
	s7 =	simm.s32 @!p0 $0x108  }
0x21: {  	s3 =	sadd.s32 s3, s9;
	s6 =	sadd.s32 @!p0 $0x88, s6;
	s7 =	simm.s32 @p2 $0x1082  }
0x22: {  	[simem:s7], [sflag:s8] =	dma.local @!p0 [hbm:s6], $0xF7A  }
0x23: {  	s9 =	sor.u32 $0xD0000000, s2;
	s6 =	simm.s32 $0x108;
	_ =	swait.ge @!p0 [sflag:s8], $0x0  }
0x24: {  	s3 =	sadd.s32 $0x88, s3;
	s6 =	simm.s32 @!p1 $0x1082;
	[sflag:s4] =	ssyncset.s32 $0xFFFFF086  }
0x25: {  	[simem:s6], [sflag:s4] =	dma.local [hbm:s3], $0xF7A  }
0x26: {  	[smem:$0x3F9C] =	sst s1;
	(tag) =	ssettag s2;
	_ =	strace s9  }
0x27: {  	s1 =	sld [smem:$0x3FAC]  }
0x28: {  	s2 =	sld [smem:$0x3FAD]  }
0x29: {  	s4 =	sld [smem:$0x3FAF]  }
0x2a: {  	p0 =	seq.s32 s5, $0x0;
	s5 =	sld [smem:$0x3FB0]  }
0x2b: {  	s6 =	sld [smem:$0x3FB1]  }
0x2c: {  	s7 =	sld [smem:$0x3FB2]  }
0x2d: {  	s3 =	simm.s32 $0x108;
	s8 =	sld [smem:$0x3FB3]  }
0x2e: {  	s3 =	simm.s32 @!p0 $0x1082;
	s9 =	sld [smem:$0x3FB4]  }
0x2f: {  	lr =	sadd.s32 s0, s3;
	s0 =	sld [smem:$0x3FAB]  }
0x30: {  	s3 =	sld [smem:$0x3FAE]  }
0x31: {  	[smem:$0x3FB7] =	sst s10  }
0x32: {  	s10 =	sld [smem:$0x3FB5];
	_ =	sdelay $0x3  }
0x33: {  	p0 =	seq.s32 s10, $0x1;
	s10 =	sld [smem:$0x3FB7];
	_ =	sdelay $0x3  }
0x34: {  	[smem:$0x3FB7] =	sst s10  }
0x35: {  	s10 =	sld [smem:$0x3FB6];
	_ =	sdelay $0x3  }
0x36: {  	p1 =	seq.s32 s10, $0x1;
	s10 =	sld [smem:$0x3FB7];
	_ =	sdelay $0x3  }
0x37: {  	[smem:$0x3FB7] =	sst s10  }
0x38: {  	s10 =	sld [smem:$0x3FB8]  }
0x39: {  	_ = 	snop;
	(pc) =	sbr.ind lr, $3  }
0x3a: {  	_ = 	snop  }
0x3b: {  	_ = 	snop  }
0x3c: {  	p2 =	seq.s32 s10, $0x1;
	s10 =	sld [smem:$0x3FB7]  }
0x3d: {  	_ =	shalt  }
0x3e: {  	_ =	shalt  }
0x3f: {  	_ =	shalt  }
0x40: {  	_ =	shalt  }
0x41: {  	_ =	shalt  }
0x42: {  	_ =	shalt  }
0x43: {  	_ =	shalt  }
0x44: {  	_ =	shalt  }
0x45: {  	_ =	shalt  }
0x46: {  	_ =	shalt  }
0x47: {  	_ =	shalt  }
0x48: {  	_ =	shalt  }
0x49: {  	_ =	shalt  }
0x4a: {  	_ =	shalt  }
0x4b: {  	_ =	shalt  }
0x4c: {  	_ =	shalt  }
0x4d: {  	_ =	shalt  }
0x4e: {  	_ =	shalt  }
0x4f: {  	_ =	shalt  }
0x50: {  	_ =	shalt  }
0x51: {  	_ =	shalt  }
0x52: {  	_ =	shalt  }
0x53: {  	_ =	shalt  }
0x54: {  	_ =	shalt  }
0x55: {  	_ =	shalt  }
0x56: {  	_ =	shalt  }
0x57: {  	_ =	shalt  }
0x58: {  	_ =	shalt  }
0x59: {  	_ =	shalt  }
0x5a: {  	_ =	shalt  }
0x5b: {  	_ =	shalt  }
0x5c: {  	_ =	shalt  }
0x5d: {  	_ =	shalt  }
0x5e: {  	_ =	shalt  }
0x5f: {  	_ =	shalt  }
0x60: {  	_ =	shalt  }
0x61: {  	_ =	shalt  }
0x62: {  	_ =	shalt  }
0x63: {  	_ =	shalt  }
0x64: {  	_ =	shalt  }
0x65: {  	_ =	shalt  }
0x66: {  	_ =	shalt  }
0x67: {  	_ =	shalt  }
0x68: {  	_ =	shalt  }
0x69: {  	_ =	shalt  }
0x6a: {  	_ =	shalt  }
0x6b: {  	_ =	shalt  }
0x6c: {  	_ =	shalt  }
0x6d: {  	_ =	shalt  }
0x6e: {  	_ =	shalt  }
0x6f: {  	_ =	shalt  }
0x70: {  	_ =	shalt  }
0x71: {  	_ =	shalt  }
0x72: {  	_ =	shalt  }
0x73: {  	_ =	shalt  }
0x74: {  	_ =	shalt  }
0x75: {  	_ =	shalt  }
0x76: {  	_ =	shalt  }
0x77: {  	_ =	shalt  }
0x78: {  	_ =	shalt  }
0x79: {  	_ =	shalt  }
0x7a: {  	_ =	shalt  }
0x7b: {  	_ =	shalt  }
0x7c: {  	_ =	shalt  }
0x7d: {  	_ =	shalt  }
0x7e: {  	_ =	shalt  }
0x7f: {  	_ =	shalt  }
0x80: {  	_ =	shalt  }
0x81: {  	_ =	shalt  }
0x82: {  	_ =	shalt  }
0x83: {  	_ =	shalt  }
0x84: {  	_ =	shalt  }
0x85: {  	_ =	shalt  }
0x86: {  	_ =	shalt  }
0x87: {  	_ =	shalt  }
.Lfunc_end0:
.L_simem_size_0:
called_computation.1_lowered:
.L_overlay_start_0:
0x88: {  	s2 =	sld [smem:$0x3FD9]  }
0x89: {  	s3 =	sld [smem:$0x3FFE];
	_ =	sdelay $0x1  }
0x8a: {  	s1 =	srdreg.scid  }
0x8b: {  	s0 =	sand.u32 $0x1, s1  }
0x8c: {  	s16 =	sshll.u32 s0, $0xA;
	s2 =	sadd.s32 s3, s2  }
0x8d: {  	s2 =	sadd.s32 s2, s16  }
0x8e: {  	[smem:$0x3FC3] =	sst s2  }
0x8f: {  	_ = 	snop  }
0x90: {  	(tm) =	ssettm $0x1  }
0x91: {  	s17 =	sld [smem:$0x3FFB];
	_ =	sdelay $0x3  }
0x92: {  	_ =	strace s17  }
0x93: {  	s2 =	sld [smem:$0x3FFC];
	_ =	sdelay $0x3  }
0x94: {  	_ =	strace s2  }
0x95: {  	s2 =	sld [smem:$0x3FFD];
	_ =	sdelay $0x3  }
0x96: {  	_ =	strace s2  }
0x97: {  	_ =	strace $0x8FFFFFFF  }
0x98: {  	s18 =	sld [smem:$0x3FDB];
	_ =	sdelay $0x1  }
0x99: {  	s19 =	simm.s32 $_scs_section_size  }
0x9a: {  	s4 =	simm.s32 $_size__tile_overlayer_lowered;
	s5 =	simm.s32 $_tile_overlayer_lowered  }
0x9b: {  	s22 =	simm.s32 $0x1BFF;
	s21 =	sshll.u32 s5, $0x1;
	s2 =	sadd.s32 s19, s18  }
0x9c: {  	s6 =	simm.s32 $0x0;
	s20 =	sshll.u32 s4, $0x1;
	s4 =	sadd.s32 s21, s2  }
0x9d: {  	[timem:s6], [sflag:s22] =	dma.local [hbm:s4], s20  }
0x9e: {  	_ =	swait.ge [sflag:s22], s20  }
0x9f: {  	s3 =	ssub.s32 $0x0, s20;
	[sflag:s22] =	ssyncset.done $0x0  }
0xa0: {  	[sflag:s22] =	ssyncadd.s32 s3;
	_ =	sdelay $0x1  }
0xa1: {  	s23 =	simm.s32 $0x1B8B  }
0xa2: {  	_ =	swait.ge [sflag:s23], $0x1  }
0xa3: {  	[sflag:s23] =	ssyncset.done $0x0  }
0xa4: {  	s25 =	simm.s32 $0x1B8E;
	s24 =	sld [smem:$0x3FFE];
	[sflag:s23] =	ssyncadd.s32 $0xFFFFFFFF  }
0xa5: {  	s26 =	simm.s32 $execute0_lowered;
	[smem:$0x3FD2] =	sst s25  }
0xa6: {  	s4 =	sshll.u32 s26, $0x1;
	_ =	strace $0x80000049;
	[dreg:$0x1] =	wrdreg $0xFFFFFFFF  }
0xa7: {  	s28 =	simm.s32 $_size_execute0_lowered;
	s2 =	sadd.s32 s2, s4;
	[dreg:$0x0] =	wrdreg $0x0  }
0xa8: {  	s4 =	sshll.u32 s28, $0x1;
	[dreg:$0x2] =	wrdreg s2  }
0xa9: {  	[dreg:$0x3] =	wrdreg s4  }
0xaa: {  	[dreg:$0x4] =	wrdreg $0xC0  }
0xab: {  	_ =	task [dreg:s6], $0x5FFFF  }
0xac: {  	[dreg:$0x1] =	wrdreg $0xFFFFFFFF  }
0xad: {  	[dreg:$0x0] =	wrdreg $0x60  }
0xae: {  	[dreg:$0x2] =	wrdreg s24  }
0xaf: {  	[dreg:$0x3] =	wrdreg $0xA8000  }
0xb0: {  	[dreg:$0x4] =	wrdreg $0x9  }
0xb1: {  	_ =	task.clear_ibuf [dreg:s6], $0x5FFFF;
	_ =	strace $0x90000049  }
0xb2: {  	s29 =	simm.s32 $0x9;
	_ =	strace $0x8000004B  }
0xb3: {  	_ =	swait.ge [sflag:s29], $0x1  }
0xb4: {  	[sflag:s29] =	ssyncadd.s32 $0xFFFFFFFF  }
0xb5: {  	_ =	strace $0x9000004B  }
0xb6: {  	_ =	sfence  }
0xb7: {  	s30 =	sld [smem:$0x0];
	_ =	sdelay $0x2  }
0xb8: {  	s31 =	sshll.u32 s1, $0xD;
	s1 =	sshrl.u32 s1, $0x2  }
0xb9: {  	s3 =	sand.u32 $0x4000, s31;
	s1 =	sadd.s32 s1, s30  }
0xba: {  	s0 =	sor.u32 s3, s0;
	s1 =	sshll.u32 s1, $0x11  }
0xbb: {  	s0 =	sor.u32 s1, s0  }
0xbc: {  	s0 =	sadd.s32 $0x8F2B, s0  }
0xbd: {  	[sflag:s0] =	ssyncadd.remote.s32 $0x1  }
0xbe: {  	_ =	sfence.sel $0xFFFF  }
0xbf: {  	[dreg:$0x0] =	wrdreg $0xFFFFFFFF;
	(pc) =	sbr.abs _section_cstart, $3  }
0xc0: {  	[dreg:$0x1] =	wrdreg $0xFFFFFFFF  }
0xc1: {  	_ =	task.clear_ibuf [dreg:s6], $0x2FFFF;
	_ =	strace $0x9FFFFFFF  }
0xc2: {  	(tm) =	ssettm $0x7FFFFFFF  }
0xc3: {  	_ =	shalt  }
tec
execute0_lowered:
.L_overlay_start_1:
0x0: {  	(tag) =	ssettag $0x1  }
0x1: {  	s0 =	rddreg [dreg:$0x0];
	s1 =	srdreg.scid  }
0x2: {  	s2 =	rddreg [dreg:$0x1];
	s9 =	stileid.u32;
	s3 =	simm.s32 $0x0  }
0x3: {  	s20 =	simm.s32 $0x2800;
	s21 =	simm.s32 $0x5;
	s22 =	simm.s32 $0x1400  }
0x4: {  	s23 =	simm.s32 $0x80;
	s28 =	simm.s32 $0x1480;
	s5 =	smul.u32 $0x2800, s9  }
0x5: {  	s29 =	simm.s32 $0x3;
	s30 =	simm.s32 $0x4;
	s6 =	smul.u32 $0x280, s9  }
0x6: {  	s1 =	sand.u32 $0x1, s1;
	[smem:$0x7FF] =	sst s3;
	s9 =	smul.u32 $0x50000, s9  }
0x7: {  	s31 =	simm.s32 $0x0;
	s4 =	smul.u32 $0x28000, s1;
	_ =	strace $0x8000004A  }
0x8: {  	s7 =	smul.u32 $0x2800, s1;
	s1 =	ssub.s32 $0x2, s1;
	s25 =	sshrl.u32 s9, $0x2  }
0x9: {  	s26 =	sshrl.u32 s1, $0x1;
	s4 =	sadd.s32 s5, s4;
	s5 =	sshrl.u32 s5, $0x3  }
0xa: {  	s24 =	sadd.s32 s6, s7;
	s1 =	ssub.s32 s1, s26;
	s26 =	simm.s32 $0x2  }
0xb: {  	s8 =	sshrl.u32 s4, $0x3;
	s4 =	sadd.s32 $0x8A00, s0;
	s13 =	sadd.s32 s5, s0  }
0xc: {  	s7 =	sshll.u32 s24, $0x4;
	s5 =	sadd.s32 s25, s2;
	s19 =	smax.u32 s1, $0x1  }
0xd: {  	s24 =	simm.s32 $0x1;
	s25 =	simm.s32 $0x6800;
	s12 =	sadd.s32 s8, s0  }
0xe: {  	s0 =	sadd.s32 s7, s0;
	s6 =	sadd.s32 $0x4000, s5;
	s7 =	sadd.s32 $0x8000, s5  }
0xf: {  	s8 =	sadd.s32 $0xC000, s5;
	s9 =	sadd.s32 $0x10000, s5;
	s11 =	sadd.s32 $0x3A00, s13  }
0x10: {  	s13 =	sadd.s32 $0x3C80, s13;
	s10 =	sadd.s32 $0xA8A00, s12;
	s12 =	sadd.s32 $0xA8C80, s12  }
0x11: {  	s14 =	sadd.s32 $0x58A00, s0;
	s15 =	sadd.s32 $0x59200, s0;
	s16 =	sadd.s32 $0x59A00, s0  }
0x12: {  	v0 =	vimm.f32 $0.0e+00;
	s17 =	sadd.s32 $0x5A200, s0;
	s18 =	sadd.s32 $0x5AA00, s0;
	[dreg:$0x3] =	wrdreg s10  }
.LBB2_1:
0x13: {  	s0 =	simm.s32 $0x0;
	s1 =	simm.s32 $0x200  }
.LBB2_2:
0x14: {  	p0 =	sne.s32 s1, $0xFE00;
	[tilespmem:s0+$0x2870] =	vst v0  }
0x15: {  	[tilespmem:s0+$0x2800] =	vst v0  }
0x16: {  	[tilespmem:s0+$0x2810] =	vst v0  }
.Ltmp0:
0x17: {  	[tilespmem:s0+$0x2820] =	vst v0;
	(pc) =	sbr.rel @p0 .LBB2_2-.Ltmp0, $4  }
0x18: {  	[tilespmem:s0+$0x2830] =	vst v0  }
0x19: {  	[tilespmem:s0+$0x2840] =	vst v0  }
0x1a: {  	[tilespmem:s0+$0x2850] =	vst v0  }
0x1b: {  	[tilespmem:s0+$0x2860] =	vst v0;
	s0 =	sshra.s32 s1, $0x2;
	s1 =	sadd.s32 $0x200, s1  }
0x1c: {  	[tilespmem:s0+$0x2870] =	vst v0  }
0x1d: {  	[tilespmem:s0+$0x2800] =	vst v0  }
0x1e: {  	[tilespmem:s0+$0x2810] =	vst v0  }
0x1f: {  	[tilespmem:s0+$0x2820] =	vst v0  }
0x20: {  	[tilespmem:s0+$0x2830] =	vst v0  }
0x21: {  	[tilespmem:s0+$0x2840] =	vst v0  }
0x22: {  	[tilespmem:s0+$0x2850] =	vst v0  }
0x23: {  	[tilespmem:s0+$0x2860] =	vst v0  }
0x24: {  	[spmem:s5] =	stream.linear.scatter [tilespmem:s20], [sflag:$0x5], $0x4000, $0x38;
	[tilespmem:$0x1E800] =	vst v63  }
0x25: {  	_ =	swait.ge [sflag:s21], $0x4000  }
0x26: {  	[sflag:s21] =	ssyncset.done $0x0  }
0x27: {  	[sflag:s21] =	ssyncadd.s32 $0xFFFFC000  }
0x28: {  	[spmem:s6] =	stream.linear.scatter [tilespmem:s20], [sflag:$0x5], $0x4000, $0x38;
	[tilespmem:$0x1E800] =	vst v63  }
0x29: {  	_ =	swait.ge [sflag:s21], $0x4000  }
0x2a: {  	[sflag:s21] =	ssyncset.done $0x0  }
0x2b: {  	[sflag:s21] =	ssyncadd.s32 $0xFFFFC000  }
0x2c: {  	[spmem:s7] =	stream.linear.scatter [tilespmem:s20], [sflag:$0x5], $0x4000, $0x38;
	[tilespmem:$0x1E800] =	vst v63  }
0x2d: {  	_ =	swait.ge [sflag:s21], $0x4000  }
0x2e: {  	[sflag:s21] =	ssyncset.done $0x0  }
0x2f: {  	[sflag:s21] =	ssyncadd.s32 $0xFFFFC000  }
0x30: {  	[spmem:s8] =	stream.linear.scatter [tilespmem:s20], [sflag:$0x5], $0x4000, $0x38;
	[tilespmem:$0x1E800] =	vst v63  }
0x31: {  	_ =	swait.ge [sflag:s21], $0x4000  }
0x32: {  	[sflag:s21] =	ssyncset.done $0x0  }
0x33: {  	[sflag:s21] =	ssyncadd.s32 $0xFFFFC000  }
0x34: {  	[spmem:s9] =	stream.linear.scatter [tilespmem:s20], [sflag:$0x5], $0x4000, $0x38;
	[tilespmem:$0x1E800] =	vst v63  }
0x35: {  	_ =	swait.ge [sflag:s21], $0x4000  }
0x36: {  	[sflag:s21] =	ssyncset.done $0x0  }
0x37: {  	[sflag:s21] =	ssyncadd.s32 $0xFFFFC000  }
0x38: {  	[bflag:$0x0] =	sbarrier.arrive $0xFFFF  }
0x39: {  	s1 =	rddreg [dreg:$0x3]  }
0x3a: {  	[tilespmem:s3], [sflag:$0x5] =	stream.linear.gather [hbm4b:s1+s3], $0x1400, $0x38;
	[tilespmem:$0x1E800] =	vst v63  }
0x3b: {  	_ =	swait.ge [sflag:s21], $0x1400  }
0x3c: {  	[sflag:s21] =	ssyncset.done $0x0  }
0x3d: {  	[sflag:s21] =	ssyncadd.s32 $0xFFFFEC00  }
0x3e: {  	[tilespmem:s22], [sflag:$0x5] =	stream.linear.gather [hbm4b:s11+s3], $0x1400, $0x38;
	[tilespmem:$0x1E800] =	vst v63  }
0x3f: {  	_ =	swait.ge [sflag:s21], $0x1400  }
0x40: {  	[sflag:s21] =	ssyncset.done $0x0  }
0x41: {  	[sflag:s21] =	ssyncadd.s32 $0xFFFFEC00  }
0x42: {  	[tilespmem:s20], [sflag:$0x1] =	stream.indirect.gather [hbm4b:s4+s23], $0x80, s3, s23, $0xb8;
	[tilespmem:$0x1E800] =	vst v63  }
0x43: {  	_ =	swait.ge [sflag:s24], $0x4000  }
0x44: {  	[sflag:s24] =	ssyncset.done $0x0  }
0x45: {  	[sflag:s24] =	ssyncadd.s32 $0xFFFFC000  }
0x46: {  	[spmem:s2] =	stream.indirect.scatter.add.f32 [tilespmem:s20], [sflag:$0x3], $0x80, s22, s23, $0xb8;
	[tilespmem:$0x1E800] =	vst v63  }
0x47: {  	_ = 	snop  }
0x48: {  	[tilespmem:s25], [sflag:$0x2] =	stream.indirect.gather [hbm4b:s4+s23], $0x80, s23, s23, $0xb8;
	[tilespmem:$0x1E800] =	vst v63  }
0x49: {  	_ =	swait.ge [sflag:s26], $0x4000  }
0x4a: {  	[sflag:s26] =	ssyncset.done $0x0  }
0x4b: {  	[sflag:s26] =	ssyncadd.s32 $0xFFFFC000  }
0x4c: {  	[spmem:s2] =	stream.indirect.scatter.add.f32 [tilespmem:s25], [sflag:$0x4], $0x80, s28, s23, $0xb8;
	[tilespmem:$0x1E800] =	vst v63  }
0x4d: {  	_ =	swait.ge [sflag:s29], $0x4000  }
0x4e: {  	[sflag:s29] =	ssyncset.done $0x0  }
0x4f: {  	s10 =	simm.s32 $0x100;
	[sflag:s29] =	ssyncadd.s32 $0xFFFFC000  }
0x50: {  	[tilespmem:s20], [sflag:$0x1] =	stream.indirect.gather [hbm4b:s4+s23], $0x80, s10, s23, $0xb8;
	[tilespmem:$0x1E800] =	vst v63  }
0x51: {  	_ =	swait.ge [sflag:s24], $0x4000  }
0x52: {  	[sflag:s24] =	ssyncset.done $0x0  }
0x53: {  	s1 =	simm.s32 $0x1500;
	[sflag:s24] =	ssyncadd.s32 $0xFFFFC000  }
0x54: {  	[spmem:s2] =	stream.indirect.scatter.add.f32 [tilespmem:s20], [sflag:$0x3], $0x80, s1, s23, $0xb8;
	[tilespmem:$0x1E800] =	vst v63  }
0x55: {  	_ =	swait.ge [sflag:s30], $0x4000  }
0x56: {  	[sflag:s30] =	ssyncset.done $0x0  }
0x57: {  	s10 =	simm.s32 $0x180;
	[sflag:s30] =	ssyncadd.s32 $0xFFFFC000  }
0x58: {  	[tilespmem:s25], [sflag:$0x2] =	stream.indirect.gather [hbm4b:s4+s23], $0x80, s10, s23, $0xb8;
	[tilespmem:$0x1E800] =	vst v63  }
0x59: {  	_ =	swait.ge [sflag:s26], $0x4000  }
0x5a: {  	[sflag:s26] =	ssyncset.done $0x0  }
0x5b: {  	s0 =	simm.s32 $0xFFFFB800;
	s1 =	simm.s32 $0x1580;
	[sflag:s26] =	ssyncadd.s32 $0xFFFFC000  }
.LBB2_4:
0x5c: {  	[spmem:s2] =	stream.indirect.scatter.add.f32 [tilespmem:s25], [sflag:$0x4], $0x80, s1, s23, $0xb8;
	[tilespmem:$0x1E800] =	vst v63  }
0x5d: {  	s1 =	smov.u32 s0  }
0x5e: {  	p0 =	sne.s32 s0, $0xFFFFFC00;
	s0 =	sadd.s32 $0x400, s0;
	_ =	swait.ge [sflag:s29], $0x4000  }
0x5f: {  	s1 =	sshra.s32 s1, $0x2;
	[sflag:s29] =	ssyncset.done $0x0  }
0x60: {  	s10 =	sadd.s32 $0x1400, s1;
	[sflag:s29] =	ssyncadd.s32 $0xFFFFC000  }
0x61: {  	[tilespmem:s20], [sflag:$0x1] =	stream.indirect.gather [hbm4b:s4+s23], $0x80, s10, s23, $0xb8;
	[tilespmem:$0x1E800] =	vst v63  }
0x62: {  	_ =	swait.ge [sflag:s24], $0x4000  }
0x63: {  	[sflag:s24] =	ssyncset.done $0x0  }
0x64: {  	s10 =	sadd.s32 $0x2800, s1;
	[sflag:s24] =	ssyncadd.s32 $0xFFFFC000  }
0x65: {  	[spmem:s2] =	stream.indirect.scatter.add.f32 [tilespmem:s20], [sflag:$0x3], $0x80, s10, s23, $0xb8;
	[tilespmem:$0x1E800] =	vst v63  }
0x66: {  	_ =	swait.ge [sflag:s30], $0x4000  }
0x67: {  	[sflag:s30] =	ssyncset.done $0x0  }
.Ltmp1:
0x68: {  	s10 =	sadd.s32 $0x1480, s1;
	[sflag:s30] =	ssyncadd.s32 $0xFFFFC000;
	(pc) =	sbr.rel @p0 .LBB2_4-.Ltmp1, $4  }
0x69: {  	[tilespmem:s25], [sflag:$0x2] =	stream.indirect.gather [hbm4b:s4+s23], $0x80, s10, s23, $0xb8;
	[tilespmem:$0x1E800] =	vst v63  }
0x6a: {  	_ =	swait.ge [sflag:s26], $0x4000  }
0x6b: {  	[sflag:s26] =	ssyncset.done $0x0  }
0x6c: {  	s1 =	sadd.s32 $0x2880, s1;
	[sflag:s26] =	ssyncadd.s32 $0xFFFFC000  }
0x6d: {  	[spmem:s2] =	stream.indirect.scatter.add.f32 [tilespmem:s25], [sflag:$0x4], $0x80, s1, s23, $0xb8;
	[tilespmem:$0x1E800] =	vst v63  }
0x6e: {  	_ =	swait.ge [sflag:s29], $0x4000  }
0x6f: {  	[sflag:s29] =	ssyncset.done $0x0  }
0x70: {  	[sflag:s29] =	ssyncadd.s32 $0xFFFFC000  }
0x71: {  	_ =	swait.ge [sflag:s30], $0x4000  }
0x72: {  	[sflag:s30] =	ssyncset.done $0x0  }
0x73: {  	[sflag:s30] =	ssyncadd.s32 $0xFFFFC000  }
0x74: {  	[tilespmem:s3], [sflag:$0x5] =	stream.linear.gather [hbm4b:s12+s3], $0x1400, $0x38;
	[tilespmem:$0x1E800] =	vst v63  }
0x75: {  	_ =	swait.ge [sflag:s21], $0x1400  }
0x76: {  	[sflag:s21] =	ssyncset.done $0x0  }
0x77: {  	[sflag:s21] =	ssyncadd.s32 $0xFFFFEC00  }
0x78: {  	[tilespmem:s22], [sflag:$0x5] =	stream.linear.gather [hbm4b:s13+s3], $0x1400, $0x38;
	[tilespmem:$0x1E800] =	vst v63  }
0x79: {  	_ =	swait.ge [sflag:s21], $0x1400  }
0x7a: {  	[sflag:s21] =	ssyncset.done $0x0  }
0x7b: {  	[sflag:s21] =	ssyncadd.s32 $0xFFFFEC00  }
0x7c: {  	[tilespmem:s20], [sflag:$0x1] =	stream.indirect.gather [hbm4b:s4+s23], $0x80, s3, s23, $0xb8;
	[tilespmem:$0x1E800] =	vst v63  }
0x7d: {  	_ =	swait.ge [sflag:s24], $0x4000  }
0x7e: {  	[sflag:s24] =	ssyncset.done $0x0  }
0x7f: {  	[sflag:s24] =	ssyncadd.s32 $0xFFFFC000  }
0x80: {  	[spmem:s2] =	stream.indirect.scatter.add.f32 [tilespmem:s20], [sflag:$0x3], $0x80, s22, s23, $0xb8;
	[tilespmem:$0x1E800] =	vst v63  }
0x81: {  	_ = 	snop  }
0x82: {  	[tilespmem:s25], [sflag:$0x2] =	stream.indirect.gather [hbm4b:s4+s23], $0x80, s23, s23, $0xb8;
	[tilespmem:$0x1E800] =	vst v63  }
0x83: {  	_ =	swait.ge [sflag:s26], $0x4000  }
0x84: {  	[sflag:s26] =	ssyncset.done $0x0  }
0x85: {  	[sflag:s26] =	ssyncadd.s32 $0xFFFFC000  }
0x86: {  	[spmem:s2] =	stream.indirect.scatter.add.f32 [tilespmem:s25], [sflag:$0x4], $0x80, s28, s23, $0xb8;
	[tilespmem:$0x1E800] =	vst v63  }
0x87: {  	_ =	swait.ge [sflag:s29], $0x4000  }
0x88: {  	[sflag:s29] =	ssyncset.done $0x0  }
0x89: {  	s0 =	simm.s32 $0x100;
	[sflag:s29] =	ssyncadd.s32 $0xFFFFC000  }
0x8a: {  	[tilespmem:s20], [sflag:$0x1] =	stream.indirect.gather [hbm4b:s4+s23], $0x80, s0, s23, $0xb8;
	[tilespmem:$0x1E800] =	vst v63  }
0x8b: {  	_ =	swait.ge [sflag:s24], $0x4000  }
0x8c: {  	[sflag:s24] =	ssyncset.done $0x0  }
0x8d: {  	s1 =	simm.s32 $0x1500;
	[sflag:s24] =	ssyncadd.s32 $0xFFFFC000  }
0x8e: {  	[spmem:s2] =	stream.indirect.scatter.add.f32 [tilespmem:s20], [sflag:$0x3], $0x80, s1, s23, $0xb8;
	[tilespmem:$0x1E800] =	vst v63  }
0x8f: {  	_ =	swait.ge [sflag:s30], $0x4000  }
0x90: {  	[sflag:s30] =	ssyncset.done $0x0  }
0x91: {  	s10 =	simm.s32 $0x180;
	[sflag:s30] =	ssyncadd.s32 $0xFFFFC000  }
0x92: {  	[tilespmem:s25], [sflag:$0x2] =	stream.indirect.gather [hbm4b:s4+s23], $0x80, s10, s23, $0xb8;
	[tilespmem:$0x1E800] =	vst v63  }
0x93: {  	_ =	swait.ge [sflag:s26], $0x4000  }
0x94: {  	[sflag:s26] =	ssyncset.done $0x0  }
0x95: {  	s0 =	simm.s32 $0xFFFFB800;
	s1 =	simm.s32 $0x1580;
	[sflag:s26] =	ssyncadd.s32 $0xFFFFC000  }
.LBB2_6:
0x96: {  	[spmem:s2] =	stream.indirect.scatter.add.f32 [tilespmem:s25], [sflag:$0x4], $0x80, s1, s23, $0xb8;
	[tilespmem:$0x1E800] =	vst v63  }
0x97: {  	s1 =	smov.u32 s0  }
0x98: {  	p0 =	sne.s32 s0, $0xFFFFFC00;
	s0 =	sadd.s32 $0x400, s0;
	_ =	swait.ge [sflag:s29], $0x4000  }
0x99: {  	s1 =	sshra.s32 s1, $0x2;
	[sflag:s29] =	ssyncset.done $0x0  }
0x9a: {  	s10 =	sadd.s32 $0x1400, s1;
	[sflag:s29] =	ssyncadd.s32 $0xFFFFC000  }
0x9b: {  	[tilespmem:s20], [sflag:$0x1] =	stream.indirect.gather [hbm4b:s4+s23], $0x80, s10, s23, $0xb8;
	[tilespmem:$0x1E800] =	vst v63  }
0x9c: {  	_ =	swait.ge [sflag:s24], $0x4000  }
0x9d: {  	[sflag:s24] =	ssyncset.done $0x0  }
0x9e: {  	s10 =	sadd.s32 $0x2800, s1;
	[sflag:s24] =	ssyncadd.s32 $0xFFFFC000  }
0x9f: {  	[spmem:s2] =	stream.indirect.scatter.add.f32 [tilespmem:s20], [sflag:$0x3], $0x80, s10, s23, $0xb8;
	[tilespmem:$0x1E800] =	vst v63  }
0xa0: {  	_ =	swait.ge [sflag:s30], $0x4000  }
0xa1: {  	[sflag:s30] =	ssyncset.done $0x0  }
.Ltmp2:
0xa2: {  	s10 =	sadd.s32 $0x1480, s1;
	[sflag:s30] =	ssyncadd.s32 $0xFFFFC000;
	(pc) =	sbr.rel @p0 .LBB2_6-.Ltmp2, $4  }
0xa3: {  	[tilespmem:s25], [sflag:$0x2] =	stream.indirect.gather [hbm4b:s4+s23], $0x80, s10, s23, $0xb8;
	[tilespmem:$0x1E800] =	vst v63  }
0xa4: {  	_ =	swait.ge [sflag:s26], $0x4000  }
0xa5: {  	[sflag:s26] =	ssyncset.done $0x0  }
0xa6: {  	s1 =	sadd.s32 $0x2880, s1;
	[sflag:s26] =	ssyncadd.s32 $0xFFFFC000  }
0xa7: {  	[spmem:s2] =	stream.indirect.scatter.add.f32 [tilespmem:s25], [sflag:$0x4], $0x80, s1, s23, $0xb8;
	[tilespmem:$0x1E800] =	vst v63  }
0xa8: {  	_ =	swait.ge [sflag:s29], $0x4000  }
0xa9: {  	[sflag:s29] =	ssyncset.done $0x0  }
0xaa: {  	[sflag:s29] =	ssyncadd.s32 $0xFFFFC000  }
0xab: {  	_ =	swait.ge [sflag:s30], $0x4000  }
0xac: {  	s0 =	stileid.u32;
	[sflag:s30] =	ssyncset.done $0x0  }
0xad: {  	s0 =	sshll.u32 s0, $0x6;
	[sflag:s30] =	ssyncadd.s32 $0xFFFFC000  }
0xae: {  	s10 =	sshrl.u32 s5, $0x3;
	s0 =	sor.u32 $0x1C05, s0;
	[bflag:$0x0] =	sbarrier.arrive $0xFFFF  }
0xaf: {  	[hbm:s14], [sflag:s0] =	dma.local [spmem:s10], $0x800  }
0xb0: {  	_ =	swait.ge [sflag:s21], $0x800  }
0xb1: {  	[sflag:s21] =	ssyncset.done $0x0  }
0xb2: {  	s10 =	sshrl.u32 s6, $0x3;
	[sflag:s21] =	ssyncadd.s32 $0xFFFFF800  }
0xb3: {  	[hbm:s15], [sflag:s0] =	dma.local [spmem:s10], $0x800  }
0xb4: {  	_ =	swait.ge [sflag:s21], $0x800  }
0xb5: {  	[sflag:s21] =	ssyncset.done $0x0  }
0xb6: {  	s10 =	sshrl.u32 s7, $0x3;
	[sflag:s21] =	ssyncadd.s32 $0xFFFFF800  }
0xb7: {  	[hbm:s16], [sflag:s0] =	dma.local [spmem:s10], $0x800  }
0xb8: {  	_ =	swait.ge [sflag:s21], $0x800  }
0xb9: {  	[sflag:s21] =	ssyncset.done $0x0  }
0xba: {  	s10 =	sshrl.u32 s8, $0x3;
	[sflag:s21] =	ssyncadd.s32 $0xFFFFF800  }
0xbb: {  	[hbm:s17], [sflag:s0] =	dma.local [spmem:s10], $0x800  }
0xbc: {  	s31 =	sadd.s32 $0x1, s31;
	_ =	swait.ge [sflag:s21], $0x800  }
0xbd: {  	p0 =	sne.s32 s31, s19;
	[sflag:s21] =	ssyncset.done $0x0  }
.Ltmp3:
0xbe: {  	s10 =	sshrl.u32 s9, $0x3;
	[sflag:s21] =	ssyncadd.s32 $0xFFFFF800;
	(pc) =	sbr.rel @p0 .LBB2_1-.Ltmp3, $4  }
0xbf: {  	[hbm:s18], [sflag:s0] =	dma.local [spmem:s10], $0x800  }
0xc0: {  	_ =	swait.ge [sflag:s21], $0x800  }
0xc1: {  	[sflag:s21] =	ssyncset.done $0x0  }
0xc2: {  	[sflag:s21] =	ssyncadd.s32 $0xFFFFF800  }
0xc3: {  	_ =	sfence.sel $0x180000  }
0xc4: {  	[bflag:$0x0] =	sbarrier.arrive $0xFFFF  }
0xc5: {  	_ =	strace $0x9000004A  }
0xc6: {  	s0 =	stileid.u32;
	[bflag:$0x2] =	sbarrier.arrive $0xFFFF  }
0xc7: {  	p0 =	sne.s32 s0, $0x0;
	s0 =	rddreg [dreg:$0x2]  }
0xc8: {  	s0 =	sadd.s32 @!p0 $0x100000, s0  }
0xc9: {  	[sflag:s0] =	ssyncadd.tile.s32 @!p0 $0x1;
	_ =	shalt  }
.Lfunc_end2:
_tile_overlayer_lowered:
.L_overlay_start_2:
0xca: {  	(tag) =	ssettag $0x2  }
0xcb: {  	s0 =	rddreg [dreg:$0x0];
	s2 =	stileid.u32  }
0xcc: {  	s1 =	rddreg [dreg:$0x1];
	p0 =	sne.s32 s2, $0x0  }
0xcd: {  	s3 =	rddreg [dreg:$0x2];
	[bflag:$0x3] =	sbarrier.arrive $0xFFFF;
	s2 =	simm.s32 @!p0 $0x1C05  }
0xce: {  	[timem:s3], [sflag:s2] =	dma.local @!p0 [hbm:s0], s1  }
0xcf: {  	s0 =	simm.s32 @!p0 $0x5  }
0xd0: {  	_ =	swait.ge @!p0 [sflag:s0], s1  }
0xd1: {  	s1 =	ssub.s32 @!p0 $0x0, s1;
	[sflag:s0] =	ssyncset.done @!p0 $0x0  }
0xd2: {  	[sflag:s0] =	ssyncadd.s32 @!p0 s1  }
0xd3: {  	[bflag:$0x3] =	sbarrier.arrive $0xFFFF  }
0xd4: {  	_ =	shalt  }

// kernel: kernel.18.cloned.1.call-start
scs
__scs_entry_jumppad:
0x0: {  	(pc) =	sbr.rel $0x88, $3  }
0x1: {  	(tag) =	ssettag $0x0;
	lr =	simm.s32 $0x1  }
0x2: {  	[smem:$0x3F9C] =	sst lr;
	_ =	strace $0xD0000000  }
0x3: {  	_ = 	snop  }
0x4: {  	_ = 	snop  }
0x5: {  	_ = 	snop  }
0x6: {  	_ = 	snop  }
0x7: {  	_ = 	snop  }
__scs_overlays_trampoline_lowered:
0x8: {  	[smem:$0x3FAB] =	sst s0  }
0x9: {  	[smem:$0x3FAC] =	sst s1  }
0xa: {  	[smem:$0x3FAD] =	sst s2  }
0xb: {  	[smem:$0x3FAE] =	sst s3  }
0xc: {  	[smem:$0x3FAF] =	sst s4  }
0xd: {  	[smem:$0x3FB0] =	sst s5  }
0xe: {  	[smem:$0x3FB1] =	sst s6  }
0xf: {  	[smem:$0x3FB2] =	sst s7  }
0x10: {  	[smem:$0x3FB3] =	sst s8  }
0x11: {  	[smem:$0x3FB4] =	sst s9;
	s0 =	simm.s32 @!p0 $0x0  }
0x12: {  	s1 =	sld [smem:$0x3F9A];
	s0 =	simm.s32 @p0 $0x1  }
0x13: {  	[smem:$0x3FB5] =	sst s0;
	s0 =	simm.s32 @!p1 $0x0  }
0x14: {  	s2 =	sld [smem:$0x3F99];
	s0 =	simm.s32 @p1 $0x1  }
0x15: {  	[smem:$0x3FB6] =	sst s0;
	s0 =	simm.s32 @!p2 $0x0  }
0x16: {  	s3 =	sld [smem:$0x3FDB];
	s0 =	simm.s32 @p2 $0x1  }
0x17: {  	s4 =	simm.s32 $0x1BF5;
	[smem:$0x3FB8] =	sst s0  }
0x18: {  	s0 =	sld [smem:$0x3F9B];
	_ =	swait.ge [sflag:s4], $0x0  }
0x19: {  	s7 =	sld [smem:$0x3F9C]  }
0x1a: {  	s8 =	sadd.s32 $0xFFFFE003, lr  }
0x1b: {  	s9 =	sadd.s32 $0xFFFFFEF7, lr;
	s5 =	simm.s32 $0xFFFFFFFF;
	p2 =	slt.u32 s8, $0xFFFFF086  }
0x1c: {  	p1 =	slt.u32 s9, $0xF7A;
	s5 =	simm.s32 @!p2 $0x0  }
0x1d: {  	s5 =	simm.s32 @p1 $0x1;
	p0 =	seq.s32 s7, s2  }
0x1e: {  	s7 =	smul.u32 @!p0 $0xF7A, s2;
	p2 =	seq.s32 @!p0 s5, $0x0  }
0x1f: {  	s9 =	smul.u32 $0xF7A, s1;
	s8 =	simm.s32 @!p0 $0x1BF5;
	p2 =	por !p2, p0  }
0x20: {  	[sflag:s8] =	ssyncset.s32 @!p0 $0xFFFFF086;
	s6 =	sadd.s32 @!p0 s3, s7;
	s7 =	simm.s32 @!p0 $0x108  }
0x21: {  	s3 =	sadd.s32 s3, s9;
	s6 =	sadd.s32 @!p0 $0x88, s6;
	s7 =	simm.s32 @p2 $0x1082  }
0x22: {  	[simem:s7], [sflag:s8] =	dma.local @!p0 [hbm:s6], $0xF7A  }
0x23: {  	s9 =	sor.u32 $0xD0000000, s2;
	s6 =	simm.s32 $0x108;
	_ =	swait.ge @!p0 [sflag:s8], $0x0  }
0x24: {  	s3 =	sadd.s32 $0x88, s3;
	s6 =	simm.s32 @!p1 $0x1082;
	[sflag:s4] =	ssyncset.s32 $0xFFFFF086  }
0x25: {  	[simem:s6], [sflag:s4] =	dma.local [hbm:s3], $0xF7A  }
0x26: {  	[smem:$0x3F9C] =	sst s1;
	(tag) =	ssettag s2;
	_ =	strace s9  }
0x27: {  	s1 =	sld [smem:$0x3FAC]  }
0x28: {  	s2 =	sld [smem:$0x3FAD]  }
0x29: {  	s4 =	sld [smem:$0x3FAF]  }
0x2a: {  	p0 =	seq.s32 s5, $0x0;
	s5 =	sld [smem:$0x3FB0]  }
0x2b: {  	s6 =	sld [smem:$0x3FB1]  }
0x2c: {  	s7 =	sld [smem:$0x3FB2]  }
0x2d: {  	s3 =	simm.s32 $0x108;
	s8 =	sld [smem:$0x3FB3]  }
0x2e: {  	s3 =	simm.s32 @!p0 $0x1082;
	s9 =	sld [smem:$0x3FB4]  }
0x2f: {  	lr =	sadd.s32 s0, s3;
	s0 =	sld [smem:$0x3FAB]  }
0x30: {  	s3 =	sld [smem:$0x3FAE]  }
0x31: {  	[smem:$0x3FB7] =	sst s10  }
0x32: {  	s10 =	sld [smem:$0x3FB5];
	_ =	sdelay $0x3  }
0x33: {  	p0 =	seq.s32 s10, $0x1;
	s10 =	sld [smem:$0x3FB7];
	_ =	sdelay $0x3  }
0x34: {  	[smem:$0x3FB7] =	sst s10  }
0x35: {  	s10 =	sld [smem:$0x3FB6];
	_ =	sdelay $0x3  }
0x36: {  	p1 =	seq.s32 s10, $0x1;
	s10 =	sld [smem:$0x3FB7];
	_ =	sdelay $0x3  }
0x37: {  	[smem:$0x3FB7] =	sst s10  }
0x38: {  	s10 =	sld [smem:$0x3FB8]  }
0x39: {  	_ = 	snop;
	(pc) =	sbr.ind lr, $3  }
0x3a: {  	_ = 	snop  }
0x3b: {  	_ = 	snop  }
0x3c: {  	p2 =	seq.s32 s10, $0x1;
	s10 =	sld [smem:$0x3FB7]  }
0x3d: {  	_ =	shalt  }
0x3e: {  	_ =	shalt  }
0x3f: {  	_ =	shalt  }
0x40: {  	_ =	shalt  }
0x41: {  	_ =	shalt  }
0x42: {  	_ =	shalt  }
0x43: {  	_ =	shalt  }
0x44: {  	_ =	shalt  }
0x45: {  	_ =	shalt  }
0x46: {  	_ =	shalt  }
0x47: {  	_ =	shalt  }
0x48: {  	_ =	shalt  }
0x49: {  	_ =	shalt  }
0x4a: {  	_ =	shalt  }
0x4b: {  	_ =	shalt  }
0x4c: {  	_ =	shalt  }
0x4d: {  	_ =	shalt  }
0x4e: {  	_ =	shalt  }
0x4f: {  	_ =	shalt  }
0x50: {  	_ =	shalt  }
0x51: {  	_ =	shalt  }
0x52: {  	_ =	shalt  }
0x53: {  	_ =	shalt  }
0x54: {  	_ =	shalt  }
0x55: {  	_ =	shalt  }
0x56: {  	_ =	shalt  }
0x57: {  	_ =	shalt  }
0x58: {  	_ =	shalt  }
0x59: {  	_ =	shalt  }
0x5a: {  	_ =	shalt  }
0x5b: {  	_ =	shalt  }
0x5c: {  	_ =	shalt  }
0x5d: {  	_ =	shalt  }
0x5e: {  	_ =	shalt  }
0x5f: {  	_ =	shalt  }
0x60: {  	_ =	shalt  }
0x61: {  	_ =	shalt  }
0x62: {  	_ =	shalt  }
0x63: {  	_ =	shalt  }
0x64: {  	_ =	shalt  }
0x65: {  	_ =	shalt  }
0x66: {  	_ =	shalt  }
0x67: {  	_ =	shalt  }
0x68: {  	_ =	shalt  }
0x69: {  	_ =	shalt  }
0x6a: {  	_ =	shalt  }
0x6b: {  	_ =	shalt  }
0x6c: {  	_ =	shalt  }
0x6d: {  	_ =	shalt  }
0x6e: {  	_ =	shalt  }
0x6f: {  	_ =	shalt  }
0x70: {  	_ =	shalt  }
0x71: {  	_ =	shalt  }
0x72: {  	_ =	shalt  }
0x73: {  	_ =	shalt  }
0x74: {  	_ =	shalt  }
0x75: {  	_ =	shalt  }
0x76: {  	_ =	shalt  }
0x77: {  	_ =	shalt  }
0x78: {  	_ =	shalt  }
0x79: {  	_ =	shalt  }
0x7a: {  	_ =	shalt  }
0x7b: {  	_ =	shalt  }
0x7c: {  	_ =	shalt  }
0x7d: {  	_ =	shalt  }
0x7e: {  	_ =	shalt  }
0x7f: {  	_ =	shalt  }
0x80: {  	_ =	shalt  }
0x81: {  	_ =	shalt  }
0x82: {  	_ =	shalt  }
0x83: {  	_ =	shalt  }
0x84: {  	_ =	shalt  }
0x85: {  	_ =	shalt  }
0x86: {  	_ =	shalt  }
0x87: {  	_ =	shalt  }
.Lfunc_end0:
.L_simem_size_0:
called_computation.2_lowered:
.L_overlay_start_0:
0x88: {  	s2 =	sld [smem:$0x3FD9]  }
0x89: {  	s3 =	sld [smem:$0x3FFE];
	_ =	sdelay $0x1  }
0x8a: {  	s1 =	srdreg.scid  }
0x8b: {  	s0 =	sand.u32 $0x1, s1  }
0x8c: {  	s16 =	sshll.u32 s0, $0xA;
	s2 =	sadd.s32 s3, s2  }
0x8d: {  	s2 =	sadd.s32 s2, s16  }
0x8e: {  	[smem:$0x3FC3] =	sst s2  }
0x8f: {  	_ = 	snop  }
0x90: {  	(tm) =	ssettm $0x1  }
0x91: {  	s17 =	sld [smem:$0x3FFB];
	_ =	sdelay $0x3  }
0x92: {  	_ =	strace s17  }
0x93: {  	s2 =	sld [smem:$0x3FFC];
	_ =	sdelay $0x3  }
0x94: {  	_ =	strace s2  }
0x95: {  	s2 =	sld [smem:$0x3FFD];
	_ =	sdelay $0x3  }
0x96: {  	_ =	strace s2  }
0x97: {  	_ =	strace $0x8FFFFFFF  }
0x98: {  	s18 =	sld [smem:$0x3FDB];
	_ =	sdelay $0x1  }
0x99: {  	s19 =	simm.s32 $_scs_section_size  }
0x9a: {  	s4 =	simm.s32 $_size__tile_overlayer_lowered;
	s5 =	simm.s32 $_tile_overlayer_lowered  }
0x9b: {  	s22 =	simm.s32 $0x1BFF;
	s21 =	sshll.u32 s5, $0x1;
	s2 =	sadd.s32 s19, s18  }
0x9c: {  	s6 =	simm.s32 $0x0;
	s20 =	sshll.u32 s4, $0x1;
	s4 =	sadd.s32 s21, s2  }
0x9d: {  	[timem:s6], [sflag:s22] =	dma.local [hbm:s4], s20  }
0x9e: {  	_ =	swait.ge [sflag:s22], s20  }
0x9f: {  	s3 =	ssub.s32 $0x0, s20;
	[sflag:s22] =	ssyncset.done $0x0  }
0xa0: {  	[sflag:s22] =	ssyncadd.s32 s3;
	_ =	sdelay $0x1  }
0xa1: {  	s23 =	simm.s32 $0x1B8B  }
0xa2: {  	_ =	swait.ge [sflag:s23], $0x1  }
0xa3: {  	[sflag:s23] =	ssyncset.done $0x0  }
0xa4: {  	s25 =	simm.s32 $0x1B8E;
	s24 =	sld [smem:$0x3FFE];
	[sflag:s23] =	ssyncadd.s32 $0xFFFFFFFF  }
0xa5: {  	s26 =	simm.s32 $execute0_lowered;
	[smem:$0x3FD2] =	sst s25  }
0xa6: {  	s4 =	sshll.u32 s26, $0x1;
	_ =	strace $0x8000004C;
	[dreg:$0x1] =	wrdreg $0xFFFFFFFF  }
0xa7: {  	s28 =	simm.s32 $_size_execute0_lowered;
	s2 =	sadd.s32 s2, s4;
	[dreg:$0x0] =	wrdreg $0x0  }
0xa8: {  	s4 =	sshll.u32 s28, $0x1;
	[dreg:$0x2] =	wrdreg s2  }
0xa9: {  	[dreg:$0x3] =	wrdreg s4  }
0xaa: {  	[dreg:$0x4] =	wrdreg $0xC0  }
0xab: {  	_ =	task [dreg:s6], $0x5FFFF  }
0xac: {  	[dreg:$0x1] =	wrdreg $0xFFFFFFFF  }
0xad: {  	[dreg:$0x0] =	wrdreg $0x60  }
0xae: {  	[dreg:$0x2] =	wrdreg s24  }
0xaf: {  	[dreg:$0x3] =	wrdreg $0xA8000  }
0xb0: {  	[dreg:$0x4] =	wrdreg $0x9  }
0xb1: {  	_ =	task.clear_ibuf [dreg:s6], $0x5FFFF;
	_ =	strace $0x9000004C  }
0xb2: {  	s29 =	simm.s32 $0x9;
	_ =	strace $0x8000004E  }
0xb3: {  	_ =	swait.ge [sflag:s29], $0x1  }
0xb4: {  	[sflag:s29] =	ssyncadd.s32 $0xFFFFFFFF  }
0xb5: {  	_ =	strace $0x9000004E  }
0xb6: {  	_ =	sfence  }
0xb7: {  	s30 =	sld [smem:$0x0];
	_ =	sdelay $0x2  }
0xb8: {  	s31 =	sshll.u32 s1, $0xD;
	s1 =	sshrl.u32 s1, $0x2  }
0xb9: {  	s3 =	sand.u32 $0x4000, s31;
	s1 =	sadd.s32 s1, s30  }
0xba: {  	s0 =	sor.u32 s3, s0;
	s1 =	sshll.u32 s1, $0x11  }
0xbb: {  	s0 =	sor.u32 s1, s0  }
0xbc: {  	s0 =	sadd.s32 $0x8F2B, s0  }
0xbd: {  	[sflag:s0] =	ssyncadd.remote.s32 $0x1  }
0xbe: {  	_ =	sfence.sel $0xFFFF  }
0xbf: {  	[dreg:$0x0] =	wrdreg $0xFFFFFFFF;
	(pc) =	sbr.abs _section_cstart, $3  }
0xc0: {  	[dreg:$0x1] =	wrdreg $0xFFFFFFFF  }
0xc1: {  	_ =	task.clear_ibuf [dreg:s6], $0x2FFFF;
	_ =	strace $0x9FFFFFFF  }
0xc2: {  	(tm) =	ssettm $0x7FFFFFFF  }
0xc3: {  	_ =	shalt  }
tec
execute0_lowered:
.L_overlay_start_1:
0x0: {  	(tag) =	ssettag $0x1  }
0x1: {  	s0 =	rddreg [dreg:$0x0];
	s1 =	srdreg.scid  }
0x2: {  	s2 =	rddreg [dreg:$0x1];
	s9 =	stileid.u32;
	s3 =	simm.s32 $0x0  }
0x3: {  	s20 =	simm.s32 $0x2800;
	s21 =	simm.s32 $0x5;
	s22 =	simm.s32 $0x1400  }
0x4: {  	s23 =	simm.s32 $0x80;
	s28 =	simm.s32 $0x1480;
	s5 =	smul.u32 $0x2800, s9  }
0x5: {  	s29 =	simm.s32 $0x3;
	s30 =	simm.s32 $0x4;
	s6 =	smul.u32 $0x280, s9  }
0x6: {  	s1 =	sand.u32 $0x1, s1;
	[smem:$0x7FF] =	sst s3;
	s9 =	smul.u32 $0x50000, s9  }
0x7: {  	s31 =	simm.s32 $0x0;
	s4 =	smul.u32 $0x28000, s1;
	_ =	strace $0x8000004D  }
0x8: {  	s7 =	smul.u32 $0x2800, s1;
	s1 =	ssub.s32 $0x2, s1;
	s25 =	sshrl.u32 s9, $0x2  }
0x9: {  	s26 =	sshrl.u32 s1, $0x1;
	s4 =	sadd.s32 s5, s4;
	s5 =	sshrl.u32 s5, $0x3  }
0xa: {  	s24 =	sadd.s32 s6, s7;
	s1 =	ssub.s32 s1, s26;
	s26 =	simm.s32 $0x2  }
0xb: {  	s8 =	sshrl.u32 s4, $0x3;
	s4 =	sadd.s32 $0x8A00, s0;
	s13 =	sadd.s32 s5, s0  }
0xc: {  	s7 =	sshll.u32 s24, $0x4;
	s5 =	sadd.s32 s25, s2;
	s19 =	smax.u32 s1, $0x1  }
0xd: {  	s24 =	simm.s32 $0x1;
	s25 =	simm.s32 $0x6800;
	s12 =	sadd.s32 s8, s0  }
0xe: {  	s0 =	sadd.s32 s7, s0;
	s6 =	sadd.s32 $0x4000, s5;
	s7 =	sadd.s32 $0x8000, s5  }
0xf: {  	s8 =	sadd.s32 $0xC000, s5;
	s9 =	sadd.s32 $0x10000, s5;
	s11 =	sadd.s32 $0x3A00, s13  }
0x10: {  	s13 =	sadd.s32 $0x3C80, s13;
	s10 =	sadd.s32 $0xA8A00, s12;
	s12 =	sadd.s32 $0xA8C80, s12  }
0x11: {  	s14 =	sadd.s32 $0x58A00, s0;
	s15 =	sadd.s32 $0x59200, s0;
	s16 =	sadd.s32 $0x59A00, s0  }
0x12: {  	v0 =	vimm.f32 $0.0e+00;
	s17 =	sadd.s32 $0x5A200, s0;
	s18 =	sadd.s32 $0x5AA00, s0;
	[dreg:$0x3] =	wrdreg s10  }
.LBB2_1:
0x13: {  	s0 =	simm.s32 $0x0;
	s1 =	simm.s32 $0x200  }
.LBB2_2:
0x14: {  	p0 =	sne.s32 s1, $0xFE00;
	[tilespmem:s0+$0x2870] =	vst v0  }
0x15: {  	[tilespmem:s0+$0x2800] =	vst v0  }
0x16: {  	[tilespmem:s0+$0x2810] =	vst v0  }
.Ltmp0:
0x17: {  	[tilespmem:s0+$0x2820] =	vst v0;
	(pc) =	sbr.rel @p0 .LBB2_2-.Ltmp0, $4  }
0x18: {  	[tilespmem:s0+$0x2830] =	vst v0  }
0x19: {  	[tilespmem:s0+$0x2840] =	vst v0  }
0x1a: {  	[tilespmem:s0+$0x2850] =	vst v0  }
0x1b: {  	[tilespmem:s0+$0x2860] =	vst v0;
	s0 =	sshra.s32 s1, $0x2;
	s1 =	sadd.s32 $0x200, s1  }
0x1c: {  	[tilespmem:s0+$0x2870] =	vst v0  }
0x1d: {  	[tilespmem:s0+$0x2800] =	vst v0  }
0x1e: {  	[tilespmem:s0+$0x2810] =	vst v0  }
0x1f: {  	[tilespmem:s0+$0x2820] =	vst v0  }
0x20: {  	[tilespmem:s0+$0x2830] =	vst v0  }
0x21: {  	[tilespmem:s0+$0x2840] =	vst v0  }
0x22: {  	[tilespmem:s0+$0x2850] =	vst v0  }
0x23: {  	[tilespmem:s0+$0x2860] =	vst v0  }
0x24: {  	[spmem:s5] =	stream.linear.scatter [tilespmem:s20], [sflag:$0x5], $0x4000, $0x38;
	[tilespmem:$0x1E800] =	vst v63  }
0x25: {  	_ =	swait.ge [sflag:s21], $0x4000  }
0x26: {  	[sflag:s21] =	ssyncset.done $0x0  }
0x27: {  	[sflag:s21] =	ssyncadd.s32 $0xFFFFC000  }
0x28: {  	[spmem:s6] =	stream.linear.scatter [tilespmem:s20], [sflag:$0x5], $0x4000, $0x38;
	[tilespmem:$0x1E800] =	vst v63  }
0x29: {  	_ =	swait.ge [sflag:s21], $0x4000  }
0x2a: {  	[sflag:s21] =	ssyncset.done $0x0  }
0x2b: {  	[sflag:s21] =	ssyncadd.s32 $0xFFFFC000  }
0x2c: {  	[spmem:s7] =	stream.linear.scatter [tilespmem:s20], [sflag:$0x5], $0x4000, $0x38;
	[tilespmem:$0x1E800] =	vst v63  }
0x2d: {  	_ =	swait.ge [sflag:s21], $0x4000  }
0x2e: {  	[sflag:s21] =	ssyncset.done $0x0  }
0x2f: {  	[sflag:s21] =	ssyncadd.s32 $0xFFFFC000  }
0x30: {  	[spmem:s8] =	stream.linear.scatter [tilespmem:s20], [sflag:$0x5], $0x4000, $0x38;
	[tilespmem:$0x1E800] =	vst v63  }
0x31: {  	_ =	swait.ge [sflag:s21], $0x4000  }
0x32: {  	[sflag:s21] =	ssyncset.done $0x0  }
0x33: {  	[sflag:s21] =	ssyncadd.s32 $0xFFFFC000  }
0x34: {  	[spmem:s9] =	stream.linear.scatter [tilespmem:s20], [sflag:$0x5], $0x4000, $0x38;
	[tilespmem:$0x1E800] =	vst v63  }
0x35: {  	_ =	swait.ge [sflag:s21], $0x4000  }
0x36: {  	[sflag:s21] =	ssyncset.done $0x0  }
0x37: {  	[sflag:s21] =	ssyncadd.s32 $0xFFFFC000  }
0x38: {  	[bflag:$0x0] =	sbarrier.arrive $0xFFFF  }
0x39: {  	s1 =	rddreg [dreg:$0x3]  }
0x3a: {  	[tilespmem:s3], [sflag:$0x5] =	stream.linear.gather [hbm4b:s1+s3], $0x1400, $0x38;
	[tilespmem:$0x1E800] =	vst v63  }
0x3b: {  	_ =	swait.ge [sflag:s21], $0x1400  }
0x3c: {  	[sflag:s21] =	ssyncset.done $0x0  }
0x3d: {  	[sflag:s21] =	ssyncadd.s32 $0xFFFFEC00  }
0x3e: {  	[tilespmem:s22], [sflag:$0x5] =	stream.linear.gather [hbm4b:s11+s3], $0x1400, $0x38;
	[tilespmem:$0x1E800] =	vst v63  }
0x3f: {  	_ =	swait.ge [sflag:s21], $0x1400  }
0x40: {  	[sflag:s21] =	ssyncset.done $0x0  }
0x41: {  	[sflag:s21] =	ssyncadd.s32 $0xFFFFEC00  }
0x42: {  	[tilespmem:s20], [sflag:$0x1] =	stream.indirect.gather [hbm4b:s4+s23], $0x80, s3, s23, $0xb8;
	[tilespmem:$0x1E800] =	vst v63  }
0x43: {  	_ =	swait.ge [sflag:s24], $0x4000  }
0x44: {  	[sflag:s24] =	ssyncset.done $0x0  }
0x45: {  	[sflag:s24] =	ssyncadd.s32 $0xFFFFC000  }
0x46: {  	[spmem:s2] =	stream.indirect.scatter.add.f32 [tilespmem:s20], [sflag:$0x3], $0x80, s22, s23, $0xb8;
	[tilespmem:$0x1E800] =	vst v63  }
0x47: {  	_ = 	snop  }
0x48: {  	[tilespmem:s25], [sflag:$0x2] =	stream.indirect.gather [hbm4b:s4+s23], $0x80, s23, s23, $0xb8;
	[tilespmem:$0x1E800] =	vst v63  }
0x49: {  	_ =	swait.ge [sflag:s26], $0x4000  }
0x4a: {  	[sflag:s26] =	ssyncset.done $0x0  }
0x4b: {  	[sflag:s26] =	ssyncadd.s32 $0xFFFFC000  }
0x4c: {  	[spmem:s2] =	stream.indirect.scatter.add.f32 [tilespmem:s25], [sflag:$0x4], $0x80, s28, s23, $0xb8;
	[tilespmem:$0x1E800] =	vst v63  }
0x4d: {  	_ =	swait.ge [sflag:s29], $0x4000  }
0x4e: {  	[sflag:s29] =	ssyncset.done $0x0  }
0x4f: {  	s10 =	simm.s32 $0x100;
	[sflag:s29] =	ssyncadd.s32 $0xFFFFC000  }
0x50: {  	[tilespmem:s20], [sflag:$0x1] =	stream.indirect.gather [hbm4b:s4+s23], $0x80, s10, s23, $0xb8;
	[tilespmem:$0x1E800] =	vst v63  }
0x51: {  	_ =	swait.ge [sflag:s24], $0x4000  }
0x52: {  	[sflag:s24] =	ssyncset.done $0x0  }
0x53: {  	s1 =	simm.s32 $0x1500;
	[sflag:s24] =	ssyncadd.s32 $0xFFFFC000  }
0x54: {  	[spmem:s2] =	stream.indirect.scatter.add.f32 [tilespmem:s20], [sflag:$0x3], $0x80, s1, s23, $0xb8;
	[tilespmem:$0x1E800] =	vst v63  }
0x55: {  	_ =	swait.ge [sflag:s30], $0x4000  }
0x56: {  	[sflag:s30] =	ssyncset.done $0x0  }
0x57: {  	s10 =	simm.s32 $0x180;
	[sflag:s30] =	ssyncadd.s32 $0xFFFFC000  }
0x58: {  	[tilespmem:s25], [sflag:$0x2] =	stream.indirect.gather [hbm4b:s4+s23], $0x80, s10, s23, $0xb8;
	[tilespmem:$0x1E800] =	vst v63  }
0x59: {  	_ =	swait.ge [sflag:s26], $0x4000  }
0x5a: {  	[sflag:s26] =	ssyncset.done $0x0  }
0x5b: {  	s0 =	simm.s32 $0xFFFFB800;
	s1 =	simm.s32 $0x1580;
	[sflag:s26] =	ssyncadd.s32 $0xFFFFC000  }
.LBB2_4:
0x5c: {  	[spmem:s2] =	stream.indirect.scatter.add.f32 [tilespmem:s25], [sflag:$0x4], $0x80, s1, s23, $0xb8;
	[tilespmem:$0x1E800] =	vst v63  }
0x5d: {  	s1 =	smov.u32 s0  }
0x5e: {  	p0 =	sne.s32 s0, $0xFFFFFC00;
	s0 =	sadd.s32 $0x400, s0;
	_ =	swait.ge [sflag:s29], $0x4000  }
0x5f: {  	s1 =	sshra.s32 s1, $0x2;
	[sflag:s29] =	ssyncset.done $0x0  }
0x60: {  	s10 =	sadd.s32 $0x1400, s1;
	[sflag:s29] =	ssyncadd.s32 $0xFFFFC000  }
0x61: {  	[tilespmem:s20], [sflag:$0x1] =	stream.indirect.gather [hbm4b:s4+s23], $0x80, s10, s23, $0xb8;
	[tilespmem:$0x1E800] =	vst v63  }
0x62: {  	_ =	swait.ge [sflag:s24], $0x4000  }
0x63: {  	[sflag:s24] =	ssyncset.done $0x0  }
0x64: {  	s10 =	sadd.s32 $0x2800, s1;
	[sflag:s24] =	ssyncadd.s32 $0xFFFFC000  }
0x65: {  	[spmem:s2] =	stream.indirect.scatter.add.f32 [tilespmem:s20], [sflag:$0x3], $0x80, s10, s23, $0xb8;
	[tilespmem:$0x1E800] =	vst v63  }
0x66: {  	_ =	swait.ge [sflag:s30], $0x4000  }
0x67: {  	[sflag:s30] =	ssyncset.done $0x0  }
.Ltmp1:
0x68: {  	s10 =	sadd.s32 $0x1480, s1;
	[sflag:s30] =	ssyncadd.s32 $0xFFFFC000;
	(pc) =	sbr.rel @p0 .LBB2_4-.Ltmp1, $4  }
0x69: {  	[tilespmem:s25], [sflag:$0x2] =	stream.indirect.gather [hbm4b:s4+s23], $0x80, s10, s23, $0xb8;
	[tilespmem:$0x1E800] =	vst v63  }
0x6a: {  	_ =	swait.ge [sflag:s26], $0x4000  }
0x6b: {  	[sflag:s26] =	ssyncset.done $0x0  }
0x6c: {  	s1 =	sadd.s32 $0x2880, s1;
	[sflag:s26] =	ssyncadd.s32 $0xFFFFC000  }
0x6d: {  	[spmem:s2] =	stream.indirect.scatter.add.f32 [tilespmem:s25], [sflag:$0x4], $0x80, s1, s23, $0xb8;
	[tilespmem:$0x1E800] =	vst v63  }
0x6e: {  	_ =	swait.ge [sflag:s29], $0x4000  }
0x6f: {  	[sflag:s29] =	ssyncset.done $0x0  }
0x70: {  	[sflag:s29] =	ssyncadd.s32 $0xFFFFC000  }
0x71: {  	_ =	swait.ge [sflag:s30], $0x4000  }
0x72: {  	[sflag:s30] =	ssyncset.done $0x0  }
0x73: {  	[sflag:s30] =	ssyncadd.s32 $0xFFFFC000  }
0x74: {  	[tilespmem:s3], [sflag:$0x5] =	stream.linear.gather [hbm4b:s12+s3], $0x1400, $0x38;
	[tilespmem:$0x1E800] =	vst v63  }
0x75: {  	_ =	swait.ge [sflag:s21], $0x1400  }
0x76: {  	[sflag:s21] =	ssyncset.done $0x0  }
0x77: {  	[sflag:s21] =	ssyncadd.s32 $0xFFFFEC00  }
0x78: {  	[tilespmem:s22], [sflag:$0x5] =	stream.linear.gather [hbm4b:s13+s3], $0x1400, $0x38;
	[tilespmem:$0x1E800] =	vst v63  }
0x79: {  	_ =	swait.ge [sflag:s21], $0x1400  }
0x7a: {  	[sflag:s21] =	ssyncset.done $0x0  }
0x7b: {  	[sflag:s21] =	ssyncadd.s32 $0xFFFFEC00  }
0x7c: {  	[tilespmem:s20], [sflag:$0x1] =	stream.indirect.gather [hbm4b:s4+s23], $0x80, s3, s23, $0xb8;
	[tilespmem:$0x1E800] =	vst v63  }
0x7d: {  	_ =	swait.ge [sflag:s24], $0x4000  }
0x7e: {  	[sflag:s24] =	ssyncset.done $0x0  }
0x7f: {  	[sflag:s24] =	ssyncadd.s32 $0xFFFFC000  }
0x80: {  	[spmem:s2] =	stream.indirect.scatter.add.f32 [tilespmem:s20], [sflag:$0x3], $0x80, s22, s23, $0xb8;
	[tilespmem:$0x1E800] =	vst v63  }
0x81: {  	_ = 	snop  }
0x82: {  	[tilespmem:s25], [sflag:$0x2] =	stream.indirect.gather [hbm4b:s4+s23], $0x80, s23, s23, $0xb8;
	[tilespmem:$0x1E800] =	vst v63  }
0x83: {  	_ =	swait.ge [sflag:s26], $0x4000  }
0x84: {  	[sflag:s26] =	ssyncset.done $0x0  }
0x85: {  	[sflag:s26] =	ssyncadd.s32 $0xFFFFC000  }
0x86: {  	[spmem:s2] =	stream.indirect.scatter.add.f32 [tilespmem:s25], [sflag:$0x4], $0x80, s28, s23, $0xb8;
	[tilespmem:$0x1E800] =	vst v63  }
0x87: {  	_ =	swait.ge [sflag:s29], $0x4000  }
0x88: {  	[sflag:s29] =	ssyncset.done $0x0  }
0x89: {  	s0 =	simm.s32 $0x100;
	[sflag:s29] =	ssyncadd.s32 $0xFFFFC000  }
0x8a: {  	[tilespmem:s20], [sflag:$0x1] =	stream.indirect.gather [hbm4b:s4+s23], $0x80, s0, s23, $0xb8;
	[tilespmem:$0x1E800] =	vst v63  }
0x8b: {  	_ =	swait.ge [sflag:s24], $0x4000  }
0x8c: {  	[sflag:s24] =	ssyncset.done $0x0  }
0x8d: {  	s1 =	simm.s32 $0x1500;
	[sflag:s24] =	ssyncadd.s32 $0xFFFFC000  }
0x8e: {  	[spmem:s2] =	stream.indirect.scatter.add.f32 [tilespmem:s20], [sflag:$0x3], $0x80, s1, s23, $0xb8;
	[tilespmem:$0x1E800] =	vst v63  }
0x8f: {  	_ =	swait.ge [sflag:s30], $0x4000  }
0x90: {  	[sflag:s30] =	ssyncset.done $0x0  }
0x91: {  	s10 =	simm.s32 $0x180;
	[sflag:s30] =	ssyncadd.s32 $0xFFFFC000  }
0x92: {  	[tilespmem:s25], [sflag:$0x2] =	stream.indirect.gather [hbm4b:s4+s23], $0x80, s10, s23, $0xb8;
	[tilespmem:$0x1E800] =	vst v63  }
0x93: {  	_ =	swait.ge [sflag:s26], $0x4000  }
0x94: {  	[sflag:s26] =	ssyncset.done $0x0  }
0x95: {  	s0 =	simm.s32 $0xFFFFB800;
	s1 =	simm.s32 $0x1580;
	[sflag:s26] =	ssyncadd.s32 $0xFFFFC000  }
.LBB2_6:
0x96: {  	[spmem:s2] =	stream.indirect.scatter.add.f32 [tilespmem:s25], [sflag:$0x4], $0x80, s1, s23, $0xb8;
	[tilespmem:$0x1E800] =	vst v63  }
0x97: {  	s1 =	smov.u32 s0  }
0x98: {  	p0 =	sne.s32 s0, $0xFFFFFC00;
	s0 =	sadd.s32 $0x400, s0;
	_ =	swait.ge [sflag:s29], $0x4000  }
0x99: {  	s1 =	sshra.s32 s1, $0x2;
	[sflag:s29] =	ssyncset.done $0x0  }
0x9a: {  	s10 =	sadd.s32 $0x1400, s1;
	[sflag:s29] =	ssyncadd.s32 $0xFFFFC000  }
0x9b: {  	[tilespmem:s20], [sflag:$0x1] =	stream.indirect.gather [hbm4b:s4+s23], $0x80, s10, s23, $0xb8;
	[tilespmem:$0x1E800] =	vst v63  }
0x9c: {  	_ =	swait.ge [sflag:s24], $0x4000  }
0x9d: {  	[sflag:s24] =	ssyncset.done $0x0  }
0x9e: {  	s10 =	sadd.s32 $0x2800, s1;
	[sflag:s24] =	ssyncadd.s32 $0xFFFFC000  }
0x9f: {  	[spmem:s2] =	stream.indirect.scatter.add.f32 [tilespmem:s20], [sflag:$0x3], $0x80, s10, s23, $0xb8;
	[tilespmem:$0x1E800] =	vst v63  }
0xa0: {  	_ =	swait.ge [sflag:s30], $0x4000  }
0xa1: {  	[sflag:s30] =	ssyncset.done $0x0  }
.Ltmp2:
0xa2: {  	s10 =	sadd.s32 $0x1480, s1;
	[sflag:s30] =	ssyncadd.s32 $0xFFFFC000;
	(pc) =	sbr.rel @p0 .LBB2_6-.Ltmp2, $4  }
0xa3: {  	[tilespmem:s25], [sflag:$0x2] =	stream.indirect.gather [hbm4b:s4+s23], $0x80, s10, s23, $0xb8;
	[tilespmem:$0x1E800] =	vst v63  }
0xa4: {  	_ =	swait.ge [sflag:s26], $0x4000  }
0xa5: {  	[sflag:s26] =	ssyncset.done $0x0  }
0xa6: {  	s1 =	sadd.s32 $0x2880, s1;
	[sflag:s26] =	ssyncadd.s32 $0xFFFFC000  }
0xa7: {  	[spmem:s2] =	stream.indirect.scatter.add.f32 [tilespmem:s25], [sflag:$0x4], $0x80, s1, s23, $0xb8;
	[tilespmem:$0x1E800] =	vst v63  }
0xa8: {  	_ =	swait.ge [sflag:s29], $0x4000  }
0xa9: {  	[sflag:s29] =	ssyncset.done $0x0  }
0xaa: {  	[sflag:s29] =	ssyncadd.s32 $0xFFFFC000  }
0xab: {  	_ =	swait.ge [sflag:s30], $0x4000  }
0xac: {  	s0 =	stileid.u32;
	[sflag:s30] =	ssyncset.done $0x0  }
0xad: {  	s0 =	sshll.u32 s0, $0x6;
	[sflag:s30] =	ssyncadd.s32 $0xFFFFC000  }
0xae: {  	s10 =	sshrl.u32 s5, $0x3;
	s0 =	sor.u32 $0x1C05, s0;
	[bflag:$0x0] =	sbarrier.arrive $0xFFFF  }
0xaf: {  	[hbm:s14], [sflag:s0] =	dma.local [spmem:s10], $0x800  }
0xb0: {  	_ =	swait.ge [sflag:s21], $0x800  }
0xb1: {  	[sflag:s21] =	ssyncset.done $0x0  }
0xb2: {  	s10 =	sshrl.u32 s6, $0x3;
	[sflag:s21] =	ssyncadd.s32 $0xFFFFF800  }
0xb3: {  	[hbm:s15], [sflag:s0] =	dma.local [spmem:s10], $0x800  }
0xb4: {  	_ =	swait.ge [sflag:s21], $0x800  }
0xb5: {  	[sflag:s21] =	ssyncset.done $0x0  }
0xb6: {  	s10 =	sshrl.u32 s7, $0x3;
	[sflag:s21] =	ssyncadd.s32 $0xFFFFF800  }
0xb7: {  	[hbm:s16], [sflag:s0] =	dma.local [spmem:s10], $0x800  }
0xb8: {  	_ =	swait.ge [sflag:s21], $0x800  }
0xb9: {  	[sflag:s21] =	ssyncset.done $0x0  }
0xba: {  	s10 =	sshrl.u32 s8, $0x3;
	[sflag:s21] =	ssyncadd.s32 $0xFFFFF800  }
0xbb: {  	[hbm:s17], [sflag:s0] =	dma.local [spmem:s10], $0x800  }
0xbc: {  	s31 =	sadd.s32 $0x1, s31;
	_ =	swait.ge [sflag:s21], $0x800  }
0xbd: {  	p0 =	sne.s32 s31, s19;
	[sflag:s21] =	ssyncset.done $0x0  }
.Ltmp3:
0xbe: {  	s10 =	sshrl.u32 s9, $0x3;
	[sflag:s21] =	ssyncadd.s32 $0xFFFFF800;
	(pc) =	sbr.rel @p0 .LBB2_1-.Ltmp3, $4  }
0xbf: {  	[hbm:s18], [sflag:s0] =	dma.local [spmem:s10], $0x800  }
0xc0: {  	_ =	swait.ge [sflag:s21], $0x800  }
0xc1: {  	[sflag:s21] =	ssyncset.done $0x0  }
0xc2: {  	[sflag:s21] =	ssyncadd.s32 $0xFFFFF800  }
0xc3: {  	_ =	sfence.sel $0x180000  }
0xc4: {  	[bflag:$0x0] =	sbarrier.arrive $0xFFFF  }
0xc5: {  	_ =	strace $0x9000004D  }
0xc6: {  	s0 =	stileid.u32;
	[bflag:$0x2] =	sbarrier.arrive $0xFFFF  }
0xc7: {  	p0 =	sne.s32 s0, $0x0;
	s0 =	rddreg [dreg:$0x2]  }
0xc8: {  	s0 =	sadd.s32 @!p0 $0x100000, s0  }
0xc9: {  	[sflag:s0] =	ssyncadd.tile.s32 @!p0 $0x1;
	_ =	shalt  }
.Lfunc_end2:
_tile_overlayer_lowered:
.L_overlay_start_2:
0xca: {  	(tag) =	ssettag $0x2  }
0xcb: {  	s0 =	rddreg [dreg:$0x0];
	s2 =	stileid.u32  }
0xcc: {  	s1 =	rddreg [dreg:$0x1];
	p0 =	sne.s32 s2, $0x0  }
0xcd: {  	s3 =	rddreg [dreg:$0x2];
	[bflag:$0x3] =	sbarrier.arrive $0xFFFF;
	s2 =	simm.s32 @!p0 $0x1C05  }
0xce: {  	[timem:s3], [sflag:s2] =	dma.local @!p0 [hbm:s0], s1  }
0xcf: {  	s0 =	simm.s32 @!p0 $0x5  }
0xd0: {  	_ =	swait.ge @!p0 [sflag:s0], s1  }
0xd1: {  	s1 =	ssub.s32 @!p0 $0x0, s1;
	[sflag:s0] =	ssyncset.done @!p0 $0x0  }
0xd2: {  	[sflag:s0] =	ssyncadd.s32 @!p0 s1  }
0xd3: {  	[bflag:$0x3] =	sbarrier.arrive $0xFFFF  }
0xd4: {  	_ =	shalt  }

// kernel: kernel.21.cloned.1.call-start
scs
__scs_entry_jumppad:
0x0: {  	(pc) =	sbr.rel $0x88, $3  }
0x1: {  	(tag) =	ssettag $0x0;
	lr =	simm.s32 $0x1  }
0x2: {  	[smem:$0x3F9C] =	sst lr;
	_ =	strace $0xD0000000  }
0x3: {  	_ = 	snop  }
0x4: {  	_ = 	snop  }
0x5: {  	_ = 	snop  }
0x6: {  	_ = 	snop  }
0x7: {  	_ = 	snop  }
__scs_overlays_trampoline_lowered:
0x8: {  	[smem:$0x3FAB] =	sst s0  }
0x9: {  	[smem:$0x3FAC] =	sst s1  }
0xa: {  	[smem:$0x3FAD] =	sst s2  }
0xb: {  	[smem:$0x3FAE] =	sst s3  }
0xc: {  	[smem:$0x3FAF] =	sst s4  }
0xd: {  	[smem:$0x3FB0] =	sst s5  }
0xe: {  	[smem:$0x3FB1] =	sst s6  }
0xf: {  	[smem:$0x3FB2] =	sst s7  }
0x10: {  	[smem:$0x3FB3] =	sst s8  }
0x11: {  	[smem:$0x3FB4] =	sst s9;
	s0 =	simm.s32 @!p0 $0x0  }
0x12: {  	s1 =	sld [smem:$0x3F9A];
	s0 =	simm.s32 @p0 $0x1  }
0x13: {  	[smem:$0x3FB5] =	sst s0;
	s0 =	simm.s32 @!p1 $0x0  }
0x14: {  	s2 =	sld [smem:$0x3F99];
	s0 =	simm.s32 @p1 $0x1  }
0x15: {  	[smem:$0x3FB6] =	sst s0;
	s0 =	simm.s32 @!p2 $0x0  }
0x16: {  	s3 =	sld [smem:$0x3FDB];
	s0 =	simm.s32 @p2 $0x1  }
0x17: {  	s4 =	simm.s32 $0x1BF5;
	[smem:$0x3FB8] =	sst s0  }
0x18: {  	s0 =	sld [smem:$0x3F9B];
	_ =	swait.ge [sflag:s4], $0x0  }
0x19: {  	s7 =	sld [smem:$0x3F9C]  }
0x1a: {  	s8 =	sadd.s32 $0xFFFFE003, lr  }
0x1b: {  	s9 =	sadd.s32 $0xFFFFFEF7, lr;
	s5 =	simm.s32 $0xFFFFFFFF;
	p2 =	slt.u32 s8, $0xFFFFF086  }
0x1c: {  	p1 =	slt.u32 s9, $0xF7A;
	s5 =	simm.s32 @!p2 $0x0  }
0x1d: {  	s5 =	simm.s32 @p1 $0x1;
	p0 =	seq.s32 s7, s2  }
0x1e: {  	s7 =	smul.u32 @!p0 $0xF7A, s2;
	p2 =	seq.s32 @!p0 s5, $0x0  }
0x1f: {  	s9 =	smul.u32 $0xF7A, s1;
	s8 =	simm.s32 @!p0 $0x1BF5;
	p2 =	por !p2, p0  }
0x20: {  	[sflag:s8] =	ssyncset.s32 @!p0 $0xFFFFF086;
	s6 =	sadd.s32 @!p0 s3, s7;
	s7 =	simm.s32 @!p0 $0x108  }
0x21: {  	s3 =	sadd.s32 s3, s9;
	s6 =	sadd.s32 @!p0 $0x88, s6;
	s7 =	simm.s32 @p2 $0x1082  }
0x22: {  	[simem:s7], [sflag:s8] =	dma.local @!p0 [hbm:s6], $0xF7A  }
0x23: {  	s9 =	sor.u32 $0xD0000000, s2;
	s6 =	simm.s32 $0x108;
	_ =	swait.ge @!p0 [sflag:s8], $0x0  }
0x24: {  	s3 =	sadd.s32 $0x88, s3;
	s6 =	simm.s32 @!p1 $0x1082;
	[sflag:s4] =	ssyncset.s32 $0xFFFFF086  }
0x25: {  	[simem:s6], [sflag:s4] =	dma.local [hbm:s3], $0xF7A  }
0x26: {  	[smem:$0x3F9C] =	sst s1;
	(tag) =	ssettag s2;
	_ =	strace s9  }
0x27: {  	s1 =	sld [smem:$0x3FAC]  }
0x28: {  	s2 =	sld [smem:$0x3FAD]  }
0x29: {  	s4 =	sld [smem:$0x3FAF]  }
0x2a: {  	p0 =	seq.s32 s5, $0x0;
	s5 =	sld [smem:$0x3FB0]  }
0x2b: {  	s6 =	sld [smem:$0x3FB1]  }
0x2c: {  	s7 =	sld [smem:$0x3FB2]  }
0x2d: {  	s3 =	simm.s32 $0x108;
	s8 =	sld [smem:$0x3FB3]  }
0x2e: {  	s3 =	simm.s32 @!p0 $0x1082;
	s9 =	sld [smem:$0x3FB4]  }
0x2f: {  	lr =	sadd.s32 s0, s3;
	s0 =	sld [smem:$0x3FAB]  }
0x30: {  	s3 =	sld [smem:$0x3FAE]  }
0x31: {  	[smem:$0x3FB7] =	sst s10  }
0x32: {  	s10 =	sld [smem:$0x3FB5];
	_ =	sdelay $0x3  }
0x33: {  	p0 =	seq.s32 s10, $0x1;
	s10 =	sld [smem:$0x3FB7];
	_ =	sdelay $0x3  }
0x34: {  	[smem:$0x3FB7] =	sst s10  }
0x35: {  	s10 =	sld [smem:$0x3FB6];
	_ =	sdelay $0x3  }
0x36: {  	p1 =	seq.s32 s10, $0x1;
	s10 =	sld [smem:$0x3FB7];
	_ =	sdelay $0x3  }
0x37: {  	[smem:$0x3FB7] =	sst s10  }
0x38: {  	s10 =	sld [smem:$0x3FB8]  }
0x39: {  	_ = 	snop;
	(pc) =	sbr.ind lr, $3  }
0x3a: {  	_ = 	snop  }
0x3b: {  	_ = 	snop  }
0x3c: {  	p2 =	seq.s32 s10, $0x1;
	s10 =	sld [smem:$0x3FB7]  }
0x3d: {  	_ =	shalt  }
0x3e: {  	_ =	shalt  }
0x3f: {  	_ =	shalt  }
0x40: {  	_ =	shalt  }
0x41: {  	_ =	shalt  }
0x42: {  	_ =	shalt  }
0x43: {  	_ =	shalt  }
0x44: {  	_ =	shalt  }
0x45: {  	_ =	shalt  }
0x46: {  	_ =	shalt  }
0x47: {  	_ =	shalt  }
0x48: {  	_ =	shalt  }
0x49: {  	_ =	shalt  }
0x4a: {  	_ =	shalt  }
0x4b: {  	_ =	shalt  }
0x4c: {  	_ =	shalt  }
0x4d: {  	_ =	shalt  }
0x4e: {  	_ =	shalt  }
0x4f: {  	_ =	shalt  }
0x50: {  	_ =	shalt  }
0x51: {  	_ =	shalt  }
0x52: {  	_ =	shalt  }
0x53: {  	_ =	shalt  }
0x54: {  	_ =	shalt  }
0x55: {  	_ =	shalt  }
0x56: {  	_ =	shalt  }
0x57: {  	_ =	shalt  }
0x58: {  	_ =	shalt  }
0x59: {  	_ =	shalt  }
0x5a: {  	_ =	shalt  }
0x5b: {  	_ =	shalt  }
0x5c: {  	_ =	shalt  }
0x5d: {  	_ =	shalt  }
0x5e: {  	_ =	shalt  }
0x5f: {  	_ =	shalt  }
0x60: {  	_ =	shalt  }
0x61: {  	_ =	shalt  }
0x62: {  	_ =	shalt  }
0x63: {  	_ =	shalt  }
0x64: {  	_ =	shalt  }
0x65: {  	_ =	shalt  }
0x66: {  	_ =	shalt  }
0x67: {  	_ =	shalt  }
0x68: {  	_ =	shalt  }
0x69: {  	_ =	shalt  }
0x6a: {  	_ =	shalt  }
0x6b: {  	_ =	shalt  }
0x6c: {  	_ =	shalt  }
0x6d: {  	_ =	shalt  }
0x6e: {  	_ =	shalt  }
0x6f: {  	_ =	shalt  }
0x70: {  	_ =	shalt  }
0x71: {  	_ =	shalt  }
0x72: {  	_ =	shalt  }
0x73: {  	_ =	shalt  }
0x74: {  	_ =	shalt  }
0x75: {  	_ =	shalt  }
0x76: {  	_ =	shalt  }
0x77: {  	_ =	shalt  }
0x78: {  	_ =	shalt  }
0x79: {  	_ =	shalt  }
0x7a: {  	_ =	shalt  }
0x7b: {  	_ =	shalt  }
0x7c: {  	_ =	shalt  }
0x7d: {  	_ =	shalt  }
0x7e: {  	_ =	shalt  }
0x7f: {  	_ =	shalt  }
0x80: {  	_ =	shalt  }
0x81: {  	_ =	shalt  }
0x82: {  	_ =	shalt  }
0x83: {  	_ =	shalt  }
0x84: {  	_ =	shalt  }
0x85: {  	_ =	shalt  }
0x86: {  	_ =	shalt  }
0x87: {  	_ =	shalt  }
.Lfunc_end0:
.L_simem_size_0:
called_computation.3_lowered:
.L_overlay_start_0:
0x88: {  	s2 =	sld [smem:$0x3FD9]  }
0x89: {  	s3 =	sld [smem:$0x3FFE];
	_ =	sdelay $0x1  }
0x8a: {  	s1 =	srdreg.scid  }
0x8b: {  	s0 =	sand.u32 $0x1, s1  }
0x8c: {  	s16 =	sshll.u32 s0, $0xA;
	s2 =	sadd.s32 s3, s2  }
0x8d: {  	s2 =	sadd.s32 s2, s16  }
0x8e: {  	[smem:$0x3FC3] =	sst s2  }
0x8f: {  	_ = 	snop  }
0x90: {  	(tm) =	ssettm $0x1  }
0x91: {  	s17 =	sld [smem:$0x3FFB];
	_ =	sdelay $0x3  }
0x92: {  	_ =	strace s17  }
0x93: {  	s2 =	sld [smem:$0x3FFC];
	_ =	sdelay $0x3  }
0x94: {  	_ =	strace s2  }
0x95: {  	s2 =	sld [smem:$0x3FFD];
	_ =	sdelay $0x3  }
0x96: {  	_ =	strace s2  }
0x97: {  	_ =	strace $0x8FFFFFFF  }
0x98: {  	s18 =	sld [smem:$0x3FDB];
	_ =	sdelay $0x1  }
0x99: {  	s19 =	simm.s32 $_scs_section_size  }
0x9a: {  	s4 =	simm.s32 $_size__tile_overlayer_lowered;
	s5 =	simm.s32 $_tile_overlayer_lowered  }
0x9b: {  	s22 =	simm.s32 $0x1BFF;
	s21 =	sshll.u32 s5, $0x1;
	s2 =	sadd.s32 s19, s18  }
0x9c: {  	s6 =	simm.s32 $0x0;
	s20 =	sshll.u32 s4, $0x1;
	s4 =	sadd.s32 s21, s2  }
0x9d: {  	[timem:s6], [sflag:s22] =	dma.local [hbm:s4], s20  }
0x9e: {  	_ =	swait.ge [sflag:s22], s20  }
0x9f: {  	s3 =	ssub.s32 $0x0, s20;
	[sflag:s22] =	ssyncset.done $0x0  }
0xa0: {  	[sflag:s22] =	ssyncadd.s32 s3;
	_ =	sdelay $0x1  }
0xa1: {  	s23 =	simm.s32 $0x1B8B  }
0xa2: {  	_ =	swait.ge [sflag:s23], $0x1  }
0xa3: {  	[sflag:s23] =	ssyncset.done $0x0  }
0xa4: {  	s25 =	simm.s32 $0x1B8E;
	s24 =	sld [smem:$0x3FFE];
	[sflag:s23] =	ssyncadd.s32 $0xFFFFFFFF  }
0xa5: {  	s26 =	simm.s32 $execute0_lowered;
	[smem:$0x3FD2] =	sst s25  }
0xa6: {  	s4 =	sshll.u32 s26, $0x1;
	_ =	strace $0x8000004F;
	[dreg:$0x1] =	wrdreg $0xFFFFFFFF  }
0xa7: {  	s28 =	simm.s32 $_size_execute0_lowered;
	s2 =	sadd.s32 s2, s4;
	[dreg:$0x0] =	wrdreg $0x0  }
0xa8: {  	s4 =	sshll.u32 s28, $0x1;
	[dreg:$0x2] =	wrdreg s2  }
0xa9: {  	[dreg:$0x3] =	wrdreg s4  }
0xaa: {  	[dreg:$0x4] =	wrdreg $0xC0  }
0xab: {  	_ =	task [dreg:s6], $0x5FFFF  }
0xac: {  	[dreg:$0x1] =	wrdreg $0xFFFFFFFF  }
0xad: {  	[dreg:$0x0] =	wrdreg $0x60  }
0xae: {  	[dreg:$0x2] =	wrdreg s24  }
0xaf: {  	[dreg:$0x3] =	wrdreg $0xA8000  }
0xb0: {  	[dreg:$0x4] =	wrdreg $0x9  }
0xb1: {  	_ =	task.clear_ibuf [dreg:s6], $0x5FFFF;
	_ =	strace $0x9000004F  }
0xb2: {  	s29 =	simm.s32 $0x9;
	_ =	strace $0x80000051  }
0xb3: {  	_ =	swait.ge [sflag:s29], $0x1  }
0xb4: {  	[sflag:s29] =	ssyncadd.s32 $0xFFFFFFFF  }
0xb5: {  	_ =	strace $0x90000051  }
0xb6: {  	_ =	sfence  }
0xb7: {  	s30 =	sld [smem:$0x0];
	_ =	sdelay $0x2  }
0xb8: {  	s31 =	sshll.u32 s1, $0xD;
	s1 =	sshrl.u32 s1, $0x2  }
0xb9: {  	s3 =	sand.u32 $0x4000, s31;
	s1 =	sadd.s32 s1, s30  }
0xba: {  	s0 =	sor.u32 s3, s0;
	s1 =	sshll.u32 s1, $0x11  }
0xbb: {  	s0 =	sor.u32 s1, s0  }
0xbc: {  	s0 =	sadd.s32 $0x8F2B, s0  }
0xbd: {  	[sflag:s0] =	ssyncadd.remote.s32 $0x1  }
0xbe: {  	_ =	sfence.sel $0xFFFF  }
0xbf: {  	[dreg:$0x0] =	wrdreg $0xFFFFFFFF;
	(pc) =	sbr.abs _section_cstart, $3  }
0xc0: {  	[dreg:$0x1] =	wrdreg $0xFFFFFFFF  }
0xc1: {  	_ =	task.clear_ibuf [dreg:s6], $0x2FFFF;
	_ =	strace $0x9FFFFFFF  }
0xc2: {  	(tm) =	ssettm $0x7FFFFFFF  }
0xc3: {  	_ =	shalt  }
tec
execute0_lowered:
.L_overlay_start_1:
0x0: {  	(tag) =	ssettag $0x1  }
0x1: {  	s0 =	rddreg [dreg:$0x0];
	s1 =	srdreg.scid  }
0x2: {  	s2 =	rddreg [dreg:$0x1];
	s9 =	stileid.u32;
	s3 =	simm.s32 $0x0  }
0x3: {  	s20 =	simm.s32 $0x2800;
	s21 =	simm.s32 $0x5;
	s22 =	simm.s32 $0x1400  }
0x4: {  	s23 =	simm.s32 $0x80;
	s28 =	simm.s32 $0x1480;
	s5 =	smul.u32 $0x2800, s9  }
0x5: {  	s29 =	simm.s32 $0x3;
	s30 =	simm.s32 $0x4;
	s6 =	smul.u32 $0x280, s9  }
0x6: {  	s1 =	sand.u32 $0x1, s1;
	[smem:$0x7FF] =	sst s3;
	s9 =	smul.u32 $0x50000, s9  }
0x7: {  	s31 =	simm.s32 $0x0;
	s4 =	smul.u32 $0x28000, s1;
	_ =	strace $0x80000050  }
0x8: {  	s7 =	smul.u32 $0x2800, s1;
	s1 =	ssub.s32 $0x2, s1;
	s25 =	sshrl.u32 s9, $0x2  }
0x9: {  	s26 =	sshrl.u32 s1, $0x1;
	s4 =	sadd.s32 s5, s4;
	s5 =	sshrl.u32 s5, $0x3  }
0xa: {  	s24 =	sadd.s32 s6, s7;
	s1 =	ssub.s32 s1, s26;
	s26 =	simm.s32 $0x2  }
0xb: {  	s8 =	sshrl.u32 s4, $0x3;
	s4 =	sadd.s32 $0x8A00, s0;
	s13 =	sadd.s32 s5, s0  }
0xc: {  	s7 =	sshll.u32 s24, $0x4;
	s5 =	sadd.s32 s25, s2;
	s19 =	smax.u32 s1, $0x1  }
0xd: {  	s24 =	simm.s32 $0x1;
	s25 =	simm.s32 $0x6800;
	s12 =	sadd.s32 s8, s0  }
0xe: {  	s0 =	sadd.s32 s7, s0;
	s6 =	sadd.s32 $0x4000, s5;
	s7 =	sadd.s32 $0x8000, s5  }
0xf: {  	s8 =	sadd.s32 $0xC000, s5;
	s9 =	sadd.s32 $0x10000, s5;
	s11 =	sadd.s32 $0x3A00, s13  }
0x10: {  	s13 =	sadd.s32 $0x3C80, s13;
	s10 =	sadd.s32 $0xA8A00, s12;
	s12 =	sadd.s32 $0xA8C80, s12  }
0x11: {  	s14 =	sadd.s32 $0x58A00, s0;
	s15 =	sadd.s32 $0x59200, s0;
	s16 =	sadd.s32 $0x59A00, s0  }
0x12: {  	v0 =	vimm.f32 $0.0e+00;
	s17 =	sadd.s32 $0x5A200, s0;
	s18 =	sadd.s32 $0x5AA00, s0;
	[dreg:$0x3] =	wrdreg s10  }
.LBB2_1:
0x13: {  	s0 =	simm.s32 $0x0;
	s1 =	simm.s32 $0x200  }
.LBB2_2:
0x14: {  	p0 =	sne.s32 s1, $0xFE00;
	[tilespmem:s0+$0x2870] =	vst v0  }
0x15: {  	[tilespmem:s0+$0x2800] =	vst v0  }
0x16: {  	[tilespmem:s0+$0x2810] =	vst v0  }
.Ltmp0:
0x17: {  	[tilespmem:s0+$0x2820] =	vst v0;
	(pc) =	sbr.rel @p0 .LBB2_2-.Ltmp0, $4  }
0x18: {  	[tilespmem:s0+$0x2830] =	vst v0  }
0x19: {  	[tilespmem:s0+$0x2840] =	vst v0  }
0x1a: {  	[tilespmem:s0+$0x2850] =	vst v0  }
0x1b: {  	[tilespmem:s0+$0x2860] =	vst v0;
	s0 =	sshra.s32 s1, $0x2;
	s1 =	sadd.s32 $0x200, s1  }
0x1c: {  	[tilespmem:s0+$0x2870] =	vst v0  }
0x1d: {  	[tilespmem:s0+$0x2800] =	vst v0  }
0x1e: {  	[tilespmem:s0+$0x2810] =	vst v0  }
0x1f: {  	[tilespmem:s0+$0x2820] =	vst v0  }
0x20: {  	[tilespmem:s0+$0x2830] =	vst v0  }
0x21: {  	[tilespmem:s0+$0x2840] =	vst v0  }
0x22: {  	[tilespmem:s0+$0x2850] =	vst v0  }
0x23: {  	[tilespmem:s0+$0x2860] =	vst v0  }
0x24: {  	[spmem:s5] =	stream.linear.scatter [tilespmem:s20], [sflag:$0x5], $0x4000, $0x38;
	[tilespmem:$0x1E800] =	vst v63  }
0x25: {  	_ =	swait.ge [sflag:s21], $0x4000  }
0x26: {  	[sflag:s21] =	ssyncset.done $0x0  }
0x27: {  	[sflag:s21] =	ssyncadd.s32 $0xFFFFC000  }
0x28: {  	[spmem:s6] =	stream.linear.scatter [tilespmem:s20], [sflag:$0x5], $0x4000, $0x38;
	[tilespmem:$0x1E800] =	vst v63  }
0x29: {  	_ =	swait.ge [sflag:s21], $0x4000  }
0x2a: {  	[sflag:s21] =	ssyncset.done $0x0  }
0x2b: {  	[sflag:s21] =	ssyncadd.s32 $0xFFFFC000  }
0x2c: {  	[spmem:s7] =	stream.linear.scatter [tilespmem:s20], [sflag:$0x5], $0x4000, $0x38;
	[tilespmem:$0x1E800] =	vst v63  }
0x2d: {  	_ =	swait.ge [sflag:s21], $0x4000  }
0x2e: {  	[sflag:s21] =	ssyncset.done $0x0  }
0x2f: {  	[sflag:s21] =	ssyncadd.s32 $0xFFFFC000  }
0x30: {  	[spmem:s8] =	stream.linear.scatter [tilespmem:s20], [sflag:$0x5], $0x4000, $0x38;
	[tilespmem:$0x1E800] =	vst v63  }
0x31: {  	_ =	swait.ge [sflag:s21], $0x4000  }
0x32: {  	[sflag:s21] =	ssyncset.done $0x0  }
0x33: {  	[sflag:s21] =	ssyncadd.s32 $0xFFFFC000  }
0x34: {  	[spmem:s9] =	stream.linear.scatter [tilespmem:s20], [sflag:$0x5], $0x4000, $0x38;
	[tilespmem:$0x1E800] =	vst v63  }
0x35: {  	_ =	swait.ge [sflag:s21], $0x4000  }
0x36: {  	[sflag:s21] =	ssyncset.done $0x0  }
0x37: {  	[sflag:s21] =	ssyncadd.s32 $0xFFFFC000  }
0x38: {  	[bflag:$0x0] =	sbarrier.arrive $0xFFFF  }
0x39: {  	s1 =	rddreg [dreg:$0x3]  }
0x3a: {  	[tilespmem:s3], [sflag:$0x5] =	stream.linear.gather [hbm4b:s1+s3], $0x1400, $0x38;
	[tilespmem:$0x1E800] =	vst v63  }
0x3b: {  	_ =	swait.ge [sflag:s21], $0x1400  }
0x3c: {  	[sflag:s21] =	ssyncset.done $0x0  }
0x3d: {  	[sflag:s21] =	ssyncadd.s32 $0xFFFFEC00  }
0x3e: {  	[tilespmem:s22], [sflag:$0x5] =	stream.linear.gather [hbm4b:s11+s3], $0x1400, $0x38;
	[tilespmem:$0x1E800] =	vst v63  }
0x3f: {  	_ =	swait.ge [sflag:s21], $0x1400  }
0x40: {  	[sflag:s21] =	ssyncset.done $0x0  }
0x41: {  	[sflag:s21] =	ssyncadd.s32 $0xFFFFEC00  }
0x42: {  	[tilespmem:s20], [sflag:$0x1] =	stream.indirect.gather [hbm4b:s4+s23], $0x80, s3, s23, $0xb8;
	[tilespmem:$0x1E800] =	vst v63  }
0x43: {  	_ =	swait.ge [sflag:s24], $0x4000  }
0x44: {  	[sflag:s24] =	ssyncset.done $0x0  }
0x45: {  	[sflag:s24] =	ssyncadd.s32 $0xFFFFC000  }
0x46: {  	[spmem:s2] =	stream.indirect.scatter.add.f32 [tilespmem:s20], [sflag:$0x3], $0x80, s22, s23, $0xb8;
	[tilespmem:$0x1E800] =	vst v63  }
0x47: {  	_ = 	snop  }
0x48: {  	[tilespmem:s25], [sflag:$0x2] =	stream.indirect.gather [hbm4b:s4+s23], $0x80, s23, s23, $0xb8;
	[tilespmem:$0x1E800] =	vst v63  }
0x49: {  	_ =	swait.ge [sflag:s26], $0x4000  }
0x4a: {  	[sflag:s26] =	ssyncset.done $0x0  }
0x4b: {  	[sflag:s26] =	ssyncadd.s32 $0xFFFFC000  }
0x4c: {  	[spmem:s2] =	stream.indirect.scatter.add.f32 [tilespmem:s25], [sflag:$0x4], $0x80, s28, s23, $0xb8;
	[tilespmem:$0x1E800] =	vst v63  }
0x4d: {  	_ =	swait.ge [sflag:s29], $0x4000  }
0x4e: {  	[sflag:s29] =	ssyncset.done $0x0  }
0x4f: {  	s10 =	simm.s32 $0x100;
	[sflag:s29] =	ssyncadd.s32 $0xFFFFC000  }
0x50: {  	[tilespmem:s20], [sflag:$0x1] =	stream.indirect.gather [hbm4b:s4+s23], $0x80, s10, s23, $0xb8;
	[tilespmem:$0x1E800] =	vst v63  }
0x51: {  	_ =	swait.ge [sflag:s24], $0x4000  }
0x52: {  	[sflag:s24] =	ssyncset.done $0x0  }
0x53: {  	s1 =	simm.s32 $0x1500;
	[sflag:s24] =	ssyncadd.s32 $0xFFFFC000  }
0x54: {  	[spmem:s2] =	stream.indirect.scatter.add.f32 [tilespmem:s20], [sflag:$0x3], $0x80, s1, s23, $0xb8;
	[tilespmem:$0x1E800] =	vst v63  }
0x55: {  	_ =	swait.ge [sflag:s30], $0x4000  }
0x56: {  	[sflag:s30] =	ssyncset.done $0x0  }
0x57: {  	s10 =	simm.s32 $0x180;
	[sflag:s30] =	ssyncadd.s32 $0xFFFFC000  }
0x58: {  	[tilespmem:s25], [sflag:$0x2] =	stream.indirect.gather [hbm4b:s4+s23], $0x80, s10, s23, $0xb8;
	[tilespmem:$0x1E800] =	vst v63  }
0x59: {  	_ =	swait.ge [sflag:s26], $0x4000  }
0x5a: {  	[sflag:s26] =	ssyncset.done $0x0  }
0x5b: {  	s0 =	simm.s32 $0xFFFFB800;
	s1 =	simm.s32 $0x1580;
	[sflag:s26] =	ssyncadd.s32 $0xFFFFC000  }
.LBB2_4:
0x5c: {  	[spmem:s2] =	stream.indirect.scatter.add.f32 [tilespmem:s25], [sflag:$0x4], $0x80, s1, s23, $0xb8;
	[tilespmem:$0x1E800] =	vst v63  }
0x5d: {  	s1 =	smov.u32 s0  }
0x5e: {  	p0 =	sne.s32 s0, $0xFFFFFC00;
	s0 =	sadd.s32 $0x400, s0;
	_ =	swait.ge [sflag:s29], $0x4000  }
0x5f: {  	s1 =	sshra.s32 s1, $0x2;
	[sflag:s29] =	ssyncset.done $0x0  }
0x60: {  	s10 =	sadd.s32 $0x1400, s1;
	[sflag:s29] =	ssyncadd.s32 $0xFFFFC000  }
0x61: {  	[tilespmem:s20], [sflag:$0x1] =	stream.indirect.gather [hbm4b:s4+s23], $0x80, s10, s23, $0xb8;
	[tilespmem:$0x1E800] =	vst v63  }
0x62: {  	_ =	swait.ge [sflag:s24], $0x4000  }
0x63: {  	[sflag:s24] =	ssyncset.done $0x0  }
0x64: {  	s10 =	sadd.s32 $0x2800, s1;
	[sflag:s24] =	ssyncadd.s32 $0xFFFFC000  }
0x65: {  	[spmem:s2] =	stream.indirect.scatter.add.f32 [tilespmem:s20], [sflag:$0x3], $0x80, s10, s23, $0xb8;
	[tilespmem:$0x1E800] =	vst v63  }
0x66: {  	_ =	swait.ge [sflag:s30], $0x4000  }
0x67: {  	[sflag:s30] =	ssyncset.done $0x0  }
.Ltmp1:
0x68: {  	s10 =	sadd.s32 $0x1480, s1;
	[sflag:s30] =	ssyncadd.s32 $0xFFFFC000;
	(pc) =	sbr.rel @p0 .LBB2_4-.Ltmp1, $4  }
0x69: {  	[tilespmem:s25], [sflag:$0x2] =	stream.indirect.gather [hbm4b:s4+s23], $0x80, s10, s23, $0xb8;
	[tilespmem:$0x1E800] =	vst v63  }
0x6a: {  	_ =	swait.ge [sflag:s26], $0x4000  }
0x6b: {  	[sflag:s26] =	ssyncset.done $0x0  }
0x6c: {  	s1 =	sadd.s32 $0x2880, s1;
	[sflag:s26] =	ssyncadd.s32 $0xFFFFC000  }
0x6d: {  	[spmem:s2] =	stream.indirect.scatter.add.f32 [tilespmem:s25], [sflag:$0x4], $0x80, s1, s23, $0xb8;
	[tilespmem:$0x1E800] =	vst v63  }
0x6e: {  	_ =	swait.ge [sflag:s29], $0x4000  }
0x6f: {  	[sflag:s29] =	ssyncset.done $0x0  }
0x70: {  	[sflag:s29] =	ssyncadd.s32 $0xFFFFC000  }
0x71: {  	_ =	swait.ge [sflag:s30], $0x4000  }
0x72: {  	[sflag:s30] =	ssyncset.done $0x0  }
0x73: {  	[sflag:s30] =	ssyncadd.s32 $0xFFFFC000  }
0x74: {  	[tilespmem:s3], [sflag:$0x5] =	stream.linear.gather [hbm4b:s12+s3], $0x1400, $0x38;
	[tilespmem:$0x1E800] =	vst v63  }
0x75: {  	_ =	swait.ge [sflag:s21], $0x1400  }
0x76: {  	[sflag:s21] =	ssyncset.done $0x0  }
0x77: {  	[sflag:s21] =	ssyncadd.s32 $0xFFFFEC00  }
0x78: {  	[tilespmem:s22], [sflag:$0x5] =	stream.linear.gather [hbm4b:s13+s3], $0x1400, $0x38;
	[tilespmem:$0x1E800] =	vst v63  }
0x79: {  	_ =	swait.ge [sflag:s21], $0x1400  }
0x7a: {  	[sflag:s21] =	ssyncset.done $0x0  }
0x7b: {  	[sflag:s21] =	ssyncadd.s32 $0xFFFFEC00  }
0x7c: {  	[tilespmem:s20], [sflag:$0x1] =	stream.indirect.gather [hbm4b:s4+s23], $0x80, s3, s23, $0xb8;
	[tilespmem:$0x1E800] =	vst v63  }
0x7d: {  	_ =	swait.ge [sflag:s24], $0x4000  }
0x7e: {  	[sflag:s24] =	ssyncset.done $0x0  }
0x7f: {  	[sflag:s24] =	ssyncadd.s32 $0xFFFFC000  }
0x80: {  	[spmem:s2] =	stream.indirect.scatter.add.f32 [tilespmem:s20], [sflag:$0x3], $0x80, s22, s23, $0xb8;
	[tilespmem:$0x1E800] =	vst v63  }
0x81: {  	_ = 	snop  }
0x82: {  	[tilespmem:s25], [sflag:$0x2] =	stream.indirect.gather [hbm4b:s4+s23], $0x80, s23, s23, $0xb8;
	[tilespmem:$0x1E800] =	vst v63  }
0x83: {  	_ =	swait.ge [sflag:s26], $0x4000  }
0x84: {  	[sflag:s26] =	ssyncset.done $0x0  }
0x85: {  	[sflag:s26] =	ssyncadd.s32 $0xFFFFC000  }
0x86: {  	[spmem:s2] =	stream.indirect.scatter.add.f32 [tilespmem:s25], [sflag:$0x4], $0x80, s28, s23, $0xb8;
	[tilespmem:$0x1E800] =	vst v63  }
0x87: {  	_ =	swait.ge [sflag:s29], $0x4000  }
0x88: {  	[sflag:s29] =	ssyncset.done $0x0  }
0x89: {  	s0 =	simm.s32 $0x100;
	[sflag:s29] =	ssyncadd.s32 $0xFFFFC000  }
0x8a: {  	[tilespmem:s20], [sflag:$0x1] =	stream.indirect.gather [hbm4b:s4+s23], $0x80, s0, s23, $0xb8;
	[tilespmem:$0x1E800] =	vst v63  }
0x8b: {  	_ =	swait.ge [sflag:s24], $0x4000  }
0x8c: {  	[sflag:s24] =	ssyncset.done $0x0  }
0x8d: {  	s1 =	simm.s32 $0x1500;
	[sflag:s24] =	ssyncadd.s32 $0xFFFFC000  }
0x8e: {  	[spmem:s2] =	stream.indirect.scatter.add.f32 [tilespmem:s20], [sflag:$0x3], $0x80, s1, s23, $0xb8;
	[tilespmem:$0x1E800] =	vst v63  }
0x8f: {  	_ =	swait.ge [sflag:s30], $0x4000  }
0x90: {  	[sflag:s30] =	ssyncset.done $0x0  }
0x91: {  	s10 =	simm.s32 $0x180;
	[sflag:s30] =	ssyncadd.s32 $0xFFFFC000  }
0x92: {  	[tilespmem:s25], [sflag:$0x2] =	stream.indirect.gather [hbm4b:s4+s23], $0x80, s10, s23, $0xb8;
	[tilespmem:$0x1E800] =	vst v63  }
0x93: {  	_ =	swait.ge [sflag:s26], $0x4000  }
0x94: {  	[sflag:s26] =	ssyncset.done $0x0  }
0x95: {  	s0 =	simm.s32 $0xFFFFB800;
	s1 =	simm.s32 $0x1580;
	[sflag:s26] =	ssyncadd.s32 $0xFFFFC000  }
.LBB2_6:
0x96: {  	[spmem:s2] =	stream.indirect.scatter.add.f32 [tilespmem:s25], [sflag:$0x4], $0x80, s1, s23, $0xb8;
	[tilespmem:$0x1E800] =	vst v63  }
0x97: {  	s1 =	smov.u32 s0  }
0x98: {  	p0 =	sne.s32 s0, $0xFFFFFC00;
	s0 =	sadd.s32 $0x400, s0;
	_ =	swait.ge [sflag:s29], $0x4000  }
0x99: {  	s1 =	sshra.s32 s1, $0x2;
	[sflag:s29] =	ssyncset.done $0x0  }
0x9a: {  	s10 =	sadd.s32 $0x1400, s1;
	[sflag:s29] =	ssyncadd.s32 $0xFFFFC000  }
0x9b: {  	[tilespmem:s20], [sflag:$0x1] =	stream.indirect.gather [hbm4b:s4+s23], $0x80, s10, s23, $0xb8;
	[tilespmem:$0x1E800] =	vst v63  }
0x9c: {  	_ =	swait.ge [sflag:s24], $0x4000  }
0x9d: {  	[sflag:s24] =	ssyncset.done $0x0  }
0x9e: {  	s10 =	sadd.s32 $0x2800, s1;
	[sflag:s24] =	ssyncadd.s32 $0xFFFFC000  }
0x9f: {  	[spmem:s2] =	stream.indirect.scatter.add.f32 [tilespmem:s20], [sflag:$0x3], $0x80, s10, s23, $0xb8;
	[tilespmem:$0x1E800] =	vst v63  }
0xa0: {  	_ =	swait.ge [sflag:s30], $0x4000  }
0xa1: {  	[sflag:s30] =	ssyncset.done $0x0  }
.Ltmp2:
0xa2: {  	s10 =	sadd.s32 $0x1480, s1;
	[sflag:s30] =	ssyncadd.s32 $0xFFFFC000;
	(pc) =	sbr.rel @p0 .LBB2_6-.Ltmp2, $4  }
0xa3: {  	[tilespmem:s25], [sflag:$0x2] =	stream.indirect.gather [hbm4b:s4+s23], $0x80, s10, s23, $0xb8;
	[tilespmem:$0x1E800] =	vst v63  }
0xa4: {  	_ =	swait.ge [sflag:s26], $0x4000  }
0xa5: {  	[sflag:s26] =	ssyncset.done $0x0  }
0xa6: {  	s1 =	sadd.s32 $0x2880, s1;
	[sflag:s26] =	ssyncadd.s32 $0xFFFFC000  }
0xa7: {  	[spmem:s2] =	stream.indirect.scatter.add.f32 [tilespmem:s25], [sflag:$0x4], $0x80, s1, s23, $0xb8;
	[tilespmem:$0x1E800] =	vst v63  }
0xa8: {  	_ =	swait.ge [sflag:s29], $0x4000  }
0xa9: {  	[sflag:s29] =	ssyncset.done $0x0  }
0xaa: {  	[sflag:s29] =	ssyncadd.s32 $0xFFFFC000  }
0xab: {  	_ =	swait.ge [sflag:s30], $0x4000  }
0xac: {  	s0 =	stileid.u32;
	[sflag:s30] =	ssyncset.done $0x0  }
0xad: {  	s0 =	sshll.u32 s0, $0x6;
	[sflag:s30] =	ssyncadd.s32 $0xFFFFC000  }
0xae: {  	s10 =	sshrl.u32 s5, $0x3;
	s0 =	sor.u32 $0x1C05, s0;
	[bflag:$0x0] =	sbarrier.arrive $0xFFFF  }
0xaf: {  	[hbm:s14], [sflag:s0] =	dma.local [spmem:s10], $0x800  }
0xb0: {  	_ =	swait.ge [sflag:s21], $0x800  }
0xb1: {  	[sflag:s21] =	ssyncset.done $0x0  }
0xb2: {  	s10 =	sshrl.u32 s6, $0x3;
	[sflag:s21] =	ssyncadd.s32 $0xFFFFF800  }
0xb3: {  	[hbm:s15], [sflag:s0] =	dma.local [spmem:s10], $0x800  }
0xb4: {  	_ =	swait.ge [sflag:s21], $0x800  }
0xb5: {  	[sflag:s21] =	ssyncset.done $0x0  }
0xb6: {  	s10 =	sshrl.u32 s7, $0x3;
	[sflag:s21] =	ssyncadd.s32 $0xFFFFF800  }
0xb7: {  	[hbm:s16], [sflag:s0] =	dma.local [spmem:s10], $0x800  }
0xb8: {  	_ =	swait.ge [sflag:s21], $0x800  }
0xb9: {  	[sflag:s21] =	ssyncset.done $0x0  }
0xba: {  	s10 =	sshrl.u32 s8, $0x3;
	[sflag:s21] =	ssyncadd.s32 $0xFFFFF800  }
0xbb: {  	[hbm:s17], [sflag:s0] =	dma.local [spmem:s10], $0x800  }
0xbc: {  	s31 =	sadd.s32 $0x1, s31;
	_ =	swait.ge [sflag:s21], $0x800  }
0xbd: {  	p0 =	sne.s32 s31, s19;
	[sflag:s21] =	ssyncset.done $0x0  }
.Ltmp3:
0xbe: {  	s10 =	sshrl.u32 s9, $0x3;
	[sflag:s21] =	ssyncadd.s32 $0xFFFFF800;
	(pc) =	sbr.rel @p0 .LBB2_1-.Ltmp3, $4  }
0xbf: {  	[hbm:s18], [sflag:s0] =	dma.local [spmem:s10], $0x800  }
0xc0: {  	_ =	swait.ge [sflag:s21], $0x800  }
0xc1: {  	[sflag:s21] =	ssyncset.done $0x0  }
0xc2: {  	[sflag:s21] =	ssyncadd.s32 $0xFFFFF800  }
0xc3: {  	_ =	sfence.sel $0x180000  }
0xc4: {  	[bflag:$0x0] =	sbarrier.arrive $0xFFFF  }
0xc5: {  	_ =	strace $0x90000050  }
0xc6: {  	s0 =	stileid.u32;
	[bflag:$0x2] =	sbarrier.arrive $0xFFFF  }
0xc7: {  	p0 =	sne.s32 s0, $0x0;
	s0 =	rddreg [dreg:$0x2]  }
0xc8: {  	s0 =	sadd.s32 @!p0 $0x100000, s0  }
0xc9: {  	[sflag:s0] =	ssyncadd.tile.s32 @!p0 $0x1;
	_ =	shalt  }
.Lfunc_end2:
_tile_overlayer_lowered:
.L_overlay_start_2:
0xca: {  	(tag) =	ssettag $0x2  }
0xcb: {  	s0 =	rddreg [dreg:$0x0];
	s2 =	stileid.u32  }
0xcc: {  	s1 =	rddreg [dreg:$0x1];
	p0 =	sne.s32 s2, $0x0  }
0xcd: {  	s3 =	rddreg [dreg:$0x2];
	[bflag:$0x3] =	sbarrier.arrive $0xFFFF;
	s2 =	simm.s32 @!p0 $0x1C05  }
0xce: {  	[timem:s3], [sflag:s2] =	dma.local @!p0 [hbm:s0], s1  }
0xcf: {  	s0 =	simm.s32 @!p0 $0x5  }
0xd0: {  	_ =	swait.ge @!p0 [sflag:s0], s1  }
0xd1: {  	s1 =	ssub.s32 @!p0 $0x0, s1;
	[sflag:s0] =	ssyncset.done @!p0 $0x0  }
0xd2: {  	[sflag:s0] =	ssyncadd.s32 @!p0 s1  }
0xd3: {  	[bflag:$0x3] =	sbarrier.arrive $0xFFFF  }
0xd4: {  	_ =	shalt  }

// kernel: kernel.24.cloned.1.call-start
scs
__scs_entry_jumppad:
0x0: {  	(pc) =	sbr.rel $0x88, $3  }
0x1: {  	(tag) =	ssettag $0x0;
	lr =	simm.s32 $0x1  }
0x2: {  	[smem:$0x3F9C] =	sst lr;
	_ =	strace $0xD0000000  }
0x3: {  	_ = 	snop  }
0x4: {  	_ = 	snop  }
0x5: {  	_ = 	snop  }
0x6: {  	_ = 	snop  }
0x7: {  	_ = 	snop  }
__scs_overlays_trampoline_lowered:
0x8: {  	[smem:$0x3FAB] =	sst s0  }
0x9: {  	[smem:$0x3FAC] =	sst s1  }
0xa: {  	[smem:$0x3FAD] =	sst s2  }
0xb: {  	[smem:$0x3FAE] =	sst s3  }
0xc: {  	[smem:$0x3FAF] =	sst s4  }
0xd: {  	[smem:$0x3FB0] =	sst s5  }
0xe: {  	[smem:$0x3FB1] =	sst s6  }
0xf: {  	[smem:$0x3FB2] =	sst s7  }
0x10: {  	[smem:$0x3FB3] =	sst s8  }
0x11: {  	[smem:$0x3FB4] =	sst s9;
	s0 =	simm.s32 @!p0 $0x0  }
0x12: {  	s1 =	sld [smem:$0x3F9A];
	s0 =	simm.s32 @p0 $0x1  }
0x13: {  	[smem:$0x3FB5] =	sst s0;
	s0 =	simm.s32 @!p1 $0x0  }
0x14: {  	s2 =	sld [smem:$0x3F99];
	s0 =	simm.s32 @p1 $0x1  }
0x15: {  	[smem:$0x3FB6] =	sst s0;
	s0 =	simm.s32 @!p2 $0x0  }
0x16: {  	s3 =	sld [smem:$0x3FDB];
	s0 =	simm.s32 @p2 $0x1  }
0x17: {  	s4 =	simm.s32 $0x1BF5;
	[smem:$0x3FB8] =	sst s0  }
0x18: {  	s0 =	sld [smem:$0x3F9B];
	_ =	swait.ge [sflag:s4], $0x0  }
0x19: {  	s7 =	sld [smem:$0x3F9C]  }
0x1a: {  	s8 =	sadd.s32 $0xFFFFE003, lr  }
0x1b: {  	s9 =	sadd.s32 $0xFFFFFEF7, lr;
	s5 =	simm.s32 $0xFFFFFFFF;
	p2 =	slt.u32 s8, $0xFFFFF086  }
0x1c: {  	p1 =	slt.u32 s9, $0xF7A;
	s5 =	simm.s32 @!p2 $0x0  }
0x1d: {  	s5 =	simm.s32 @p1 $0x1;
	p0 =	seq.s32 s7, s2  }
0x1e: {  	s7 =	smul.u32 @!p0 $0xF7A, s2;
	p2 =	seq.s32 @!p0 s5, $0x0  }
0x1f: {  	s9 =	smul.u32 $0xF7A, s1;
	s8 =	simm.s32 @!p0 $0x1BF5;
	p2 =	por !p2, p0  }
0x20: {  	[sflag:s8] =	ssyncset.s32 @!p0 $0xFFFFF086;
	s6 =	sadd.s32 @!p0 s3, s7;
	s7 =	simm.s32 @!p0 $0x108  }
0x21: {  	s3 =	sadd.s32 s3, s9;
	s6 =	sadd.s32 @!p0 $0x88, s6;
	s7 =	simm.s32 @p2 $0x1082  }
0x22: {  	[simem:s7], [sflag:s8] =	dma.local @!p0 [hbm:s6], $0xF7A  }
0x23: {  	s9 =	sor.u32 $0xD0000000, s2;
	s6 =	simm.s32 $0x108;
	_ =	swait.ge @!p0 [sflag:s8], $0x0  }
0x24: {  	s3 =	sadd.s32 $0x88, s3;
	s6 =	simm.s32 @!p1 $0x1082;
	[sflag:s4] =	ssyncset.s32 $0xFFFFF086  }
0x25: {  	[simem:s6], [sflag:s4] =	dma.local [hbm:s3], $0xF7A  }
0x26: {  	[smem:$0x3F9C] =	sst s1;
	(tag) =	ssettag s2;
	_ =	strace s9  }
0x27: {  	s1 =	sld [smem:$0x3FAC]  }
0x28: {  	s2 =	sld [smem:$0x3FAD]  }
0x29: {  	s4 =	sld [smem:$0x3FAF]  }
0x2a: {  	p0 =	seq.s32 s5, $0x0;
	s5 =	sld [smem:$0x3FB0]  }
0x2b: {  	s6 =	sld [smem:$0x3FB1]  }
0x2c: {  	s7 =	sld [smem:$0x3FB2]  }
0x2d: {  	s3 =	simm.s32 $0x108;
	s8 =	sld [smem:$0x3FB3]  }
0x2e: {  	s3 =	simm.s32 @!p0 $0x1082;
	s9 =	sld [smem:$0x3FB4]  }
0x2f: {  	lr =	sadd.s32 s0, s3;
	s0 =	sld [smem:$0x3FAB]  }
0x30: {  	s3 =	sld [smem:$0x3FAE]  }
0x31: {  	[smem:$0x3FB7] =	sst s10  }
0x32: {  	s10 =	sld [smem:$0x3FB5];
	_ =	sdelay $0x3  }
0x33: {  	p0 =	seq.s32 s10, $0x1;
	s10 =	sld [smem:$0x3FB7];
	_ =	sdelay $0x3  }
0x34: {  	[smem:$0x3FB7] =	sst s10  }
0x35: {  	s10 =	sld [smem:$0x3FB6];
	_ =	sdelay $0x3  }
0x36: {  	p1 =	seq.s32 s10, $0x1;
	s10 =	sld [smem:$0x3FB7];
	_ =	sdelay $0x3  }
0x37: {  	[smem:$0x3FB7] =	sst s10  }
0x38: {  	s10 =	sld [smem:$0x3FB8]  }
0x39: {  	_ = 	snop;
	(pc) =	sbr.ind lr, $3  }
0x3a: {  	_ = 	snop  }
0x3b: {  	_ = 	snop  }
0x3c: {  	p2 =	seq.s32 s10, $0x1;
	s10 =	sld [smem:$0x3FB7]  }
0x3d: {  	_ =	shalt  }
0x3e: {  	_ =	shalt  }
0x3f: {  	_ =	shalt  }
0x40: {  	_ =	shalt  }
0x41: {  	_ =	shalt  }
0x42: {  	_ =	shalt  }
0x43: {  	_ =	shalt  }
0x44: {  	_ =	shalt  }
0x45: {  	_ =	shalt  }
0x46: {  	_ =	shalt  }
0x47: {  	_ =	shalt  }
0x48: {  	_ =	shalt  }
0x49: {  	_ =	shalt  }
0x4a: {  	_ =	shalt  }
0x4b: {  	_ =	shalt  }
0x4c: {  	_ =	shalt  }
0x4d: {  	_ =	shalt  }
0x4e: {  	_ =	shalt  }
0x4f: {  	_ =	shalt  }
0x50: {  	_ =	shalt  }
0x51: {  	_ =	shalt  }
0x52: {  	_ =	shalt  }
0x53: {  	_ =	shalt  }
0x54: {  	_ =	shalt  }
0x55: {  	_ =	shalt  }
0x56: {  	_ =	shalt  }
0x57: {  	_ =	shalt  }
0x58: {  	_ =	shalt  }
0x59: {  	_ =	shalt  }
0x5a: {  	_ =	shalt  }
0x5b: {  	_ =	shalt  }
0x5c: {  	_ =	shalt  }
0x5d: {  	_ =	shalt  }
0x5e: {  	_ =	shalt  }
0x5f: {  	_ =	shalt  }
0x60: {  	_ =	shalt  }
0x61: {  	_ =	shalt  }
0x62: {  	_ =	shalt  }
0x63: {  	_ =	shalt  }
0x64: {  	_ =	shalt  }
0x65: {  	_ =	shalt  }
0x66: {  	_ =	shalt  }
0x67: {  	_ =	shalt  }
0x68: {  	_ =	shalt  }
0x69: {  	_ =	shalt  }
0x6a: {  	_ =	shalt  }
0x6b: {  	_ =	shalt  }
0x6c: {  	_ =	shalt  }
0x6d: {  	_ =	shalt  }
0x6e: {  	_ =	shalt  }
0x6f: {  	_ =	shalt  }
0x70: {  	_ =	shalt  }
0x71: {  	_ =	shalt  }
0x72: {  	_ =	shalt  }
0x73: {  	_ =	shalt  }
0x74: {  	_ =	shalt  }
0x75: {  	_ =	shalt  }
0x76: {  	_ =	shalt  }
0x77: {  	_ =	shalt  }
0x78: {  	_ =	shalt  }
0x79: {  	_ =	shalt  }
0x7a: {  	_ =	shalt  }
0x7b: {  	_ =	shalt  }
0x7c: {  	_ =	shalt  }
0x7d: {  	_ =	shalt  }
0x7e: {  	_ =	shalt  }
0x7f: {  	_ =	shalt  }
0x80: {  	_ =	shalt  }
0x81: {  	_ =	shalt  }
0x82: {  	_ =	shalt  }
0x83: {  	_ =	shalt  }
0x84: {  	_ =	shalt  }
0x85: {  	_ =	shalt  }
0x86: {  	_ =	shalt  }
0x87: {  	_ =	shalt  }
.Lfunc_end0:
.L_simem_size_0:
called_computation.4_lowered:
.L_overlay_start_0:
0x88: {  	s2 =	sld [smem:$0x3FD9]  }
0x89: {  	s3 =	sld [smem:$0x3FFE];
	_ =	sdelay $0x1  }
0x8a: {  	s1 =	srdreg.scid  }
0x8b: {  	s0 =	sand.u32 $0x1, s1  }
0x8c: {  	s16 =	sshll.u32 s0, $0xA;
	s2 =	sadd.s32 s3, s2  }
0x8d: {  	s2 =	sadd.s32 s2, s16  }
0x8e: {  	[smem:$0x3FC3] =	sst s2  }
0x8f: {  	_ = 	snop  }
0x90: {  	(tm) =	ssettm $0x1  }
0x91: {  	s17 =	sld [smem:$0x3FFB];
	_ =	sdelay $0x3  }
0x92: {  	_ =	strace s17  }
0x93: {  	s2 =	sld [smem:$0x3FFC];
	_ =	sdelay $0x3  }
0x94: {  	_ =	strace s2  }
0x95: {  	s2 =	sld [smem:$0x3FFD];
	_ =	sdelay $0x3  }
0x96: {  	_ =	strace s2  }
0x97: {  	_ =	strace $0x8FFFFFFF  }
0x98: {  	s18 =	sld [smem:$0x3FDB];
	_ =	sdelay $0x1  }
0x99: {  	s19 =	simm.s32 $_scs_section_size  }
0x9a: {  	s4 =	simm.s32 $_size__tile_overlayer_lowered;
	s5 =	simm.s32 $_tile_overlayer_lowered  }
0x9b: {  	s22 =	simm.s32 $0x1BFF;
	s21 =	sshll.u32 s5, $0x1;
	s2 =	sadd.s32 s19, s18  }
0x9c: {  	s6 =	simm.s32 $0x0;
	s20 =	sshll.u32 s4, $0x1;
	s4 =	sadd.s32 s21, s2  }
0x9d: {  	[timem:s6], [sflag:s22] =	dma.local [hbm:s4], s20  }
0x9e: {  	_ =	swait.ge [sflag:s22], s20  }
0x9f: {  	s3 =	ssub.s32 $0x0, s20;
	[sflag:s22] =	ssyncset.done $0x0  }
0xa0: {  	[sflag:s22] =	ssyncadd.s32 s3;
	_ =	sdelay $0x1  }
0xa1: {  	s23 =	simm.s32 $0x1B8B  }
0xa2: {  	_ =	swait.ge [sflag:s23], $0x1  }
0xa3: {  	[sflag:s23] =	ssyncset.done $0x0  }
0xa4: {  	s25 =	simm.s32 $0x1B8E;
	s24 =	sld [smem:$0x3FFE];
	[sflag:s23] =	ssyncadd.s32 $0xFFFFFFFF  }
0xa5: {  	s26 =	simm.s32 $execute0_lowered;
	[smem:$0x3FD2] =	sst s25  }
0xa6: {  	s4 =	sshll.u32 s26, $0x1;
	_ =	strace $0x80000052;
	[dreg:$0x1] =	wrdreg $0xFFFFFFFF  }
0xa7: {  	s28 =	simm.s32 $_size_execute0_lowered;
	s2 =	sadd.s32 s2, s4;
	[dreg:$0x0] =	wrdreg $0x0  }
0xa8: {  	s4 =	sshll.u32 s28, $0x1;
	[dreg:$0x2] =	wrdreg s2  }
0xa9: {  	[dreg:$0x3] =	wrdreg s4  }
0xaa: {  	[dreg:$0x4] =	wrdreg $0xC0  }
0xab: {  	_ =	task [dreg:s6], $0x5FFFF  }
0xac: {  	[dreg:$0x1] =	wrdreg $0xFFFFFFFF  }
0xad: {  	[dreg:$0x0] =	wrdreg $0x60  }
0xae: {  	[dreg:$0x2] =	wrdreg s24  }
0xaf: {  	[dreg:$0x3] =	wrdreg $0xA8000  }
0xb0: {  	[dreg:$0x4] =	wrdreg $0x9  }
0xb1: {  	_ =	task.clear_ibuf [dreg:s6], $0x5FFFF;
	_ =	strace $0x90000052  }
0xb2: {  	s29 =	simm.s32 $0x9;
	_ =	strace $0x80000054  }
0xb3: {  	_ =	swait.ge [sflag:s29], $0x1  }
0xb4: {  	[sflag:s29] =	ssyncadd.s32 $0xFFFFFFFF  }
0xb5: {  	_ =	strace $0x90000054  }
0xb6: {  	_ =	sfence  }
0xb7: {  	s30 =	sld [smem:$0x0];
	_ =	sdelay $0x2  }
0xb8: {  	s31 =	sshll.u32 s1, $0xD;
	s1 =	sshrl.u32 s1, $0x2  }
0xb9: {  	s3 =	sand.u32 $0x4000, s31;
	s1 =	sadd.s32 s1, s30  }
0xba: {  	s0 =	sor.u32 s3, s0;
	s1 =	sshll.u32 s1, $0x11  }
0xbb: {  	s0 =	sor.u32 s1, s0  }
0xbc: {  	s0 =	sadd.s32 $0x8F2B, s0  }
0xbd: {  	[sflag:s0] =	ssyncadd.remote.s32 $0x1  }
0xbe: {  	_ =	sfence.sel $0xFFFF  }
0xbf: {  	[dreg:$0x0] =	wrdreg $0xFFFFFFFF;
	(pc) =	sbr.abs _section_cstart, $3  }
0xc0: {  	[dreg:$0x1] =	wrdreg $0xFFFFFFFF  }
0xc1: {  	_ =	task.clear_ibuf [dreg:s6], $0x2FFFF;
	_ =	strace $0x9FFFFFFF  }
0xc2: {  	(tm) =	ssettm $0x7FFFFFFF  }
0xc3: {  	_ =	shalt  }
tec
execute0_lowered:
.L_overlay_start_1:
0x0: {  	(tag) =	ssettag $0x1  }
0x1: {  	s0 =	rddreg [dreg:$0x0];
	s1 =	srdreg.scid  }
0x2: {  	s2 =	rddreg [dreg:$0x1];
	s9 =	stileid.u32;
	s3 =	simm.s32 $0x0  }
0x3: {  	s20 =	simm.s32 $0x2800;
	s21 =	simm.s32 $0x5;
	s22 =	simm.s32 $0x1400  }
0x4: {  	s23 =	simm.s32 $0x80;
	s28 =	simm.s32 $0x1480;
	s5 =	smul.u32 $0x2800, s9  }
0x5: {  	s29 =	simm.s32 $0x3;
	s30 =	simm.s32 $0x4;
	s6 =	smul.u32 $0x280, s9  }
0x6: {  	s1 =	sand.u32 $0x1, s1;
	[smem:$0x7FF] =	sst s3;
	s9 =	smul.u32 $0x50000, s9  }
0x7: {  	s31 =	simm.s32 $0x0;
	s4 =	smul.u32 $0x28000, s1;
	_ =	strace $0x80000053  }
0x8: {  	s7 =	smul.u32 $0x2800, s1;
	s1 =	ssub.s32 $0x2, s1;
	s25 =	sshrl.u32 s9, $0x2  }
0x9: {  	s26 =	sshrl.u32 s1, $0x1;
	s4 =	sadd.s32 s5, s4;
	s5 =	sshrl.u32 s5, $0x3  }
0xa: {  	s24 =	sadd.s32 s6, s7;
	s1 =	ssub.s32 s1, s26;
	s26 =	simm.s32 $0x2  }
0xb: {  	s8 =	sshrl.u32 s4, $0x3;
	s4 =	sadd.s32 $0x8A00, s0;
	s13 =	sadd.s32 s5, s0  }
0xc: {  	s7 =	sshll.u32 s24, $0x4;
	s5 =	sadd.s32 s25, s2;
	s19 =	smax.u32 s1, $0x1  }
0xd: {  	s24 =	simm.s32 $0x1;
	s25 =	simm.s32 $0x6800;
	s12 =	sadd.s32 s8, s0  }
0xe: {  	s0 =	sadd.s32 s7, s0;
	s6 =	sadd.s32 $0x4000, s5;
	s7 =	sadd.s32 $0x8000, s5  }
0xf: {  	s8 =	sadd.s32 $0xC000, s5;
	s9 =	sadd.s32 $0x10000, s5;
	s11 =	sadd.s32 $0x3A00, s13  }
0x10: {  	s13 =	sadd.s32 $0x3C80, s13;
	s10 =	sadd.s32 $0xA8A00, s12;
	s12 =	sadd.s32 $0xA8C80, s12  }
0x11: {  	s14 =	sadd.s32 $0x58A00, s0;
	s15 =	sadd.s32 $0x59200, s0;
	s16 =	sadd.s32 $0x59A00, s0  }
0x12: {  	v0 =	vimm.f32 $0.0e+00;
	s17 =	sadd.s32 $0x5A200, s0;
	s18 =	sadd.s32 $0x5AA00, s0;
	[dreg:$0x3] =	wrdreg s10  }
.LBB2_1:
0x13: {  	s0 =	simm.s32 $0x0;
	s1 =	simm.s32 $0x200  }
.LBB2_2:
0x14: {  	p0 =	sne.s32 s1, $0xFE00;
	[tilespmem:s0+$0x2870] =	vst v0  }
0x15: {  	[tilespmem:s0+$0x2800] =	vst v0  }
0x16: {  	[tilespmem:s0+$0x2810] =	vst v0  }
.Ltmp0:
0x17: {  	[tilespmem:s0+$0x2820] =	vst v0;
	(pc) =	sbr.rel @p0 .LBB2_2-.Ltmp0, $4  }
0x18: {  	[tilespmem:s0+$0x2830] =	vst v0  }
0x19: {  	[tilespmem:s0+$0x2840] =	vst v0  }
0x1a: {  	[tilespmem:s0+$0x2850] =	vst v0  }
0x1b: {  	[tilespmem:s0+$0x2860] =	vst v0;
	s0 =	sshra.s32 s1, $0x2;
	s1 =	sadd.s32 $0x200, s1  }
0x1c: {  	[tilespmem:s0+$0x2870] =	vst v0  }
0x1d: {  	[tilespmem:s0+$0x2800] =	vst v0  }
0x1e: {  	[tilespmem:s0+$0x2810] =	vst v0  }
0x1f: {  	[tilespmem:s0+$0x2820] =	vst v0  }
0x20: {  	[tilespmem:s0+$0x2830] =	vst v0  }
0x21: {  	[tilespmem:s0+$0x2840] =	vst v0  }
0x22: {  	[tilespmem:s0+$0x2850] =	vst v0  }
0x23: {  	[tilespmem:s0+$0x2860] =	vst v0  }
0x24: {  	[spmem:s5] =	stream.linear.scatter [tilespmem:s20], [sflag:$0x5], $0x4000, $0x38;
	[tilespmem:$0x1E800] =	vst v63  }
0x25: {  	_ =	swait.ge [sflag:s21], $0x4000  }
0x26: {  	[sflag:s21] =	ssyncset.done $0x0  }
0x27: {  	[sflag:s21] =	ssyncadd.s32 $0xFFFFC000  }
0x28: {  	[spmem:s6] =	stream.linear.scatter [tilespmem:s20], [sflag:$0x5], $0x4000, $0x38;
	[tilespmem:$0x1E800] =	vst v63  }
0x29: {  	_ =	swait.ge [sflag:s21], $0x4000  }
0x2a: {  	[sflag:s21] =	ssyncset.done $0x0  }
0x2b: {  	[sflag:s21] =	ssyncadd.s32 $0xFFFFC000  }
0x2c: {  	[spmem:s7] =	stream.linear.scatter [tilespmem:s20], [sflag:$0x5], $0x4000, $0x38;
	[tilespmem:$0x1E800] =	vst v63  }
0x2d: {  	_ =	swait.ge [sflag:s21], $0x4000  }
0x2e: {  	[sflag:s21] =	ssyncset.done $0x0  }
0x2f: {  	[sflag:s21] =	ssyncadd.s32 $0xFFFFC000  }
0x30: {  	[spmem:s8] =	stream.linear.scatter [tilespmem:s20], [sflag:$0x5], $0x4000, $0x38;
	[tilespmem:$0x1E800] =	vst v63  }
0x31: {  	_ =	swait.ge [sflag:s21], $0x4000  }
0x32: {  	[sflag:s21] =	ssyncset.done $0x0  }
0x33: {  	[sflag:s21] =	ssyncadd.s32 $0xFFFFC000  }
0x34: {  	[spmem:s9] =	stream.linear.scatter [tilespmem:s20], [sflag:$0x5], $0x4000, $0x38;
	[tilespmem:$0x1E800] =	vst v63  }
0x35: {  	_ =	swait.ge [sflag:s21], $0x4000  }
0x36: {  	[sflag:s21] =	ssyncset.done $0x0  }
0x37: {  	[sflag:s21] =	ssyncadd.s32 $0xFFFFC000  }
0x38: {  	[bflag:$0x0] =	sbarrier.arrive $0xFFFF  }
0x39: {  	s1 =	rddreg [dreg:$0x3]  }
0x3a: {  	[tilespmem:s3], [sflag:$0x5] =	stream.linear.gather [hbm4b:s1+s3], $0x1400, $0x38;
	[tilespmem:$0x1E800] =	vst v63  }
0x3b: {  	_ =	swait.ge [sflag:s21], $0x1400  }
0x3c: {  	[sflag:s21] =	ssyncset.done $0x0  }
0x3d: {  	[sflag:s21] =	ssyncadd.s32 $0xFFFFEC00  }
0x3e: {  	[tilespmem:s22], [sflag:$0x5] =	stream.linear.gather [hbm4b:s11+s3], $0x1400, $0x38;
	[tilespmem:$0x1E800] =	vst v63  }
0x3f: {  	_ =	swait.ge [sflag:s21], $0x1400  }
0x40: {  	[sflag:s21] =	ssyncset.done $0x0  }
0x41: {  	[sflag:s21] =	ssyncadd.s32 $0xFFFFEC00  }
0x42: {  	[tilespmem:s20], [sflag:$0x1] =	stream.indirect.gather [hbm4b:s4+s23], $0x80, s3, s23, $0xb8;
	[tilespmem:$0x1E800] =	vst v63  }
0x43: {  	_ =	swait.ge [sflag:s24], $0x4000  }
0x44: {  	[sflag:s24] =	ssyncset.done $0x0  }
0x45: {  	[sflag:s24] =	ssyncadd.s32 $0xFFFFC000  }
0x46: {  	[spmem:s2] =	stream.indirect.scatter.add.f32 [tilespmem:s20], [sflag:$0x3], $0x80, s22, s23, $0xb8;
	[tilespmem:$0x1E800] =	vst v63  }
0x47: {  	_ = 	snop  }
0x48: {  	[tilespmem:s25], [sflag:$0x2] =	stream.indirect.gather [hbm4b:s4+s23], $0x80, s23, s23, $0xb8;
	[tilespmem:$0x1E800] =	vst v63  }
0x49: {  	_ =	swait.ge [sflag:s26], $0x4000  }
0x4a: {  	[sflag:s26] =	ssyncset.done $0x0  }
0x4b: {  	[sflag:s26] =	ssyncadd.s32 $0xFFFFC000  }
0x4c: {  	[spmem:s2] =	stream.indirect.scatter.add.f32 [tilespmem:s25], [sflag:$0x4], $0x80, s28, s23, $0xb8;
	[tilespmem:$0x1E800] =	vst v63  }
0x4d: {  	_ =	swait.ge [sflag:s29], $0x4000  }
0x4e: {  	[sflag:s29] =	ssyncset.done $0x0  }
0x4f: {  	s10 =	simm.s32 $0x100;
	[sflag:s29] =	ssyncadd.s32 $0xFFFFC000  }
0x50: {  	[tilespmem:s20], [sflag:$0x1] =	stream.indirect.gather [hbm4b:s4+s23], $0x80, s10, s23, $0xb8;
	[tilespmem:$0x1E800] =	vst v63  }
0x51: {  	_ =	swait.ge [sflag:s24], $0x4000  }
0x52: {  	[sflag:s24] =	ssyncset.done $0x0  }
0x53: {  	s1 =	simm.s32 $0x1500;
	[sflag:s24] =	ssyncadd.s32 $0xFFFFC000  }
0x54: {  	[spmem:s2] =	stream.indirect.scatter.add.f32 [tilespmem:s20], [sflag:$0x3], $0x80, s1, s23, $0xb8;
	[tilespmem:$0x1E800] =	vst v63  }
0x55: {  	_ =	swait.ge [sflag:s30], $0x4000  }
0x56: {  	[sflag:s30] =	ssyncset.done $0x0  }
0x57: {  	s10 =	simm.s32 $0x180;
	[sflag:s30] =	ssyncadd.s32 $0xFFFFC000  }
0x58: {  	[tilespmem:s25], [sflag:$0x2] =	stream.indirect.gather [hbm4b:s4+s23], $0x80, s10, s23, $0xb8;
	[tilespmem:$0x1E800] =	vst v63  }
0x59: {  	_ =	swait.ge [sflag:s26], $0x4000  }
0x5a: {  	[sflag:s26] =	ssyncset.done $0x0  }
0x5b: {  	s0 =	simm.s32 $0xFFFFB800;
	s1 =	simm.s32 $0x1580;
	[sflag:s26] =	ssyncadd.s32 $0xFFFFC000  }
.LBB2_4:
0x5c: {  	[spmem:s2] =	stream.indirect.scatter.add.f32 [tilespmem:s25], [sflag:$0x4], $0x80, s1, s23, $0xb8;
	[tilespmem:$0x1E800] =	vst v63  }
0x5d: {  	s1 =	smov.u32 s0  }
0x5e: {  	p0 =	sne.s32 s0, $0xFFFFFC00;
	s0 =	sadd.s32 $0x400, s0;
	_ =	swait.ge [sflag:s29], $0x4000  }
0x5f: {  	s1 =	sshra.s32 s1, $0x2;
	[sflag:s29] =	ssyncset.done $0x0  }
0x60: {  	s10 =	sadd.s32 $0x1400, s1;
	[sflag:s29] =	ssyncadd.s32 $0xFFFFC000  }
0x61: {  	[tilespmem:s20], [sflag:$0x1] =	stream.indirect.gather [hbm4b:s4+s23], $0x80, s10, s23, $0xb8;
	[tilespmem:$0x1E800] =	vst v63  }
0x62: {  	_ =	swait.ge [sflag:s24], $0x4000  }
0x63: {  	[sflag:s24] =	ssyncset.done $0x0  }
0x64: {  	s10 =	sadd.s32 $0x2800, s1;
	[sflag:s24] =	ssyncadd.s32 $0xFFFFC000  }
0x65: {  	[spmem:s2] =	stream.indirect.scatter.add.f32 [tilespmem:s20], [sflag:$0x3], $0x80, s10, s23, $0xb8;
	[tilespmem:$0x1E800] =	vst v63  }
0x66: {  	_ =	swait.ge [sflag:s30], $0x4000  }
0x67: {  	[sflag:s30] =	ssyncset.done $0x0  }
.Ltmp1:
0x68: {  	s10 =	sadd.s32 $0x1480, s1;
	[sflag:s30] =	ssyncadd.s32 $0xFFFFC000;
	(pc) =	sbr.rel @p0 .LBB2_4-.Ltmp1, $4  }
0x69: {  	[tilespmem:s25], [sflag:$0x2] =	stream.indirect.gather [hbm4b:s4+s23], $0x80, s10, s23, $0xb8;
	[tilespmem:$0x1E800] =	vst v63  }
0x6a: {  	_ =	swait.ge [sflag:s26], $0x4000  }
0x6b: {  	[sflag:s26] =	ssyncset.done $0x0  }
0x6c: {  	s1 =	sadd.s32 $0x2880, s1;
	[sflag:s26] =	ssyncadd.s32 $0xFFFFC000  }
0x6d: {  	[spmem:s2] =	stream.indirect.scatter.add.f32 [tilespmem:s25], [sflag:$0x4], $0x80, s1, s23, $0xb8;
	[tilespmem:$0x1E800] =	vst v63  }
0x6e: {  	_ =	swait.ge [sflag:s29], $0x4000  }
0x6f: {  	[sflag:s29] =	ssyncset.done $0x0  }
0x70: {  	[sflag:s29] =	ssyncadd.s32 $0xFFFFC000  }
0x71: {  	_ =	swait.ge [sflag:s30], $0x4000  }
0x72: {  	[sflag:s30] =	ssyncset.done $0x0  }
0x73: {  	[sflag:s30] =	ssyncadd.s32 $0xFFFFC000  }
0x74: {  	[tilespmem:s3], [sflag:$0x5] =	stream.linear.gather [hbm4b:s12+s3], $0x1400, $0x38;
	[tilespmem:$0x1E800] =	vst v63  }
0x75: {  	_ =	swait.ge [sflag:s21], $0x1400  }
0x76: {  	[sflag:s21] =	ssyncset.done $0x0  }
0x77: {  	[sflag:s21] =	ssyncadd.s32 $0xFFFFEC00  }
0x78: {  	[tilespmem:s22], [sflag:$0x5] =	stream.linear.gather [hbm4b:s13+s3], $0x1400, $0x38;
	[tilespmem:$0x1E800] =	vst v63  }
0x79: {  	_ =	swait.ge [sflag:s21], $0x1400  }
0x7a: {  	[sflag:s21] =	ssyncset.done $0x0  }
0x7b: {  	[sflag:s21] =	ssyncadd.s32 $0xFFFFEC00  }
0x7c: {  	[tilespmem:s20], [sflag:$0x1] =	stream.indirect.gather [hbm4b:s4+s23], $0x80, s3, s23, $0xb8;
	[tilespmem:$0x1E800] =	vst v63  }
0x7d: {  	_ =	swait.ge [sflag:s24], $0x4000  }
0x7e: {  	[sflag:s24] =	ssyncset.done $0x0  }
0x7f: {  	[sflag:s24] =	ssyncadd.s32 $0xFFFFC000  }
0x80: {  	[spmem:s2] =	stream.indirect.scatter.add.f32 [tilespmem:s20], [sflag:$0x3], $0x80, s22, s23, $0xb8;
	[tilespmem:$0x1E800] =	vst v63  }
0x81: {  	_ = 	snop  }
0x82: {  	[tilespmem:s25], [sflag:$0x2] =	stream.indirect.gather [hbm4b:s4+s23], $0x80, s23, s23, $0xb8;
	[tilespmem:$0x1E800] =	vst v63  }
0x83: {  	_ =	swait.ge [sflag:s26], $0x4000  }
0x84: {  	[sflag:s26] =	ssyncset.done $0x0  }
0x85: {  	[sflag:s26] =	ssyncadd.s32 $0xFFFFC000  }
0x86: {  	[spmem:s2] =	stream.indirect.scatter.add.f32 [tilespmem:s25], [sflag:$0x4], $0x80, s28, s23, $0xb8;
	[tilespmem:$0x1E800] =	vst v63  }
0x87: {  	_ =	swait.ge [sflag:s29], $0x4000  }
0x88: {  	[sflag:s29] =	ssyncset.done $0x0  }
0x89: {  	s0 =	simm.s32 $0x100;
	[sflag:s29] =	ssyncadd.s32 $0xFFFFC000  }
0x8a: {  	[tilespmem:s20], [sflag:$0x1] =	stream.indirect.gather [hbm4b:s4+s23], $0x80, s0, s23, $0xb8;
	[tilespmem:$0x1E800] =	vst v63  }
0x8b: {  	_ =	swait.ge [sflag:s24], $0x4000  }
0x8c: {  	[sflag:s24] =	ssyncset.done $0x0  }
0x8d: {  	s1 =	simm.s32 $0x1500;
	[sflag:s24] =	ssyncadd.s32 $0xFFFFC000  }
0x8e: {  	[spmem:s2] =	stream.indirect.scatter.add.f32 [tilespmem:s20], [sflag:$0x3], $0x80, s1, s23, $0xb8;
	[tilespmem:$0x1E800] =	vst v63  }
0x8f: {  	_ =	swait.ge [sflag:s30], $0x4000  }
0x90: {  	[sflag:s30] =	ssyncset.done $0x0  }
0x91: {  	s10 =	simm.s32 $0x180;
	[sflag:s30] =	ssyncadd.s32 $0xFFFFC000  }
0x92: {  	[tilespmem:s25], [sflag:$0x2] =	stream.indirect.gather [hbm4b:s4+s23], $0x80, s10, s23, $0xb8;
	[tilespmem:$0x1E800] =	vst v63  }
0x93: {  	_ =	swait.ge [sflag:s26], $0x4000  }
0x94: {  	[sflag:s26] =	ssyncset.done $0x0  }
0x95: {  	s0 =	simm.s32 $0xFFFFB800;
	s1 =	simm.s32 $0x1580;
	[sflag:s26] =	ssyncadd.s32 $0xFFFFC000  }
.LBB2_6:
0x96: {  	[spmem:s2] =	stream.indirect.scatter.add.f32 [tilespmem:s25], [sflag:$0x4], $0x80, s1, s23, $0xb8;
	[tilespmem:$0x1E800] =	vst v63  }
0x97: {  	s1 =	smov.u32 s0  }
0x98: {  	p0 =	sne.s32 s0, $0xFFFFFC00;
	s0 =	sadd.s32 $0x400, s0;
	_ =	swait.ge [sflag:s29], $0x4000  }
0x99: {  	s1 =	sshra.s32 s1, $0x2;
	[sflag:s29] =	ssyncset.done $0x0  }
0x9a: {  	s10 =	sadd.s32 $0x1400, s1;
	[sflag:s29] =	ssyncadd.s32 $0xFFFFC000  }
0x9b: {  	[tilespmem:s20], [sflag:$0x1] =	stream.indirect.gather [hbm4b:s4+s23], $0x80, s10, s23, $0xb8;
	[tilespmem:$0x1E800] =	vst v63  }
0x9c: {  	_ =	swait.ge [sflag:s24], $0x4000  }
0x9d: {  	[sflag:s24] =	ssyncset.done $0x0  }
0x9e: {  	s10 =	sadd.s32 $0x2800, s1;
	[sflag:s24] =	ssyncadd.s32 $0xFFFFC000  }
0x9f: {  	[spmem:s2] =	stream.indirect.scatter.add.f32 [tilespmem:s20], [sflag:$0x3], $0x80, s10, s23, $0xb8;
	[tilespmem:$0x1E800] =	vst v63  }
0xa0: {  	_ =	swait.ge [sflag:s30], $0x4000  }
0xa1: {  	[sflag:s30] =	ssyncset.done $0x0  }
.Ltmp2:
0xa2: {  	s10 =	sadd.s32 $0x1480, s1;
	[sflag:s30] =	ssyncadd.s32 $0xFFFFC000;
	(pc) =	sbr.rel @p0 .LBB2_6-.Ltmp2, $4  }
0xa3: {  	[tilespmem:s25], [sflag:$0x2] =	stream.indirect.gather [hbm4b:s4+s23], $0x80, s10, s23, $0xb8;
	[tilespmem:$0x1E800] =	vst v63  }
0xa4: {  	_ =	swait.ge [sflag:s26], $0x4000  }
0xa5: {  	[sflag:s26] =	ssyncset.done $0x0  }
0xa6: {  	s1 =	sadd.s32 $0x2880, s1;
	[sflag:s26] =	ssyncadd.s32 $0xFFFFC000  }
0xa7: {  	[spmem:s2] =	stream.indirect.scatter.add.f32 [tilespmem:s25], [sflag:$0x4], $0x80, s1, s23, $0xb8;
	[tilespmem:$0x1E800] =	vst v63  }
0xa8: {  	_ =	swait.ge [sflag:s29], $0x4000  }
0xa9: {  	[sflag:s29] =	ssyncset.done $0x0  }
0xaa: {  	[sflag:s29] =	ssyncadd.s32 $0xFFFFC000  }
0xab: {  	_ =	swait.ge [sflag:s30], $0x4000  }
0xac: {  	s0 =	stileid.u32;
	[sflag:s30] =	ssyncset.done $0x0  }
0xad: {  	s0 =	sshll.u32 s0, $0x6;
	[sflag:s30] =	ssyncadd.s32 $0xFFFFC000  }
0xae: {  	s10 =	sshrl.u32 s5, $0x3;
	s0 =	sor.u32 $0x1C05, s0;
	[bflag:$0x0] =	sbarrier.arrive $0xFFFF  }
0xaf: {  	[hbm:s14], [sflag:s0] =	dma.local [spmem:s10], $0x800  }
0xb0: {  	_ =	swait.ge [sflag:s21], $0x800  }
0xb1: {  	[sflag:s21] =	ssyncset.done $0x0  }
0xb2: {  	s10 =	sshrl.u32 s6, $0x3;
	[sflag:s21] =	ssyncadd.s32 $0xFFFFF800  }
0xb3: {  	[hbm:s15], [sflag:s0] =	dma.local [spmem:s10], $0x800  }
0xb4: {  	_ =	swait.ge [sflag:s21], $0x800  }
0xb5: {  	[sflag:s21] =	ssyncset.done $0x0  }
0xb6: {  	s10 =	sshrl.u32 s7, $0x3;
	[sflag:s21] =	ssyncadd.s32 $0xFFFFF800  }
0xb7: {  	[hbm:s16], [sflag:s0] =	dma.local [spmem:s10], $0x800  }
0xb8: {  	_ =	swait.ge [sflag:s21], $0x800  }
0xb9: {  	[sflag:s21] =	ssyncset.done $0x0  }
0xba: {  	s10 =	sshrl.u32 s8, $0x3;
	[sflag:s21] =	ssyncadd.s32 $0xFFFFF800  }
0xbb: {  	[hbm:s17], [sflag:s0] =	dma.local [spmem:s10], $0x800  }
0xbc: {  	s31 =	sadd.s32 $0x1, s31;
	_ =	swait.ge [sflag:s21], $0x800  }
0xbd: {  	p0 =	sne.s32 s31, s19;
	[sflag:s21] =	ssyncset.done $0x0  }
.Ltmp3:
0xbe: {  	s10 =	sshrl.u32 s9, $0x3;
	[sflag:s21] =	ssyncadd.s32 $0xFFFFF800;
	(pc) =	sbr.rel @p0 .LBB2_1-.Ltmp3, $4  }
0xbf: {  	[hbm:s18], [sflag:s0] =	dma.local [spmem:s10], $0x800  }
0xc0: {  	_ =	swait.ge [sflag:s21], $0x800  }
0xc1: {  	[sflag:s21] =	ssyncset.done $0x0  }
0xc2: {  	[sflag:s21] =	ssyncadd.s32 $0xFFFFF800  }
0xc3: {  	_ =	sfence.sel $0x180000  }
0xc4: {  	[bflag:$0x0] =	sbarrier.arrive $0xFFFF  }
0xc5: {  	_ =	strace $0x90000053  }
0xc6: {  	s0 =	stileid.u32;
	[bflag:$0x2] =	sbarrier.arrive $0xFFFF  }
0xc7: {  	p0 =	sne.s32 s0, $0x0;
	s0 =	rddreg [dreg:$0x2]  }
0xc8: {  	s0 =	sadd.s32 @!p0 $0x100000, s0  }
0xc9: {  	[sflag:s0] =	ssyncadd.tile.s32 @!p0 $0x1;
	_ =	shalt  }
.Lfunc_end2:
_tile_overlayer_lowered:
.L_overlay_start_2:
0xca: {  	(tag) =	ssettag $0x2  }
0xcb: {  	s0 =	rddreg [dreg:$0x0];
	s2 =	stileid.u32  }
0xcc: {  	s1 =	rddreg [dreg:$0x1];
	p0 =	sne.s32 s2, $0x0  }
0xcd: {  	s3 =	rddreg [dreg:$0x2];
	[bflag:$0x3] =	sbarrier.arrive $0xFFFF;
	s2 =	simm.s32 @!p0 $0x1C05  }
0xce: {  	[timem:s3], [sflag:s2] =	dma.local @!p0 [hbm:s0], s1  }
0xcf: {  	s0 =	simm.s32 @!p0 $0x5  }
0xd0: {  	_ =	swait.ge @!p0 [sflag:s0], s1  }
0xd1: {  	s1 =	ssub.s32 @!p0 $0x0, s1;
	[sflag:s0] =	ssyncset.done @!p0 $0x0  }
0xd2: {  	[sflag:s0] =	ssyncadd.s32 @!p0 s1  }
0xd3: {  	[bflag:$0x3] =	sbarrier.arrive $0xFFFF  }
0xd4: {  	_ =	shalt  }

</sc_bundles>
